<compile_context>
chip_gen: v7x
topology: tpu7x:2x2x1
jax: 0.10.2.dev20260603
libtpu: 0.0.44.dev20260713+nightly
codegen_flags: <defaults>
</compile_context>

<pallas_src>
import functools

import jax
import jax.numpy as jnp
import numpy as np
from jax import lax
from jax.experimental import pallas as pl
from jax.experimental.pallas import tpu as pltpu
from jax.experimental.pallas import tpu_sc as plsc

_C, _H, _W = 9, 480, 640
_NV = 2 * _C * _H * _W
_NR = 4
_RSZ = _NV // _NR
_PAD = 2048
_ZS = _RSZ // 16
_ZB = _ZS // 10
_N = 2_000_000
_CH = 2048
_NFULL = _N // _CH
_JT = _NFULL // 16
_TAIL_EV = _N - _NFULL * _CH
_TAIL_V = _TAIL_EV // 16
_PLANE = float(_W * _H * _C)
_BINSZ = float(_W * _H)
_BOUNDS = [np.float32(i / 9.0) for i in range(1, 9)]
_SENT = np.int32(1 << 30)

_mesh = plsc.VectorSubcoreMesh(core_axis_name="c", subcore_axis_name="s")


def _event_index_tc(x_ref, y_ref, t_ref, p_ref, out_ref):
    x = x_ref[...]
    y = y_ref[...]
    t = t_ref[...]
    p = p_ref[...]
    f = x + jnp.float32(_W) * y
    f = f + jnp.where(p > 0.0, jnp.float32(_PLANE), jnp.float32(0.0))
    c = [jnp.where(t > b, jnp.float32(_BINSZ), jnp.float32(0.0))
         for b in _BOUNDS]
    f = f + (((c[0] + c[1]) + (c[2] + c[3])) + ((c[4] + c[5]) + (c[6] + c[7])))
    out_ref[...] = jnp.where(t > 0.0, f.astype(jnp.int32), _SENT)


@functools.partial(
    pl.kernel,
    out_type=jax.ShapeDtypeStruct((_NV,), jnp.float32),
    mesh=_mesh,
    scratch_types=[
        pltpu.VMEM((_CH,), jnp.int32),
        pltpu.VMEM((_CH,), jnp.int32),
        pltpu.VMEM((_CH,), jnp.int32),
        pltpu.VMEM((_CH,), jnp.int32),
        pltpu.VMEM((_CH,), jnp.float32),
        pltpu.VMEM((_ZB,), jnp.float32),
        pltpu.VMEM_SHARED((_RSZ + _PAD,), jnp.float32),
        pltpu.SemaphoreType.DMA,
        pltpu.SemaphoreType.DMA,
        pltpu.SemaphoreType.DMA,
        pltpu.SemaphoreType.DMA,
    ],
)
def _scatter_sc(idxs, out, bufa, bufb, rela, relb, ones, zbuf, acc,
                sema, semb, semsa, semsb):
    core = lax.axis_index("c")
    tile = lax.axis_index("s")
    one_v = jnp.full((16,), 1.0, dtype=jnp.float32)
    zero_v = jnp.zeros((16,), dtype=jnp.float32)
    for g in range(_CH // 16):
        ones[pl.ds(g * 16, 16)] = one_v
    for g in range(_ZB // 16):
        zbuf[pl.ds(g * 16, 16)] = zero_v

    def issue(j, buf, sem):
        cid = tile + j * 16
        pltpu.async_copy(idxs.at[pl.ds(cid * _CH, _CH)], buf, sem)

    def drain(buf, sem):
        pltpu.make_async_copy(idxs.at[pl.ds(0, _CH)], buf, sem).wait()

    iota16 = jnp.arange(16, dtype=jnp.int32)

    def fill_rel(buf, relbuf, rbase, ngroups):
        def grp(v, _):
            s = pl.ds(v * 16, 16)
            rel = buf[s] - rbase
            ok = (rel >= 0) & (rel < _RSZ)
            relbuf[s] = jnp.where(ok, rel,
                                  jnp.int32(_RSZ) + iota16 + (v & 127) * 16)
            return None
        lax.fori_loop(0, ngroups, grp, None)

    def process(buf, relbuf, sems, rbase):
        pltpu.make_async_copy(ones, acc.at[relbuf], sems).wait()
        fill_rel(buf, relbuf, rbase, _CH // 16)
        pltpu.async_copy(ones, acc.at[relbuf], sems)

    for r in range(2):
        rbase = (core * 2 + r) * _RSZ
        for k in range(10):
            pltpu.sync_copy(zbuf, acc.at[pl.ds(tile * _ZS + k * _ZB, _ZB)])
        def padfill(relbuf):
            def ib(v, _):
                relbuf[pl.ds(v * 16, 16)] = (jnp.int32(_RSZ) + iota16
                                             + (v & 127) * 16)
                return None
            lax.fori_loop(0, _CH // 16, ib, None)
        padfill(rela)
        padfill(relb)
        plsc.subcore_barrier()
        pltpu.async_copy(ones, acc.at[rela], semsa)
        pltpu.async_copy(ones, acc.at[relb], semsb)
        issue(0, bufa, sema)

        def pair(k, _):
            issue(2 * k + 1, bufb, semb)
            drain(bufa, sema)
            process(bufa, rela, semsa, rbase)
            issue(2 * k + 2, bufa, sema)
            drain(bufb, semb)
            process(bufb, relb, semsb, rbase)
            return None

        lax.fori_loop(0, (_JT - 1) // 2, pair, None)
        drain(bufa, sema)
        process(bufa, rela, semsa, rbase)
        pltpu.make_async_copy(ones, acc.at[rela], semsa).wait()
        pltpu.make_async_copy(ones, acc.at[relb], semsb).wait()
        @pl.when(tile == 0)
        def _():
            pltpu.sync_copy(idxs.at[pl.ds(_NFULL * _CH, _TAIL_EV)],
                            bufb.at[pl.ds(0, _TAIL_EV)])
            fill_rel(bufb, relb, rbase, _TAIL_V)
            pltpu.sync_copy(ones, acc.at[relb])
        plsc.subcore_barrier()
        pltpu.sync_copy(
            acc.at[pl.ds(tile * _ZS, _ZS)],
            out.at[pl.ds((core * 2 + r) * _RSZ + tile * _ZS, _ZS)])


def kernel(events):
    evsT = events.T
    rows = _N // 128
    fields = [evsT[i].reshape(rows, 128) for i in range(4)]
    spec = pl.BlockSpec((1000, 128), lambda i: (i, 0))
    idx = pl.pallas_call(
        _event_index_tc,
        grid=(16,),
        in_specs=[spec, spec, spec, spec],
        out_specs=spec,
        out_shape=jax.ShapeDtypeStruct((rows, 128), jnp.int32),
    )(*fields)
    vox = _scatter_sc(idx.reshape(-1))
    return vox.reshape(1, 2, _C, _H, _W)

# --- scband reference (transcript-rebuilt; emitter-appended) ---
"""Pipeline reference for scband-quantization-layer-binary-55078660604231 (READ-ONLY COPY).

The authoritative reference and input builder live on the scoring server;
editing this copy changes nothing except your own understanding.
"""

import jax, jax.numpy as jnp
import numpy as np

DIM = (9, 480, 640)
N_EVENTS = 2000000


def setup_inputs(seed: int = 0) -> dict:
    key = jax.random.key(seed)
    k1, k2, k3, k4 = jax.random.split(key, 4)
    C, H, W = DIM
    x = jnp.floor(jax.random.uniform(k1, (N_EVENTS,), dtype=jnp.float32) * W)
    y = jnp.floor(jax.random.uniform(k2, (N_EVENTS,), dtype=jnp.float32) * H)
    t = jax.random.uniform(k3, (N_EVENTS,), dtype=jnp.float32)
    p = jax.random.randint(k4, (N_EVENTS,), 0, 2).astype(jnp.float32) * 2.0 - 1.0
    events = jnp.stack([x, y, t, p], axis=1)
    return {"events": events}


def reference(events):
    C, H, W = DIM
    x = events[:, 0]
    y = events[:, 1]
    t = events[:, 2]
    p = events[:, 3]
    # batch-normalization loop from the torch code: B=1, bi=0, mask on last column == 0.
    # For polarity in {-1, 1} this mask is empty, but we implement it faithfully and safely.
    mask0 = events[:, -1] == 0
    has = jnp.any(mask0)
    tmax = jnp.max(jnp.where(mask0, t, -jnp.inf))
    denom = jnp.where(has & (tmax != 0), tmax, 1.0)
    t = jnp.where(mask0, t / denom, t)
    p = (p + 1.0) / 2.0
    # b = batch index = 0 for all events since B = 1 (the torch code's `b1 = b[index]`
    # with b=1 is a latent bug; the only in-range interpretation is b=0, zero offset).
    num_voxels = 2 * C * H * W
    vox = jnp.zeros((num_voxels,), dtype=events.dtype)
    for i_bin in range(C):
        sel = (t > i_bin / C) & (t <= (i_bin + 1) / C)
        idx = (x + W * y + W * H * C * p + W * H * i_bin).astype(jnp.int32)
        safe_idx = jnp.where(sel, idx, num_voxels)  # out-of-range -> dropped
        # torch .put_(idx, 1, accumulate=False) == scatter-overwrite with ones
        vox = vox.at[safe_idx].set(1.0, mode='drop')
    return vox.reshape(-1, 2, C, H, W)

if __name__ == "__main__":
    import jax
    _d = setup_inputs()
    print(jax.jit(kernel)(*tuple(_d.values())))

</pallas_src>

<mosaic_0001>
#map = affine_map<(d0, d1) -> (0)>
module attributes {stable_mosaic.version = 14 : i64} {
  func.func @_scatter_sc(%arg0: i32, %arg1: i32, %arg2: memref<2000000xi32, #tpu.memory_space<hbm>>, %arg3: memref<5529600xf32, #tpu.memory_space<hbm>>, %arg4: memref<2048xi32, #tpu.memory_space<vmem>>, %arg5: memref<2048xi32, #tpu.memory_space<vmem>>, %arg6: memref<2048xi32, #tpu.memory_space<vmem>>, %arg7: memref<2048xi32, #tpu.memory_space<vmem>>, %arg8: memref<2048xf32, #tpu.memory_space<vmem>>, %arg9: memref<8640xf32, #tpu.memory_space<vmem>>, %arg10: memref<1384448xf32, #tpu.memory_space<vmem_shared>>, %arg11: memref<!tpu.dma_semaphore, #tpu.memory_space<semaphore_mem>>, %arg12: memref<!tpu.dma_semaphore, #tpu.memory_space<semaphore_mem>>, %arg13: memref<!tpu.dma_semaphore, #tpu.memory_space<semaphore_mem>>, %arg14: memref<!tpu.dma_semaphore, #tpu.memory_space<semaphore_mem>>) attributes {dimension_semantics = [#tpu.dimension_semantics<core_parallel>, #tpu.dimension_semantics<subcore_parallel>], iteration_bounds = array<i64: 2, 16>, scalar_prefetch = 0 : i64, scratch_operands = 11 : i64, tpu.core_type = #tpu.core_type<sc_vector_subcore>, window_params = [{transform_indices = #map}, {transform_indices = #map}]} {
    %broadcast_in_dim3A = arith.constant 1.000000e+00 : f32
    %broadcast_in_dim3A_0 = vector.broadcast %broadcast_in_dim3A : f32 to vector<16xf32>
    %broadcast_in_dim3A_1 = arith.constant 0.000000e+00 : f32
    %broadcast_in_dim3A_2 = vector.broadcast %broadcast_in_dim3A_1 : f32 to vector<16xf32>
    %swap3A = arith.constant 0 : index
    %swap3A_3 = tpu.vector_load %arg8[%swap3A] {strides = array<i32>} : memref<2048xf32, #tpu.memory_space<vmem>>, vector<16xf32>,
    %swap3A_4 = vector.shape_cast %swap3A_3 : vector<16xf32> to vector<16xf32>
    %swap3A_5 = vector.shape_cast %broadcast_in_dim3A_0 : vector<16xf32> to vector<16xf32>
    tpu.vector_store %arg8[%swap3A], %swap3A_5 {strides = array<i32>} : memref<2048xf32, #tpu.memory_space<vmem>>, vector<16xf32>,
    %swap3A_6 = arith.constant 16 : index
    %swap3A_7 = tpu.vector_load %arg8[%swap3A_6] {strides = array<i32>} : memref<2048xf32, #tpu.memory_space<vmem>>, vector<16xf32>,
    %swap3A_8 = vector.shape_cast %swap3A_7 : vector<16xf32> to vector<16xf32>
    %swap3A_9 = vector.shape_cast %broadcast_in_dim3A_0 : vector<16xf32> to vector<16xf32>
    tpu.vector_store %arg8[%swap3A_6], %swap3A_9 {strides = array<i32>} : memref<2048xf32, #tpu.memory_space<vmem>>, vector<16xf32>,
    %swap3A_10 = arith.constant 32 : index
    %swap3A_11 = tpu.vector_load %arg8[%swap3A_10] {strides = array<i32>} : memref<2048xf32, #tpu.memory_space<vmem>>, vector<16xf32>,
    %swap3A_12 = vector.shape_cast %swap3A_11 : vector<16xf32> to vector<16xf32>
    %swap3A_13 = vector.shape_cast %broadcast_in_dim3A_0 : vector<16xf32> to vector<16xf32>
    tpu.vector_store %arg8[%swap3A_10], %swap3A_13 {strides = array<i32>} : memref<2048xf32, #tpu.memory_space<vmem>>, vector<16xf32>,
    %swap3A_14 = arith.constant 48 : index
    %swap3A_15 = tpu.vector_load %arg8[%swap3A_14] {strides = array<i32>} : memref<2048xf32, #tpu.memory_space<vmem>>, vector<16xf32>,
    %swap3A_16 = vector.shape_cast %swap3A_15 : vector<16xf32> to vector<16xf32>
    %swap3A_17 = vector.shape_cast %broadcast_in_dim3A_0 : vector<16xf32> to vector<16xf32>
    tpu.vector_store %arg8[%swap3A_14], %swap3A_17 {strides = array<i32>} : memref<2048xf32, #tpu.memory_space<vmem>>, vector<16xf32>,
    %swap3A_18 = arith.constant 64 : index
    %swap3A_19 = tpu.vector_load %arg8[%swap3A_18] {strides = array<i32>} : memref<2048xf32, #tpu.memory_space<vmem>>, vector<16xf32>,
    %swap3A_20 = vector.shape_cast %swap3A_19 : vector<16xf32> to vector<16xf32>
    %swap3A_21 = vector.shape_cast %broadcast_in_dim3A_0 : vector<16xf32> to vector<16xf32>
    tpu.vector_store %arg8[%swap3A_18], %swap3A_21 {strides = array<i32>} : memref<2048xf32, #tpu.memory_space<vmem>>, vector<16xf32>,
    %swap3A_22 = arith.constant 80 : index
    %swap3A_23 = tpu.vector_load %arg8[%swap3A_22] {strides = array<i32>} : memref<2048xf32, #tpu.memory_space<vmem>>, vector<16xf32>,
    %swap3A_24 = vector.shape_cast %swap3A_23 : vector<16xf32> to vector<16xf32>
    %swap3A_25 = vector.shape_cast %broadcast_in_dim3A_0 : vector<16xf32> to vector<16xf32>
    tpu.vector_store %arg8[%swap3A_22], %swap3A_25 {strides = array<i32>} : memref<2048xf32, #tpu.memory_space<vmem>>, vector<16xf32>,
    %swap3A_26 = arith.constant 96 : index
    %swap3A_27 = tpu.vector_load %arg8[%swap3A_26] {strides = array<i32>} : memref<2048xf32, #tpu.memory_space<vmem>>, vector<16xf32>,
    %swap3A_28 = vector.shape_cast %swap3A_27 : vector<16xf32> to vector<16xf32>
    %swap3A_29 = vector.shape_cast %broadcast_in_dim3A_0 : vector<16xf32> to vector<16xf32>
    tpu.vector_store %arg8[%swap3A_26], %swap3A_29 {strides = array<i32>} : memref<2048xf32, #tpu.memory_space<vmem>>, vector<16xf32>,
    %swap3A_30 = arith.constant 112 : index
    %swap3A_31 = tpu.vector_load %arg8[%swap3A_30] {strides = array<i32>} : memref<2048xf32, #tpu.memory_space<vmem>>, vector<16xf32>,
    %swap3A_32 = vector.shape_cast %swap3A_31 : vector<16xf32> to vector<16xf32>
    %swap3A_33 = vector.shape_cast %broadcast_in_dim3A_0 : vector<16xf32> to vector<16xf32>
    tpu.vector_store %arg8[%swap3A_30], %swap3A_33 {strides = array<i32>} : memref<2048xf32, #tpu.memory_space<vmem>>, vector<16xf32>,
    %swap3A_34 = arith.constant 128 : index
    %swap3A_35 = tpu.vector_load %arg8[%swap3A_34] {strides = array<i32>} : memref<2048xf32, #tpu.memory_space<vmem>>, vector<16xf32>,
    %swap3A_36 = vector.shape_cast %swap3A_35 : vector<16xf32> to vector<16xf32>
    %swap3A_37 = vector.shape_cast %broadcast_in_dim3A_0 : vector<16xf32> to vector<16xf32>
    tpu.vector_store %arg8[%swap3A_34], %swap3A_37 {strides = array<i32>} : memref<2048xf32, #tpu.memory_space<vmem>>, vector<16xf32>,
    %swap3A_38 = arith.constant 144 : index
    %swap3A_39 = tpu.vector_load %arg8[%swap3A_38] {strides = array<i32>} : memref<2048xf32, #tpu.memory_space<vmem>>, vector<16xf32>,
    %swap3A_40 = vector.shape_cast %swap3A_39 : vector<16xf32> to vector<16xf32>
    %swap3A_41 = vector.shape_cast %broadcast_in_dim3A_0 : vector<16xf32> to vector<16xf32>
    tpu.vector_store %arg8[%swap3A_38], %swap3A_41 {strides = array<i32>} : memref<2048xf32, #tpu.memory_space<vmem>>, vector<16xf32>,
    %swap3A_42 = arith.constant 160 : index
    %swap3A_43 = tpu.vector_load %arg8[%swap3A_42] {strides = array<i32>} : memref<2048xf32, #tpu.memory_space<vmem>>, vector<16xf32>,
    %swap3A_44 = vector.shape_cast %swap3A_43 : vector<16xf32> to vector<16xf32>
    %swap3A_45 = vector.shape_cast %broadcast_in_dim3A_0 : vector<16xf32> to vector<16xf32>
    tpu.vector_store %arg8[%swap3A_42], %swap3A_45 {strides = array<i32>} : memref<2048xf32, #tpu.memory_space<vmem>>, vector<16xf32>,
    %swap3A_46 = arith.constant 176 : index
    %swap3A_47 = tpu.vector_load %arg8[%swap3A_46] {strides = array<i32>} : memref<2048xf32, #tpu.memory_space<vmem>>, vector<16xf32>,
    %swap3A_48 = vector.shape_cast %swap3A_47 : vector<16xf32> to vector<16xf32>
    %swap3A_49 = vector.shape_cast %broadcast_in_dim3A_0 : vector<16xf32> to vector<16xf32>
    tpu.vector_store %arg8[%swap3A_46], %swap3A_49 {strides = array<i32>} : memref<2048xf32, #tpu.memory_space<vmem>>, vector<16xf32>,
    %swap3A_50 = arith.constant 192 : index
    %swap3A_51 = tpu.vector_load %arg8[%swap3A_50] {strides = array<i32>} : memref<2048xf32, #tpu.memory_space<vmem>>, vector<16xf32>,
    %swap3A_52 = vector.shape_cast %swap3A_51 : vector<16xf32> to vector<16xf32>
    %swap3A_53 = vector.shape_cast %broadcast_in_dim3A_0 : vector<16xf32> to vector<16xf32>
    tpu.vector_store %arg8[%swap3A_50], %swap3A_53 {strides = array<i32>} : memref<2048xf32, #tpu.memory_space<vmem>>, vector<16xf32>,
    %swap3A_54 = arith.constant 208 : index
    %swap3A_55 = tpu.vector_load %arg8[%swap3A_54] {strides = array<i32>} : memref<2048xf32, #tpu.memory_space<vmem>>, vector<16xf32>,
    %swap3A_56 = vector.shape_cast %swap3A_55 : vector<16xf32> to vector<16xf32>
    %swap3A_57 = vector.shape_cast %broadcast_in_dim3A_0 : vector<16xf32> to vector<16xf32>
    tpu.vector_store %arg8[%swap3A_54], %swap3A_57 {strides = array<i32>} : memref<2048xf32, #tpu.memory_space<vmem>>, vector<16xf32>,
    %swap3A_58 = arith.constant 224 : index
    %swap3A_59 = tpu.vector_load %arg8[%swap3A_58] {strides = array<i32>} : memref<2048xf32, #tpu.memory_space<vmem>>, vector<16xf32>,
    %swap3A_60 = vector.shape_cast %swap3A_59 : vector<16xf32> to vector<16xf32>
    %swap3A_61 = vector.shape_cast %broadcast_in_dim3A_0 : vector<16xf32> to vector<16xf32>
    tpu.vector_store %arg8[%swap3A_58], %swap3A_61 {strides = array<i32>} : memref<2048xf32, #tpu.memory_space<vmem>>, vector<16xf32>,
    %swap3A_62 = arith.constant 240 : index
    %swap3A_63 = tpu.vector_load %arg8[%swap3A_62] {strides = array<i32>} : memref<2048xf32, #tpu.memory_space<vmem>>, vector<16xf32>,
    %swap3A_64 = vector.shape_cast %swap3A_63 : vector<16xf32> to vector<16xf32>
    %swap3A_65 = vector.shape_cast %broadcast_in_dim3A_0 : vector<16xf32> to vector<16xf32>
    tpu.vector_store %arg8[%swap3A_62], %swap3A_65 {strides = array<i32>} : memref<2048xf32, #tpu.memory_space<vmem>>, vector<16xf32>,
    %swap3A_66 = arith.constant 256 : index
    %swap3A_67 = tpu.vector_load %arg8[%swap3A_66] {strides = array<i32>} : memref<2048xf32, #tpu.memory_space<vmem>>, vector<16xf32>,
    %swap3A_68 = vector.shape_cast %swap3A_67 : vector<16xf32> to vector<16xf32>
    %swap3A_69 = vector.shape_cast %broadcast_in_dim3A_0 : vector<16xf32> to vector<16xf32>
    tpu.vector_store %arg8[%swap3A_66], %swap3A_69 {strides = array<i32>} : memref<2048xf32, #tpu.memory_space<vmem>>, vector<16xf32>,
    %swap3A_70 = arith.constant 272 : index
    %swap3A_71 = tpu.vector_load %arg8[%swap3A_70] {strides = array<i32>} : memref<2048xf32, #tpu.memory_space<vmem>>, vector<16xf32>,
    %swap3A_72 = vector.shape_cast %swap3A_71 : vector<16xf32> to vector<16xf32>
    %swap3A_73 = vector.shape_cast %broadcast_in_dim3A_0 : vector<16xf32> to vector<16xf32>
    tpu.vector_store %arg8[%swap3A_70], %swap3A_73 {strides = array<i32>} : memref<2048xf32, #tpu.memory_space<vmem>>, vector<16xf32>,
    %swap3A_74 = arith.constant 288 : index
    %swap3A_75 = tpu.vector_load %arg8[%swap3A_74] {strides = array<i32>} : memref<2048xf32, #tpu.memory_space<vmem>>, vector<16xf32>,
    %swap3A_76 = vector.shape_cast %swap3A_75 : vector<16xf32> to vector<16xf32>
    %swap3A_77 = vector.shape_cast %broadcast_in_dim3A_0 : vector<16xf32> to vector<16xf32>
    tpu.vector_store %arg8[%swap3A_74], %swap3A_77 {strides = array<i32>} : memref<2048xf32, #tpu.memory_space<vmem>>, vector<16xf32>,
    %swap3A_78 = arith.constant 304 : index
    %swap3A_79 = tpu.vector_load %arg8[%swap3A_78] {strides = array<i32>} : memref<2048xf32, #tpu.memory_space<vmem>>, vector<16xf32>,
    %swap3A_80 = vector.shape_cast %swap3A_79 : vector<16xf32> to vector<16xf32>
    %swap3A_81 = vector.shape_cast %broadcast_in_dim3A_0 : vector<16xf32> to vector<16xf32>
    tpu.vector_store %arg8[%swap3A_78], %swap3A_81 {strides = array<i32>} : memref<2048xf32, #tpu.memory_space<vmem>>, vector<16xf32>,
    %swap3A_82 = arith.constant 320 : index
    %swap3A_83 = tpu.vector_load %arg8[%swap3A_82] {strides = array<i32>} : memref<2048xf32, #tpu.memory_space<vmem>>, vector<16xf32>,
    %swap3A_84 = vector.shape_cast %swap3A_83 : vector<16xf32> to vector<16xf32>
    %swap3A_85 = vector.shape_cast %broadcast_in_dim3A_0 : vector<16xf32> to vector<16xf32>
    tpu.vector_store %arg8[%swap3A_82], %swap3A_85 {strides = array<i32>} : memref<2048xf32, #tpu.memory_space<vmem>>, vector<16xf32>,
    %swap3A_86 = arith.constant 336 : index
    %swap3A_87 = tpu.vector_load %arg8[%swap3A_86] {strides = array<i32>} : memref<2048xf32, #tpu.memory_space<vmem>>, vector<16xf32>,
    %swap3A_88 = vector.shape_cast %swap3A_87 : vector<16xf32> to vector<16xf32>
    %swap3A_89 = vector.shape_cast %broadcast_in_dim3A_0 : vector<16xf32> to vector<16xf32>
    tpu.vector_store %arg8[%swap3A_86], %swap3A_89 {strides = array<i32>} : memref<2048xf32, #tpu.memory_space<vmem>>, vector<16xf32>,
    %swap3A_90 = arith.constant 352 : index
    %swap3A_91 = tpu.vector_load %arg8[%swap3A_90] {strides = array<i32>} : memref<2048xf32, #tpu.memory_space<vmem>>, vector<16xf32>,
    %swap3A_92 = vector.shape_cast %swap3A_91 : vector<16xf32> to vector<16xf32>
    %swap3A_93 = vector.shape_cast %broadcast_in_dim3A_0 : vector<16xf32> to vector<16xf32>
    tpu.vector_store %arg8[%swap3A_90], %swap3A_93 {strides = array<i32>} : memref<2048xf32, #tpu.memory_space<vmem>>, vector<16xf32>,
    %swap3A_94 = arith.constant 368 : index
    %swap3A_95 = tpu.vector_load %arg8[%swap3A_94] {strides = array<i32>} : memref<2048xf32, #tpu.memory_space<vmem>>, vector<16xf32>,
    %swap3A_96 = vector.shape_cast %swap3A_95 : vector<16xf32> to vector<16xf32>
    %swap3A_97 = vector.shape_cast %broadcast_in_dim3A_0 : vector<16xf32> to vector<16xf32>
    tpu.vector_store %arg8[%swap3A_94], %swap3A_97 {strides = array<i32>} : memref<2048xf32, #tpu.memory_space<vmem>>, vector<16xf32>,
    %swap3A_98 = arith.constant 384 : index
    %swap3A_99 = tpu.vector_load %arg8[%swap3A_98] {strides = array<i32>} : memref<2048xf32, #tpu.memory_space<vmem>>, vector<16xf32>,
    %swap3A_100 = vector.shape_cast %swap3A_99 : vector<16xf32> to vector<16xf32>
    %swap3A_101 = vector.shape_cast %broadcast_in_dim3A_0 : vector<16xf32> to vector<16xf32>
    tpu.vector_store %arg8[%swap3A_98], %swap3A_101 {strides = array<i32>} : memref<2048xf32, #tpu.memory_space<vmem>>, vector<16xf32>,
    %swap3A_102 = arith.constant 400 : index
    %swap3A_103 = tpu.vector_load %arg8[%swap3A_102] {strides = array<i32>} : memref<2048xf32, #tpu.memory_space<vmem>>, vector<16xf32>,
    %swap3A_104 = vector.shape_cast %swap3A_103 : vector<16xf32> to vector<16xf32>
    %swap3A_105 = vector.shape_cast %broadcast_in_dim3A_0 : vector<16xf32> to vector<16xf32>
    tpu.vector_store %arg8[%swap3A_102], %swap3A_105 {strides = array<i32>} : memref<2048xf32, #tpu.memory_space<vmem>>, vector<16xf32>,
    %swap3A_106 = arith.constant 416 : index
    %swap3A_107 = tpu.vector_load %arg8[%swap3A_106] {strides = array<i32>} : memref<2048xf32, #tpu.memory_space<vmem>>, vector<16xf32>,
    %swap3A_108 = vector.shape_cast %swap3A_107 : vector<16xf32> to vector<16xf32>
    %swap3A_109 = vector.shape_cast %broadcast_in_dim3A_0 : vector<16xf32> to vector<16xf32>
    tpu.vector_store %arg8[%swap3A_106], %swap3A_109 {strides = array<i32>} : memref<2048xf32, #tpu.memory_space<vmem>>, vector<16xf32>,
    %swap3A_110 = arith.constant 432 : index
    %swap3A_111 = tpu.vector_load %arg8[%swap3A_110] {strides = array<i32>} : memref<2048xf32, #tpu.memory_space<vmem>>, vector<16xf32>,
    %swap3A_112 = vector.shape_cast %swap3A_111 : vector<16xf32> to vector<16xf32>
    %swap3A_113 = vector.shape_cast %broadcast_in_dim3A_0 : vector<16xf32> to vector<16xf32>
    tpu.vector_store %arg8[%swap3A_110], %swap3A_113 {strides = array<i32>} : memref<2048xf32, #tpu.memory_space<vmem>>, vector<16xf32>,
    %swap3A_114 = arith.constant 448 : index
    %swap3A_115 = tpu.vector_load %arg8[%swap3A_114] {strides = array<i32>} : memref<2048xf32, #tpu.memory_space<vmem>>, vector<16xf32>,
    %swap3A_116 = vector.shape_cast %swap3A_115 : vector<16xf32> to vector<16xf32>
    %swap3A_117 = vector.shape_cast %broadcast_in_dim3A_0 : vector<16xf32> to vector<16xf32>
    tpu.vector_store %arg8[%swap3A_114], %swap3A_117 {strides = array<i32>} : memref<2048xf32, #tpu.memory_space<vmem>>, vector<16xf32>,
    %swap3A_118 = arith.constant 464 : index
    %swap3A_119 = tpu.vector_load %arg8[%swap3A_118] {strides = array<i32>} : memref<2048xf32, #tpu.memory_space<vmem>>, vector<16xf32>,
    %swap3A_120 = vector.shape_cast %swap3A_119 : vector<16xf32> to vector<16xf32>
    %swap3A_121 = vector.shape_cast %broadcast_in_dim3A_0 : vector<16xf32> to vector<16xf32>
    tpu.vector_store %arg8[%swap3A_118], %swap3A_121 {strides = array<i32>} : memref<2048xf32, #tpu.memory_space<vmem>>, vector<16xf32>,
    %swap3A_122 = arith.constant 480 : index
    %swap3A_123 = tpu.vector_load %arg8[%swap3A_122] {strides = array<i32>} : memref<2048xf32, #tpu.memory_space<vmem>>, vector<16xf32>,
    %swap3A_124 = vector.shape_cast %swap3A_123 : vector<16xf32> to vector<16xf32>
    %swap3A_125 = vector.shape_cast %broadcast_in_dim3A_0 : vector<16xf32> to vector<16xf32>
    tpu.vector_store %arg8[%swap3A_122], %swap3A_125 {strides = array<i32>} : memref<2048xf32, #tpu.memory_space<vmem>>, vector<16xf32>,
    %swap3A_126 = arith.constant 496 : index
    %swap3A_127 = tpu.vector_load %arg8[%swap3A_126] {strides = array<i32>} : memref<2048xf32, #tpu.memory_space<vmem>>, vector<16xf32>,
    %swap3A_128 = vector.shape_cast %swap3A_127 : vector<16xf32> to vector<16xf32>
    %swap3A_129 = vector.shape_cast %broadcast_in_dim3A_0 : vector<16xf32> to vector<16xf32>
    tpu.vector_store %arg8[%swap3A_126], %swap3A_129 {strides = array<i32>} : memref<2048xf32, #tpu.memory_space<vmem>>, vector<16xf32>,
    %swap3A_130 = arith.constant 512 : index
    %swap3A_131 = tpu.vector_load %arg8[%swap3A_130] {strides = array<i32>} : memref<2048xf32, #tpu.memory_space<vmem>>, vector<16xf32>,
    %swap3A_132 = vector.shape_cast %swap3A_131 : vector<16xf32> to vector<16xf32>
    %swap3A_133 = vector.shape_cast %broadcast_in_dim3A_0 : vector<16xf32> to vector<16xf32>
    tpu.vector_store %arg8[%swap3A_130], %swap3A_133 {strides = array<i32>} : memref<2048xf32, #tpu.memory_space<vmem>>, vector<16xf32>,
    %swap3A_134 = arith.constant 528 : index
    %swap3A_135 = tpu.vector_load %arg8[%swap3A_134] {strides = array<i32>} : memref<2048xf32, #tpu.memory_space<vmem>>, vector<16xf32>,
    %swap3A_136 = vector.shape_cast %swap3A_135 : vector<16xf32> to vector<16xf32>
    %swap3A_137 = vector.shape_cast %broadcast_in_dim3A_0 : vector<16xf32> to vector<16xf32>
    tpu.vector_store %arg8[%swap3A_134], %swap3A_137 {strides = array<i32>} : memref<2048xf32, #tpu.memory_space<vmem>>, vector<16xf32>,
    %swap3A_138 = arith.constant 544 : index
    %swap3A_139 = tpu.vector_load %arg8[%swap3A_138] {strides = array<i32>} : memref<2048xf32, #tpu.memory_space<vmem>>, vector<16xf32>,
    %swap3A_140 = vector.shape_cast %swap3A_139 : vector<16xf32> to vector<16xf32>
    %swap3A_141 = vector.shape_cast %broadcast_in_dim3A_0 : vector<16xf32> to vector<16xf32>
    tpu.vector_store %arg8[%swap3A_138], %swap3A_141 {strides = array<i32>} : memref<2048xf32, #tpu.memory_space<vmem>>, vector<16xf32>,
    %swap3A_142 = arith.constant 560 : index
    %swap3A_143 = tpu.vector_load %arg8[%swap3A_142] {strides = array<i32>} : memref<2048xf32, #tpu.memory_space<vmem>>, vector<16xf32>,
    %swap3A_144 = vector.shape_cast %swap3A_143 : vector<16xf32> to vector<16xf32>
    %swap3A_145 = vector.shape_cast %broadcast_in_dim3A_0 : vector<16xf32> to vector<16xf32>
    tpu.vector_store %arg8[%swap3A_142], %swap3A_145 {strides = array<i32>} : memref<2048xf32, #tpu.memory_space<vmem>>, vector<16xf32>,
    %swap3A_146 = arith.constant 576 : index
    %swap3A_147 = tpu.vector_load %arg8[%swap3A_146] {strides = array<i32>} : memref<2048xf32, #tpu.memory_space<vmem>>, vector<16xf32>,
    %swap3A_148 = vector.shape_cast %swap3A_147 : vector<16xf32> to vector<16xf32>
    %swap3A_149 = vector.shape_cast %broadcast_in_dim3A_0 : vector<16xf32> to vector<16xf32>
    tpu.vector_store %arg8[%swap3A_146], %swap3A_149 {strides = array<i32>} : memref<2048xf32, #tpu.memory_space<vmem>>, vector<16xf32>,
    %swap3A_150 = arith.constant 592 : index
    %swap3A_151 = tpu.vector_load %arg8[%swap3A_150] {strides = array<i32>} : memref<2048xf32, #tpu.memory_space<vmem>>, vector<16xf32>,
    %swap3A_152 = vector.shape_cast %swap3A_151 : vector<16xf32> to vector<16xf32>
    %swap3A_153 = vector.shape_cast %broadcast_in_dim3A_0 : vector<16xf32> to vector<16xf32>
    tpu.vector_store %arg8[%swap3A_150], %swap3A_153 {strides = array<i32>} : memref<2048xf32, #tpu.memory_space<vmem>>, vector<16xf32>,
    %swap3A_154 = arith.constant 608 : index
    %swap3A_155 = tpu.vector_load %arg8[%swap3A_154] {strides = array<i32>} : memref<2048xf32, #tpu.memory_space<vmem>>, vector<16xf32>,
    %swap3A_156 = vector.shape_cast %swap3A_155 : vector<16xf32> to vector<16xf32>
    %swap3A_157 = vector.shape_cast %broadcast_in_dim3A_0 : vector<16xf32> to vector<16xf32>
    tpu.vector_store %arg8[%swap3A_154], %swap3A_157 {strides = array<i32>} : memref<2048xf32, #tpu.memory_space<vmem>>, vector<16xf32>,
    %swap3A_158 = arith.constant 624 : index
    %swap3A_159 = tpu.vector_load %arg8[%swap3A_158] {strides = array<i32>} : memref<2048xf32, #tpu.memory_space<vmem>>, vector<16xf32>,
    %swap3A_160 = vector.shape_cast %swap3A_159 : vector<16xf32> to vector<16xf32>
    %swap3A_161 = vector.shape_cast %broadcast_in_dim3A_0 : vector<16xf32> to vector<16xf32>
    tpu.vector_store %arg8[%swap3A_158], %swap3A_161 {strides = array<i32>} : memref<2048xf32, #tpu.memory_space<vmem>>, vector<16xf32>,
    %swap3A_162 = arith.constant 640 : index
    %swap3A_163 = tpu.vector_load %arg8[%swap3A_162] {strides = array<i32>} : memref<2048xf32, #tpu.memory_space<vmem>>, vector<16xf32>,
    %swap3A_164 = vector.shape_cast %swap3A_163 : vector<16xf32> to vector<16xf32>
    %swap3A_165 = vector.shape_cast %broadcast_in_dim3A_0 : vector<16xf32> to vector<16xf32>
    tpu.vector_store %arg8[%swap3A_162], %swap3A_165 {strides = array<i32>} : memref<2048xf32, #tpu.memory_space<vmem>>, vector<16xf32>,
    %swap3A_166 = arith.constant 656 : index
    %swap3A_167 = tpu.vector_load %arg8[%swap3A_166] {strides = array<i32>} : memref<2048xf32, #tpu.memory_space<vmem>>, vector<16xf32>,
    %swap3A_168 = vector.shape_cast %swap3A_167 : vector<16xf32> to vector<16xf32>
    %swap3A_169 = vector.shape_cast %broadcast_in_dim3A_0 : vector<16xf32> to vector<16xf32>
    tpu.vector_store %arg8[%swap3A_166], %swap3A_169 {strides = array<i32>} : memref<2048xf32, #tpu.memory_space<vmem>>, vector<16xf32>,
    %swap3A_170 = arith.constant 672 : index
    %swap3A_171 = tpu.vector_load %arg8[%swap3A_170] {strides = array<i32>} : memref<2048xf32, #tpu.memory_space<vmem>>, vector<16xf32>,
    %swap3A_172 = vector.shape_cast %swap3A_171 : vector<16xf32> to vector<16xf32>
    %swap3A_173 = vector.shape_cast %broadcast_in_dim3A_0 : vector<16xf32> to vector<16xf32>
    tpu.vector_store %arg8[%swap3A_170], %swap3A_173 {strides = array<i32>} : memref<2048xf32, #tpu.memory_space<vmem>>, vector<16xf32>,
    %swap3A_174 = arith.constant 688 : index
    %swap3A_175 = tpu.vector_load %arg8[%swap3A_174] {strides = array<i32>} : memref<2048xf32, #tpu.memory_space<vmem>>, vector<16xf32>,
    %swap3A_176 = vector.shape_cast %swap3A_175 : vector<16xf32> to vector<16xf32>
    %swap3A_177 = vector.shape_cast %broadcast_in_dim3A_0 : vector<16xf32> to vector<16xf32>
    tpu.vector_store %arg8[%swap3A_174], %swap3A_177 {strides = array<i32>} : memref<2048xf32, #tpu.memory_space<vmem>>, vector<16xf32>,
    %swap3A_178 = arith.constant 704 : index
    %swap3A_179 = tpu.vector_load %arg8[%swap3A_178] {strides = array<i32>} : memref<2048xf32, #tpu.memory_space<vmem>>, vector<16xf32>,
    %swap3A_180 = vector.shape_cast %swap3A_179 : vector<16xf32> to vector<16xf32>
    %swap3A_181 = vector.shape_cast %broadcast_in_dim3A_0 : vector<16xf32> to vector<16xf32>
    tpu.vector_store %arg8[%swap3A_178], %swap3A_181 {strides = array<i32>} : memref<2048xf32, #tpu.memory_space<vmem>>, vector<16xf32>,
    %swap3A_182 = arith.constant 720 : index
    %swap3A_183 = tpu.vector_load %arg8[%swap3A_182] {strides = array<i32>} : memref<2048xf32, #tpu.memory_space<vmem>>, vector<16xf32>,
    %swap3A_184 = vector.shape_cast %swap3A_183 : vector<16xf32> to vector<16xf32>
    %swap3A_185 = vector.shape_cast %broadcast_in_dim3A_0 : vector<16xf32> to vector<16xf32>
    tpu.vector_store %arg8[%swap3A_182], %swap3A_185 {strides = array<i32>} : memref<2048xf32, #tpu.memory_space<vmem>>, vector<16xf32>,
    %swap3A_186 = arith.constant 736 : index
    %swap3A_187 = tpu.vector_load %arg8[%swap3A_186] {strides = array<i32>} : memref<2048xf32, #tpu.memory_space<vmem>>, vector<16xf32>,
    %swap3A_188 = vector.shape_cast %swap3A_187 : vector<16xf32> to vector<16xf32>
    %swap3A_189 = vector.shape_cast %broadcast_in_dim3A_0 : vector<16xf32> to vector<16xf32>
    tpu.vector_store %arg8[%swap3A_186], %swap3A_189 {strides = array<i32>} : memref<2048xf32, #tpu.memory_space<vmem>>, vector<16xf32>,
    %swap3A_190 = arith.constant 752 : index
    %swap3A_191 = tpu.vector_load %arg8[%swap3A_190] {strides = array<i32>} : memref<2048xf32, #tpu.memory_space<vmem>>, vector<16xf32>,
    %swap3A_192 = vector.shape_cast %swap3A_191 : vector<16xf32> to vector<16xf32>
    %swap3A_193 = vector.shape_cast %broadcast_in_dim3A_0 : vector<16xf32> to vector<16xf32>
    tpu.vector_store %arg8[%swap3A_190], %swap3A_193 {strides = array<i32>} : memref<2048xf32, #tpu.memory_space<vmem>>, vector<16xf32>,
    %swap3A_194 = arith.constant 768 : index
    %swap3A_195 = tpu.vector_load %arg8[%swap3A_194] {strides = array<i32>} : memref<2048xf32, #tpu.memory_space<vmem>>, vector<16xf32>,
    %swap3A_196 = vector.shape_cast %swap3A_195 : vector<16xf32> to vector<16xf32>
    %swap3A_197 = vector.shape_cast %broadcast_in_dim3A_0 : vector<16xf32> to vector<16xf32>
    tpu.vector_store %arg8[%swap3A_194], %swap3A_197 {strides = array<i32>} : memref<2048xf32, #tpu.memory_space<vmem>>, vector<16xf32>,
    %swap3A_198 = arith.constant 784 : index
    %swap3A_199 = tpu.vector_load %arg8[%swap3A_198] {strides = array<i32>} : memref<2048xf32, #tpu.memory_space<vmem>>, vector<16xf32>,
    %swap3A_200 = vector.shape_cast %swap3A_199 : vector<16xf32> to vector<16xf32>
    %swap3A_201 = vector.shape_cast %broadcast_in_dim3A_0 : vector<16xf32> to vector<16xf32>
    tpu.vector_store %arg8[%swap3A_198], %swap3A_201 {strides = array<i32>} : memref<2048xf32, #tpu.memory_space<vmem>>, vector<16xf32>,
    %swap3A_202 = arith.constant 800 : index
    %swap3A_203 = tpu.vector_load %arg8[%swap3A_202] {strides = array<i32>} : memref<2048xf32, #tpu.memory_space<vmem>>, vector<16xf32>,
    %swap3A_204 = vector.shape_cast %swap3A_203 : vector<16xf32> to vector<16xf32>
    %swap3A_205 = vector.shape_cast %broadcast_in_dim3A_0 : vector<16xf32> to vector<16xf32>
    tpu.vector_store %arg8[%swap3A_202], %swap3A_205 {strides = array<i32>} : memref<2048xf32, #tpu.memory_space<vmem>>, vector<16xf32>,
    %swap3A_206 = arith.constant 816 : index
    %swap3A_207 = tpu.vector_load %arg8[%swap3A_206] {strides = array<i32>} : memref<2048xf32, #tpu.memory_space<vmem>>, vector<16xf32>,
    %swap3A_208 = vector.shape_cast %swap3A_207 : vector<16xf32> to vector<16xf32>
    %swap3A_209 = vector.shape_cast %broadcast_in_dim3A_0 : vector<16xf32> to vector<16xf32>
    tpu.vector_store %arg8[%swap3A_206], %swap3A_209 {strides = array<i32>} : memref<2048xf32, #tpu.memory_space<vmem>>, vector<16xf32>,
    %swap3A_210 = arith.constant 832 : index
    %swap3A_211 = tpu.vector_load %arg8[%swap3A_210] {strides = array<i32>} : memref<2048xf32, #tpu.memory_space<vmem>>, vector<16xf32>,
    %swap3A_212 = vector.shape_cast %swap3A_211 : vector<16xf32> to vector<16xf32>
    %swap3A_213 = vector.shape_cast %broadcast_in_dim3A_0 : vector<16xf32> to vector<16xf32>
    tpu.vector_store %arg8[%swap3A_210], %swap3A_213 {strides = array<i32>} : memref<2048xf32, #tpu.memory_space<vmem>>, vector<16xf32>,
    %swap3A_214 = arith.constant 848 : index
    %swap3A_215 = tpu.vector_load %arg8[%swap3A_214] {strides = array<i32>} : memref<2048xf32, #tpu.memory_space<vmem>>, vector<16xf32>,
    %swap3A_216 = vector.shape_cast %swap3A_215 : vector<16xf32> to vector<16xf32>
    %swap3A_217 = vector.shape_cast %broadcast_in_dim3A_0 : vector<16xf32> to vector<16xf32>
    tpu.vector_store %arg8[%swap3A_214], %swap3A_217 {strides = array<i32>} : memref<2048xf32, #tpu.memory_space<vmem>>, vector<16xf32>,
    %swap3A_218 = arith.constant 864 : index
    %swap3A_219 = tpu.vector_load %arg8[%swap3A_218] {strides = array<i32>} : memref<2048xf32, #tpu.memory_space<vmem>>, vector<16xf32>,
    %swap3A_220 = vector.shape_cast %swap3A_219 : vector<16xf32> to vector<16xf32>
    %swap3A_221 = vector.shape_cast %broadcast_in_dim3A_0 : vector<16xf32> to vector<16xf32>
    tpu.vector_store %arg8[%swap3A_218], %swap3A_221 {strides = array<i32>} : memref<2048xf32, #tpu.memory_space<vmem>>, vector<16xf32>,
    %swap3A_222 = arith.constant 880 : index
    %swap3A_223 = tpu.vector_load %arg8[%swap3A_222] {strides = array<i32>} : memref<2048xf32, #tpu.memory_space<vmem>>, vector<16xf32>,
    %swap3A_224 = vector.shape_cast %swap3A_223 : vector<16xf32> to vector<16xf32>
    %swap3A_225 = vector.shape_cast %broadcast_in_dim3A_0 : vector<16xf32> to vector<16xf32>
    tpu.vector_store %arg8[%swap3A_222], %swap3A_225 {strides = array<i32>} : memref<2048xf32, #tpu.memory_space<vmem>>, vector<16xf32>,
    %swap3A_226 = arith.constant 896 : index
    %swap3A_227 = tpu.vector_load %arg8[%swap3A_226] {strides = array<i32>} : memref<2048xf32, #tpu.memory_space<vmem>>, vector<16xf32>,
    %swap3A_228 = vector.shape_cast %swap3A_227 : vector<16xf32> to vector<16xf32>
    %swap3A_229 = vector.shape_cast %broadcast_in_dim3A_0 : vector<16xf32> to vector<16xf32>
    tpu.vector_store %arg8[%swap3A_226], %swap3A_229 {strides = array<i32>} : memref<2048xf32, #tpu.memory_space<vmem>>, vector<16xf32>,
    %swap3A_230 = arith.constant 912 : index
    %swap3A_231 = tpu.vector_load %arg8[%swap3A_230] {strides = array<i32>} : memref<2048xf32, #tpu.memory_space<vmem>>, vector<16xf32>,
    %swap3A_232 = vector.shape_cast %swap3A_231 : vector<16xf32> to vector<16xf32>
    %swap3A_233 = vector.shape_cast %broadcast_in_dim3A_0 : vector<16xf32> to vector<16xf32>
    tpu.vector_store %arg8[%swap3A_230], %swap3A_233 {strides = array<i32>} : memref<2048xf32, #tpu.memory_space<vmem>>, vector<16xf32>,
    %swap3A_234 = arith.constant 928 : index
    %swap3A_235 = tpu.vector_load %arg8[%swap3A_234] {strides = array<i32>} : memref<2048xf32, #tpu.memory_space<vmem>>, vector<16xf32>,
    %swap3A_236 = vector.shape_cast %swap3A_235 : vector<16xf32> to vector<16xf32>
    %swap3A_237 = vector.shape_cast %broadcast_in_dim3A_0 : vector<16xf32> to vector<16xf32>
    tpu.vector_store %arg8[%swap3A_234], %swap3A_237 {strides = array<i32>} : memref<2048xf32, #tpu.memory_space<vmem>>, vector<16xf32>,
    %swap3A_238 = arith.constant 944 : index
    %swap3A_239 = tpu.vector_load %arg8[%swap3A_238] {strides = array<i32>} : memref<2048xf32, #tpu.memory_space<vmem>>, vector<16xf32>,
    %swap3A_240 = vector.shape_cast %swap3A_239 : vector<16xf32> to vector<16xf32>
    %swap3A_241 = vector.shape_cast %broadcast_in_dim3A_0 : vector<16xf32> to vector<16xf32>
    tpu.vector_store %arg8[%swap3A_238], %swap3A_241 {strides = array<i32>} : memref<2048xf32, #tpu.memory_space<vmem>>, vector<16xf32>,
    %swap3A_242 = arith.constant 960 : index
    %swap3A_243 = tpu.vector_load %arg8[%swap3A_242] {strides = array<i32>} : memref<2048xf32, #tpu.memory_space<vmem>>, vector<16xf32>,
    %swap3A_244 = vector.shape_cast %swap3A_243 : vector<16xf32> to vector<16xf32>
    %swap3A_245 = vector.shape_cast %broadcast_in_dim3A_0 : vector<16xf32> to vector<16xf32>
    tpu.vector_store %arg8[%swap3A_242], %swap3A_245 {strides = array<i32>} : memref<2048xf32, #tpu.memory_space<vmem>>, vector<16xf32>,
    %swap3A_246 = arith.constant 976 : index
    %swap3A_247 = tpu.vector_load %arg8[%swap3A_246] {strides = array<i32>} : memref<2048xf32, #tpu.memory_space<vmem>>, vector<16xf32>,
    %swap3A_248 = vector.shape_cast %swap3A_247 : vector<16xf32> to vector<16xf32>
    %swap3A_249 = vector.shape_cast %broadcast_in_dim3A_0 : vector<16xf32> to vector<16xf32>
    tpu.vector_store %arg8[%swap3A_246], %swap3A_249 {strides = array<i32>} : memref<2048xf32, #tpu.memory_space<vmem>>, vector<16xf32>,
    %swap3A_250 = arith.constant 992 : index
    %swap3A_251 = tpu.vector_load %arg8[%swap3A_250] {strides = array<i32>} : memref<2048xf32, #tpu.memory_space<vmem>>, vector<16xf32>,
    %swap3A_252 = vector.shape_cast %swap3A_251 : vector<16xf32> to vector<16xf32>
    %swap3A_253 = vector.shape_cast %broadcast_in_dim3A_0 : vector<16xf32> to vector<16xf32>
    tpu.vector_store %arg8[%swap3A_250], %swap3A_253 {strides = array<i32>} : memref<2048xf32, #tpu.memory_space<vmem>>, vector<16xf32>,
    %swap3A_254 = arith.constant 1008 : index
    %swap3A_255 = tpu.vector_load %arg8[%swap3A_254] {strides = array<i32>} : memref<2048xf32, #tpu.memory_space<vmem>>, vector<16xf32>,
    %swap3A_256 = vector.shape_cast %swap3A_255 : vector<16xf32> to vector<16xf32>
    %swap3A_257 = vector.shape_cast %broadcast_in_dim3A_0 : vector<16xf32> to vector<16xf32>
    tpu.vector_store %arg8[%swap3A_254], %swap3A_257 {strides = array<i32>} : memref<2048xf32, #tpu.memory_space<vmem>>, vector<16xf32>,
    %swap3A_258 = arith.constant 1024 : index
    %swap3A_259 = tpu.vector_load %arg8[%swap3A_258] {strides = array<i32>} : memref<2048xf32, #tpu.memory_space<vmem>>, vector<16xf32>,
    %swap3A_260 = vector.shape_cast %swap3A_259 : vector<16xf32> to vector<16xf32>
    %swap3A_261 = vector.shape_cast %broadcast_in_dim3A_0 : vector<16xf32> to vector<16xf32>
    tpu.vector_store %arg8[%swap3A_258], %swap3A_261 {strides = array<i32>} : memref<2048xf32, #tpu.memory_space<vmem>>, vector<16xf32>,
    %swap3A_262 = arith.constant 1040 : index
    %swap3A_263 = tpu.vector_load %arg8[%swap3A_262] {strides = array<i32>} : memref<2048xf32, #tpu.memory_space<vmem>>, vector<16xf32>,
    %swap3A_264 = vector.shape_cast %swap3A_263 : vector<16xf32> to vector<16xf32>
    %swap3A_265 = vector.shape_cast %broadcast_in_dim3A_0 : vector<16xf32> to vector<16xf32>
    tpu.vector_store %arg8[%swap3A_262], %swap3A_265 {strides = array<i32>} : memref<2048xf32, #tpu.memory_space<vmem>>, vector<16xf32>,
    %swap3A_266 = arith.constant 1056 : index
    %swap3A_267 = tpu.vector_load %arg8[%swap3A_266] {strides = array<i32>} : memref<2048xf32, #tpu.memory_space<vmem>>, vector<16xf32>,
    %swap3A_268 = vector.shape_cast %swap3A_267 : vector<16xf32> to vector<16xf32>
    %swap3A_269 = vector.shape_cast %broadcast_in_dim3A_0 : vector<16xf32> to vector<16xf32>
    tpu.vector_store %arg8[%swap3A_266], %swap3A_269 {strides = array<i32>} : memref<2048xf32, #tpu.memory_space<vmem>>, vector<16xf32>,
    %swap3A_270 = arith.constant 1072 : index
    %swap3A_271 = tpu.vector_load %arg8[%swap3A_270] {strides = array<i32>} : memref<2048xf32, #tpu.memory_space<vmem>>, vector<16xf32>,
    %swap3A_272 = vector.shape_cast %swap3A_271 : vector<16xf32> to vector<16xf32>
    %swap3A_273 = vector.shape_cast %broadcast_in_dim3A_0 : vector<16xf32> to vector<16xf32>
    tpu.vector_store %arg8[%swap3A_270], %swap3A_273 {strides = array<i32>} : memref<2048xf32, #tpu.memory_space<vmem>>, vector<16xf32>,
    %swap3A_274 = arith.constant 1088 : index
    %swap3A_275 = tpu.vector_load %arg8[%swap3A_274] {strides = array<i32>} : memref<2048xf32, #tpu.memory_space<vmem>>, vector<16xf32>,
    %swap3A_276 = vector.shape_cast %swap3A_275 : vector<16xf32> to vector<16xf32>
    %swap3A_277 = vector.shape_cast %broadcast_in_dim3A_0 : vector<16xf32> to vector<16xf32>
    tpu.vector_store %arg8[%swap3A_274], %swap3A_277 {strides = array<i32>} : memref<2048xf32, #tpu.memory_space<vmem>>, vector<16xf32>,
    %swap3A_278 = arith.constant 1104 : index
    %swap3A_279 = tpu.vector_load %arg8[%swap3A_278] {strides = array<i32>} : memref<2048xf32, #tpu.memory_space<vmem>>, vector<16xf32>,
    %swap3A_280 = vector.shape_cast %swap3A_279 : vector<16xf32> to vector<16xf32>
    %swap3A_281 = vector.shape_cast %broadcast_in_dim3A_0 : vector<16xf32> to vector<16xf32>
    tpu.vector_store %arg8[%swap3A_278], %swap3A_281 {strides = array<i32>} : memref<2048xf32, #tpu.memory_space<vmem>>, vector<16xf32>,
    %swap3A_282 = arith.constant 1120 : index
    %swap3A_283 = tpu.vector_load %arg8[%swap3A_282] {strides = array<i32>} : memref<2048xf32, #tpu.memory_space<vmem>>, vector<16xf32>,
    %swap3A_284 = vector.shape_cast %swap3A_283 : vector<16xf32> to vector<16xf32>
    %swap3A_285 = vector.shape_cast %broadcast_in_dim3A_0 : vector<16xf32> to vector<16xf32>
    tpu.vector_store %arg8[%swap3A_282], %swap3A_285 {strides = array<i32>} : memref<2048xf32, #tpu.memory_space<vmem>>, vector<16xf32>,
    %swap3A_286 = arith.constant 1136 : index
    %swap3A_287 = tpu.vector_load %arg8[%swap3A_286] {strides = array<i32>} : memref<2048xf32, #tpu.memory_space<vmem>>, vector<16xf32>,
    %swap3A_288 = vector.shape_cast %swap3A_287 : vector<16xf32> to vector<16xf32>
    %swap3A_289 = vector.shape_cast %broadcast_in_dim3A_0 : vector<16xf32> to vector<16xf32>
    tpu.vector_store %arg8[%swap3A_286], %swap3A_289 {strides = array<i32>} : memref<2048xf32, #tpu.memory_space<vmem>>, vector<16xf32>,
    %swap3A_290 = arith.constant 1152 : index
    %swap3A_291 = tpu.vector_load %arg8[%swap3A_290] {strides = array<i32>} : memref<2048xf32, #tpu.memory_space<vmem>>, vector<16xf32>,
    %swap3A_292 = vector.shape_cast %swap3A_291 : vector<16xf32> to vector<16xf32>
    %swap3A_293 = vector.shape_cast %broadcast_in_dim3A_0 : vector<16xf32> to vector<16xf32>
    tpu.vector_store %arg8[%swap3A_290], %swap3A_293 {strides = array<i32>} : memref<2048xf32, #tpu.memory_space<vmem>>, vector<16xf32>,
    %swap3A_294 = arith.constant 1168 : index
    %swap3A_295 = tpu.vector_load %arg8[%swap3A_294] {strides = array<i32>} : memref<2048xf32, #tpu.memory_space<vmem>>, vector<16xf32>,
    %swap3A_296 = vector.shape_cast %swap3A_295 : vector<16xf32> to vector<16xf32>
    %swap3A_297 = vector.shape_cast %broadcast_in_dim3A_0 : vector<16xf32> to vector<16xf32>
    tpu.vector_store %arg8[%swap3A_294], %swap3A_297 {strides = array<i32>} : memref<2048xf32, #tpu.memory_space<vmem>>, vector<16xf32>,
    %swap3A_298 = arith.constant 1184 : index
    %swap3A_299 = tpu.vector_load %arg8[%swap3A_298] {strides = array<i32>} : memref<2048xf32, #tpu.memory_space<vmem>>, vector<16xf32>,
    %swap3A_300 = vector.shape_cast %swap3A_299 : vector<16xf32> to vector<16xf32>
    %swap3A_301 = vector.shape_cast %broadcast_in_dim3A_0 : vector<16xf32> to vector<16xf32>
    tpu.vector_store %arg8[%swap3A_298], %swap3A_301 {strides = array<i32>} : memref<2048xf32, #tpu.memory_space<vmem>>, vector<16xf32>,
    %swap3A_302 = arith.constant 1200 : index
    %swap3A_303 = tpu.vector_load %arg8[%swap3A_302] {strides = array<i32>} : memref<2048xf32, #tpu.memory_space<vmem>>, vector<16xf32>,
    %swap3A_304 = vector.shape_cast %swap3A_303 : vector<16xf32> to vector<16xf32>
    %swap3A_305 = vector.shape_cast %broadcast_in_dim3A_0 : vector<16xf32> to vector<16xf32>
    tpu.vector_store %arg8[%swap3A_302], %swap3A_305 {strides = array<i32>} : memref<2048xf32, #tpu.memory_space<vmem>>, vector<16xf32>,
    %swap3A_306 = arith.constant 1216 : index
    %swap3A_307 = tpu.vector_load %arg8[%swap3A_306] {strides = array<i32>} : memref<2048xf32, #tpu.memory_space<vmem>>, vector<16xf32>,
    %swap3A_308 = vector.shape_cast %swap3A_307 : vector<16xf32> to vector<16xf32>
    %swap3A_309 = vector.shape_cast %broadcast_in_dim3A_0 : vector<16xf32> to vector<16xf32>
    tpu.vector_store %arg8[%swap3A_306], %swap3A_309 {strides = array<i32>} : memref<2048xf32, #tpu.memory_space<vmem>>, vector<16xf32>,
    %swap3A_310 = arith.constant 1232 : index
    %swap3A_311 = tpu.vector_load %arg8[%swap3A_310] {strides = array<i32>} : memref<2048xf32, #tpu.memory_space<vmem>>, vector<16xf32>,
    %swap3A_312 = vector.shape_cast %swap3A_311 : vector<16xf32> to vector<16xf32>
    %swap3A_313 = vector.shape_cast %broadcast_in_dim3A_0 : vector<16xf32> to vector<16xf32>
    tpu.vector_store %arg8[%swap3A_310], %swap3A_313 {strides = array<i32>} : memref<2048xf32, #tpu.memory_space<vmem>>, vector<16xf32>,
    %swap3A_314 = arith.constant 1248 : index
    %swap3A_315 = tpu.vector_load %arg8[%swap3A_314] {strides = array<i32>} : memref<2048xf32, #tpu.memory_space<vmem>>, vector<16xf32>,
    %swap3A_316 = vector.shape_cast %swap3A_315 : vector<16xf32> to vector<16xf32>
    %swap3A_317 = vector.shape_cast %broadcast_in_dim3A_0 : vector<16xf32> to vector<16xf32>
    tpu.vector_store %arg8[%swap3A_314], %swap3A_317 {strides = array<i32>} : memref<2048xf32, #tpu.memory_space<vmem>>, vector<16xf32>,
    %swap3A_318 = arith.constant 1264 : index
    %swap3A_319 = tpu.vector_load %arg8[%swap3A_318] {strides = array<i32>} : memref<2048xf32, #tpu.memory_space<vmem>>, vector<16xf32>,
    %swap3A_320 = vector.shape_cast %swap3A_319 : vector<16xf32> to vector<16xf32>
    %swap3A_321 = vector.shape_cast %broadcast_in_dim3A_0 : vector<16xf32> to vector<16xf32>
    tpu.vector_store %arg8[%swap3A_318], %swap3A_321 {strides = array<i32>} : memref<2048xf32, #tpu.memory_space<vmem>>, vector<16xf32>,
    %swap3A_322 = arith.constant 1280 : index
    %swap3A_323 = tpu.vector_load %arg8[%swap3A_322] {strides = array<i32>} : memref<2048xf32, #tpu.memory_space<vmem>>, vector<16xf32>,
    %swap3A_324 = vector.shape_cast %swap3A_323 : vector<16xf32> to vector<16xf32>
    %swap3A_325 = vector.shape_cast %broadcast_in_dim3A_0 : vector<16xf32> to vector<16xf32>
    tpu.vector_store %arg8[%swap3A_322], %swap3A_325 {strides = array<i32>} : memref<2048xf32, #tpu.memory_space<vmem>>, vector<16xf32>,
    %swap3A_326 = arith.constant 1296 : index
    %swap3A_327 = tpu.vector_load %arg8[%swap3A_326] {strides = array<i32>} : memref<2048xf32, #tpu.memory_space<vmem>>, vector<16xf32>,
    %swap3A_328 = vector.shape_cast %swap3A_327 : vector<16xf32> to vector<16xf32>
    %swap3A_329 = vector.shape_cast %broadcast_in_dim3A_0 : vector<16xf32> to vector<16xf32>
    tpu.vector_store %arg8[%swap3A_326], %swap3A_329 {strides = array<i32>} : memref<2048xf32, #tpu.memory_space<vmem>>, vector<16xf32>,
    %swap3A_330 = arith.constant 1312 : index
    %swap3A_331 = tpu.vector_load %arg8[%swap3A_330] {strides = array<i32>} : memref<2048xf32, #tpu.memory_space<vmem>>, vector<16xf32>,
    %swap3A_332 = vector.shape_cast %swap3A_331 : vector<16xf32> to vector<16xf32>
    %swap3A_333 = vector.shape_cast %broadcast_in_dim3A_0 : vector<16xf32> to vector<16xf32>
    tpu.vector_store %arg8[%swap3A_330], %swap3A_333 {strides = array<i32>} : memref<2048xf32, #tpu.memory_space<vmem>>, vector<16xf32>,
    %swap3A_334 = arith.constant 1328 : index
    %swap3A_335 = tpu.vector_load %arg8[%swap3A_334] {strides = array<i32>} : memref<2048xf32, #tpu.memory_space<vmem>>, vector<16xf32>,
    %swap3A_336 = vector.shape_cast %swap3A_335 : vector<16xf32> to vector<16xf32>
    %swap3A_337 = vector.shape_cast %broadcast_in_dim3A_0 : vector<16xf32> to vector<16xf32>
    tpu.vector_store %arg8[%swap3A_334], %swap3A_337 {strides = array<i32>} : memref<2048xf32, #tpu.memory_space<vmem>>, vector<16xf32>,
    %swap3A_338 = arith.constant 1344 : index
    %swap3A_339 = tpu.vector_load %arg8[%swap3A_338] {strides = array<i32>} : memref<2048xf32, #tpu.memory_space<vmem>>, vector<16xf32>,
    %swap3A_340 = vector.shape_cast %swap3A_339 : vector<16xf32> to vector<16xf32>
    %swap3A_341 = vector.shape_cast %broadcast_in_dim3A_0 : vector<16xf32> to vector<16xf32>
    tpu.vector_store %arg8[%swap3A_338], %swap3A_341 {strides = array<i32>} : memref<2048xf32, #tpu.memory_space<vmem>>, vector<16xf32>,
    %swap3A_342 = arith.constant 1360 : index
    %swap3A_343 = tpu.vector_load %arg8[%swap3A_342] {strides = array<i32>} : memref<2048xf32, #tpu.memory_space<vmem>>, vector<16xf32>,
    %swap3A_344 = vector.shape_cast %swap3A_343 : vector<16xf32> to vector<16xf32>
    %swap3A_345 = vector.shape_cast %broadcast_in_dim3A_0 : vector<16xf32> to vector<16xf32>
    tpu.vector_store %arg8[%swap3A_342], %swap3A_345 {strides = array<i32>} : memref<2048xf32, #tpu.memory_space<vmem>>, vector<16xf32>,
    %swap3A_346 = arith.constant 1376 : index
    %swap3A_347 = tpu.vector_load %arg8[%swap3A_346] {strides = array<i32>} : memref<2048xf32, #tpu.memory_space<vmem>>, vector<16xf32>,
    %swap3A_348 = vector.shape_cast %swap3A_347 : vector<16xf32> to vector<16xf32>
    %swap3A_349 = vector.shape_cast %broadcast_in_dim3A_0 : vector<16xf32> to vector<16xf32>
    tpu.vector_store %arg8[%swap3A_346], %swap3A_349 {strides = array<i32>} : memref<2048xf32, #tpu.memory_space<vmem>>, vector<16xf32>,
    %swap3A_350 = arith.constant 1392 : index
    %swap3A_351 = tpu.vector_load %arg8[%swap3A_350] {strides = array<i32>} : memref<2048xf32, #tpu.memory_space<vmem>>, vector<16xf32>,
    %swap3A_352 = vector.shape_cast %swap3A_351 : vector<16xf32> to vector<16xf32>
    %swap3A_353 = vector.shape_cast %broadcast_in_dim3A_0 : vector<16xf32> to vector<16xf32>
    tpu.vector_store %arg8[%swap3A_350], %swap3A_353 {strides = array<i32>} : memref<2048xf32, #tpu.memory_space<vmem>>, vector<16xf32>,
    %swap3A_354 = arith.constant 1408 : index
    %swap3A_355 = tpu.vector_load %arg8[%swap3A_354] {strides = array<i32>} : memref<2048xf32, #tpu.memory_space<vmem>>, vector<16xf32>,
    %swap3A_356 = vector.shape_cast %swap3A_355 : vector<16xf32> to vector<16xf32>
    %swap3A_357 = vector.shape_cast %broadcast_in_dim3A_0 : vector<16xf32> to vector<16xf32>
    tpu.vector_store %arg8[%swap3A_354], %swap3A_357 {strides = array<i32>} : memref<2048xf32, #tpu.memory_space<vmem>>, vector<16xf32>,
    %swap3A_358 = arith.constant 1424 : index
    %swap3A_359 = tpu.vector_load %arg8[%swap3A_358] {strides = array<i32>} : memref<2048xf32, #tpu.memory_space<vmem>>, vector<16xf32>,
    %swap3A_360 = vector.shape_cast %swap3A_359 : vector<16xf32> to vector<16xf32>
    %swap3A_361 = vector.shape_cast %broadcast_in_dim3A_0 : vector<16xf32> to vector<16xf32>
    tpu.vector_store %arg8[%swap3A_358], %swap3A_361 {strides = array<i32>} : memref<2048xf32, #tpu.memory_space<vmem>>, vector<16xf32>,
    %swap3A_362 = arith.constant 1440 : index
    %swap3A_363 = tpu.vector_load %arg8[%swap3A_362] {strides = array<i32>} : memref<2048xf32, #tpu.memory_space<vmem>>, vector<16xf32>,
    %swap3A_364 = vector.shape_cast %swap3A_363 : vector<16xf32> to vector<16xf32>
    %swap3A_365 = vector.shape_cast %broadcast_in_dim3A_0 : vector<16xf32> to vector<16xf32>
    tpu.vector_store %arg8[%swap3A_362], %swap3A_365 {strides = array<i32>} : memref<2048xf32, #tpu.memory_space<vmem>>, vector<16xf32>,
    %swap3A_366 = arith.constant 1456 : index
    %swap3A_367 = tpu.vector_load %arg8[%swap3A_366] {strides = array<i32>} : memref<2048xf32, #tpu.memory_space<vmem>>, vector<16xf32>,
    %swap3A_368 = vector.shape_cast %swap3A_367 : vector<16xf32> to vector<16xf32>
    %swap3A_369 = vector.shape_cast %broadcast_in_dim3A_0 : vector<16xf32> to vector<16xf32>
    tpu.vector_store %arg8[%swap3A_366], %swap3A_369 {strides = array<i32>} : memref<2048xf32, #tpu.memory_space<vmem>>, vector<16xf32>,
    %swap3A_370 = arith.constant 1472 : index
    %swap3A_371 = tpu.vector_load %arg8[%swap3A_370] {strides = array<i32>} : memref<2048xf32, #tpu.memory_space<vmem>>, vector<16xf32>,
    %swap3A_372 = vector.shape_cast %swap3A_371 : vector<16xf32> to vector<16xf32>
    %swap3A_373 = vector.shape_cast %broadcast_in_dim3A_0 : vector<16xf32> to vector<16xf32>
    tpu.vector_store %arg8[%swap3A_370], %swap3A_373 {strides = array<i32>} : memref<2048xf32, #tpu.memory_space<vmem>>, vector<16xf32>,
    %swap3A_374 = arith.constant 1488 : index
    %swap3A_375 = tpu.vector_load %arg8[%swap3A_374] {strides = array<i32>} : memref<2048xf32, #tpu.memory_space<vmem>>, vector<16xf32>,
    %swap3A_376 = vector.shape_cast %swap3A_375 : vector<16xf32> to vector<16xf32>
    %swap3A_377 = vector.shape_cast %broadcast_in_dim3A_0 : vector<16xf32> to vector<16xf32>
    tpu.vector_store %arg8[%swap3A_374], %swap3A_377 {strides = array<i32>} : memref<2048xf32, #tpu.memory_space<vmem>>, vector<16xf32>,
    %swap3A_378 = arith.constant 1504 : index
    %swap3A_379 = tpu.vector_load %arg8[%swap3A_378] {strides = array<i32>} : memref<2048xf32, #tpu.memory_space<vmem>>, vector<16xf32>,
    %swap3A_380 = vector.shape_cast %swap3A_379 : vector<16xf32> to vector<16xf32>
    %swap3A_381 = vector.shape_cast %broadcast_in_dim3A_0 : vector<16xf32> to vector<16xf32>
    tpu.vector_store %arg8[%swap3A_378], %swap3A_381 {strides = array<i32>} : memref<2048xf32, #tpu.memory_space<vmem>>, vector<16xf32>,
    %swap3A_382 = arith.constant 1520 : index
    %swap3A_383 = tpu.vector_load %arg8[%swap3A_382] {strides = array<i32>} : memref<2048xf32, #tpu.memory_space<vmem>>, vector<16xf32>,
    %swap3A_384 = vector.shape_cast %swap3A_383 : vector<16xf32> to vector<16xf32>
    %swap3A_385 = vector.shape_cast %broadcast_in_dim3A_0 : vector<16xf32> to vector<16xf32>
    tpu.vector_store %arg8[%swap3A_382], %swap3A_385 {strides = array<i32>} : memref<2048xf32, #tpu.memory_space<vmem>>, vector<16xf32>,
    %swap3A_386 = arith.constant 1536 : index
    %swap3A_387 = tpu.vector_load %arg8[%swap3A_386] {strides = array<i32>} : memref<2048xf32, #tpu.memory_space<vmem>>, vector<16xf32>,
    %swap3A_388 = vector.shape_cast %swap3A_387 : vector<16xf32> to vector<16xf32>
    %swap3A_389 = vector.shape_cast %broadcast_in_dim3A_0 : vector<16xf32> to vector<16xf32>
    tpu.vector_store %arg8[%swap3A_386], %swap3A_389 {strides = array<i32>} : memref<2048xf32, #tpu.memory_space<vmem>>, vector<16xf32>,
    %swap3A_390 = arith.constant 1552 : index
    %swap3A_391 = tpu.vector_load %arg8[%swap3A_390] {strides = array<i32>} : memref<2048xf32, #tpu.memory_space<vmem>>, vector<16xf32>,
    %swap3A_392 = vector.shape_cast %swap3A_391 : vector<16xf32> to vector<16xf32>
    %swap3A_393 = vector.shape_cast %broadcast_in_dim3A_0 : vector<16xf32> to vector<16xf32>
    tpu.vector_store %arg8[%swap3A_390], %swap3A_393 {strides = array<i32>} : memref<2048xf32, #tpu.memory_space<vmem>>, vector<16xf32>,
    %swap3A_394 = arith.constant 1568 : index
    %swap3A_395 = tpu.vector_load %arg8[%swap3A_394] {strides = array<i32>} : memref<2048xf32, #tpu.memory_space<vmem>>, vector<16xf32>,
    %swap3A_396 = vector.shape_cast %swap3A_395 : vector<16xf32> to vector<16xf32>
    %swap3A_397 = vector.shape_cast %broadcast_in_dim3A_0 : vector<16xf32> to vector<16xf32>
    tpu.vector_store %arg8[%swap3A_394], %swap3A_397 {strides = array<i32>} : memref<2048xf32, #tpu.memory_space<vmem>>, vector<16xf32>,
    %swap3A_398 = arith.constant 1584 : index
    %swap3A_399 = tpu.vector_load %arg8[%swap3A_398] {strides = array<i32>} : memref<2048xf32, #tpu.memory_space<vmem>>, vector<16xf32>,
    %swap3A_400 = vector.shape_cast %swap3A_399 : vector<16xf32> to vector<16xf32>
    %swap3A_401 = vector.shape_cast %broadcast_in_dim3A_0 : vector<16xf32> to vector<16xf32>
    tpu.vector_store %arg8[%swap3A_398], %swap3A_401 {strides = array<i32>} : memref<2048xf32, #tpu.memory_space<vmem>>, vector<16xf32>,
    %swap3A_402 = arith.constant 1600 : index
    %swap3A_403 = tpu.vector_load %arg8[%swap3A_402] {strides = array<i32>} : memref<2048xf32, #tpu.memory_space<vmem>>, vector<16xf32>,
    %swap3A_404 = vector.shape_cast %swap3A_403 : vector<16xf32> to vector<16xf32>
    %swap3A_405 = vector.shape_cast %broadcast_in_dim3A_0 : vector<16xf32> to vector<16xf32>
    tpu.vector_store %arg8[%swap3A_402], %swap3A_405 {strides = array<i32>} : memref<2048xf32, #tpu.memory_space<vmem>>, vector<16xf32>,
    %swap3A_406 = arith.constant 1616 : index
    %swap3A_407 = tpu.vector_load %arg8[%swap3A_406] {strides = array<i32>} : memref<2048xf32, #tpu.memory_space<vmem>>, vector<16xf32>,
    %swap3A_408 = vector.shape_cast %swap3A_407 : vector<16xf32> to vector<16xf32>
    %swap3A_409 = vector.shape_cast %broadcast_in_dim3A_0 : vector<16xf32> to vector<16xf32>
    tpu.vector_store %arg8[%swap3A_406], %swap3A_409 {strides = array<i32>} : memref<2048xf32, #tpu.memory_space<vmem>>, vector<16xf32>,
    %swap3A_410 = arith.constant 1632 : index
    %swap3A_411 = tpu.vector_load %arg8[%swap3A_410] {strides = array<i32>} : memref<2048xf32, #tpu.memory_space<vmem>>, vector<16xf32>,
    %swap3A_412 = vector.shape_cast %swap3A_411 : vector<16xf32> to vector<16xf32>
    %swap3A_413 = vector.shape_cast %broadcast_in_dim3A_0 : vector<16xf32> to vector<16xf32>
    tpu.vector_store %arg8[%swap3A_410], %swap3A_413 {strides = array<i32>} : memref<2048xf32, #tpu.memory_space<vmem>>, vector<16xf32>,
    %swap3A_414 = arith.constant 1648 : index
    %swap3A_415 = tpu.vector_load %arg8[%swap3A_414] {strides = array<i32>} : memref<2048xf32, #tpu.memory_space<vmem>>, vector<16xf32>,
    %swap3A_416 = vector.shape_cast %swap3A_415 : vector<16xf32> to vector<16xf32>
    %swap3A_417 = vector.shape_cast %broadcast_in_dim3A_0 : vector<16xf32> to vector<16xf32>
    tpu.vector_store %arg8[%swap3A_414], %swap3A_417 {strides = array<i32>} : memref<2048xf32, #tpu.memory_space<vmem>>, vector<16xf32>,
    %swap3A_418 = arith.constant 1664 : index
    %swap3A_419 = tpu.vector_load %arg8[%swap3A_418] {strides = array<i32>} : memref<2048xf32, #tpu.memory_space<vmem>>, vector<16xf32>,
    %swap3A_420 = vector.shape_cast %swap3A_419 : vector<16xf32> to vector<16xf32>
    %swap3A_421 = vector.shape_cast %broadcast_in_dim3A_0 : vector<16xf32> to vector<16xf32>
    tpu.vector_store %arg8[%swap3A_418], %swap3A_421 {strides = array<i32>} : memref<2048xf32, #tpu.memory_space<vmem>>, vector<16xf32>,
    %swap3A_422 = arith.constant 1680 : index
    %swap3A_423 = tpu.vector_load %arg8[%swap3A_422] {strides = array<i32>} : memref<2048xf32, #tpu.memory_space<vmem>>, vector<16xf32>,
    %swap3A_424 = vector.shape_cast %swap3A_423 : vector<16xf32> to vector<16xf32>
    %swap3A_425 = vector.shape_cast %broadcast_in_dim3A_0 : vector<16xf32> to vector<16xf32>
    tpu.vector_store %arg8[%swap3A_422], %swap3A_425 {strides = array<i32>} : memref<2048xf32, #tpu.memory_space<vmem>>, vector<16xf32>,
    %swap3A_426 = arith.constant 1696 : index
    %swap3A_427 = tpu.vector_load %arg8[%swap3A_426] {strides = array<i32>} : memref<2048xf32, #tpu.memory_space<vmem>>, vector<16xf32>,
    %swap3A_428 = vector.shape_cast %swap3A_427 : vector<16xf32> to vector<16xf32>
    %swap3A_429 = vector.shape_cast %broadcast_in_dim3A_0 : vector<16xf32> to vector<16xf32>
    tpu.vector_store %arg8[%swap3A_426], %swap3A_429 {strides = array<i32>} : memref<2048xf32, #tpu.memory_space<vmem>>, vector<16xf32>,
    %swap3A_430 = arith.constant 1712 : index
    %swap3A_431 = tpu.vector_load %arg8[%swap3A_430] {strides = array<i32>} : memref<2048xf32, #tpu.memory_space<vmem>>, vector<16xf32>,
    %swap3A_432 = vector.shape_cast %swap3A_431 : vector<16xf32> to vector<16xf32>
    %swap3A_433 = vector.shape_cast %broadcast_in_dim3A_0 : vector<16xf32> to vector<16xf32>
    tpu.vector_store %arg8[%swap3A_430], %swap3A_433 {strides = array<i32>} : memref<2048xf32, #tpu.memory_space<vmem>>, vector<16xf32>,
    %swap3A_434 = arith.constant 1728 : index
    %swap3A_435 = tpu.vector_load %arg8[%swap3A_434] {strides = array<i32>} : memref<2048xf32, #tpu.memory_space<vmem>>, vector<16xf32>,
    %swap3A_436 = vector.shape_cast %swap3A_435 : vector<16xf32> to vector<16xf32>
    %swap3A_437 = vector.shape_cast %broadcast_in_dim3A_0 : vector<16xf32> to vector<16xf32>
    tpu.vector_store %arg8[%swap3A_434], %swap3A_437 {strides = array<i32>} : memref<2048xf32, #tpu.memory_space<vmem>>, vector<16xf32>,
    %swap3A_438 = arith.constant 1744 : index
    %swap3A_439 = tpu.vector_load %arg8[%swap3A_438] {strides = array<i32>} : memref<2048xf32, #tpu.memory_space<vmem>>, vector<16xf32>,
    %swap3A_440 = vector.shape_cast %swap3A_439 : vector<16xf32> to vector<16xf32>
    %swap3A_441 = vector.shape_cast %broadcast_in_dim3A_0 : vector<16xf32> to vector<16xf32>
    tpu.vector_store %arg8[%swap3A_438], %swap3A_441 {strides = array<i32>} : memref<2048xf32, #tpu.memory_space<vmem>>, vector<16xf32>,
    %swap3A_442 = arith.constant 1760 : index
    %swap3A_443 = tpu.vector_load %arg8[%swap3A_442] {strides = array<i32>} : memref<2048xf32, #tpu.memory_space<vmem>>, vector<16xf32>,
    %swap3A_444 = vector.shape_cast %swap3A_443 : vector<16xf32> to vector<16xf32>
    %swap3A_445 = vector.shape_cast %broadcast_in_dim3A_0 : vector<16xf32> to vector<16xf32>
    tpu.vector_store %arg8[%swap3A_442], %swap3A_445 {strides = array<i32>} : memref<2048xf32, #tpu.memory_space<vmem>>, vector<16xf32>,
    %swap3A_446 = arith.constant 1776 : index
    %swap3A_447 = tpu.vector_load %arg8[%swap3A_446] {strides = array<i32>} : memref<2048xf32, #tpu.memory_space<vmem>>, vector<16xf32>,
    %swap3A_448 = vector.shape_cast %swap3A_447 : vector<16xf32> to vector<16xf32>
    %swap3A_449 = vector.shape_cast %broadcast_in_dim3A_0 : vector<16xf32> to vector<16xf32>
    tpu.vector_store %arg8[%swap3A_446], %swap3A_449 {strides = array<i32>} : memref<2048xf32, #tpu.memory_space<vmem>>, vector<16xf32>,
    %swap3A_450 = arith.constant 1792 : index
    %swap3A_451 = tpu.vector_load %arg8[%swap3A_450] {strides = array<i32>} : memref<2048xf32, #tpu.memory_space<vmem>>, vector<16xf32>,
    %swap3A_452 = vector.shape_cast %swap3A_451 : vector<16xf32> to vector<16xf32>
    %swap3A_453 = vector.shape_cast %broadcast_in_dim3A_0 : vector<16xf32> to vector<16xf32>
    tpu.vector_store %arg8[%swap3A_450], %swap3A_453 {strides = array<i32>} : memref<2048xf32, #tpu.memory_space<vmem>>, vector<16xf32>,
    %swap3A_454 = arith.constant 1808 : index
    %swap3A_455 = tpu.vector_load %arg8[%swap3A_454] {strides = array<i32>} : memref<2048xf32, #tpu.memory_space<vmem>>, vector<16xf32>,
    %swap3A_456 = vector.shape_cast %swap3A_455 : vector<16xf32> to vector<16xf32>
    %swap3A_457 = vector.shape_cast %broadcast_in_dim3A_0 : vector<16xf32> to vector<16xf32>
    tpu.vector_store %arg8[%swap3A_454], %swap3A_457 {strides = array<i32>} : memref<2048xf32, #tpu.memory_space<vmem>>, vector<16xf32>,
    %swap3A_458 = arith.constant 1824 : index
    %swap3A_459 = tpu.vector_load %arg8[%swap3A_458] {strides = array<i32>} : memref<2048xf32, #tpu.memory_space<vmem>>, vector<16xf32>,
    %swap3A_460 = vector.shape_cast %swap3A_459 : vector<16xf32> to vector<16xf32>
    %swap3A_461 = vector.shape_cast %broadcast_in_dim3A_0 : vector<16xf32> to vector<16xf32>
    tpu.vector_store %arg8[%swap3A_458], %swap3A_461 {strides = array<i32>} : memref<2048xf32, #tpu.memory_space<vmem>>, vector<16xf32>,
    %swap3A_462 = arith.constant 1840 : index
    %swap3A_463 = tpu.vector_load %arg8[%swap3A_462] {strides = array<i32>} : memref<2048xf32, #tpu.memory_space<vmem>>, vector<16xf32>,
    %swap3A_464 = vector.shape_cast %swap3A_463 : vector<16xf32> to vector<16xf32>
    %swap3A_465 = vector.shape_cast %broadcast_in_dim3A_0 : vector<16xf32> to vector<16xf32>
    tpu.vector_store %arg8[%swap3A_462], %swap3A_465 {strides = array<i32>} : memref<2048xf32, #tpu.memory_space<vmem>>, vector<16xf32>,
    %swap3A_466 = arith.constant 1856 : index
    %swap3A_467 = tpu.vector_load %arg8[%swap3A_466] {strides = array<i32>} : memref<2048xf32, #tpu.memory_space<vmem>>, vector<16xf32>,
    %swap3A_468 = vector.shape_cast %swap3A_467 : vector<16xf32> to vector<16xf32>
    %swap3A_469 = vector.shape_cast %broadcast_in_dim3A_0 : vector<16xf32> to vector<16xf32>
    tpu.vector_store %arg8[%swap3A_466], %swap3A_469 {strides = array<i32>} : memref<2048xf32, #tpu.memory_space<vmem>>, vector<16xf32>,
    %swap3A_470 = arith.constant 1872 : index
    %swap3A_471 = tpu.vector_load %arg8[%swap3A_470] {strides = array<i32>} : memref<2048xf32, #tpu.memory_space<vmem>>, vector<16xf32>,
    %swap3A_472 = vector.shape_cast %swap3A_471 : vector<16xf32> to vector<16xf32>
    %swap3A_473 = vector.shape_cast %broadcast_in_dim3A_0 : vector<16xf32> to vector<16xf32>
    tpu.vector_store %arg8[%swap3A_470], %swap3A_473 {strides = array<i32>} : memref<2048xf32, #tpu.memory_space<vmem>>, vector<16xf32>,
    %swap3A_474 = arith.constant 1888 : index
    %swap3A_475 = tpu.vector_load %arg8[%swap3A_474] {strides = array<i32>} : memref<2048xf32, #tpu.memory_space<vmem>>, vector<16xf32>,
    %swap3A_476 = vector.shape_cast %swap3A_475 : vector<16xf32> to vector<16xf32>
    %swap3A_477 = vector.shape_cast %broadcast_in_dim3A_0 : vector<16xf32> to vector<16xf32>
    tpu.vector_store %arg8[%swap3A_474], %swap3A_477 {strides = array<i32>} : memref<2048xf32, #tpu.memory_space<vmem>>, vector<16xf32>,
    %swap3A_478 = arith.constant 1904 : index
    %swap3A_479 = tpu.vector_load %arg8[%swap3A_478] {strides = array<i32>} : memref<2048xf32, #tpu.memory_space<vmem>>, vector<16xf32>,
    %swap3A_480 = vector.shape_cast %swap3A_479 : vector<16xf32> to vector<16xf32>
    %swap3A_481 = vector.shape_cast %broadcast_in_dim3A_0 : vector<16xf32> to vector<16xf32>
    tpu.vector_store %arg8[%swap3A_478], %swap3A_481 {strides = array<i32>} : memref<2048xf32, #tpu.memory_space<vmem>>, vector<16xf32>,
    %swap3A_482 = arith.constant 1920 : index
    %swap3A_483 = tpu.vector_load %arg8[%swap3A_482] {strides = array<i32>} : memref<2048xf32, #tpu.memory_space<vmem>>, vector<16xf32>,
    %swap3A_484 = vector.shape_cast %swap3A_483 : vector<16xf32> to vector<16xf32>
    %swap3A_485 = vector.shape_cast %broadcast_in_dim3A_0 : vector<16xf32> to vector<16xf32>
    tpu.vector_store %arg8[%swap3A_482], %swap3A_485 {strides = array<i32>} : memref<2048xf32, #tpu.memory_space<vmem>>, vector<16xf32>,
    %swap3A_486 = arith.constant 1936 : index
    %swap3A_487 = tpu.vector_load %arg8[%swap3A_486] {strides = array<i32>} : memref<2048xf32, #tpu.memory_space<vmem>>, vector<16xf32>,
    %swap3A_488 = vector.shape_cast %swap3A_487 : vector<16xf32> to vector<16xf32>
    %swap3A_489 = vector.shape_cast %broadcast_in_dim3A_0 : vector<16xf32> to vector<16xf32>
    tpu.vector_store %arg8[%swap3A_486], %swap3A_489 {strides = array<i32>} : memref<2048xf32, #tpu.memory_space<vmem>>, vector<16xf32>,
    %swap3A_490 = arith.constant 1952 : index
    %swap3A_491 = tpu.vector_load %arg8[%swap3A_490] {strides = array<i32>} : memref<2048xf32, #tpu.memory_space<vmem>>, vector<16xf32>,
    %swap3A_492 = vector.shape_cast %swap3A_491 : vector<16xf32> to vector<16xf32>
    %swap3A_493 = vector.shape_cast %broadcast_in_dim3A_0 : vector<16xf32> to vector<16xf32>
    tpu.vector_store %arg8[%swap3A_490], %swap3A_493 {strides = array<i32>} : memref<2048xf32, #tpu.memory_space<vmem>>, vector<16xf32>,
    %swap3A_494 = arith.constant 1968 : index
    %swap3A_495 = tpu.vector_load %arg8[%swap3A_494] {strides = array<i32>} : memref<2048xf32, #tpu.memory_space<vmem>>, vector<16xf32>,
    %swap3A_496 = vector.shape_cast %swap3A_495 : vector<16xf32> to vector<16xf32>
    %swap3A_497 = vector.shape_cast %broadcast_in_dim3A_0 : vector<16xf32> to vector<16xf32>
    tpu.vector_store %arg8[%swap3A_494], %swap3A_497 {strides = array<i32>} : memref<2048xf32, #tpu.memory_space<vmem>>, vector<16xf32>,
    %swap3A_498 = arith.constant 1984 : index
    %swap3A_499 = tpu.vector_load %arg8[%swap3A_498] {strides = array<i32>} : memref<2048xf32, #tpu.memory_space<vmem>>, vector<16xf32>,
    %swap3A_500 = vector.shape_cast %swap3A_499 : vector<16xf32> to vector<16xf32>
    %swap3A_501 = vector.shape_cast %broadcast_in_dim3A_0 : vector<16xf32> to vector<16xf32>
    tpu.vector_store %arg8[%swap3A_498], %swap3A_501 {strides = array<i32>} : memref<2048xf32, #tpu.memory_space<vmem>>, vector<16xf32>,
    %swap3A_502 = arith.constant 2000 : index
    %swap3A_503 = tpu.vector_load %arg8[%swap3A_502] {strides = array<i32>} : memref<2048xf32, #tpu.memory_space<vmem>>, vector<16xf32>,
    %swap3A_504 = vector.shape_cast %swap3A_503 : vector<16xf32> to vector<16xf32>
    %swap3A_505 = vector.shape_cast %broadcast_in_dim3A_0 : vector<16xf32> to vector<16xf32>
    tpu.vector_store %arg8[%swap3A_502], %swap3A_505 {strides = array<i32>} : memref<2048xf32, #tpu.memory_space<vmem>>, vector<16xf32>,
    %swap3A_506 = arith.constant 2016 : index
    %swap3A_507 = tpu.vector_load %arg8[%swap3A_506] {strides = array<i32>} : memref<2048xf32, #tpu.memory_space<vmem>>, vector<16xf32>,
    %swap3A_508 = vector.shape_cast %swap3A_507 : vector<16xf32> to vector<16xf32>
    %swap3A_509 = vector.shape_cast %broadcast_in_dim3A_0 : vector<16xf32> to vector<16xf32>
    tpu.vector_store %arg8[%swap3A_506], %swap3A_509 {strides = array<i32>} : memref<2048xf32, #tpu.memory_space<vmem>>, vector<16xf32>,
    %swap3A_510 = arith.constant 2032 : index
    %swap3A_511 = tpu.vector_load %arg8[%swap3A_510] {strides = array<i32>} : memref<2048xf32, #tpu.memory_space<vmem>>, vector<16xf32>,
    %swap3A_512 = vector.shape_cast %swap3A_511 : vector<16xf32> to vector<16xf32>
    %swap3A_513 = vector.shape_cast %broadcast_in_dim3A_0 : vector<16xf32> to vector<16xf32>
    tpu.vector_store %arg8[%swap3A_510], %swap3A_513 {strides = array<i32>} : memref<2048xf32, #tpu.memory_space<vmem>>, vector<16xf32>,
    %swap3A_514 = arith.constant 0 : index
    %swap3A_515 = tpu.vector_load %arg9[%swap3A_514] {strides = array<i32>} : memref<8640xf32, #tpu.memory_space<vmem>>, vector<16xf32>,
    %swap3A_516 = vector.shape_cast %swap3A_515 : vector<16xf32> to vector<16xf32>
    %swap3A_517 = vector.shape_cast %broadcast_in_dim3A_2 : vector<16xf32> to vector<16xf32>
    tpu.vector_store %arg9[%swap3A_514], %swap3A_517 {strides = array<i32>} : memref<8640xf32, #tpu.memory_space<vmem>>, vector<16xf32>,
    %swap3A_518 = arith.constant 16 : index
    %swap3A_519 = tpu.vector_load %arg9[%swap3A_518] {strides = array<i32>} : memref<8640xf32, #tpu.memory_space<vmem>>, vector<16xf32>,
    %swap3A_520 = vector.shape_cast %swap3A_519 : vector<16xf32> to vector<16xf32>
    %swap3A_521 = vector.shape_cast %broadcast_in_dim3A_2 : vector<16xf32> to vector<16xf32>
    tpu.vector_store %arg9[%swap3A_518], %swap3A_521 {strides = array<i32>} : memref<8640xf32, #tpu.memory_space<vmem>>, vector<16xf32>,
    %swap3A_522 = arith.constant 32 : index
    %swap3A_523 = tpu.vector_load %arg9[%swap3A_522] {strides = array<i32>} : memref<8640xf32, #tpu.memory_space<vmem>>, vector<16xf32>,
    %swap3A_524 = vector.shape_cast %swap3A_523 : vector<16xf32> to vector<16xf32>
    %swap3A_525 = vector.shape_cast %broadcast_in_dim3A_2 : vector<16xf32> to vector<16xf32>
    tpu.vector_store %arg9[%swap3A_522], %swap3A_525 {strides = array<i32>} : memref<8640xf32, #tpu.memory_space<vmem>>, vector<16xf32>,
    %swap3A_526 = arith.constant 48 : index
    %swap3A_527 = tpu.vector_load %arg9[%swap3A_526] {strides = array<i32>} : memref<8640xf32, #tpu.memory_space<vmem>>, vector<16xf32>,
    %swap3A_528 = vector.shape_cast %swap3A_527 : vector<16xf32> to vector<16xf32>
    %swap3A_529 = vector.shape_cast %broadcast_in_dim3A_2 : vector<16xf32> to vector<16xf32>
    tpu.vector_store %arg9[%swap3A_526], %swap3A_529 {strides = array<i32>} : memref<8640xf32, #tpu.memory_space<vmem>>, vector<16xf32>,
    %swap3A_530 = arith.constant 64 : index
    %swap3A_531 = tpu.vector_load %arg9[%swap3A_530] {strides = array<i32>} : memref<8640xf32, #tpu.memory_space<vmem>>, vector<16xf32>,
    %swap3A_532 = vector.shape_cast %swap3A_531 : vector<16xf32> to vector<16xf32>
    %swap3A_533 = vector.shape_cast %broadcast_in_dim3A_2 : vector<16xf32> to vector<16xf32>
    tpu.vector_store %arg9[%swap3A_530], %swap3A_533 {strides = array<i32>} : memref<8640xf32, #tpu.memory_space<vmem>>, vector<16xf32>,
    %swap3A_534 = arith.constant 80 : index
    %swap3A_535 = tpu.vector_load %arg9[%swap3A_534] {strides = array<i32>} : memref<8640xf32, #tpu.memory_space<vmem>>, vector<16xf32>,
    %swap3A_536 = vector.shape_cast %swap3A_535 : vector<16xf32> to vector<16xf32>
    %swap3A_537 = vector.shape_cast %broadcast_in_dim3A_2 : vector<16xf32> to vector<16xf32>
    tpu.vector_store %arg9[%swap3A_534], %swap3A_537 {strides = array<i32>} : memref<8640xf32, #tpu.memory_space<vmem>>, vector<16xf32>,
    %swap3A_538 = arith.constant 96 : index
    %swap3A_539 = tpu.vector_load %arg9[%swap3A_538] {strides = array<i32>} : memref<8640xf32, #tpu.memory_space<vmem>>, vector<16xf32>,
    %swap3A_540 = vector.shape_cast %swap3A_539 : vector<16xf32> to vector<16xf32>
    %swap3A_541 = vector.shape_cast %broadcast_in_dim3A_2 : vector<16xf32> to vector<16xf32>
    tpu.vector_store %arg9[%swap3A_538], %swap3A_541 {strides = array<i32>} : memref<8640xf32, #tpu.memory_space<vmem>>, vector<16xf32>,
    %swap3A_542 = arith.constant 112 : index
    %swap3A_543 = tpu.vector_load %arg9[%swap3A_542] {strides = array<i32>} : memref<8640xf32, #tpu.memory_space<vmem>>, vector<16xf32>,
    %swap3A_544 = vector.shape_cast %swap3A_543 : vector<16xf32> to vector<16xf32>
    %swap3A_545 = vector.shape_cast %broadcast_in_dim3A_2 : vector<16xf32> to vector<16xf32>
    tpu.vector_store %arg9[%swap3A_542], %swap3A_545 {strides = array<i32>} : memref<8640xf32, #tpu.memory_space<vmem>>, vector<16xf32>,
    %swap3A_546 = arith.constant 128 : index
    %swap3A_547 = tpu.vector_load %arg9[%swap3A_546] {strides = array<i32>} : memref<8640xf32, #tpu.memory_space<vmem>>, vector<16xf32>,
    %swap3A_548 = vector.shape_cast %swap3A_547 : vector<16xf32> to vector<16xf32>
    %swap3A_549 = vector.shape_cast %broadcast_in_dim3A_2 : vector<16xf32> to vector<16xf32>
    tpu.vector_store %arg9[%swap3A_546], %swap3A_549 {strides = array<i32>} : memref<8640xf32, #tpu.memory_space<vmem>>, vector<16xf32>,
    %swap3A_550 = arith.constant 144 : index
    %swap3A_551 = tpu.vector_load %arg9[%swap3A_550] {strides = array<i32>} : memref<8640xf32, #tpu.memory_space<vmem>>, vector<16xf32>,
    %swap3A_552 = vector.shape_cast %swap3A_551 : vector<16xf32> to vector<16xf32>
    %swap3A_553 = vector.shape_cast %broadcast_in_dim3A_2 : vector<16xf32> to vector<16xf32>
    tpu.vector_store %arg9[%swap3A_550], %swap3A_553 {strides = array<i32>} : memref<8640xf32, #tpu.memory_space<vmem>>, vector<16xf32>,
    %swap3A_554 = arith.constant 160 : index
    %swap3A_555 = tpu.vector_load %arg9[%swap3A_554] {strides = array<i32>} : memref<8640xf32, #tpu.memory_space<vmem>>, vector<16xf32>,
    %swap3A_556 = vector.shape_cast %swap3A_555 : vector<16xf32> to vector<16xf32>
    %swap3A_557 = vector.shape_cast %broadcast_in_dim3A_2 : vector<16xf32> to vector<16xf32>
    tpu.vector_store %arg9[%swap3A_554], %swap3A_557 {strides = array<i32>} : memref<8640xf32, #tpu.memory_space<vmem>>, vector<16xf32>,
    %swap3A_558 = arith.constant 176 : index
    %swap3A_559 = tpu.vector_load %arg9[%swap3A_558] {strides = array<i32>} : memref<8640xf32, #tpu.memory_space<vmem>>, vector<16xf32>,
    %swap3A_560 = vector.shape_cast %swap3A_559 : vector<16xf32> to vector<16xf32>
    %swap3A_561 = vector.shape_cast %broadcast_in_dim3A_2 : vector<16xf32> to vector<16xf32>
    tpu.vector_store %arg9[%swap3A_558], %swap3A_561 {strides = array<i32>} : memref<8640xf32, #tpu.memory_space<vmem>>, vector<16xf32>,
    %swap3A_562 = arith.constant 192 : index
    %swap3A_563 = tpu.vector_load %arg9[%swap3A_562] {strides = array<i32>} : memref<8640xf32, #tpu.memory_space<vmem>>, vector<16xf32>,
    %swap3A_564 = vector.shape_cast %swap3A_563 : vector<16xf32> to vector<16xf32>
    %swap3A_565 = vector.shape_cast %broadcast_in_dim3A_2 : vector<16xf32> to vector<16xf32>
    tpu.vector_store %arg9[%swap3A_562], %swap3A_565 {strides = array<i32>} : memref<8640xf32, #tpu.memory_space<vmem>>, vector<16xf32>,
    %swap3A_566 = arith.constant 208 : index
    %swap3A_567 = tpu.vector_load %arg9[%swap3A_566] {strides = array<i32>} : memref<8640xf32, #tpu.memory_space<vmem>>, vector<16xf32>,
    %swap3A_568 = vector.shape_cast %swap3A_567 : vector<16xf32> to vector<16xf32>
    %swap3A_569 = vector.shape_cast %broadcast_in_dim3A_2 : vector<16xf32> to vector<16xf32>
    tpu.vector_store %arg9[%swap3A_566], %swap3A_569 {strides = array<i32>} : memref<8640xf32, #tpu.memory_space<vmem>>, vector<16xf32>,
    %swap3A_570 = arith.constant 224 : index
    %swap3A_571 = tpu.vector_load %arg9[%swap3A_570] {strides = array<i32>} : memref<8640xf32, #tpu.memory_space<vmem>>, vector<16xf32>,
    %swap3A_572 = vector.shape_cast %swap3A_571 : vector<16xf32> to vector<16xf32>
    %swap3A_573 = vector.shape_cast %broadcast_in_dim3A_2 : vector<16xf32> to vector<16xf32>
    tpu.vector_store %arg9[%swap3A_570], %swap3A_573 {strides = array<i32>} : memref<8640xf32, #tpu.memory_space<vmem>>, vector<16xf32>,
    %swap3A_574 = arith.constant 240 : index
    %swap3A_575 = tpu.vector_load %arg9[%swap3A_574] {strides = array<i32>} : memref<8640xf32, #tpu.memory_space<vmem>>, vector<16xf32>,
    %swap3A_576 = vector.shape_cast %swap3A_575 : vector<16xf32> to vector<16xf32>
    %swap3A_577 = vector.shape_cast %broadcast_in_dim3A_2 : vector<16xf32> to vector<16xf32>
    tpu.vector_store %arg9[%swap3A_574], %swap3A_577 {strides = array<i32>} : memref<8640xf32, #tpu.memory_space<vmem>>, vector<16xf32>,
    %swap3A_578 = arith.constant 256 : index
    %swap3A_579 = tpu.vector_load %arg9[%swap3A_578] {strides = array<i32>} : memref<8640xf32, #tpu.memory_space<vmem>>, vector<16xf32>,
    %swap3A_580 = vector.shape_cast %swap3A_579 : vector<16xf32> to vector<16xf32>
    %swap3A_581 = vector.shape_cast %broadcast_in_dim3A_2 : vector<16xf32> to vector<16xf32>
    tpu.vector_store %arg9[%swap3A_578], %swap3A_581 {strides = array<i32>} : memref<8640xf32, #tpu.memory_space<vmem>>, vector<16xf32>,
    %swap3A_582 = arith.constant 272 : index
    %swap3A_583 = tpu.vector_load %arg9[%swap3A_582] {strides = array<i32>} : memref<8640xf32, #tpu.memory_space<vmem>>, vector<16xf32>,
    %swap3A_584 = vector.shape_cast %swap3A_583 : vector<16xf32> to vector<16xf32>
    %swap3A_585 = vector.shape_cast %broadcast_in_dim3A_2 : vector<16xf32> to vector<16xf32>
    tpu.vector_store %arg9[%swap3A_582], %swap3A_585 {strides = array<i32>} : memref<8640xf32, #tpu.memory_space<vmem>>, vector<16xf32>,
    %swap3A_586 = arith.constant 288 : index
    %swap3A_587 = tpu.vector_load %arg9[%swap3A_586] {strides = array<i32>} : memref<8640xf32, #tpu.memory_space<vmem>>, vector<16xf32>,
    %swap3A_588 = vector.shape_cast %swap3A_587 : vector<16xf32> to vector<16xf32>
    %swap3A_589 = vector.shape_cast %broadcast_in_dim3A_2 : vector<16xf32> to vector<16xf32>
    tpu.vector_store %arg9[%swap3A_586], %swap3A_589 {strides = array<i32>} : memref<8640xf32, #tpu.memory_space<vmem>>, vector<16xf32>,
    %swap3A_590 = arith.constant 304 : index
    %swap3A_591 = tpu.vector_load %arg9[%swap3A_590] {strides = array<i32>} : memref<8640xf32, #tpu.memory_space<vmem>>, vector<16xf32>,
    %swap3A_592 = vector.shape_cast %swap3A_591 : vector<16xf32> to vector<16xf32>
    %swap3A_593 = vector.shape_cast %broadcast_in_dim3A_2 : vector<16xf32> to vector<16xf32>
    tpu.vector_store %arg9[%swap3A_590], %swap3A_593 {strides = array<i32>} : memref<8640xf32, #tpu.memory_space<vmem>>, vector<16xf32>,
    %swap3A_594 = arith.constant 320 : index
    %swap3A_595 = tpu.vector_load %arg9[%swap3A_594] {strides = array<i32>} : memref<8640xf32, #tpu.memory_space<vmem>>, vector<16xf32>,
    %swap3A_596 = vector.shape_cast %swap3A_595 : vector<16xf32> to vector<16xf32>
    %swap3A_597 = vector.shape_cast %broadcast_in_dim3A_2 : vector<16xf32> to vector<16xf32>
    tpu.vector_store %arg9[%swap3A_594], %swap3A_597 {strides = array<i32>} : memref<8640xf32, #tpu.memory_space<vmem>>, vector<16xf32>,
    %swap3A_598 = arith.constant 336 : index
    %swap3A_599 = tpu.vector_load %arg9[%swap3A_598] {strides = array<i32>} : memref<8640xf32, #tpu.memory_space<vmem>>, vector<16xf32>,
    %swap3A_600 = vector.shape_cast %swap3A_599 : vector<16xf32> to vector<16xf32>
    %swap3A_601 = vector.shape_cast %broadcast_in_dim3A_2 : vector<16xf32> to vector<16xf32>
    tpu.vector_store %arg9[%swap3A_598], %swap3A_601 {strides = array<i32>} : memref<8640xf32, #tpu.memory_space<vmem>>, vector<16xf32>,
    %swap3A_602 = arith.constant 352 : index
    %swap3A_603 = tpu.vector_load %arg9[%swap3A_602] {strides = array<i32>} : memref<8640xf32, #tpu.memory_space<vmem>>, vector<16xf32>,
    %swap3A_604 = vector.shape_cast %swap3A_603 : vector<16xf32> to vector<16xf32>
    %swap3A_605 = vector.shape_cast %broadcast_in_dim3A_2 : vector<16xf32> to vector<16xf32>
    tpu.vector_store %arg9[%swap3A_602], %swap3A_605 {strides = array<i32>} : memref<8640xf32, #tpu.memory_space<vmem>>, vector<16xf32>,
    %swap3A_606 = arith.constant 368 : index
    %swap3A_607 = tpu.vector_load %arg9[%swap3A_606] {strides = array<i32>} : memref<8640xf32, #tpu.memory_space<vmem>>, vector<16xf32>,
    %swap3A_608 = vector.shape_cast %swap3A_607 : vector<16xf32> to vector<16xf32>
    %swap3A_609 = vector.shape_cast %broadcast_in_dim3A_2 : vector<16xf32> to vector<16xf32>
    tpu.vector_store %arg9[%swap3A_606], %swap3A_609 {strides = array<i32>} : memref<8640xf32, #tpu.memory_space<vmem>>, vector<16xf32>,
    %swap3A_610 = arith.constant 384 : index
    %swap3A_611 = tpu.vector_load %arg9[%swap3A_610] {strides = array<i32>} : memref<8640xf32, #tpu.memory_space<vmem>>, vector<16xf32>,
    %swap3A_612 = vector.shape_cast %swap3A_611 : vector<16xf32> to vector<16xf32>
    %swap3A_613 = vector.shape_cast %broadcast_in_dim3A_2 : vector<16xf32> to vector<16xf32>
    tpu.vector_store %arg9[%swap3A_610], %swap3A_613 {strides = array<i32>} : memref<8640xf32, #tpu.memory_space<vmem>>, vector<16xf32>,
    %swap3A_614 = arith.constant 400 : index
    %swap3A_615 = tpu.vector_load %arg9[%swap3A_614] {strides = array<i32>} : memref<8640xf32, #tpu.memory_space<vmem>>, vector<16xf32>,
    %swap3A_616 = vector.shape_cast %swap3A_615 : vector<16xf32> to vector<16xf32>
    %swap3A_617 = vector.shape_cast %broadcast_in_dim3A_2 : vector<16xf32> to vector<16xf32>
    tpu.vector_store %arg9[%swap3A_614], %swap3A_617 {strides = array<i32>} : memref<8640xf32, #tpu.memory_space<vmem>>, vector<16xf32>,
    %swap3A_618 = arith.constant 416 : index
    %swap3A_619 = tpu.vector_load %arg9[%swap3A_618] {strides = array<i32>} : memref<8640xf32, #tpu.memory_space<vmem>>, vector<16xf32>,
    %swap3A_620 = vector.shape_cast %swap3A_619 : vector<16xf32> to vector<16xf32>
    %swap3A_621 = vector.shape_cast %broadcast_in_dim3A_2 : vector<16xf32> to vector<16xf32>
    tpu.vector_store %arg9[%swap3A_618], %swap3A_621 {strides = array<i32>} : memref<8640xf32, #tpu.memory_space<vmem>>, vector<16xf32>,
    %swap3A_622 = arith.constant 432 : index
    %swap3A_623 = tpu.vector_load %arg9[%swap3A_622] {strides = array<i32>} : memref<8640xf32, #tpu.memory_space<vmem>>, vector<16xf32>,
    %swap3A_624 = vector.shape_cast %swap3A_623 : vector<16xf32> to vector<16xf32>
    %swap3A_625 = vector.shape_cast %broadcast_in_dim3A_2 : vector<16xf32> to vector<16xf32>
    tpu.vector_store %arg9[%swap3A_622], %swap3A_625 {strides = array<i32>} : memref<8640xf32, #tpu.memory_space<vmem>>, vector<16xf32>,
    %swap3A_626 = arith.constant 448 : index
    %swap3A_627 = tpu.vector_load %arg9[%swap3A_626] {strides = array<i32>} : memref<8640xf32, #tpu.memory_space<vmem>>, vector<16xf32>,
    %swap3A_628 = vector.shape_cast %swap3A_627 : vector<16xf32> to vector<16xf32>
    %swap3A_629 = vector.shape_cast %broadcast_in_dim3A_2 : vector<16xf32> to vector<16xf32>
    tpu.vector_store %arg9[%swap3A_626], %swap3A_629 {strides = array<i32>} : memref<8640xf32, #tpu.memory_space<vmem>>, vector<16xf32>,
    %swap3A_630 = arith.constant 464 : index
    %swap3A_631 = tpu.vector_load %arg9[%swap3A_630] {strides = array<i32>} : memref<8640xf32, #tpu.memory_space<vmem>>, vector<16xf32>,
    %swap3A_632 = vector.shape_cast %swap3A_631 : vector<16xf32> to vector<16xf32>
    %swap3A_633 = vector.shape_cast %broadcast_in_dim3A_2 : vector<16xf32> to vector<16xf32>
    tpu.vector_store %arg9[%swap3A_630], %swap3A_633 {strides = array<i32>} : memref<8640xf32, #tpu.memory_space<vmem>>, vector<16xf32>,
    %swap3A_634 = arith.constant 480 : index
    %swap3A_635 = tpu.vector_load %arg9[%swap3A_634] {strides = array<i32>} : memref<8640xf32, #tpu.memory_space<vmem>>, vector<16xf32>,
    %swap3A_636 = vector.shape_cast %swap3A_635 : vector<16xf32> to vector<16xf32>
    %swap3A_637 = vector.shape_cast %broadcast_in_dim3A_2 : vector<16xf32> to vector<16xf32>
    tpu.vector_store %arg9[%swap3A_634], %swap3A_637 {strides = array<i32>} : memref<8640xf32, #tpu.memory_space<vmem>>, vector<16xf32>,
    %swap3A_638 = arith.constant 496 : index
    %swap3A_639 = tpu.vector_load %arg9[%swap3A_638] {strides = array<i32>} : memref<8640xf32, #tpu.memory_space<vmem>>, vector<16xf32>,
    %swap3A_640 = vector.shape_cast %swap3A_639 : vector<16xf32> to vector<16xf32>
    %swap3A_641 = vector.shape_cast %broadcast_in_dim3A_2 : vector<16xf32> to vector<16xf32>
    tpu.vector_store %arg9[%swap3A_638], %swap3A_641 {strides = array<i32>} : memref<8640xf32, #tpu.memory_space<vmem>>, vector<16xf32>,
    %swap3A_642 = arith.constant 512 : index
    %swap3A_643 = tpu.vector_load %arg9[%swap3A_642] {strides = array<i32>} : memref<8640xf32, #tpu.memory_space<vmem>>, vector<16xf32>,
    %swap3A_644 = vector.shape_cast %swap3A_643 : vector<16xf32> to vector<16xf32>
    %swap3A_645 = vector.shape_cast %broadcast_in_dim3A_2 : vector<16xf32> to vector<16xf32>
    tpu.vector_store %arg9[%swap3A_642], %swap3A_645 {strides = array<i32>} : memref<8640xf32, #tpu.memory_space<vmem>>, vector<16xf32>,
    %swap3A_646 = arith.constant 528 : index
    %swap3A_647 = tpu.vector_load %arg9[%swap3A_646] {strides = array<i32>} : memref<8640xf32, #tpu.memory_space<vmem>>, vector<16xf32>,
    %swap3A_648 = vector.shape_cast %swap3A_647 : vector<16xf32> to vector<16xf32>
    %swap3A_649 = vector.shape_cast %broadcast_in_dim3A_2 : vector<16xf32> to vector<16xf32>
    tpu.vector_store %arg9[%swap3A_646], %swap3A_649 {strides = array<i32>} : memref<8640xf32, #tpu.memory_space<vmem>>, vector<16xf32>,
    %swap3A_650 = arith.constant 544 : index
    %swap3A_651 = tpu.vector_load %arg9[%swap3A_650] {strides = array<i32>} : memref<8640xf32, #tpu.memory_space<vmem>>, vector<16xf32>,
    %swap3A_652 = vector.shape_cast %swap3A_651 : vector<16xf32> to vector<16xf32>
    %swap3A_653 = vector.shape_cast %broadcast_in_dim3A_2 : vector<16xf32> to vector<16xf32>
    tpu.vector_store %arg9[%swap3A_650], %swap3A_653 {strides = array<i32>} : memref<8640xf32, #tpu.memory_space<vmem>>, vector<16xf32>,
    %swap3A_654 = arith.constant 560 : index
    %swap3A_655 = tpu.vector_load %arg9[%swap3A_654] {strides = array<i32>} : memref<8640xf32, #tpu.memory_space<vmem>>, vector<16xf32>,
    %swap3A_656 = vector.shape_cast %swap3A_655 : vector<16xf32> to vector<16xf32>
    %swap3A_657 = vector.shape_cast %broadcast_in_dim3A_2 : vector<16xf32> to vector<16xf32>
    tpu.vector_store %arg9[%swap3A_654], %swap3A_657 {strides = array<i32>} : memref<8640xf32, #tpu.memory_space<vmem>>, vector<16xf32>,
    %swap3A_658 = arith.constant 576 : index
    %swap3A_659 = tpu.vector_load %arg9[%swap3A_658] {strides = array<i32>} : memref<8640xf32, #tpu.memory_space<vmem>>, vector<16xf32>,
    %swap3A_660 = vector.shape_cast %swap3A_659 : vector<16xf32> to vector<16xf32>
    %swap3A_661 = vector.shape_cast %broadcast_in_dim3A_2 : vector<16xf32> to vector<16xf32>
    tpu.vector_store %arg9[%swap3A_658], %swap3A_661 {strides = array<i32>} : memref<8640xf32, #tpu.memory_space<vmem>>, vector<16xf32>,
    %swap3A_662 = arith.constant 592 : index
    %swap3A_663 = tpu.vector_load %arg9[%swap3A_662] {strides = array<i32>} : memref<8640xf32, #tpu.memory_space<vmem>>, vector<16xf32>,
    %swap3A_664 = vector.shape_cast %swap3A_663 : vector<16xf32> to vector<16xf32>
    %swap3A_665 = vector.shape_cast %broadcast_in_dim3A_2 : vector<16xf32> to vector<16xf32>
    tpu.vector_store %arg9[%swap3A_662], %swap3A_665 {strides = array<i32>} : memref<8640xf32, #tpu.memory_space<vmem>>, vector<16xf32>,
    %swap3A_666 = arith.constant 608 : index
    %swap3A_667 = tpu.vector_load %arg9[%swap3A_666] {strides = array<i32>} : memref<8640xf32, #tpu.memory_space<vmem>>, vector<16xf32>,
    %swap3A_668 = vector.shape_cast %swap3A_667 : vector<16xf32> to vector<16xf32>
    %swap3A_669 = vector.shape_cast %broadcast_in_dim3A_2 : vector<16xf32> to vector<16xf32>
    tpu.vector_store %arg9[%swap3A_666], %swap3A_669 {strides = array<i32>} : memref<8640xf32, #tpu.memory_space<vmem>>, vector<16xf32>,
    %swap3A_670 = arith.constant 624 : index
    %swap3A_671 = tpu.vector_load %arg9[%swap3A_670] {strides = array<i32>} : memref<8640xf32, #tpu.memory_space<vmem>>, vector<16xf32>,
    %swap3A_672 = vector.shape_cast %swap3A_671 : vector<16xf32> to vector<16xf32>
    %swap3A_673 = vector.shape_cast %broadcast_in_dim3A_2 : vector<16xf32> to vector<16xf32>
    tpu.vector_store %arg9[%swap3A_670], %swap3A_673 {strides = array<i32>} : memref<8640xf32, #tpu.memory_space<vmem>>, vector<16xf32>,
    %swap3A_674 = arith.constant 640 : index
    %swap3A_675 = tpu.vector_load %arg9[%swap3A_674] {strides = array<i32>} : memref<8640xf32, #tpu.memory_space<vmem>>, vector<16xf32>,
    %swap3A_676 = vector.shape_cast %swap3A_675 : vector<16xf32> to vector<16xf32>
    %swap3A_677 = vector.shape_cast %broadcast_in_dim3A_2 : vector<16xf32> to vector<16xf32>
    tpu.vector_store %arg9[%swap3A_674], %swap3A_677 {strides = array<i32>} : memref<8640xf32, #tpu.memory_space<vmem>>, vector<16xf32>,
    %swap3A_678 = arith.constant 656 : index
    %swap3A_679 = tpu.vector_load %arg9[%swap3A_678] {strides = array<i32>} : memref<8640xf32, #tpu.memory_space<vmem>>, vector<16xf32>,
    %swap3A_680 = vector.shape_cast %swap3A_679 : vector<16xf32> to vector<16xf32>
    %swap3A_681 = vector.shape_cast %broadcast_in_dim3A_2 : vector<16xf32> to vector<16xf32>
    tpu.vector_store %arg9[%swap3A_678], %swap3A_681 {strides = array<i32>} : memref<8640xf32, #tpu.memory_space<vmem>>, vector<16xf32>,
    %swap3A_682 = arith.constant 672 : index
    %swap3A_683 = tpu.vector_load %arg9[%swap3A_682] {strides = array<i32>} : memref<8640xf32, #tpu.memory_space<vmem>>, vector<16xf32>,
    %swap3A_684 = vector.shape_cast %swap3A_683 : vector<16xf32> to vector<16xf32>
    %swap3A_685 = vector.shape_cast %broadcast_in_dim3A_2 : vector<16xf32> to vector<16xf32>
    tpu.vector_store %arg9[%swap3A_682], %swap3A_685 {strides = array<i32>} : memref<8640xf32, #tpu.memory_space<vmem>>, vector<16xf32>,
    %swap3A_686 = arith.constant 688 : index
    %swap3A_687 = tpu.vector_load %arg9[%swap3A_686] {strides = array<i32>} : memref<8640xf32, #tpu.memory_space<vmem>>, vector<16xf32>,
    %swap3A_688 = vector.shape_cast %swap3A_687 : vector<16xf32> to vector<16xf32>
    %swap3A_689 = vector.shape_cast %broadcast_in_dim3A_2 : vector<16xf32> to vector<16xf32>
    tpu.vector_store %arg9[%swap3A_686], %swap3A_689 {strides = array<i32>} : memref<8640xf32, #tpu.memory_space<vmem>>, vector<16xf32>,
    %swap3A_690 = arith.constant 704 : index
    %swap3A_691 = tpu.vector_load %arg9[%swap3A_690] {strides = array<i32>} : memref<8640xf32, #tpu.memory_space<vmem>>, vector<16xf32>,
    %swap3A_692 = vector.shape_cast %swap3A_691 : vector<16xf32> to vector<16xf32>
    %swap3A_693 = vector.shape_cast %broadcast_in_dim3A_2 : vector<16xf32> to vector<16xf32>
    tpu.vector_store %arg9[%swap3A_690], %swap3A_693 {strides = array<i32>} : memref<8640xf32, #tpu.memory_space<vmem>>, vector<16xf32>,
    %swap3A_694 = arith.constant 720 : index
    %swap3A_695 = tpu.vector_load %arg9[%swap3A_694] {strides = array<i32>} : memref<8640xf32, #tpu.memory_space<vmem>>, vector<16xf32>,
    %swap3A_696 = vector.shape_cast %swap3A_695 : vector<16xf32> to vector<16xf32>
    %swap3A_697 = vector.shape_cast %broadcast_in_dim3A_2 : vector<16xf32> to vector<16xf32>
    tpu.vector_store %arg9[%swap3A_694], %swap3A_697 {strides = array<i32>} : memref<8640xf32, #tpu.memory_space<vmem>>, vector<16xf32>,
    %swap3A_698 = arith.constant 736 : index
    %swap3A_699 = tpu.vector_load %arg9[%swap3A_698] {strides = array<i32>} : memref<8640xf32, #tpu.memory_space<vmem>>, vector<16xf32>,
    %swap3A_700 = vector.shape_cast %swap3A_699 : vector<16xf32> to vector<16xf32>
    %swap3A_701 = vector.shape_cast %broadcast_in_dim3A_2 : vector<16xf32> to vector<16xf32>
    tpu.vector_store %arg9[%swap3A_698], %swap3A_701 {strides = array<i32>} : memref<8640xf32, #tpu.memory_space<vmem>>, vector<16xf32>,
    %swap3A_702 = arith.constant 752 : index
    %swap3A_703 = tpu.vector_load %arg9[%swap3A_702] {strides = array<i32>} : memref<8640xf32, #tpu.memory_space<vmem>>, vector<16xf32>,
    %swap3A_704 = vector.shape_cast %swap3A_703 : vector<16xf32> to vector<16xf32>
    %swap3A_705 = vector.shape_cast %broadcast_in_dim3A_2 : vector<16xf32> to vector<16xf32>
    tpu.vector_store %arg9[%swap3A_702], %swap3A_705 {strides = array<i32>} : memref<8640xf32, #tpu.memory_space<vmem>>, vector<16xf32>,
    %swap3A_706 = arith.constant 768 : index
    %swap3A_707 = tpu.vector_load %arg9[%swap3A_706] {strides = array<i32>} : memref<8640xf32, #tpu.memory_space<vmem>>, vector<16xf32>,
    %swap3A_708 = vector.shape_cast %swap3A_707 : vector<16xf32> to vector<16xf32>
    %swap3A_709 = vector.shape_cast %broadcast_in_dim3A_2 : vector<16xf32> to vector<16xf32>
    tpu.vector_store %arg9[%swap3A_706], %swap3A_709 {strides = array<i32>} : memref<8640xf32, #tpu.memory_space<vmem>>, vector<16xf32>,
    %swap3A_710 = arith.constant 784 : index
    %swap3A_711 = tpu.vector_load %arg9[%swap3A_710] {strides = array<i32>} : memref<8640xf32, #tpu.memory_space<vmem>>, vector<16xf32>,
    %swap3A_712 = vector.shape_cast %swap3A_711 : vector<16xf32> to vector<16xf32>
    %swap3A_713 = vector.shape_cast %broadcast_in_dim3A_2 : vector<16xf32> to vector<16xf32>
    tpu.vector_store %arg9[%swap3A_710], %swap3A_713 {strides = array<i32>} : memref<8640xf32, #tpu.memory_space<vmem>>, vector<16xf32>,
    %swap3A_714 = arith.constant 800 : index
    %swap3A_715 = tpu.vector_load %arg9[%swap3A_714] {strides = array<i32>} : memref<8640xf32, #tpu.memory_space<vmem>>, vector<16xf32>,
    %swap3A_716 = vector.shape_cast %swap3A_715 : vector<16xf32> to vector<16xf32>
    %swap3A_717 = vector.shape_cast %broadcast_in_dim3A_2 : vector<16xf32> to vector<16xf32>
    tpu.vector_store %arg9[%swap3A_714], %swap3A_717 {strides = array<i32>} : memref<8640xf32, #tpu.memory_space<vmem>>, vector<16xf32>,
    %swap3A_718 = arith.constant 816 : index
    %swap3A_719 = tpu.vector_load %arg9[%swap3A_718] {strides = array<i32>} : memref<8640xf32, #tpu.memory_space<vmem>>, vector<16xf32>,
    %swap3A_720 = vector.shape_cast %swap3A_719 : vector<16xf32> to vector<16xf32>
    %swap3A_721 = vector.shape_cast %broadcast_in_dim3A_2 : vector<16xf32> to vector<16xf32>
    tpu.vector_store %arg9[%swap3A_718], %swap3A_721 {strides = array<i32>} : memref<8640xf32, #tpu.memory_space<vmem>>, vector<16xf32>,
    %swap3A_722 = arith.constant 832 : index
    %swap3A_723 = tpu.vector_load %arg9[%swap3A_722] {strides = array<i32>} : memref<8640xf32, #tpu.memory_space<vmem>>, vector<16xf32>,
    %swap3A_724 = vector.shape_cast %swap3A_723 : vector<16xf32> to vector<16xf32>
    %swap3A_725 = vector.shape_cast %broadcast_in_dim3A_2 : vector<16xf32> to vector<16xf32>
    tpu.vector_store %arg9[%swap3A_722], %swap3A_725 {strides = array<i32>} : memref<8640xf32, #tpu.memory_space<vmem>>, vector<16xf32>,
    %swap3A_726 = arith.constant 848 : index
    %swap3A_727 = tpu.vector_load %arg9[%swap3A_726] {strides = array<i32>} : memref<8640xf32, #tpu.memory_space<vmem>>, vector<16xf32>,
    %swap3A_728 = vector.shape_cast %swap3A_727 : vector<16xf32> to vector<16xf32>
    %swap3A_729 = vector.shape_cast %broadcast_in_dim3A_2 : vector<16xf32> to vector<16xf32>
    tpu.vector_store %arg9[%swap3A_726], %swap3A_729 {strides = array<i32>} : memref<8640xf32, #tpu.memory_space<vmem>>, vector<16xf32>,
    %swap3A_730 = arith.constant 864 : index
    %swap3A_731 = tpu.vector_load %arg9[%swap3A_730] {strides = array<i32>} : memref<8640xf32, #tpu.memory_space<vmem>>, vector<16xf32>,
    %swap3A_732 = vector.shape_cast %swap3A_731 : vector<16xf32> to vector<16xf32>
    %swap3A_733 = vector.shape_cast %broadcast_in_dim3A_2 : vector<16xf32> to vector<16xf32>
    tpu.vector_store %arg9[%swap3A_730], %swap3A_733 {strides = array<i32>} : memref<8640xf32, #tpu.memory_space<vmem>>, vector<16xf32>,
    %swap3A_734 = arith.constant 880 : index
    %swap3A_735 = tpu.vector_load %arg9[%swap3A_734] {strides = array<i32>} : memref<8640xf32, #tpu.memory_space<vmem>>, vector<16xf32>,
    %swap3A_736 = vector.shape_cast %swap3A_735 : vector<16xf32> to vector<16xf32>
    %swap3A_737 = vector.shape_cast %broadcast_in_dim3A_2 : vector<16xf32> to vector<16xf32>
    tpu.vector_store %arg9[%swap3A_734], %swap3A_737 {strides = array<i32>} : memref<8640xf32, #tpu.memory_space<vmem>>, vector<16xf32>,
    %swap3A_738 = arith.constant 896 : index
    %swap3A_739 = tpu.vector_load %arg9[%swap3A_738] {strides = array<i32>} : memref<8640xf32, #tpu.memory_space<vmem>>, vector<16xf32>,
    %swap3A_740 = vector.shape_cast %swap3A_739 : vector<16xf32> to vector<16xf32>
    %swap3A_741 = vector.shape_cast %broadcast_in_dim3A_2 : vector<16xf32> to vector<16xf32>
    tpu.vector_store %arg9[%swap3A_738], %swap3A_741 {strides = array<i32>} : memref<8640xf32, #tpu.memory_space<vmem>>, vector<16xf32>,
    %swap3A_742 = arith.constant 912 : index
    %swap3A_743 = tpu.vector_load %arg9[%swap3A_742] {strides = array<i32>} : memref<8640xf32, #tpu.memory_space<vmem>>, vector<16xf32>,
    %swap3A_744 = vector.shape_cast %swap3A_743 : vector<16xf32> to vector<16xf32>
    %swap3A_745 = vector.shape_cast %broadcast_in_dim3A_2 : vector<16xf32> to vector<16xf32>
    tpu.vector_store %arg9[%swap3A_742], %swap3A_745 {strides = array<i32>} : memref<8640xf32, #tpu.memory_space<vmem>>, vector<16xf32>,
    %swap3A_746 = arith.constant 928 : index
    %swap3A_747 = tpu.vector_load %arg9[%swap3A_746] {strides = array<i32>} : memref<8640xf32, #tpu.memory_space<vmem>>, vector<16xf32>,
    %swap3A_748 = vector.shape_cast %swap3A_747 : vector<16xf32> to vector<16xf32>
    %swap3A_749 = vector.shape_cast %broadcast_in_dim3A_2 : vector<16xf32> to vector<16xf32>
    tpu.vector_store %arg9[%swap3A_746], %swap3A_749 {strides = array<i32>} : memref<8640xf32, #tpu.memory_space<vmem>>, vector<16xf32>,
    %swap3A_750 = arith.constant 944 : index
    %swap3A_751 = tpu.vector_load %arg9[%swap3A_750] {strides = array<i32>} : memref<8640xf32, #tpu.memory_space<vmem>>, vector<16xf32>,
    %swap3A_752 = vector.shape_cast %swap3A_751 : vector<16xf32> to vector<16xf32>
    %swap3A_753 = vector.shape_cast %broadcast_in_dim3A_2 : vector<16xf32> to vector<16xf32>
    tpu.vector_store %arg9[%swap3A_750], %swap3A_753 {strides = array<i32>} : memref<8640xf32, #tpu.memory_space<vmem>>, vector<16xf32>,
    %swap3A_754 = arith.constant 960 : index
    %swap3A_755 = tpu.vector_load %arg9[%swap3A_754] {strides = array<i32>} : memref<8640xf32, #tpu.memory_space<vmem>>, vector<16xf32>,
    %swap3A_756 = vector.shape_cast %swap3A_755 : vector<16xf32> to vector<16xf32>
    %swap3A_757 = vector.shape_cast %broadcast_in_dim3A_2 : vector<16xf32> to vector<16xf32>
    tpu.vector_store %arg9[%swap3A_754], %swap3A_757 {strides = array<i32>} : memref<8640xf32, #tpu.memory_space<vmem>>, vector<16xf32>,
    %swap3A_758 = arith.constant 976 : index
    %swap3A_759 = tpu.vector_load %arg9[%swap3A_758] {strides = array<i32>} : memref<8640xf32, #tpu.memory_space<vmem>>, vector<16xf32>,
    %swap3A_760 = vector.shape_cast %swap3A_759 : vector<16xf32> to vector<16xf32>
    %swap3A_761 = vector.shape_cast %broadcast_in_dim3A_2 : vector<16xf32> to vector<16xf32>
    tpu.vector_store %arg9[%swap3A_758], %swap3A_761 {strides = array<i32>} : memref<8640xf32, #tpu.memory_space<vmem>>, vector<16xf32>,
    %swap3A_762 = arith.constant 992 : index
    %swap3A_763 = tpu.vector_load %arg9[%swap3A_762] {strides = array<i32>} : memref<8640xf32, #tpu.memory_space<vmem>>, vector<16xf32>,
    %swap3A_764 = vector.shape_cast %swap3A_763 : vector<16xf32> to vector<16xf32>
    %swap3A_765 = vector.shape_cast %broadcast_in_dim3A_2 : vector<16xf32> to vector<16xf32>
    tpu.vector_store %arg9[%swap3A_762], %swap3A_765 {strides = array<i32>} : memref<8640xf32, #tpu.memory_space<vmem>>, vector<16xf32>,
    %swap3A_766 = arith.constant 1008 : index
    %swap3A_767 = tpu.vector_load %arg9[%swap3A_766] {strides = array<i32>} : memref<8640xf32, #tpu.memory_space<vmem>>, vector<16xf32>,
    %swap3A_768 = vector.shape_cast %swap3A_767 : vector<16xf32> to vector<16xf32>
    %swap3A_769 = vector.shape_cast %broadcast_in_dim3A_2 : vector<16xf32> to vector<16xf32>
    tpu.vector_store %arg9[%swap3A_766], %swap3A_769 {strides = array<i32>} : memref<8640xf32, #tpu.memory_space<vmem>>, vector<16xf32>,
    %swap3A_770 = arith.constant 1024 : index
    %swap3A_771 = tpu.vector_load %arg9[%swap3A_770] {strides = array<i32>} : memref<8640xf32, #tpu.memory_space<vmem>>, vector<16xf32>,
    %swap3A_772 = vector.shape_cast %swap3A_771 : vector<16xf32> to vector<16xf32>
    %swap3A_773 = vector.shape_cast %broadcast_in_dim3A_2 : vector<16xf32> to vector<16xf32>
    tpu.vector_store %arg9[%swap3A_770], %swap3A_773 {strides = array<i32>} : memref<8640xf32, #tpu.memory_space<vmem>>, vector<16xf32>,
    %swap3A_774 = arith.constant 1040 : index
    %swap3A_775 = tpu.vector_load %arg9[%swap3A_774] {strides = array<i32>} : memref<8640xf32, #tpu.memory_space<vmem>>, vector<16xf32>,
    %swap3A_776 = vector.shape_cast %swap3A_775 : vector<16xf32> to vector<16xf32>
    %swap3A_777 = vector.shape_cast %broadcast_in_dim3A_2 : vector<16xf32> to vector<16xf32>
    tpu.vector_store %arg9[%swap3A_774], %swap3A_777 {strides = array<i32>} : memref<8640xf32, #tpu.memory_space<vmem>>, vector<16xf32>,
    %swap3A_778 = arith.constant 1056 : index
    %swap3A_779 = tpu.vector_load %arg9[%swap3A_778] {strides = array<i32>} : memref<8640xf32, #tpu.memory_space<vmem>>, vector<16xf32>,
    %swap3A_780 = vector.shape_cast %swap3A_779 : vector<16xf32> to vector<16xf32>
    %swap3A_781 = vector.shape_cast %broadcast_in_dim3A_2 : vector<16xf32> to vector<16xf32>
    tpu.vector_store %arg9[%swap3A_778], %swap3A_781 {strides = array<i32>} : memref<8640xf32, #tpu.memory_space<vmem>>, vector<16xf32>,
    %swap3A_782 = arith.constant 1072 : index
    %swap3A_783 = tpu.vector_load %arg9[%swap3A_782] {strides = array<i32>} : memref<8640xf32, #tpu.memory_space<vmem>>, vector<16xf32>,
    %swap3A_784 = vector.shape_cast %swap3A_783 : vector<16xf32> to vector<16xf32>
    %swap3A_785 = vector.shape_cast %broadcast_in_dim3A_2 : vector<16xf32> to vector<16xf32>
    tpu.vector_store %arg9[%swap3A_782], %swap3A_785 {strides = array<i32>} : memref<8640xf32, #tpu.memory_space<vmem>>, vector<16xf32>,
    %swap3A_786 = arith.constant 1088 : index
    %swap3A_787 = tpu.vector_load %arg9[%swap3A_786] {strides = array<i32>} : memref<8640xf32, #tpu.memory_space<vmem>>, vector<16xf32>,
    %swap3A_788 = vector.shape_cast %swap3A_787 : vector<16xf32> to vector<16xf32>
    %swap3A_789 = vector.shape_cast %broadcast_in_dim3A_2 : vector<16xf32> to vector<16xf32>
    tpu.vector_store %arg9[%swap3A_786], %swap3A_789 {strides = array<i32>} : memref<8640xf32, #tpu.memory_space<vmem>>, vector<16xf32>,
    %swap3A_790 = arith.constant 1104 : index
    %swap3A_791 = tpu.vector_load %arg9[%swap3A_790] {strides = array<i32>} : memref<8640xf32, #tpu.memory_space<vmem>>, vector<16xf32>,
    %swap3A_792 = vector.shape_cast %swap3A_791 : vector<16xf32> to vector<16xf32>
    %swap3A_793 = vector.shape_cast %broadcast_in_dim3A_2 : vector<16xf32> to vector<16xf32>
    tpu.vector_store %arg9[%swap3A_790], %swap3A_793 {strides = array<i32>} : memref<8640xf32, #tpu.memory_space<vmem>>, vector<16xf32>,
    %swap3A_794 = arith.constant 1120 : index
    %swap3A_795 = tpu.vector_load %arg9[%swap3A_794] {strides = array<i32>} : memref<8640xf32, #tpu.memory_space<vmem>>, vector<16xf32>,
    %swap3A_796 = vector.shape_cast %swap3A_795 : vector<16xf32> to vector<16xf32>
    %swap3A_797 = vector.shape_cast %broadcast_in_dim3A_2 : vector<16xf32> to vector<16xf32>
    tpu.vector_store %arg9[%swap3A_794], %swap3A_797 {strides = array<i32>} : memref<8640xf32, #tpu.memory_space<vmem>>, vector<16xf32>,
    %swap3A_798 = arith.constant 1136 : index
    %swap3A_799 = tpu.vector_load %arg9[%swap3A_798] {strides = array<i32>} : memref<8640xf32, #tpu.memory_space<vmem>>, vector<16xf32>,
    %swap3A_800 = vector.shape_cast %swap3A_799 : vector<16xf32> to vector<16xf32>
    %swap3A_801 = vector.shape_cast %broadcast_in_dim3A_2 : vector<16xf32> to vector<16xf32>
    tpu.vector_store %arg9[%swap3A_798], %swap3A_801 {strides = array<i32>} : memref<8640xf32, #tpu.memory_space<vmem>>, vector<16xf32>,
    %swap3A_802 = arith.constant 1152 : index
    %swap3A_803 = tpu.vector_load %arg9[%swap3A_802] {strides = array<i32>} : memref<8640xf32, #tpu.memory_space<vmem>>, vector<16xf32>,
    %swap3A_804 = vector.shape_cast %swap3A_803 : vector<16xf32> to vector<16xf32>
    %swap3A_805 = vector.shape_cast %broadcast_in_dim3A_2 : vector<16xf32> to vector<16xf32>
    tpu.vector_store %arg9[%swap3A_802], %swap3A_805 {strides = array<i32>} : memref<8640xf32, #tpu.memory_space<vmem>>, vector<16xf32>,
    %swap3A_806 = arith.constant 1168 : index
    %swap3A_807 = tpu.vector_load %arg9[%swap3A_806] {strides = array<i32>} : memref<8640xf32, #tpu.memory_space<vmem>>, vector<16xf32>,
    %swap3A_808 = vector.shape_cast %swap3A_807 : vector<16xf32> to vector<16xf32>
    %swap3A_809 = vector.shape_cast %broadcast_in_dim3A_2 : vector<16xf32> to vector<16xf32>
    tpu.vector_store %arg9[%swap3A_806], %swap3A_809 {strides = array<i32>} : memref<8640xf32, #tpu.memory_space<vmem>>, vector<16xf32>,
    %swap3A_810 = arith.constant 1184 : index
    %swap3A_811 = tpu.vector_load %arg9[%swap3A_810] {strides = array<i32>} : memref<8640xf32, #tpu.memory_space<vmem>>, vector<16xf32>,
    %swap3A_812 = vector.shape_cast %swap3A_811 : vector<16xf32> to vector<16xf32>
    %swap3A_813 = vector.shape_cast %broadcast_in_dim3A_2 : vector<16xf32> to vector<16xf32>
    tpu.vector_store %arg9[%swap3A_810], %swap3A_813 {strides = array<i32>} : memref<8640xf32, #tpu.memory_space<vmem>>, vector<16xf32>,
    %swap3A_814 = arith.constant 1200 : index
    %swap3A_815 = tpu.vector_load %arg9[%swap3A_814] {strides = array<i32>} : memref<8640xf32, #tpu.memory_space<vmem>>, vector<16xf32>,
    %swap3A_816 = vector.shape_cast %swap3A_815 : vector<16xf32> to vector<16xf32>
    %swap3A_817 = vector.shape_cast %broadcast_in_dim3A_2 : vector<16xf32> to vector<16xf32>
    tpu.vector_store %arg9[%swap3A_814], %swap3A_817 {strides = array<i32>} : memref<8640xf32, #tpu.memory_space<vmem>>, vector<16xf32>,
    %swap3A_818 = arith.constant 1216 : index
    %swap3A_819 = tpu.vector_load %arg9[%swap3A_818] {strides = array<i32>} : memref<8640xf32, #tpu.memory_space<vmem>>, vector<16xf32>,
    %swap3A_820 = vector.shape_cast %swap3A_819 : vector<16xf32> to vector<16xf32>
    %swap3A_821 = vector.shape_cast %broadcast_in_dim3A_2 : vector<16xf32> to vector<16xf32>
    tpu.vector_store %arg9[%swap3A_818], %swap3A_821 {strides = array<i32>} : memref<8640xf32, #tpu.memory_space<vmem>>, vector<16xf32>,
    %swap3A_822 = arith.constant 1232 : index
    %swap3A_823 = tpu.vector_load %arg9[%swap3A_822] {strides = array<i32>} : memref<8640xf32, #tpu.memory_space<vmem>>, vector<16xf32>,
    %swap3A_824 = vector.shape_cast %swap3A_823 : vector<16xf32> to vector<16xf32>
    %swap3A_825 = vector.shape_cast %broadcast_in_dim3A_2 : vector<16xf32> to vector<16xf32>
    tpu.vector_store %arg9[%swap3A_822], %swap3A_825 {strides = array<i32>} : memref<8640xf32, #tpu.memory_space<vmem>>, vector<16xf32>,
    %swap3A_826 = arith.constant 1248 : index
    %swap3A_827 = tpu.vector_load %arg9[%swap3A_826] {strides = array<i32>} : memref<8640xf32, #tpu.memory_space<vmem>>, vector<16xf32>,
    %swap3A_828 = vector.shape_cast %swap3A_827 : vector<16xf32> to vector<16xf32>
    %swap3A_829 = vector.shape_cast %broadcast_in_dim3A_2 : vector<16xf32> to vector<16xf32>
    tpu.vector_store %arg9[%swap3A_826], %swap3A_829 {strides = array<i32>} : memref<8640xf32, #tpu.memory_space<vmem>>, vector<16xf32>,
    %swap3A_830 = arith.constant 1264 : index
    %swap3A_831 = tpu.vector_load %arg9[%swap3A_830] {strides = array<i32>} : memref<8640xf32, #tpu.memory_space<vmem>>, vector<16xf32>,
    %swap3A_832 = vector.shape_cast %swap3A_831 : vector<16xf32> to vector<16xf32>
    %swap3A_833 = vector.shape_cast %broadcast_in_dim3A_2 : vector<16xf32> to vector<16xf32>
    tpu.vector_store %arg9[%swap3A_830], %swap3A_833 {strides = array<i32>} : memref<8640xf32, #tpu.memory_space<vmem>>, vector<16xf32>,
    %swap3A_834 = arith.constant 1280 : index
    %swap3A_835 = tpu.vector_load %arg9[%swap3A_834] {strides = array<i32>} : memref<8640xf32, #tpu.memory_space<vmem>>, vector<16xf32>,
    %swap3A_836 = vector.shape_cast %swap3A_835 : vector<16xf32> to vector<16xf32>
    %swap3A_837 = vector.shape_cast %broadcast_in_dim3A_2 : vector<16xf32> to vector<16xf32>
    tpu.vector_store %arg9[%swap3A_834], %swap3A_837 {strides = array<i32>} : memref<8640xf32, #tpu.memory_space<vmem>>, vector<16xf32>,
    %swap3A_838 = arith.constant 1296 : index
    %swap3A_839 = tpu.vector_load %arg9[%swap3A_838] {strides = array<i32>} : memref<8640xf32, #tpu.memory_space<vmem>>, vector<16xf32>,
    %swap3A_840 = vector.shape_cast %swap3A_839 : vector<16xf32> to vector<16xf32>
    %swap3A_841 = vector.shape_cast %broadcast_in_dim3A_2 : vector<16xf32> to vector<16xf32>
    tpu.vector_store %arg9[%swap3A_838], %swap3A_841 {strides = array<i32>} : memref<8640xf32, #tpu.memory_space<vmem>>, vector<16xf32>,
    %swap3A_842 = arith.constant 1312 : index
    %swap3A_843 = tpu.vector_load %arg9[%swap3A_842] {strides = array<i32>} : memref<8640xf32, #tpu.memory_space<vmem>>, vector<16xf32>,
    %swap3A_844 = vector.shape_cast %swap3A_843 : vector<16xf32> to vector<16xf32>
    %swap3A_845 = vector.shape_cast %broadcast_in_dim3A_2 : vector<16xf32> to vector<16xf32>
    tpu.vector_store %arg9[%swap3A_842], %swap3A_845 {strides = array<i32>} : memref<8640xf32, #tpu.memory_space<vmem>>, vector<16xf32>,
    %swap3A_846 = arith.constant 1328 : index
    %swap3A_847 = tpu.vector_load %arg9[%swap3A_846] {strides = array<i32>} : memref<8640xf32, #tpu.memory_space<vmem>>, vector<16xf32>,
    %swap3A_848 = vector.shape_cast %swap3A_847 : vector<16xf32> to vector<16xf32>
    %swap3A_849 = vector.shape_cast %broadcast_in_dim3A_2 : vector<16xf32> to vector<16xf32>
    tpu.vector_store %arg9[%swap3A_846], %swap3A_849 {strides = array<i32>} : memref<8640xf32, #tpu.memory_space<vmem>>, vector<16xf32>,
    %swap3A_850 = arith.constant 1344 : index
    %swap3A_851 = tpu.vector_load %arg9[%swap3A_850] {strides = array<i32>} : memref<8640xf32, #tpu.memory_space<vmem>>, vector<16xf32>,
    %swap3A_852 = vector.shape_cast %swap3A_851 : vector<16xf32> to vector<16xf32>
    %swap3A_853 = vector.shape_cast %broadcast_in_dim3A_2 : vector<16xf32> to vector<16xf32>
    tpu.vector_store %arg9[%swap3A_850], %swap3A_853 {strides = array<i32>} : memref<8640xf32, #tpu.memory_space<vmem>>, vector<16xf32>,
    %swap3A_854 = arith.constant 1360 : index
    %swap3A_855 = tpu.vector_load %arg9[%swap3A_854] {strides = array<i32>} : memref<8640xf32, #tpu.memory_space<vmem>>, vector<16xf32>,
    %swap3A_856 = vector.shape_cast %swap3A_855 : vector<16xf32> to vector<16xf32>
    %swap3A_857 = vector.shape_cast %broadcast_in_dim3A_2 : vector<16xf32> to vector<16xf32>
    tpu.vector_store %arg9[%swap3A_854], %swap3A_857 {strides = array<i32>} : memref<8640xf32, #tpu.memory_space<vmem>>, vector<16xf32>,
    %swap3A_858 = arith.constant 1376 : index
    %swap3A_859 = tpu.vector_load %arg9[%swap3A_858] {strides = array<i32>} : memref<8640xf32, #tpu.memory_space<vmem>>, vector<16xf32>,
    %swap3A_860 = vector.shape_cast %swap3A_859 : vector<16xf32> to vector<16xf32>
    %swap3A_861 = vector.shape_cast %broadcast_in_dim3A_2 : vector<16xf32> to vector<16xf32>
    tpu.vector_store %arg9[%swap3A_858], %swap3A_861 {strides = array<i32>} : memref<8640xf32, #tpu.memory_space<vmem>>, vector<16xf32>,
    %swap3A_862 = arith.constant 1392 : index
    %swap3A_863 = tpu.vector_load %arg9[%swap3A_862] {strides = array<i32>} : memref<8640xf32, #tpu.memory_space<vmem>>, vector<16xf32>,
    %swap3A_864 = vector.shape_cast %swap3A_863 : vector<16xf32> to vector<16xf32>
    %swap3A_865 = vector.shape_cast %broadcast_in_dim3A_2 : vector<16xf32> to vector<16xf32>
    tpu.vector_store %arg9[%swap3A_862], %swap3A_865 {strides = array<i32>} : memref<8640xf32, #tpu.memory_space<vmem>>, vector<16xf32>,
    %swap3A_866 = arith.constant 1408 : index
    %swap3A_867 = tpu.vector_load %arg9[%swap3A_866] {strides = array<i32>} : memref<8640xf32, #tpu.memory_space<vmem>>, vector<16xf32>,
    %swap3A_868 = vector.shape_cast %swap3A_867 : vector<16xf32> to vector<16xf32>
    %swap3A_869 = vector.shape_cast %broadcast_in_dim3A_2 : vector<16xf32> to vector<16xf32>
    tpu.vector_store %arg9[%swap3A_866], %swap3A_869 {strides = array<i32>} : memref<8640xf32, #tpu.memory_space<vmem>>, vector<16xf32>,
    %swap3A_870 = arith.constant 1424 : index
    %swap3A_871 = tpu.vector_load %arg9[%swap3A_870] {strides = array<i32>} : memref<8640xf32, #tpu.memory_space<vmem>>, vector<16xf32>,
    %swap3A_872 = vector.shape_cast %swap3A_871 : vector<16xf32> to vector<16xf32>
    %swap3A_873 = vector.shape_cast %broadcast_in_dim3A_2 : vector<16xf32> to vector<16xf32>
    tpu.vector_store %arg9[%swap3A_870], %swap3A_873 {strides = array<i32>} : memref<8640xf32, #tpu.memory_space<vmem>>, vector<16xf32>,
    %swap3A_874 = arith.constant 1440 : index
    %swap3A_875 = tpu.vector_load %arg9[%swap3A_874] {strides = array<i32>} : memref<8640xf32, #tpu.memory_space<vmem>>, vector<16xf32>,
    %swap3A_876 = vector.shape_cast %swap3A_875 : vector<16xf32> to vector<16xf32>
    %swap3A_877 = vector.shape_cast %broadcast_in_dim3A_2 : vector<16xf32> to vector<16xf32>
    tpu.vector_store %arg9[%swap3A_874], %swap3A_877 {strides = array<i32>} : memref<8640xf32, #tpu.memory_space<vmem>>, vector<16xf32>,
    %swap3A_878 = arith.constant 1456 : index
    %swap3A_879 = tpu.vector_load %arg9[%swap3A_878] {strides = array<i32>} : memref<8640xf32, #tpu.memory_space<vmem>>, vector<16xf32>,
    %swap3A_880 = vector.shape_cast %swap3A_879 : vector<16xf32> to vector<16xf32>
    %swap3A_881 = vector.shape_cast %broadcast_in_dim3A_2 : vector<16xf32> to vector<16xf32>
    tpu.vector_store %arg9[%swap3A_878], %swap3A_881 {strides = array<i32>} : memref<8640xf32, #tpu.memory_space<vmem>>, vector<16xf32>,
    %swap3A_882 = arith.constant 1472 : index
    %swap3A_883 = tpu.vector_load %arg9[%swap3A_882] {strides = array<i32>} : memref<8640xf32, #tpu.memory_space<vmem>>, vector<16xf32>,
    %swap3A_884 = vector.shape_cast %swap3A_883 : vector<16xf32> to vector<16xf32>
    %swap3A_885 = vector.shape_cast %broadcast_in_dim3A_2 : vector<16xf32> to vector<16xf32>
    tpu.vector_store %arg9[%swap3A_882], %swap3A_885 {strides = array<i32>} : memref<8640xf32, #tpu.memory_space<vmem>>, vector<16xf32>,
    %swap3A_886 = arith.constant 1488 : index
    %swap3A_887 = tpu.vector_load %arg9[%swap3A_886] {strides = array<i32>} : memref<8640xf32, #tpu.memory_space<vmem>>, vector<16xf32>,
    %swap3A_888 = vector.shape_cast %swap3A_887 : vector<16xf32> to vector<16xf32>
    %swap3A_889 = vector.shape_cast %broadcast_in_dim3A_2 : vector<16xf32> to vector<16xf32>
    tpu.vector_store %arg9[%swap3A_886], %swap3A_889 {strides = array<i32>} : memref<8640xf32, #tpu.memory_space<vmem>>, vector<16xf32>,
    %swap3A_890 = arith.constant 1504 : index
    %swap3A_891 = tpu.vector_load %arg9[%swap3A_890] {strides = array<i32>} : memref<8640xf32, #tpu.memory_space<vmem>>, vector<16xf32>,
    %swap3A_892 = vector.shape_cast %swap3A_891 : vector<16xf32> to vector<16xf32>
    %swap3A_893 = vector.shape_cast %broadcast_in_dim3A_2 : vector<16xf32> to vector<16xf32>
    tpu.vector_store %arg9[%swap3A_890], %swap3A_893 {strides = array<i32>} : memref<8640xf32, #tpu.memory_space<vmem>>, vector<16xf32>,
    %swap3A_894 = arith.constant 1520 : index
    %swap3A_895 = tpu.vector_load %arg9[%swap3A_894] {strides = array<i32>} : memref<8640xf32, #tpu.memory_space<vmem>>, vector<16xf32>,
    %swap3A_896 = vector.shape_cast %swap3A_895 : vector<16xf32> to vector<16xf32>
    %swap3A_897 = vector.shape_cast %broadcast_in_dim3A_2 : vector<16xf32> to vector<16xf32>
    tpu.vector_store %arg9[%swap3A_894], %swap3A_897 {strides = array<i32>} : memref<8640xf32, #tpu.memory_space<vmem>>, vector<16xf32>,
    %swap3A_898 = arith.constant 1536 : index
    %swap3A_899 = tpu.vector_load %arg9[%swap3A_898] {strides = array<i32>} : memref<8640xf32, #tpu.memory_space<vmem>>, vector<16xf32>,
    %swap3A_900 = vector.shape_cast %swap3A_899 : vector<16xf32> to vector<16xf32>
    %swap3A_901 = vector.shape_cast %broadcast_in_dim3A_2 : vector<16xf32> to vector<16xf32>
    tpu.vector_store %arg9[%swap3A_898], %swap3A_901 {strides = array<i32>} : memref<8640xf32, #tpu.memory_space<vmem>>, vector<16xf32>,
    %swap3A_902 = arith.constant 1552 : index
    %swap3A_903 = tpu.vector_load %arg9[%swap3A_902] {strides = array<i32>} : memref<8640xf32, #tpu.memory_space<vmem>>, vector<16xf32>,
    %swap3A_904 = vector.shape_cast %swap3A_903 : vector<16xf32> to vector<16xf32>
    %swap3A_905 = vector.shape_cast %broadcast_in_dim3A_2 : vector<16xf32> to vector<16xf32>
    tpu.vector_store %arg9[%swap3A_902], %swap3A_905 {strides = array<i32>} : memref<8640xf32, #tpu.memory_space<vmem>>, vector<16xf32>,
    %swap3A_906 = arith.constant 1568 : index
    %swap3A_907 = tpu.vector_load %arg9[%swap3A_906] {strides = array<i32>} : memref<8640xf32, #tpu.memory_space<vmem>>, vector<16xf32>,
    %swap3A_908 = vector.shape_cast %swap3A_907 : vector<16xf32> to vector<16xf32>
    %swap3A_909 = vector.shape_cast %broadcast_in_dim3A_2 : vector<16xf32> to vector<16xf32>
    tpu.vector_store %arg9[%swap3A_906], %swap3A_909 {strides = array<i32>} : memref<8640xf32, #tpu.memory_space<vmem>>, vector<16xf32>,
    %swap3A_910 = arith.constant 1584 : index
    %swap3A_911 = tpu.vector_load %arg9[%swap3A_910] {strides = array<i32>} : memref<8640xf32, #tpu.memory_space<vmem>>, vector<16xf32>,
    %swap3A_912 = vector.shape_cast %swap3A_911 : vector<16xf32> to vector<16xf32>
    %swap3A_913 = vector.shape_cast %broadcast_in_dim3A_2 : vector<16xf32> to vector<16xf32>
    tpu.vector_store %arg9[%swap3A_910], %swap3A_913 {strides = array<i32>} : memref<8640xf32, #tpu.memory_space<vmem>>, vector<16xf32>,
    %swap3A_914 = arith.constant 1600 : index
    %swap3A_915 = tpu.vector_load %arg9[%swap3A_914] {strides = array<i32>} : memref<8640xf32, #tpu.memory_space<vmem>>, vector<16xf32>,
    %swap3A_916 = vector.shape_cast %swap3A_915 : vector<16xf32> to vector<16xf32>
    %swap3A_917 = vector.shape_cast %broadcast_in_dim3A_2 : vector<16xf32> to vector<16xf32>
    tpu.vector_store %arg9[%swap3A_914], %swap3A_917 {strides = array<i32>} : memref<8640xf32, #tpu.memory_space<vmem>>, vector<16xf32>,
    %swap3A_918 = arith.constant 1616 : index
    %swap3A_919 = tpu.vector_load %arg9[%swap3A_918] {strides = array<i32>} : memref<8640xf32, #tpu.memory_space<vmem>>, vector<16xf32>,
    %swap3A_920 = vector.shape_cast %swap3A_919 : vector<16xf32> to vector<16xf32>
    %swap3A_921 = vector.shape_cast %broadcast_in_dim3A_2 : vector<16xf32> to vector<16xf32>
    tpu.vector_store %arg9[%swap3A_918], %swap3A_921 {strides = array<i32>} : memref<8640xf32, #tpu.memory_space<vmem>>, vector<16xf32>,
    %swap3A_922 = arith.constant 1632 : index
    %swap3A_923 = tpu.vector_load %arg9[%swap3A_922] {strides = array<i32>} : memref<8640xf32, #tpu.memory_space<vmem>>, vector<16xf32>,
    %swap3A_924 = vector.shape_cast %swap3A_923 : vector<16xf32> to vector<16xf32>
    %swap3A_925 = vector.shape_cast %broadcast_in_dim3A_2 : vector<16xf32> to vector<16xf32>
    tpu.vector_store %arg9[%swap3A_922], %swap3A_925 {strides = array<i32>} : memref<8640xf32, #tpu.memory_space<vmem>>, vector<16xf32>,
    %swap3A_926 = arith.constant 1648 : index
    %swap3A_927 = tpu.vector_load %arg9[%swap3A_926] {strides = array<i32>} : memref<8640xf32, #tpu.memory_space<vmem>>, vector<16xf32>,
    %swap3A_928 = vector.shape_cast %swap3A_927 : vector<16xf32> to vector<16xf32>
    %swap3A_929 = vector.shape_cast %broadcast_in_dim3A_2 : vector<16xf32> to vector<16xf32>
    tpu.vector_store %arg9[%swap3A_926], %swap3A_929 {strides = array<i32>} : memref<8640xf32, #tpu.memory_space<vmem>>, vector<16xf32>,
    %swap3A_930 = arith.constant 1664 : index
    %swap3A_931 = tpu.vector_load %arg9[%swap3A_930] {strides = array<i32>} : memref<8640xf32, #tpu.memory_space<vmem>>, vector<16xf32>,
    %swap3A_932 = vector.shape_cast %swap3A_931 : vector<16xf32> to vector<16xf32>
    %swap3A_933 = vector.shape_cast %broadcast_in_dim3A_2 : vector<16xf32> to vector<16xf32>
    tpu.vector_store %arg9[%swap3A_930], %swap3A_933 {strides = array<i32>} : memref<8640xf32, #tpu.memory_space<vmem>>, vector<16xf32>,
    %swap3A_934 = arith.constant 1680 : index
    %swap3A_935 = tpu.vector_load %arg9[%swap3A_934] {strides = array<i32>} : memref<8640xf32, #tpu.memory_space<vmem>>, vector<16xf32>,
    %swap3A_936 = vector.shape_cast %swap3A_935 : vector<16xf32> to vector<16xf32>
    %swap3A_937 = vector.shape_cast %broadcast_in_dim3A_2 : vector<16xf32> to vector<16xf32>
    tpu.vector_store %arg9[%swap3A_934], %swap3A_937 {strides = array<i32>} : memref<8640xf32, #tpu.memory_space<vmem>>, vector<16xf32>,
    %swap3A_938 = arith.constant 1696 : index
    %swap3A_939 = tpu.vector_load %arg9[%swap3A_938] {strides = array<i32>} : memref<8640xf32, #tpu.memory_space<vmem>>, vector<16xf32>,
    %swap3A_940 = vector.shape_cast %swap3A_939 : vector<16xf32> to vector<16xf32>
    %swap3A_941 = vector.shape_cast %broadcast_in_dim3A_2 : vector<16xf32> to vector<16xf32>
    tpu.vector_store %arg9[%swap3A_938], %swap3A_941 {strides = array<i32>} : memref<8640xf32, #tpu.memory_space<vmem>>, vector<16xf32>,
    %swap3A_942 = arith.constant 1712 : index
    %swap3A_943 = tpu.vector_load %arg9[%swap3A_942] {strides = array<i32>} : memref<8640xf32, #tpu.memory_space<vmem>>, vector<16xf32>,
    %swap3A_944 = vector.shape_cast %swap3A_943 : vector<16xf32> to vector<16xf32>
    %swap3A_945 = vector.shape_cast %broadcast_in_dim3A_2 : vector<16xf32> to vector<16xf32>
    tpu.vector_store %arg9[%swap3A_942], %swap3A_945 {strides = array<i32>} : memref<8640xf32, #tpu.memory_space<vmem>>, vector<16xf32>,
    %swap3A_946 = arith.constant 1728 : index
    %swap3A_947 = tpu.vector_load %arg9[%swap3A_946] {strides = array<i32>} : memref<8640xf32, #tpu.memory_space<vmem>>, vector<16xf32>,
    %swap3A_948 = vector.shape_cast %swap3A_947 : vector<16xf32> to vector<16xf32>
    %swap3A_949 = vector.shape_cast %broadcast_in_dim3A_2 : vector<16xf32> to vector<16xf32>
    tpu.vector_store %arg9[%swap3A_946], %swap3A_949 {strides = array<i32>} : memref<8640xf32, #tpu.memory_space<vmem>>, vector<16xf32>,
    %swap3A_950 = arith.constant 1744 : index
    %swap3A_951 = tpu.vector_load %arg9[%swap3A_950] {strides = array<i32>} : memref<8640xf32, #tpu.memory_space<vmem>>, vector<16xf32>,
    %swap3A_952 = vector.shape_cast %swap3A_951 : vector<16xf32> to vector<16xf32>
    %swap3A_953 = vector.shape_cast %broadcast_in_dim3A_2 : vector<16xf32> to vector<16xf32>
    tpu.vector_store %arg9[%swap3A_950], %swap3A_953 {strides = array<i32>} : memref<8640xf32, #tpu.memory_space<vmem>>, vector<16xf32>,
    %swap3A_954 = arith.constant 1760 : index
    %swap3A_955 = tpu.vector_load %arg9[%swap3A_954] {strides = array<i32>} : memref<8640xf32, #tpu.memory_space<vmem>>, vector<16xf32>,
    %swap3A_956 = vector.shape_cast %swap3A_955 : vector<16xf32> to vector<16xf32>
    %swap3A_957 = vector.shape_cast %broadcast_in_dim3A_2 : vector<16xf32> to vector<16xf32>
    tpu.vector_store %arg9[%swap3A_954], %swap3A_957 {strides = array<i32>} : memref<8640xf32, #tpu.memory_space<vmem>>, vector<16xf32>,
    %swap3A_958 = arith.constant 1776 : index
    %swap3A_959 = tpu.vector_load %arg9[%swap3A_958] {strides = array<i32>} : memref<8640xf32, #tpu.memory_space<vmem>>, vector<16xf32>,
    %swap3A_960 = vector.shape_cast %swap3A_959 : vector<16xf32> to vector<16xf32>
    %swap3A_961 = vector.shape_cast %broadcast_in_dim3A_2 : vector<16xf32> to vector<16xf32>
    tpu.vector_store %arg9[%swap3A_958], %swap3A_961 {strides = array<i32>} : memref<8640xf32, #tpu.memory_space<vmem>>, vector<16xf32>,
    %swap3A_962 = arith.constant 1792 : index
    %swap3A_963 = tpu.vector_load %arg9[%swap3A_962] {strides = array<i32>} : memref<8640xf32, #tpu.memory_space<vmem>>, vector<16xf32>,
    %swap3A_964 = vector.shape_cast %swap3A_963 : vector<16xf32> to vector<16xf32>
    %swap3A_965 = vector.shape_cast %broadcast_in_dim3A_2 : vector<16xf32> to vector<16xf32>
    tpu.vector_store %arg9[%swap3A_962], %swap3A_965 {strides = array<i32>} : memref<8640xf32, #tpu.memory_space<vmem>>, vector<16xf32>,
    %swap3A_966 = arith.constant 1808 : index
    %swap3A_967 = tpu.vector_load %arg9[%swap3A_966] {strides = array<i32>} : memref<8640xf32, #tpu.memory_space<vmem>>, vector<16xf32>,
    %swap3A_968 = vector.shape_cast %swap3A_967 : vector<16xf32> to vector<16xf32>
    %swap3A_969 = vector.shape_cast %broadcast_in_dim3A_2 : vector<16xf32> to vector<16xf32>
    tpu.vector_store %arg9[%swap3A_966], %swap3A_969 {strides = array<i32>} : memref<8640xf32, #tpu.memory_space<vmem>>, vector<16xf32>,
    %swap3A_970 = arith.constant 1824 : index
    %swap3A_971 = tpu.vector_load %arg9[%swap3A_970] {strides = array<i32>} : memref<8640xf32, #tpu.memory_space<vmem>>, vector<16xf32>,
    %swap3A_972 = vector.shape_cast %swap3A_971 : vector<16xf32> to vector<16xf32>
    %swap3A_973 = vector.shape_cast %broadcast_in_dim3A_2 : vector<16xf32> to vector<16xf32>
    tpu.vector_store %arg9[%swap3A_970], %swap3A_973 {strides = array<i32>} : memref<8640xf32, #tpu.memory_space<vmem>>, vector<16xf32>,
    %swap3A_974 = arith.constant 1840 : index
    %swap3A_975 = tpu.vector_load %arg9[%swap3A_974] {strides = array<i32>} : memref<8640xf32, #tpu.memory_space<vmem>>, vector<16xf32>,
    %swap3A_976 = vector.shape_cast %swap3A_975 : vector<16xf32> to vector<16xf32>
    %swap3A_977 = vector.shape_cast %broadcast_in_dim3A_2 : vector<16xf32> to vector<16xf32>
    tpu.vector_store %arg9[%swap3A_974], %swap3A_977 {strides = array<i32>} : memref<8640xf32, #tpu.memory_space<vmem>>, vector<16xf32>,
    %swap3A_978 = arith.constant 1856 : index
    %swap3A_979 = tpu.vector_load %arg9[%swap3A_978] {strides = array<i32>} : memref<8640xf32, #tpu.memory_space<vmem>>, vector<16xf32>,
    %swap3A_980 = vector.shape_cast %swap3A_979 : vector<16xf32> to vector<16xf32>
    %swap3A_981 = vector.shape_cast %broadcast_in_dim3A_2 : vector<16xf32> to vector<16xf32>
    tpu.vector_store %arg9[%swap3A_978], %swap3A_981 {strides = array<i32>} : memref<8640xf32, #tpu.memory_space<vmem>>, vector<16xf32>,
    %swap3A_982 = arith.constant 1872 : index
    %swap3A_983 = tpu.vector_load %arg9[%swap3A_982] {strides = array<i32>} : memref<8640xf32, #tpu.memory_space<vmem>>, vector<16xf32>,
    %swap3A_984 = vector.shape_cast %swap3A_983 : vector<16xf32> to vector<16xf32>
    %swap3A_985 = vector.shape_cast %broadcast_in_dim3A_2 : vector<16xf32> to vector<16xf32>
    tpu.vector_store %arg9[%swap3A_982], %swap3A_985 {strides = array<i32>} : memref<8640xf32, #tpu.memory_space<vmem>>, vector<16xf32>,
    %swap3A_986 = arith.constant 1888 : index
    %swap3A_987 = tpu.vector_load %arg9[%swap3A_986] {strides = array<i32>} : memref<8640xf32, #tpu.memory_space<vmem>>, vector<16xf32>,
    %swap3A_988 = vector.shape_cast %swap3A_987 : vector<16xf32> to vector<16xf32>
    %swap3A_989 = vector.shape_cast %broadcast_in_dim3A_2 : vector<16xf32> to vector<16xf32>
    tpu.vector_store %arg9[%swap3A_986], %swap3A_989 {strides = array<i32>} : memref<8640xf32, #tpu.memory_space<vmem>>, vector<16xf32>,
    %swap3A_990 = arith.constant 1904 : index
    %swap3A_991 = tpu.vector_load %arg9[%swap3A_990] {strides = array<i32>} : memref<8640xf32, #tpu.memory_space<vmem>>, vector<16xf32>,
    %swap3A_992 = vector.shape_cast %swap3A_991 : vector<16xf32> to vector<16xf32>
    %swap3A_993 = vector.shape_cast %broadcast_in_dim3A_2 : vector<16xf32> to vector<16xf32>
    tpu.vector_store %arg9[%swap3A_990], %swap3A_993 {strides = array<i32>} : memref<8640xf32, #tpu.memory_space<vmem>>, vector<16xf32>,
    %swap3A_994 = arith.constant 1920 : index
    %swap3A_995 = tpu.vector_load %arg9[%swap3A_994] {strides = array<i32>} : memref<8640xf32, #tpu.memory_space<vmem>>, vector<16xf32>,
    %swap3A_996 = vector.shape_cast %swap3A_995 : vector<16xf32> to vector<16xf32>
    %swap3A_997 = vector.shape_cast %broadcast_in_dim3A_2 : vector<16xf32> to vector<16xf32>
    tpu.vector_store %arg9[%swap3A_994], %swap3A_997 {strides = array<i32>} : memref<8640xf32, #tpu.memory_space<vmem>>, vector<16xf32>,
    %swap3A_998 = arith.constant 1936 : index
    %swap3A_999 = tpu.vector_load %arg9[%swap3A_998] {strides = array<i32>} : memref<8640xf32, #tpu.memory_space<vmem>>, vector<16xf32>,
    %swap3A_1000 = vector.shape_cast %swap3A_999 : vector<16xf32> to vector<16xf32>
    %swap3A_1001 = vector.shape_cast %broadcast_in_dim3A_2 : vector<16xf32> to vector<16xf32>
    tpu.vector_store %arg9[%swap3A_998], %swap3A_1001 {strides = array<i32>} : memref<8640xf32, #tpu.memory_space<vmem>>, vector<16xf32>,
    %swap3A_1002 = arith.constant 1952 : index
    %swap3A_1003 = tpu.vector_load %arg9[%swap3A_1002] {strides = array<i32>} : memref<8640xf32, #tpu.memory_space<vmem>>, vector<16xf32>,
    %swap3A_1004 = vector.shape_cast %swap3A_1003 : vector<16xf32> to vector<16xf32>
    %swap3A_1005 = vector.shape_cast %broadcast_in_dim3A_2 : vector<16xf32> to vector<16xf32>
    tpu.vector_store %arg9[%swap3A_1002], %swap3A_1005 {strides = array<i32>} : memref<8640xf32, #tpu.memory_space<vmem>>, vector<16xf32>,
    %swap3A_1006 = arith.constant 1968 : index
    %swap3A_1007 = tpu.vector_load %arg9[%swap3A_1006] {strides = array<i32>} : memref<8640xf32, #tpu.memory_space<vmem>>, vector<16xf32>,
    %swap3A_1008 = vector.shape_cast %swap3A_1007 : vector<16xf32> to vector<16xf32>
    %swap3A_1009 = vector.shape_cast %broadcast_in_dim3A_2 : vector<16xf32> to vector<16xf32>
    tpu.vector_store %arg9[%swap3A_1006], %swap3A_1009 {strides = array<i32>} : memref<8640xf32, #tpu.memory_space<vmem>>, vector<16xf32>,
    %swap3A_1010 = arith.constant 1984 : index
    %swap3A_1011 = tpu.vector_load %arg9[%swap3A_1010] {strides = array<i32>} : memref<8640xf32, #tpu.memory_space<vmem>>, vector<16xf32>,
    %swap3A_1012 = vector.shape_cast %swap3A_1011 : vector<16xf32> to vector<16xf32>
    %swap3A_1013 = vector.shape_cast %broadcast_in_dim3A_2 : vector<16xf32> to vector<16xf32>
    tpu.vector_store %arg9[%swap3A_1010], %swap3A_1013 {strides = array<i32>} : memref<8640xf32, #tpu.memory_space<vmem>>, vector<16xf32>,
    %swap3A_1014 = arith.constant 2000 : index
    %swap3A_1015 = tpu.vector_load %arg9[%swap3A_1014] {strides = array<i32>} : memref<8640xf32, #tpu.memory_space<vmem>>, vector<16xf32>,
    %swap3A_1016 = vector.shape_cast %swap3A_1015 : vector<16xf32> to vector<16xf32>
    %swap3A_1017 = vector.shape_cast %broadcast_in_dim3A_2 : vector<16xf32> to vector<16xf32>
    tpu.vector_store %arg9[%swap3A_1014], %swap3A_1017 {strides = array<i32>} : memref<8640xf32, #tpu.memory_space<vmem>>, vector<16xf32>,
    %swap3A_1018 = arith.constant 2016 : index
    %swap3A_1019 = tpu.vector_load %arg9[%swap3A_1018] {strides = array<i32>} : memref<8640xf32, #tpu.memory_space<vmem>>, vector<16xf32>,
    %swap3A_1020 = vector.shape_cast %swap3A_1019 : vector<16xf32> to vector<16xf32>
    %swap3A_1021 = vector.shape_cast %broadcast_in_dim3A_2 : vector<16xf32> to vector<16xf32>
    tpu.vector_store %arg9[%swap3A_1018], %swap3A_1021 {strides = array<i32>} : memref<8640xf32, #tpu.memory_space<vmem>>, vector<16xf32>,
    %swap3A_1022 = arith.constant 2032 : index
    %swap3A_1023 = tpu.vector_load %arg9[%swap3A_1022] {strides = array<i32>} : memref<8640xf32, #tpu.memory_space<vmem>>, vector<16xf32>,
    %swap3A_1024 = vector.shape_cast %swap3A_1023 : vector<16xf32> to vector<16xf32>
    %swap3A_1025 = vector.shape_cast %broadcast_in_dim3A_2 : vector<16xf32> to vector<16xf32>
    tpu.vector_store %arg9[%swap3A_1022], %swap3A_1025 {strides = array<i32>} : memref<8640xf32, #tpu.memory_space<vmem>>, vector<16xf32>,
    %swap3A_1026 = arith.constant 2048 : index
    %swap3A_1027 = tpu.vector_load %arg9[%swap3A_1026] {strides = array<i32>} : memref<8640xf32, #tpu.memory_space<vmem>>, vector<16xf32>,
    %swap3A_1028 = vector.shape_cast %swap3A_1027 : vector<16xf32> to vector<16xf32>
    %swap3A_1029 = vector.shape_cast %broadcast_in_dim3A_2 : vector<16xf32> to vector<16xf32>
    tpu.vector_store %arg9[%swap3A_1026], %swap3A_1029 {strides = array<i32>} : memref<8640xf32, #tpu.memory_space<vmem>>, vector<16xf32>,
    %swap3A_1030 = arith.constant 2064 : index
    %swap3A_1031 = tpu.vector_load %arg9[%swap3A_1030] {strides = array<i32>} : memref<8640xf32, #tpu.memory_space<vmem>>, vector<16xf32>,
    %swap3A_1032 = vector.shape_cast %swap3A_1031 : vector<16xf32> to vector<16xf32>
    %swap3A_1033 = vector.shape_cast %broadcast_in_dim3A_2 : vector<16xf32> to vector<16xf32>
    tpu.vector_store %arg9[%swap3A_1030], %swap3A_1033 {strides = array<i32>} : memref<8640xf32, #tpu.memory_space<vmem>>, vector<16xf32>,
    %swap3A_1034 = arith.constant 2080 : index
    %swap3A_1035 = tpu.vector_load %arg9[%swap3A_1034] {strides = array<i32>} : memref<8640xf32, #tpu.memory_space<vmem>>, vector<16xf32>,
    %swap3A_1036 = vector.shape_cast %swap3A_1035 : vector<16xf32> to vector<16xf32>
    %swap3A_1037 = vector.shape_cast %broadcast_in_dim3A_2 : vector<16xf32> to vector<16xf32>
    tpu.vector_store %arg9[%swap3A_1034], %swap3A_1037 {strides = array<i32>} : memref<8640xf32, #tpu.memory_space<vmem>>, vector<16xf32>,
    %swap3A_1038 = arith.constant 2096 : index
    %swap3A_1039 = tpu.vector_load %arg9[%swap3A_1038] {strides = array<i32>} : memref<8640xf32, #tpu.memory_space<vmem>>, vector<16xf32>,
    %swap3A_1040 = vector.shape_cast %swap3A_1039 : vector<16xf32> to vector<16xf32>
    %swap3A_1041 = vector.shape_cast %broadcast_in_dim3A_2 : vector<16xf32> to vector<16xf32>
    tpu.vector_store %arg9[%swap3A_1038], %swap3A_1041 {strides = array<i32>} : memref<8640xf32, #tpu.memory_space<vmem>>, vector<16xf32>,
    %swap3A_1042 = arith.constant 2112 : index
    %swap3A_1043 = tpu.vector_load %arg9[%swap3A_1042] {strides = array<i32>} : memref<8640xf32, #tpu.memory_space<vmem>>, vector<16xf32>,
    %swap3A_1044 = vector.shape_cast %swap3A_1043 : vector<16xf32> to vector<16xf32>
    %swap3A_1045 = vector.shape_cast %broadcast_in_dim3A_2 : vector<16xf32> to vector<16xf32>
    tpu.vector_store %arg9[%swap3A_1042], %swap3A_1045 {strides = array<i32>} : memref<8640xf32, #tpu.memory_space<vmem>>, vector<16xf32>,
    %swap3A_1046 = arith.constant 2128 : index
    %swap3A_1047 = tpu.vector_load %arg9[%swap3A_1046] {strides = array<i32>} : memref<8640xf32, #tpu.memory_space<vmem>>, vector<16xf32>,
    %swap3A_1048 = vector.shape_cast %swap3A_1047 : vector<16xf32> to vector<16xf32>
    %swap3A_1049 = vector.shape_cast %broadcast_in_dim3A_2 : vector<16xf32> to vector<16xf32>
    tpu.vector_store %arg9[%swap3A_1046], %swap3A_1049 {strides = array<i32>} : memref<8640xf32, #tpu.memory_space<vmem>>, vector<16xf32>,
    %swap3A_1050 = arith.constant 2144 : index
    %swap3A_1051 = tpu.vector_load %arg9[%swap3A_1050] {strides = array<i32>} : memref<8640xf32, #tpu.memory_space<vmem>>, vector<16xf32>,
    %swap3A_1052 = vector.shape_cast %swap3A_1051 : vector<16xf32> to vector<16xf32>
    %swap3A_1053 = vector.shape_cast %broadcast_in_dim3A_2 : vector<16xf32> to vector<16xf32>
    tpu.vector_store %arg9[%swap3A_1050], %swap3A_1053 {strides = array<i32>} : memref<8640xf32, #tpu.memory_space<vmem>>, vector<16xf32>,
    %swap3A_1054 = arith.constant 2160 : index
    %swap3A_1055 = tpu.vector_load %arg9[%swap3A_1054] {strides = array<i32>} : memref<8640xf32, #tpu.memory_space<vmem>>, vector<16xf32>,
    %swap3A_1056 = vector.shape_cast %swap3A_1055 : vector<16xf32> to vector<16xf32>
    %swap3A_1057 = vector.shape_cast %broadcast_in_dim3A_2 : vector<16xf32> to vector<16xf32>
    tpu.vector_store %arg9[%swap3A_1054], %swap3A_1057 {strides = array<i32>} : memref<8640xf32, #tpu.memory_space<vmem>>, vector<16xf32>,
    %swap3A_1058 = arith.constant 2176 : index
    %swap3A_1059 = tpu.vector_load %arg9[%swap3A_1058] {strides = array<i32>} : memref<8640xf32, #tpu.memory_space<vmem>>, vector<16xf32>,
    %swap3A_1060 = vector.shape_cast %swap3A_1059 : vector<16xf32> to vector<16xf32>
    %swap3A_1061 = vector.shape_cast %broadcast_in_dim3A_2 : vector<16xf32> to vector<16xf32>
    tpu.vector_store %arg9[%swap3A_1058], %swap3A_1061 {strides = array<i32>} : memref<8640xf32, #tpu.memory_space<vmem>>, vector<16xf32>,
    %swap3A_1062 = arith.constant 2192 : index
    %swap3A_1063 = tpu.vector_load %arg9[%swap3A_1062] {strides = array<i32>} : memref<8640xf32, #tpu.memory_space<vmem>>, vector<16xf32>,
    %swap3A_1064 = vector.shape_cast %swap3A_1063 : vector<16xf32> to vector<16xf32>
    %swap3A_1065 = vector.shape_cast %broadcast_in_dim3A_2 : vector<16xf32> to vector<16xf32>
    tpu.vector_store %arg9[%swap3A_1062], %swap3A_1065 {strides = array<i32>} : memref<8640xf32, #tpu.memory_space<vmem>>, vector<16xf32>,
    %swap3A_1066 = arith.constant 2208 : index
    %swap3A_1067 = tpu.vector_load %arg9[%swap3A_1066] {strides = array<i32>} : memref<8640xf32, #tpu.memory_space<vmem>>, vector<16xf32>,
    %swap3A_1068 = vector.shape_cast %swap3A_1067 : vector<16xf32> to vector<16xf32>
    %swap3A_1069 = vector.shape_cast %broadcast_in_dim3A_2 : vector<16xf32> to vector<16xf32>
    tpu.vector_store %arg9[%swap3A_1066], %swap3A_1069 {strides = array<i32>} : memref<8640xf32, #tpu.memory_space<vmem>>, vector<16xf32>,
    %swap3A_1070 = arith.constant 2224 : index
    %swap3A_1071 = tpu.vector_load %arg9[%swap3A_1070] {strides = array<i32>} : memref<8640xf32, #tpu.memory_space<vmem>>, vector<16xf32>,
    %swap3A_1072 = vector.shape_cast %swap3A_1071 : vector<16xf32> to vector<16xf32>
    %swap3A_1073 = vector.shape_cast %broadcast_in_dim3A_2 : vector<16xf32> to vector<16xf32>
    tpu.vector_store %arg9[%swap3A_1070], %swap3A_1073 {strides = array<i32>} : memref<8640xf32, #tpu.memory_space<vmem>>, vector<16xf32>,
    %swap3A_1074 = arith.constant 2240 : index
    %swap3A_1075 = tpu.vector_load %arg9[%swap3A_1074] {strides = array<i32>} : memref<8640xf32, #tpu.memory_space<vmem>>, vector<16xf32>,
    %swap3A_1076 = vector.shape_cast %swap3A_1075 : vector<16xf32> to vector<16xf32>
    %swap3A_1077 = vector.shape_cast %broadcast_in_dim3A_2 : vector<16xf32> to vector<16xf32>
    tpu.vector_store %arg9[%swap3A_1074], %swap3A_1077 {strides = array<i32>} : memref<8640xf32, #tpu.memory_space<vmem>>, vector<16xf32>,
    %swap3A_1078 = arith.constant 2256 : index
    %swap3A_1079 = tpu.vector_load %arg9[%swap3A_1078] {strides = array<i32>} : memref<8640xf32, #tpu.memory_space<vmem>>, vector<16xf32>,
    %swap3A_1080 = vector.shape_cast %swap3A_1079 : vector<16xf32> to vector<16xf32>
    %swap3A_1081 = vector.shape_cast %broadcast_in_dim3A_2 : vector<16xf32> to vector<16xf32>
    tpu.vector_store %arg9[%swap3A_1078], %swap3A_1081 {strides = array<i32>} : memref<8640xf32, #tpu.memory_space<vmem>>, vector<16xf32>,
    %swap3A_1082 = arith.constant 2272 : index
    %swap3A_1083 = tpu.vector_load %arg9[%swap3A_1082] {strides = array<i32>} : memref<8640xf32, #tpu.memory_space<vmem>>, vector<16xf32>,
    %swap3A_1084 = vector.shape_cast %swap3A_1083 : vector<16xf32> to vector<16xf32>
    %swap3A_1085 = vector.shape_cast %broadcast_in_dim3A_2 : vector<16xf32> to vector<16xf32>
    tpu.vector_store %arg9[%swap3A_1082], %swap3A_1085 {strides = array<i32>} : memref<8640xf32, #tpu.memory_space<vmem>>, vector<16xf32>,
    %swap3A_1086 = arith.constant 2288 : index
    %swap3A_1087 = tpu.vector_load %arg9[%swap3A_1086] {strides = array<i32>} : memref<8640xf32, #tpu.memory_space<vmem>>, vector<16xf32>,
    %swap3A_1088 = vector.shape_cast %swap3A_1087 : vector<16xf32> to vector<16xf32>
    %swap3A_1089 = vector.shape_cast %broadcast_in_dim3A_2 : vector<16xf32> to vector<16xf32>
    tpu.vector_store %arg9[%swap3A_1086], %swap3A_1089 {strides = array<i32>} : memref<8640xf32, #tpu.memory_space<vmem>>, vector<16xf32>,
    %swap3A_1090 = arith.constant 2304 : index
    %swap3A_1091 = tpu.vector_load %arg9[%swap3A_1090] {strides = array<i32>} : memref<8640xf32, #tpu.memory_space<vmem>>, vector<16xf32>,
    %swap3A_1092 = vector.shape_cast %swap3A_1091 : vector<16xf32> to vector<16xf32>
    %swap3A_1093 = vector.shape_cast %broadcast_in_dim3A_2 : vector<16xf32> to vector<16xf32>
    tpu.vector_store %arg9[%swap3A_1090], %swap3A_1093 {strides = array<i32>} : memref<8640xf32, #tpu.memory_space<vmem>>, vector<16xf32>,
    %swap3A_1094 = arith.constant 2320 : index
    %swap3A_1095 = tpu.vector_load %arg9[%swap3A_1094] {strides = array<i32>} : memref<8640xf32, #tpu.memory_space<vmem>>, vector<16xf32>,
    %swap3A_1096 = vector.shape_cast %swap3A_1095 : vector<16xf32> to vector<16xf32>
    %swap3A_1097 = vector.shape_cast %broadcast_in_dim3A_2 : vector<16xf32> to vector<16xf32>
    tpu.vector_store %arg9[%swap3A_1094], %swap3A_1097 {strides = array<i32>} : memref<8640xf32, #tpu.memory_space<vmem>>, vector<16xf32>,
    %swap3A_1098 = arith.constant 2336 : index
    %swap3A_1099 = tpu.vector_load %arg9[%swap3A_1098] {strides = array<i32>} : memref<8640xf32, #tpu.memory_space<vmem>>, vector<16xf32>,
    %swap3A_1100 = vector.shape_cast %swap3A_1099 : vector<16xf32> to vector<16xf32>
    %swap3A_1101 = vector.shape_cast %broadcast_in_dim3A_2 : vector<16xf32> to vector<16xf32>
    tpu.vector_store %arg9[%swap3A_1098], %swap3A_1101 {strides = array<i32>} : memref<8640xf32, #tpu.memory_space<vmem>>, vector<16xf32>,
    %swap3A_1102 = arith.constant 2352 : index
    %swap3A_1103 = tpu.vector_load %arg9[%swap3A_1102] {strides = array<i32>} : memref<8640xf32, #tpu.memory_space<vmem>>, vector<16xf32>,
    %swap3A_1104 = vector.shape_cast %swap3A_1103 : vector<16xf32> to vector<16xf32>
    %swap3A_1105 = vector.shape_cast %broadcast_in_dim3A_2 : vector<16xf32> to vector<16xf32>
    tpu.vector_store %arg9[%swap3A_1102], %swap3A_1105 {strides = array<i32>} : memref<8640xf32, #tpu.memory_space<vmem>>, vector<16xf32>,
    %swap3A_1106 = arith.constant 2368 : index
    %swap3A_1107 = tpu.vector_load %arg9[%swap3A_1106] {strides = array<i32>} : memref<8640xf32, #tpu.memory_space<vmem>>, vector<16xf32>,
    %swap3A_1108 = vector.shape_cast %swap3A_1107 : vector<16xf32> to vector<16xf32>
    %swap3A_1109 = vector.shape_cast %broadcast_in_dim3A_2 : vector<16xf32> to vector<16xf32>
    tpu.vector_store %arg9[%swap3A_1106], %swap3A_1109 {strides = array<i32>} : memref<8640xf32, #tpu.memory_space<vmem>>, vector<16xf32>,
    %swap3A_1110 = arith.constant 2384 : index
    %swap3A_1111 = tpu.vector_load %arg9[%swap3A_1110] {strides = array<i32>} : memref<8640xf32, #tpu.memory_space<vmem>>, vector<16xf32>,
    %swap3A_1112 = vector.shape_cast %swap3A_1111 : vector<16xf32> to vector<16xf32>
    %swap3A_1113 = vector.shape_cast %broadcast_in_dim3A_2 : vector<16xf32> to vector<16xf32>
    tpu.vector_store %arg9[%swap3A_1110], %swap3A_1113 {strides = array<i32>} : memref<8640xf32, #tpu.memory_space<vmem>>, vector<16xf32>,
    %swap3A_1114 = arith.constant 2400 : index
    %swap3A_1115 = tpu.vector_load %arg9[%swap3A_1114] {strides = array<i32>} : memref<8640xf32, #tpu.memory_space<vmem>>, vector<16xf32>,
    %swap3A_1116 = vector.shape_cast %swap3A_1115 : vector<16xf32> to vector<16xf32>
    %swap3A_1117 = vector.shape_cast %broadcast_in_dim3A_2 : vector<16xf32> to vector<16xf32>
    tpu.vector_store %arg9[%swap3A_1114], %swap3A_1117 {strides = array<i32>} : memref<8640xf32, #tpu.memory_space<vmem>>, vector<16xf32>,
    %swap3A_1118 = arith.constant 2416 : index
    %swap3A_1119 = tpu.vector_load %arg9[%swap3A_1118] {strides = array<i32>} : memref<8640xf32, #tpu.memory_space<vmem>>, vector<16xf32>,
    %swap3A_1120 = vector.shape_cast %swap3A_1119 : vector<16xf32> to vector<16xf32>
    %swap3A_1121 = vector.shape_cast %broadcast_in_dim3A_2 : vector<16xf32> to vector<16xf32>
    tpu.vector_store %arg9[%swap3A_1118], %swap3A_1121 {strides = array<i32>} : memref<8640xf32, #tpu.memory_space<vmem>>, vector<16xf32>,
    %swap3A_1122 = arith.constant 2432 : index
    %swap3A_1123 = tpu.vector_load %arg9[%swap3A_1122] {strides = array<i32>} : memref<8640xf32, #tpu.memory_space<vmem>>, vector<16xf32>,
    %swap3A_1124 = vector.shape_cast %swap3A_1123 : vector<16xf32> to vector<16xf32>
    %swap3A_1125 = vector.shape_cast %broadcast_in_dim3A_2 : vector<16xf32> to vector<16xf32>
    tpu.vector_store %arg9[%swap3A_1122], %swap3A_1125 {strides = array<i32>} : memref<8640xf32, #tpu.memory_space<vmem>>, vector<16xf32>,
    %swap3A_1126 = arith.constant 2448 : index
    %swap3A_1127 = tpu.vector_load %arg9[%swap3A_1126] {strides = array<i32>} : memref<8640xf32, #tpu.memory_space<vmem>>, vector<16xf32>,
    %swap3A_1128 = vector.shape_cast %swap3A_1127 : vector<16xf32> to vector<16xf32>
    %swap3A_1129 = vector.shape_cast %broadcast_in_dim3A_2 : vector<16xf32> to vector<16xf32>
    tpu.vector_store %arg9[%swap3A_1126], %swap3A_1129 {strides = array<i32>} : memref<8640xf32, #tpu.memory_space<vmem>>, vector<16xf32>,
    %swap3A_1130 = arith.constant 2464 : index
    %swap3A_1131 = tpu.vector_load %arg9[%swap3A_1130] {strides = array<i32>} : memref<8640xf32, #tpu.memory_space<vmem>>, vector<16xf32>,
    %swap3A_1132 = vector.shape_cast %swap3A_1131 : vector<16xf32> to vector<16xf32>
    %swap3A_1133 = vector.shape_cast %broadcast_in_dim3A_2 : vector<16xf32> to vector<16xf32>
    tpu.vector_store %arg9[%swap3A_1130], %swap3A_1133 {strides = array<i32>} : memref<8640xf32, #tpu.memory_space<vmem>>, vector<16xf32>,
    %swap3A_1134 = arith.constant 2480 : index
    %swap3A_1135 = tpu.vector_load %arg9[%swap3A_1134] {strides = array<i32>} : memref<8640xf32, #tpu.memory_space<vmem>>, vector<16xf32>,
    %swap3A_1136 = vector.shape_cast %swap3A_1135 : vector<16xf32> to vector<16xf32>
    %swap3A_1137 = vector.shape_cast %broadcast_in_dim3A_2 : vector<16xf32> to vector<16xf32>
    tpu.vector_store %arg9[%swap3A_1134], %swap3A_1137 {strides = array<i32>} : memref<8640xf32, #tpu.memory_space<vmem>>, vector<16xf32>,
    %swap3A_1138 = arith.constant 2496 : index
    %swap3A_1139 = tpu.vector_load %arg9[%swap3A_1138] {strides = array<i32>} : memref<8640xf32, #tpu.memory_space<vmem>>, vector<16xf32>,
    %swap3A_1140 = vector.shape_cast %swap3A_1139 : vector<16xf32> to vector<16xf32>
    %swap3A_1141 = vector.shape_cast %broadcast_in_dim3A_2 : vector<16xf32> to vector<16xf32>
    tpu.vector_store %arg9[%swap3A_1138], %swap3A_1141 {strides = array<i32>} : memref<8640xf32, #tpu.memory_space<vmem>>, vector<16xf32>,
    %swap3A_1142 = arith.constant 2512 : index
    %swap3A_1143 = tpu.vector_load %arg9[%swap3A_1142] {strides = array<i32>} : memref<8640xf32, #tpu.memory_space<vmem>>, vector<16xf32>,
    %swap3A_1144 = vector.shape_cast %swap3A_1143 : vector<16xf32> to vector<16xf32>
    %swap3A_1145 = vector.shape_cast %broadcast_in_dim3A_2 : vector<16xf32> to vector<16xf32>
    tpu.vector_store %arg9[%swap3A_1142], %swap3A_1145 {strides = array<i32>} : memref<8640xf32, #tpu.memory_space<vmem>>, vector<16xf32>,
    %swap3A_1146 = arith.constant 2528 : index
    %swap3A_1147 = tpu.vector_load %arg9[%swap3A_1146] {strides = array<i32>} : memref<8640xf32, #tpu.memory_space<vmem>>, vector<16xf32>,
    %swap3A_1148 = vector.shape_cast %swap3A_1147 : vector<16xf32> to vector<16xf32>
    %swap3A_1149 = vector.shape_cast %broadcast_in_dim3A_2 : vector<16xf32> to vector<16xf32>
    tpu.vector_store %arg9[%swap3A_1146], %swap3A_1149 {strides = array<i32>} : memref<8640xf32, #tpu.memory_space<vmem>>, vector<16xf32>,
    %swap3A_1150 = arith.constant 2544 : index
    %swap3A_1151 = tpu.vector_load %arg9[%swap3A_1150] {strides = array<i32>} : memref<8640xf32, #tpu.memory_space<vmem>>, vector<16xf32>,
    %swap3A_1152 = vector.shape_cast %swap3A_1151 : vector<16xf32> to vector<16xf32>
    %swap3A_1153 = vector.shape_cast %broadcast_in_dim3A_2 : vector<16xf32> to vector<16xf32>
    tpu.vector_store %arg9[%swap3A_1150], %swap3A_1153 {strides = array<i32>} : memref<8640xf32, #tpu.memory_space<vmem>>, vector<16xf32>,
    %swap3A_1154 = arith.constant 2560 : index
    %swap3A_1155 = tpu.vector_load %arg9[%swap3A_1154] {strides = array<i32>} : memref<8640xf32, #tpu.memory_space<vmem>>, vector<16xf32>,
    %swap3A_1156 = vector.shape_cast %swap3A_1155 : vector<16xf32> to vector<16xf32>
    %swap3A_1157 = vector.shape_cast %broadcast_in_dim3A_2 : vector<16xf32> to vector<16xf32>
    tpu.vector_store %arg9[%swap3A_1154], %swap3A_1157 {strides = array<i32>} : memref<8640xf32, #tpu.memory_space<vmem>>, vector<16xf32>,
    %swap3A_1158 = arith.constant 2576 : index
    %swap3A_1159 = tpu.vector_load %arg9[%swap3A_1158] {strides = array<i32>} : memref<8640xf32, #tpu.memory_space<vmem>>, vector<16xf32>,
    %swap3A_1160 = vector.shape_cast %swap3A_1159 : vector<16xf32> to vector<16xf32>
    %swap3A_1161 = vector.shape_cast %broadcast_in_dim3A_2 : vector<16xf32> to vector<16xf32>
    tpu.vector_store %arg9[%swap3A_1158], %swap3A_1161 {strides = array<i32>} : memref<8640xf32, #tpu.memory_space<vmem>>, vector<16xf32>,
    %swap3A_1162 = arith.constant 2592 : index
    %swap3A_1163 = tpu.vector_load %arg9[%swap3A_1162] {strides = array<i32>} : memref<8640xf32, #tpu.memory_space<vmem>>, vector<16xf32>,
    %swap3A_1164 = vector.shape_cast %swap3A_1163 : vector<16xf32> to vector<16xf32>
    %swap3A_1165 = vector.shape_cast %broadcast_in_dim3A_2 : vector<16xf32> to vector<16xf32>
    tpu.vector_store %arg9[%swap3A_1162], %swap3A_1165 {strides = array<i32>} : memref<8640xf32, #tpu.memory_space<vmem>>, vector<16xf32>,
    %swap3A_1166 = arith.constant 2608 : index
    %swap3A_1167 = tpu.vector_load %arg9[%swap3A_1166] {strides = array<i32>} : memref<8640xf32, #tpu.memory_space<vmem>>, vector<16xf32>,
    %swap3A_1168 = vector.shape_cast %swap3A_1167 : vector<16xf32> to vector<16xf32>
    %swap3A_1169 = vector.shape_cast %broadcast_in_dim3A_2 : vector<16xf32> to vector<16xf32>
    tpu.vector_store %arg9[%swap3A_1166], %swap3A_1169 {strides = array<i32>} : memref<8640xf32, #tpu.memory_space<vmem>>, vector<16xf32>,
    %swap3A_1170 = arith.constant 2624 : index
    %swap3A_1171 = tpu.vector_load %arg9[%swap3A_1170] {strides = array<i32>} : memref<8640xf32, #tpu.memory_space<vmem>>, vector<16xf32>,
    %swap3A_1172 = vector.shape_cast %swap3A_1171 : vector<16xf32> to vector<16xf32>
    %swap3A_1173 = vector.shape_cast %broadcast_in_dim3A_2 : vector<16xf32> to vector<16xf32>
    tpu.vector_store %arg9[%swap3A_1170], %swap3A_1173 {strides = array<i32>} : memref<8640xf32, #tpu.memory_space<vmem>>, vector<16xf32>,
    %swap3A_1174 = arith.constant 2640 : index
    %swap3A_1175 = tpu.vector_load %arg9[%swap3A_1174] {strides = array<i32>} : memref<8640xf32, #tpu.memory_space<vmem>>, vector<16xf32>,
    %swap3A_1176 = vector.shape_cast %swap3A_1175 : vector<16xf32> to vector<16xf32>
    %swap3A_1177 = vector.shape_cast %broadcast_in_dim3A_2 : vector<16xf32> to vector<16xf32>
    tpu.vector_store %arg9[%swap3A_1174], %swap3A_1177 {strides = array<i32>} : memref<8640xf32, #tpu.memory_space<vmem>>, vector<16xf32>,
    %swap3A_1178 = arith.constant 2656 : index
    %swap3A_1179 = tpu.vector_load %arg9[%swap3A_1178] {strides = array<i32>} : memref<8640xf32, #tpu.memory_space<vmem>>, vector<16xf32>,
    %swap3A_1180 = vector.shape_cast %swap3A_1179 : vector<16xf32> to vector<16xf32>
    %swap3A_1181 = vector.shape_cast %broadcast_in_dim3A_2 : vector<16xf32> to vector<16xf32>
    tpu.vector_store %arg9[%swap3A_1178], %swap3A_1181 {strides = array<i32>} : memref<8640xf32, #tpu.memory_space<vmem>>, vector<16xf32>,
    %swap3A_1182 = arith.constant 2672 : index
    %swap3A_1183 = tpu.vector_load %arg9[%swap3A_1182] {strides = array<i32>} : memref<8640xf32, #tpu.memory_space<vmem>>, vector<16xf32>,
    %swap3A_1184 = vector.shape_cast %swap3A_1183 : vector<16xf32> to vector<16xf32>
    %swap3A_1185 = vector.shape_cast %broadcast_in_dim3A_2 : vector<16xf32> to vector<16xf32>
    tpu.vector_store %arg9[%swap3A_1182], %swap3A_1185 {strides = array<i32>} : memref<8640xf32, #tpu.memory_space<vmem>>, vector<16xf32>,
    %swap3A_1186 = arith.constant 2688 : index
    %swap3A_1187 = tpu.vector_load %arg9[%swap3A_1186] {strides = array<i32>} : memref<8640xf32, #tpu.memory_space<vmem>>, vector<16xf32>,
    %swap3A_1188 = vector.shape_cast %swap3A_1187 : vector<16xf32> to vector<16xf32>
    %swap3A_1189 = vector.shape_cast %broadcast_in_dim3A_2 : vector<16xf32> to vector<16xf32>
    tpu.vector_store %arg9[%swap3A_1186], %swap3A_1189 {strides = array<i32>} : memref<8640xf32, #tpu.memory_space<vmem>>, vector<16xf32>,
    %swap3A_1190 = arith.constant 2704 : index
    %swap3A_1191 = tpu.vector_load %arg9[%swap3A_1190] {strides = array<i32>} : memref<8640xf32, #tpu.memory_space<vmem>>, vector<16xf32>,
    %swap3A_1192 = vector.shape_cast %swap3A_1191 : vector<16xf32> to vector<16xf32>
    %swap3A_1193 = vector.shape_cast %broadcast_in_dim3A_2 : vector<16xf32> to vector<16xf32>
    tpu.vector_store %arg9[%swap3A_1190], %swap3A_1193 {strides = array<i32>} : memref<8640xf32, #tpu.memory_space<vmem>>, vector<16xf32>,
    %swap3A_1194 = arith.constant 2720 : index
    %swap3A_1195 = tpu.vector_load %arg9[%swap3A_1194] {strides = array<i32>} : memref<8640xf32, #tpu.memory_space<vmem>>, vector<16xf32>,
    %swap3A_1196 = vector.shape_cast %swap3A_1195 : vector<16xf32> to vector<16xf32>
    %swap3A_1197 = vector.shape_cast %broadcast_in_dim3A_2 : vector<16xf32> to vector<16xf32>
    tpu.vector_store %arg9[%swap3A_1194], %swap3A_1197 {strides = array<i32>} : memref<8640xf32, #tpu.memory_space<vmem>>, vector<16xf32>,
    %swap3A_1198 = arith.constant 2736 : index
    %swap3A_1199 = tpu.vector_load %arg9[%swap3A_1198] {strides = array<i32>} : memref<8640xf32, #tpu.memory_space<vmem>>, vector<16xf32>,
    %swap3A_1200 = vector.shape_cast %swap3A_1199 : vector<16xf32> to vector<16xf32>
    %swap3A_1201 = vector.shape_cast %broadcast_in_dim3A_2 : vector<16xf32> to vector<16xf32>
    tpu.vector_store %arg9[%swap3A_1198], %swap3A_1201 {strides = array<i32>} : memref<8640xf32, #tpu.memory_space<vmem>>, vector<16xf32>,
    %swap3A_1202 = arith.constant 2752 : index
    %swap3A_1203 = tpu.vector_load %arg9[%swap3A_1202] {strides = array<i32>} : memref<8640xf32, #tpu.memory_space<vmem>>, vector<16xf32>,
    %swap3A_1204 = vector.shape_cast %swap3A_1203 : vector<16xf32> to vector<16xf32>
    %swap3A_1205 = vector.shape_cast %broadcast_in_dim3A_2 : vector<16xf32> to vector<16xf32>
    tpu.vector_store %arg9[%swap3A_1202], %swap3A_1205 {strides = array<i32>} : memref<8640xf32, #tpu.memory_space<vmem>>, vector<16xf32>,
    %swap3A_1206 = arith.constant 2768 : index
    %swap3A_1207 = tpu.vector_load %arg9[%swap3A_1206] {strides = array<i32>} : memref<8640xf32, #tpu.memory_space<vmem>>, vector<16xf32>,
    %swap3A_1208 = vector.shape_cast %swap3A_1207 : vector<16xf32> to vector<16xf32>
    %swap3A_1209 = vector.shape_cast %broadcast_in_dim3A_2 : vector<16xf32> to vector<16xf32>
    tpu.vector_store %arg9[%swap3A_1206], %swap3A_1209 {strides = array<i32>} : memref<8640xf32, #tpu.memory_space<vmem>>, vector<16xf32>,
    %swap3A_1210 = arith.constant 2784 : index
    %swap3A_1211 = tpu.vector_load %arg9[%swap3A_1210] {strides = array<i32>} : memref<8640xf32, #tpu.memory_space<vmem>>, vector<16xf32>,
    %swap3A_1212 = vector.shape_cast %swap3A_1211 : vector<16xf32> to vector<16xf32>
    %swap3A_1213 = vector.shape_cast %broadcast_in_dim3A_2 : vector<16xf32> to vector<16xf32>
    tpu.vector_store %arg9[%swap3A_1210], %swap3A_1213 {strides = array<i32>} : memref<8640xf32, #tpu.memory_space<vmem>>, vector<16xf32>,
    %swap3A_1214 = arith.constant 2800 : index
    %swap3A_1215 = tpu.vector_load %arg9[%swap3A_1214] {strides = array<i32>} : memref<8640xf32, #tpu.memory_space<vmem>>, vector<16xf32>,
    %swap3A_1216 = vector.shape_cast %swap3A_1215 : vector<16xf32> to vector<16xf32>
    %swap3A_1217 = vector.shape_cast %broadcast_in_dim3A_2 : vector<16xf32> to vector<16xf32>
    tpu.vector_store %arg9[%swap3A_1214], %swap3A_1217 {strides = array<i32>} : memref<8640xf32, #tpu.memory_space<vmem>>, vector<16xf32>,
    %swap3A_1218 = arith.constant 2816 : index
    %swap3A_1219 = tpu.vector_load %arg9[%swap3A_1218] {strides = array<i32>} : memref<8640xf32, #tpu.memory_space<vmem>>, vector<16xf32>,
    %swap3A_1220 = vector.shape_cast %swap3A_1219 : vector<16xf32> to vector<16xf32>
    %swap3A_1221 = vector.shape_cast %broadcast_in_dim3A_2 : vector<16xf32> to vector<16xf32>
    tpu.vector_store %arg9[%swap3A_1218], %swap3A_1221 {strides = array<i32>} : memref<8640xf32, #tpu.memory_space<vmem>>, vector<16xf32>,
    %swap3A_1222 = arith.constant 2832 : index
    %swap3A_1223 = tpu.vector_load %arg9[%swap3A_1222] {strides = array<i32>} : memref<8640xf32, #tpu.memory_space<vmem>>, vector<16xf32>,
    %swap3A_1224 = vector.shape_cast %swap3A_1223 : vector<16xf32> to vector<16xf32>
    %swap3A_1225 = vector.shape_cast %broadcast_in_dim3A_2 : vector<16xf32> to vector<16xf32>
    tpu.vector_store %arg9[%swap3A_1222], %swap3A_1225 {strides = array<i32>} : memref<8640xf32, #tpu.memory_space<vmem>>, vector<16xf32>,
    %swap3A_1226 = arith.constant 2848 : index
    %swap3A_1227 = tpu.vector_load %arg9[%swap3A_1226] {strides = array<i32>} : memref<8640xf32, #tpu.memory_space<vmem>>, vector<16xf32>,
    %swap3A_1228 = vector.shape_cast %swap3A_1227 : vector<16xf32> to vector<16xf32>
    %swap3A_1229 = vector.shape_cast %broadcast_in_dim3A_2 : vector<16xf32> to vector<16xf32>
    tpu.vector_store %arg9[%swap3A_1226], %swap3A_1229 {strides = array<i32>} : memref<8640xf32, #tpu.memory_space<vmem>>, vector<16xf32>,
    %swap3A_1230 = arith.constant 2864 : index
    %swap3A_1231 = tpu.vector_load %arg9[%swap3A_1230] {strides = array<i32>} : memref<8640xf32, #tpu.memory_space<vmem>>, vector<16xf32>,
    %swap3A_1232 = vector.shape_cast %swap3A_1231 : vector<16xf32> to vector<16xf32>
    %swap3A_1233 = vector.shape_cast %broadcast_in_dim3A_2 : vector<16xf32> to vector<16xf32>
    tpu.vector_store %arg9[%swap3A_1230], %swap3A_1233 {strides = array<i32>} : memref<8640xf32, #tpu.memory_space<vmem>>, vector<16xf32>,
    %swap3A_1234 = arith.constant 2880 : index
    %swap3A_1235 = tpu.vector_load %arg9[%swap3A_1234] {strides = array<i32>} : memref<8640xf32, #tpu.memory_space<vmem>>, vector<16xf32>,
    %swap3A_1236 = vector.shape_cast %swap3A_1235 : vector<16xf32> to vector<16xf32>
    %swap3A_1237 = vector.shape_cast %broadcast_in_dim3A_2 : vector<16xf32> to vector<16xf32>
    tpu.vector_store %arg9[%swap3A_1234], %swap3A_1237 {strides = array<i32>} : memref<8640xf32, #tpu.memory_space<vmem>>, vector<16xf32>,
    %swap3A_1238 = arith.constant 2896 : index
    %swap3A_1239 = tpu.vector_load %arg9[%swap3A_1238] {strides = array<i32>} : memref<8640xf32, #tpu.memory_space<vmem>>, vector<16xf32>,
    %swap3A_1240 = vector.shape_cast %swap3A_1239 : vector<16xf32> to vector<16xf32>
    %swap3A_1241 = vector.shape_cast %broadcast_in_dim3A_2 : vector<16xf32> to vector<16xf32>
    tpu.vector_store %arg9[%swap3A_1238], %swap3A_1241 {strides = array<i32>} : memref<8640xf32, #tpu.memory_space<vmem>>, vector<16xf32>,
    %swap3A_1242 = arith.constant 2912 : index
    %swap3A_1243 = tpu.vector_load %arg9[%swap3A_1242] {strides = array<i32>} : memref<8640xf32, #tpu.memory_space<vmem>>, vector<16xf32>,
    %swap3A_1244 = vector.shape_cast %swap3A_1243 : vector<16xf32> to vector<16xf32>
    %swap3A_1245 = vector.shape_cast %broadcast_in_dim3A_2 : vector<16xf32> to vector<16xf32>
    tpu.vector_store %arg9[%swap3A_1242], %swap3A_1245 {strides = array<i32>} : memref<8640xf32, #tpu.memory_space<vmem>>, vector<16xf32>,
    %swap3A_1246 = arith.constant 2928 : index
    %swap3A_1247 = tpu.vector_load %arg9[%swap3A_1246] {strides = array<i32>} : memref<8640xf32, #tpu.memory_space<vmem>>, vector<16xf32>,
    %swap3A_1248 = vector.shape_cast %swap3A_1247 : vector<16xf32> to vector<16xf32>
    %swap3A_1249 = vector.shape_cast %broadcast_in_dim3A_2 : vector<16xf32> to vector<16xf32>
    tpu.vector_store %arg9[%swap3A_1246], %swap3A_1249 {strides = array<i32>} : memref<8640xf32, #tpu.memory_space<vmem>>, vector<16xf32>,
    %swap3A_1250 = arith.constant 2944 : index
    %swap3A_1251 = tpu.vector_load %arg9[%swap3A_1250] {strides = array<i32>} : memref<8640xf32, #tpu.memory_space<vmem>>, vector<16xf32>,
    %swap3A_1252 = vector.shape_cast %swap3A_1251 : vector<16xf32> to vector<16xf32>
    %swap3A_1253 = vector.shape_cast %broadcast_in_dim3A_2 : vector<16xf32> to vector<16xf32>
    tpu.vector_store %arg9[%swap3A_1250], %swap3A_1253 {strides = array<i32>} : memref<8640xf32, #tpu.memory_space<vmem>>, vector<16xf32>,
    %swap3A_1254 = arith.constant 2960 : index
    %swap3A_1255 = tpu.vector_load %arg9[%swap3A_1254] {strides = array<i32>} : memref<8640xf32, #tpu.memory_space<vmem>>, vector<16xf32>,
    %swap3A_1256 = vector.shape_cast %swap3A_1255 : vector<16xf32> to vector<16xf32>
    %swap3A_1257 = vector.shape_cast %broadcast_in_dim3A_2 : vector<16xf32> to vector<16xf32>
    tpu.vector_store %arg9[%swap3A_1254], %swap3A_1257 {strides = array<i32>} : memref<8640xf32, #tpu.memory_space<vmem>>, vector<16xf32>,
    %swap3A_1258 = arith.constant 2976 : index
    %swap3A_1259 = tpu.vector_load %arg9[%swap3A_1258] {strides = array<i32>} : memref<8640xf32, #tpu.memory_space<vmem>>, vector<16xf32>,
    %swap3A_1260 = vector.shape_cast %swap3A_1259 : vector<16xf32> to vector<16xf32>
    %swap3A_1261 = vector.shape_cast %broadcast_in_dim3A_2 : vector<16xf32> to vector<16xf32>
    tpu.vector_store %arg9[%swap3A_1258], %swap3A_1261 {strides = array<i32>} : memref<8640xf32, #tpu.memory_space<vmem>>, vector<16xf32>,
    %swap3A_1262 = arith.constant 2992 : index
    %swap3A_1263 = tpu.vector_load %arg9[%swap3A_1262] {strides = array<i32>} : memref<8640xf32, #tpu.memory_space<vmem>>, vector<16xf32>,
    %swap3A_1264 = vector.shape_cast %swap3A_1263 : vector<16xf32> to vector<16xf32>
    %swap3A_1265 = vector.shape_cast %broadcast_in_dim3A_2 : vector<16xf32> to vector<16xf32>
    tpu.vector_store %arg9[%swap3A_1262], %swap3A_1265 {strides = array<i32>} : memref<8640xf32, #tpu.memory_space<vmem>>, vector<16xf32>,
    %swap3A_1266 = arith.constant 3008 : index
    %swap3A_1267 = tpu.vector_load %arg9[%swap3A_1266] {strides = array<i32>} : memref<8640xf32, #tpu.memory_space<vmem>>, vector<16xf32>,
    %swap3A_1268 = vector.shape_cast %swap3A_1267 : vector<16xf32> to vector<16xf32>
    %swap3A_1269 = vector.shape_cast %broadcast_in_dim3A_2 : vector<16xf32> to vector<16xf32>
    tpu.vector_store %arg9[%swap3A_1266], %swap3A_1269 {strides = array<i32>} : memref<8640xf32, #tpu.memory_space<vmem>>, vector<16xf32>,
    %swap3A_1270 = arith.constant 3024 : index
    %swap3A_1271 = tpu.vector_load %arg9[%swap3A_1270] {strides = array<i32>} : memref<8640xf32, #tpu.memory_space<vmem>>, vector<16xf32>,
    %swap3A_1272 = vector.shape_cast %swap3A_1271 : vector<16xf32> to vector<16xf32>
    %swap3A_1273 = vector.shape_cast %broadcast_in_dim3A_2 : vector<16xf32> to vector<16xf32>
    tpu.vector_store %arg9[%swap3A_1270], %swap3A_1273 {strides = array<i32>} : memref<8640xf32, #tpu.memory_space<vmem>>, vector<16xf32>,
    %swap3A_1274 = arith.constant 3040 : index
    %swap3A_1275 = tpu.vector_load %arg9[%swap3A_1274] {strides = array<i32>} : memref<8640xf32, #tpu.memory_space<vmem>>, vector<16xf32>,
    %swap3A_1276 = vector.shape_cast %swap3A_1275 : vector<16xf32> to vector<16xf32>
    %swap3A_1277 = vector.shape_cast %broadcast_in_dim3A_2 : vector<16xf32> to vector<16xf32>
    tpu.vector_store %arg9[%swap3A_1274], %swap3A_1277 {strides = array<i32>} : memref<8640xf32, #tpu.memory_space<vmem>>, vector<16xf32>,
    %swap3A_1278 = arith.constant 3056 : index
    %swap3A_1279 = tpu.vector_load %arg9[%swap3A_1278] {strides = array<i32>} : memref<8640xf32, #tpu.memory_space<vmem>>, vector<16xf32>,
    %swap3A_1280 = vector.shape_cast %swap3A_1279 : vector<16xf32> to vector<16xf32>
    %swap3A_1281 = vector.shape_cast %broadcast_in_dim3A_2 : vector<16xf32> to vector<16xf32>
    tpu.vector_store %arg9[%swap3A_1278], %swap3A_1281 {strides = array<i32>} : memref<8640xf32, #tpu.memory_space<vmem>>, vector<16xf32>,
    %swap3A_1282 = arith.constant 3072 : index
    %swap3A_1283 = tpu.vector_load %arg9[%swap3A_1282] {strides = array<i32>} : memref<8640xf32, #tpu.memory_space<vmem>>, vector<16xf32>,
    %swap3A_1284 = vector.shape_cast %swap3A_1283 : vector<16xf32> to vector<16xf32>
    %swap3A_1285 = vector.shape_cast %broadcast_in_dim3A_2 : vector<16xf32> to vector<16xf32>
    tpu.vector_store %arg9[%swap3A_1282], %swap3A_1285 {strides = array<i32>} : memref<8640xf32, #tpu.memory_space<vmem>>, vector<16xf32>,
    %swap3A_1286 = arith.constant 3088 : index
    %swap3A_1287 = tpu.vector_load %arg9[%swap3A_1286] {strides = array<i32>} : memref<8640xf32, #tpu.memory_space<vmem>>, vector<16xf32>,
    %swap3A_1288 = vector.shape_cast %swap3A_1287 : vector<16xf32> to vector<16xf32>
    %swap3A_1289 = vector.shape_cast %broadcast_in_dim3A_2 : vector<16xf32> to vector<16xf32>
    tpu.vector_store %arg9[%swap3A_1286], %swap3A_1289 {strides = array<i32>} : memref<8640xf32, #tpu.memory_space<vmem>>, vector<16xf32>,
    %swap3A_1290 = arith.constant 3104 : index
    %swap3A_1291 = tpu.vector_load %arg9[%swap3A_1290] {strides = array<i32>} : memref<8640xf32, #tpu.memory_space<vmem>>, vector<16xf32>,
    %swap3A_1292 = vector.shape_cast %swap3A_1291 : vector<16xf32> to vector<16xf32>
    %swap3A_1293 = vector.shape_cast %broadcast_in_dim3A_2 : vector<16xf32> to vector<16xf32>
    tpu.vector_store %arg9[%swap3A_1290], %swap3A_1293 {strides = array<i32>} : memref<8640xf32, #tpu.memory_space<vmem>>, vector<16xf32>,
    %swap3A_1294 = arith.constant 3120 : index
    %swap3A_1295 = tpu.vector_load %arg9[%swap3A_1294] {strides = array<i32>} : memref<8640xf32, #tpu.memory_space<vmem>>, vector<16xf32>,
    %swap3A_1296 = vector.shape_cast %swap3A_1295 : vector<16xf32> to vector<16xf32>
    %swap3A_1297 = vector.shape_cast %broadcast_in_dim3A_2 : vector<16xf32> to vector<16xf32>
    tpu.vector_store %arg9[%swap3A_1294], %swap3A_1297 {strides = array<i32>} : memref<8640xf32, #tpu.memory_space<vmem>>, vector<16xf32>,
    %swap3A_1298 = arith.constant 3136 : index
    %swap3A_1299 = tpu.vector_load %arg9[%swap3A_1298] {strides = array<i32>} : memref<8640xf32, #tpu.memory_space<vmem>>, vector<16xf32>,
    %swap3A_1300 = vector.shape_cast %swap3A_1299 : vector<16xf32> to vector<16xf32>
    %swap3A_1301 = vector.shape_cast %broadcast_in_dim3A_2 : vector<16xf32> to vector<16xf32>
    tpu.vector_store %arg9[%swap3A_1298], %swap3A_1301 {strides = array<i32>} : memref<8640xf32, #tpu.memory_space<vmem>>, vector<16xf32>,
    %swap3A_1302 = arith.constant 3152 : index
    %swap3A_1303 = tpu.vector_load %arg9[%swap3A_1302] {strides = array<i32>} : memref<8640xf32, #tpu.memory_space<vmem>>, vector<16xf32>,
    %swap3A_1304 = vector.shape_cast %swap3A_1303 : vector<16xf32> to vector<16xf32>
    %swap3A_1305 = vector.shape_cast %broadcast_in_dim3A_2 : vector<16xf32> to vector<16xf32>
    tpu.vector_store %arg9[%swap3A_1302], %swap3A_1305 {strides = array<i32>} : memref<8640xf32, #tpu.memory_space<vmem>>, vector<16xf32>,
    %swap3A_1306 = arith.constant 3168 : index
    %swap3A_1307 = tpu.vector_load %arg9[%swap3A_1306] {strides = array<i32>} : memref<8640xf32, #tpu.memory_space<vmem>>, vector<16xf32>,
    %swap3A_1308 = vector.shape_cast %swap3A_1307 : vector<16xf32> to vector<16xf32>
    %swap3A_1309 = vector.shape_cast %broadcast_in_dim3A_2 : vector<16xf32> to vector<16xf32>
    tpu.vector_store %arg9[%swap3A_1306], %swap3A_1309 {strides = array<i32>} : memref<8640xf32, #tpu.memory_space<vmem>>, vector<16xf32>,
    %swap3A_1310 = arith.constant 3184 : index
    %swap3A_1311 = tpu.vector_load %arg9[%swap3A_1310] {strides = array<i32>} : memref<8640xf32, #tpu.memory_space<vmem>>, vector<16xf32>,
    %swap3A_1312 = vector.shape_cast %swap3A_1311 : vector<16xf32> to vector<16xf32>
    %swap3A_1313 = vector.shape_cast %broadcast_in_dim3A_2 : vector<16xf32> to vector<16xf32>
    tpu.vector_store %arg9[%swap3A_1310], %swap3A_1313 {strides = array<i32>} : memref<8640xf32, #tpu.memory_space<vmem>>, vector<16xf32>,
    %swap3A_1314 = arith.constant 3200 : index
    %swap3A_1315 = tpu.vector_load %arg9[%swap3A_1314] {strides = array<i32>} : memref<8640xf32, #tpu.memory_space<vmem>>, vector<16xf32>,
    %swap3A_1316 = vector.shape_cast %swap3A_1315 : vector<16xf32> to vector<16xf32>
    %swap3A_1317 = vector.shape_cast %broadcast_in_dim3A_2 : vector<16xf32> to vector<16xf32>
    tpu.vector_store %arg9[%swap3A_1314], %swap3A_1317 {strides = array<i32>} : memref<8640xf32, #tpu.memory_space<vmem>>, vector<16xf32>,
    %swap3A_1318 = arith.constant 3216 : index
    %swap3A_1319 = tpu.vector_load %arg9[%swap3A_1318] {strides = array<i32>} : memref<8640xf32, #tpu.memory_space<vmem>>, vector<16xf32>,
    %swap3A_1320 = vector.shape_cast %swap3A_1319 : vector<16xf32> to vector<16xf32>
    %swap3A_1321 = vector.shape_cast %broadcast_in_dim3A_2 : vector<16xf32> to vector<16xf32>
    tpu.vector_store %arg9[%swap3A_1318], %swap3A_1321 {strides = array<i32>} : memref<8640xf32, #tpu.memory_space<vmem>>, vector<16xf32>,
    %swap3A_1322 = arith.constant 3232 : index
    %swap3A_1323 = tpu.vector_load %arg9[%swap3A_1322] {strides = array<i32>} : memref<8640xf32, #tpu.memory_space<vmem>>, vector<16xf32>,
    %swap3A_1324 = vector.shape_cast %swap3A_1323 : vector<16xf32> to vector<16xf32>
    %swap3A_1325 = vector.shape_cast %broadcast_in_dim3A_2 : vector<16xf32> to vector<16xf32>
    tpu.vector_store %arg9[%swap3A_1322], %swap3A_1325 {strides = array<i32>} : memref<8640xf32, #tpu.memory_space<vmem>>, vector<16xf32>,
    %swap3A_1326 = arith.constant 3248 : index
    %swap3A_1327 = tpu.vector_load %arg9[%swap3A_1326] {strides = array<i32>} : memref<8640xf32, #tpu.memory_space<vmem>>, vector<16xf32>,
    %swap3A_1328 = vector.shape_cast %swap3A_1327 : vector<16xf32> to vector<16xf32>
    %swap3A_1329 = vector.shape_cast %broadcast_in_dim3A_2 : vector<16xf32> to vector<16xf32>
    tpu.vector_store %arg9[%swap3A_1326], %swap3A_1329 {strides = array<i32>} : memref<8640xf32, #tpu.memory_space<vmem>>, vector<16xf32>,
    %swap3A_1330 = arith.constant 3264 : index
    %swap3A_1331 = tpu.vector_load %arg9[%swap3A_1330] {strides = array<i32>} : memref<8640xf32, #tpu.memory_space<vmem>>, vector<16xf32>,
    %swap3A_1332 = vector.shape_cast %swap3A_1331 : vector<16xf32> to vector<16xf32>
    %swap3A_1333 = vector.shape_cast %broadcast_in_dim3A_2 : vector<16xf32> to vector<16xf32>
    tpu.vector_store %arg9[%swap3A_1330], %swap3A_1333 {strides = array<i32>} : memref<8640xf32, #tpu.memory_space<vmem>>, vector<16xf32>,
    %swap3A_1334 = arith.constant 3280 : index
    %swap3A_1335 = tpu.vector_load %arg9[%swap3A_1334] {strides = array<i32>} : memref<8640xf32, #tpu.memory_space<vmem>>, vector<16xf32>,
    %swap3A_1336 = vector.shape_cast %swap3A_1335 : vector<16xf32> to vector<16xf32>
    %swap3A_1337 = vector.shape_cast %broadcast_in_dim3A_2 : vector<16xf32> to vector<16xf32>
    tpu.vector_store %arg9[%swap3A_1334], %swap3A_1337 {strides = array<i32>} : memref<8640xf32, #tpu.memory_space<vmem>>, vector<16xf32>,
    %swap3A_1338 = arith.constant 3296 : index
    %swap3A_1339 = tpu.vector_load %arg9[%swap3A_1338] {strides = array<i32>} : memref<8640xf32, #tpu.memory_space<vmem>>, vector<16xf32>,
    %swap3A_1340 = vector.shape_cast %swap3A_1339 : vector<16xf32> to vector<16xf32>
    %swap3A_1341 = vector.shape_cast %broadcast_in_dim3A_2 : vector<16xf32> to vector<16xf32>
    tpu.vector_store %arg9[%swap3A_1338], %swap3A_1341 {strides = array<i32>} : memref<8640xf32, #tpu.memory_space<vmem>>, vector<16xf32>,
    %swap3A_1342 = arith.constant 3312 : index
    %swap3A_1343 = tpu.vector_load %arg9[%swap3A_1342] {strides = array<i32>} : memref<8640xf32, #tpu.memory_space<vmem>>, vector<16xf32>,
    %swap3A_1344 = vector.shape_cast %swap3A_1343 : vector<16xf32> to vector<16xf32>
    %swap3A_1345 = vector.shape_cast %broadcast_in_dim3A_2 : vector<16xf32> to vector<16xf32>
    tpu.vector_store %arg9[%swap3A_1342], %swap3A_1345 {strides = array<i32>} : memref<8640xf32, #tpu.memory_space<vmem>>, vector<16xf32>,
    %swap3A_1346 = arith.constant 3328 : index
    %swap3A_1347 = tpu.vector_load %arg9[%swap3A_1346] {strides = array<i32>} : memref<8640xf32, #tpu.memory_space<vmem>>, vector<16xf32>,
    %swap3A_1348 = vector.shape_cast %swap3A_1347 : vector<16xf32> to vector<16xf32>
    %swap3A_1349 = vector.shape_cast %broadcast_in_dim3A_2 : vector<16xf32> to vector<16xf32>
    tpu.vector_store %arg9[%swap3A_1346], %swap3A_1349 {strides = array<i32>} : memref<8640xf32, #tpu.memory_space<vmem>>, vector<16xf32>,
    %swap3A_1350 = arith.constant 3344 : index
    %swap3A_1351 = tpu.vector_load %arg9[%swap3A_1350] {strides = array<i32>} : memref<8640xf32, #tpu.memory_space<vmem>>, vector<16xf32>,
    %swap3A_1352 = vector.shape_cast %swap3A_1351 : vector<16xf32> to vector<16xf32>
    %swap3A_1353 = vector.shape_cast %broadcast_in_dim3A_2 : vector<16xf32> to vector<16xf32>
    tpu.vector_store %arg9[%swap3A_1350], %swap3A_1353 {strides = array<i32>} : memref<8640xf32, #tpu.memory_space<vmem>>, vector<16xf32>,
    %swap3A_1354 = arith.constant 3360 : index
    %swap3A_1355 = tpu.vector_load %arg9[%swap3A_1354] {strides = array<i32>} : memref<8640xf32, #tpu.memory_space<vmem>>, vector<16xf32>,
    %swap3A_1356 = vector.shape_cast %swap3A_1355 : vector<16xf32> to vector<16xf32>
    %swap3A_1357 = vector.shape_cast %broadcast_in_dim3A_2 : vector<16xf32> to vector<16xf32>
    tpu.vector_store %arg9[%swap3A_1354], %swap3A_1357 {strides = array<i32>} : memref<8640xf32, #tpu.memory_space<vmem>>, vector<16xf32>,
    %swap3A_1358 = arith.constant 3376 : index
    %swap3A_1359 = tpu.vector_load %arg9[%swap3A_1358] {strides = array<i32>} : memref<8640xf32, #tpu.memory_space<vmem>>, vector<16xf32>,
    %swap3A_1360 = vector.shape_cast %swap3A_1359 : vector<16xf32> to vector<16xf32>
    %swap3A_1361 = vector.shape_cast %broadcast_in_dim3A_2 : vector<16xf32> to vector<16xf32>
    tpu.vector_store %arg9[%swap3A_1358], %swap3A_1361 {strides = array<i32>} : memref<8640xf32, #tpu.memory_space<vmem>>, vector<16xf32>,
    %swap3A_1362 = arith.constant 3392 : index
    %swap3A_1363 = tpu.vector_load %arg9[%swap3A_1362] {strides = array<i32>} : memref<8640xf32, #tpu.memory_space<vmem>>, vector<16xf32>,
    %swap3A_1364 = vector.shape_cast %swap3A_1363 : vector<16xf32> to vector<16xf32>
    %swap3A_1365 = vector.shape_cast %broadcast_in_dim3A_2 : vector<16xf32> to vector<16xf32>
    tpu.vector_store %arg9[%swap3A_1362], %swap3A_1365 {strides = array<i32>} : memref<8640xf32, #tpu.memory_space<vmem>>, vector<16xf32>,
    %swap3A_1366 = arith.constant 3408 : index
    %swap3A_1367 = tpu.vector_load %arg9[%swap3A_1366] {strides = array<i32>} : memref<8640xf32, #tpu.memory_space<vmem>>, vector<16xf32>,
    %swap3A_1368 = vector.shape_cast %swap3A_1367 : vector<16xf32> to vector<16xf32>
    %swap3A_1369 = vector.shape_cast %broadcast_in_dim3A_2 : vector<16xf32> to vector<16xf32>
    tpu.vector_store %arg9[%swap3A_1366], %swap3A_1369 {strides = array<i32>} : memref<8640xf32, #tpu.memory_space<vmem>>, vector<16xf32>,
    %swap3A_1370 = arith.constant 3424 : index
    %swap3A_1371 = tpu.vector_load %arg9[%swap3A_1370] {strides = array<i32>} : memref<8640xf32, #tpu.memory_space<vmem>>, vector<16xf32>,
    %swap3A_1372 = vector.shape_cast %swap3A_1371 : vector<16xf32> to vector<16xf32>
    %swap3A_1373 = vector.shape_cast %broadcast_in_dim3A_2 : vector<16xf32> to vector<16xf32>
    tpu.vector_store %arg9[%swap3A_1370], %swap3A_1373 {strides = array<i32>} : memref<8640xf32, #tpu.memory_space<vmem>>, vector<16xf32>,
    %swap3A_1374 = arith.constant 3440 : index
    %swap3A_1375 = tpu.vector_load %arg9[%swap3A_1374] {strides = array<i32>} : memref<8640xf32, #tpu.memory_space<vmem>>, vector<16xf32>,
    %swap3A_1376 = vector.shape_cast %swap3A_1375 : vector<16xf32> to vector<16xf32>
    %swap3A_1377 = vector.shape_cast %broadcast_in_dim3A_2 : vector<16xf32> to vector<16xf32>
    tpu.vector_store %arg9[%swap3A_1374], %swap3A_1377 {strides = array<i32>} : memref<8640xf32, #tpu.memory_space<vmem>>, vector<16xf32>,
    %swap3A_1378 = arith.constant 3456 : index
    %swap3A_1379 = tpu.vector_load %arg9[%swap3A_1378] {strides = array<i32>} : memref<8640xf32, #tpu.memory_space<vmem>>, vector<16xf32>,
    %swap3A_1380 = vector.shape_cast %swap3A_1379 : vector<16xf32> to vector<16xf32>
    %swap3A_1381 = vector.shape_cast %broadcast_in_dim3A_2 : vector<16xf32> to vector<16xf32>
    tpu.vector_store %arg9[%swap3A_1378], %swap3A_1381 {strides = array<i32>} : memref<8640xf32, #tpu.memory_space<vmem>>, vector<16xf32>,
    %swap3A_1382 = arith.constant 3472 : index
    %swap3A_1383 = tpu.vector_load %arg9[%swap3A_1382] {strides = array<i32>} : memref<8640xf32, #tpu.memory_space<vmem>>, vector<16xf32>,
    %swap3A_1384 = vector.shape_cast %swap3A_1383 : vector<16xf32> to vector<16xf32>
    %swap3A_1385 = vector.shape_cast %broadcast_in_dim3A_2 : vector<16xf32> to vector<16xf32>
    tpu.vector_store %arg9[%swap3A_1382], %swap3A_1385 {strides = array<i32>} : memref<8640xf32, #tpu.memory_space<vmem>>, vector<16xf32>,
    %swap3A_1386 = arith.constant 3488 : index
    %swap3A_1387 = tpu.vector_load %arg9[%swap3A_1386] {strides = array<i32>} : memref<8640xf32, #tpu.memory_space<vmem>>, vector<16xf32>,
    %swap3A_1388 = vector.shape_cast %swap3A_1387 : vector<16xf32> to vector<16xf32>
    %swap3A_1389 = vector.shape_cast %broadcast_in_dim3A_2 : vector<16xf32> to vector<16xf32>
    tpu.vector_store %arg9[%swap3A_1386], %swap3A_1389 {strides = array<i32>} : memref<8640xf32, #tpu.memory_space<vmem>>, vector<16xf32>,
    %swap3A_1390 = arith.constant 3504 : index
    %swap3A_1391 = tpu.vector_load %arg9[%swap3A_1390] {strides = array<i32>} : memref<8640xf32, #tpu.memory_space<vmem>>, vector<16xf32>,
    %swap3A_1392 = vector.shape_cast %swap3A_1391 : vector<16xf32> to vector<16xf32>
    %swap3A_1393 = vector.shape_cast %broadcast_in_dim3A_2 : vector<16xf32> to vector<16xf32>
    tpu.vector_store %arg9[%swap3A_1390], %swap3A_1393 {strides = array<i32>} : memref<8640xf32, #tpu.memory_space<vmem>>, vector<16xf32>,
    %swap3A_1394 = arith.constant 3520 : index
    %swap3A_1395 = tpu.vector_load %arg9[%swap3A_1394] {strides = array<i32>} : memref<8640xf32, #tpu.memory_space<vmem>>, vector<16xf32>,
    %swap3A_1396 = vector.shape_cast %swap3A_1395 : vector<16xf32> to vector<16xf32>
    %swap3A_1397 = vector.shape_cast %broadcast_in_dim3A_2 : vector<16xf32> to vector<16xf32>
    tpu.vector_store %arg9[%swap3A_1394], %swap3A_1397 {strides = array<i32>} : memref<8640xf32, #tpu.memory_space<vmem>>, vector<16xf32>,
    %swap3A_1398 = arith.constant 3536 : index
    %swap3A_1399 = tpu.vector_load %arg9[%swap3A_1398] {strides = array<i32>} : memref<8640xf32, #tpu.memory_space<vmem>>, vector<16xf32>,
    %swap3A_1400 = vector.shape_cast %swap3A_1399 : vector<16xf32> to vector<16xf32>
    %swap3A_1401 = vector.shape_cast %broadcast_in_dim3A_2 : vector<16xf32> to vector<16xf32>
    tpu.vector_store %arg9[%swap3A_1398], %swap3A_1401 {strides = array<i32>} : memref<8640xf32, #tpu.memory_space<vmem>>, vector<16xf32>,
    %swap3A_1402 = arith.constant 3552 : index
    %swap3A_1403 = tpu.vector_load %arg9[%swap3A_1402] {strides = array<i32>} : memref<8640xf32, #tpu.memory_space<vmem>>, vector<16xf32>,
    %swap3A_1404 = vector.shape_cast %swap3A_1403 : vector<16xf32> to vector<16xf32>
    %swap3A_1405 = vector.shape_cast %broadcast_in_dim3A_2 : vector<16xf32> to vector<16xf32>
    tpu.vector_store %arg9[%swap3A_1402], %swap3A_1405 {strides = array<i32>} : memref<8640xf32, #tpu.memory_space<vmem>>, vector<16xf32>,
    %swap3A_1406 = arith.constant 3568 : index
    %swap3A_1407 = tpu.vector_load %arg9[%swap3A_1406] {strides = array<i32>} : memref<8640xf32, #tpu.memory_space<vmem>>, vector<16xf32>,
    %swap3A_1408 = vector.shape_cast %swap3A_1407 : vector<16xf32> to vector<16xf32>
    %swap3A_1409 = vector.shape_cast %broadcast_in_dim3A_2 : vector<16xf32> to vector<16xf32>
    tpu.vector_store %arg9[%swap3A_1406], %swap3A_1409 {strides = array<i32>} : memref<8640xf32, #tpu.memory_space<vmem>>, vector<16xf32>,
    %swap3A_1410 = arith.constant 3584 : index
    %swap3A_1411 = tpu.vector_load %arg9[%swap3A_1410] {strides = array<i32>} : memref<8640xf32, #tpu.memory_space<vmem>>, vector<16xf32>,
    %swap3A_1412 = vector.shape_cast %swap3A_1411 : vector<16xf32> to vector<16xf32>
    %swap3A_1413 = vector.shape_cast %broadcast_in_dim3A_2 : vector<16xf32> to vector<16xf32>
    tpu.vector_store %arg9[%swap3A_1410], %swap3A_1413 {strides = array<i32>} : memref<8640xf32, #tpu.memory_space<vmem>>, vector<16xf32>,
    %swap3A_1414 = arith.constant 3600 : index
    %swap3A_1415 = tpu.vector_load %arg9[%swap3A_1414] {strides = array<i32>} : memref<8640xf32, #tpu.memory_space<vmem>>, vector<16xf32>,
    %swap3A_1416 = vector.shape_cast %swap3A_1415 : vector<16xf32> to vector<16xf32>
    %swap3A_1417 = vector.shape_cast %broadcast_in_dim3A_2 : vector<16xf32> to vector<16xf32>
    tpu.vector_store %arg9[%swap3A_1414], %swap3A_1417 {strides = array<i32>} : memref<8640xf32, #tpu.memory_space<vmem>>, vector<16xf32>,
    %swap3A_1418 = arith.constant 3616 : index
    %swap3A_1419 = tpu.vector_load %arg9[%swap3A_1418] {strides = array<i32>} : memref<8640xf32, #tpu.memory_space<vmem>>, vector<16xf32>,
    %swap3A_1420 = vector.shape_cast %swap3A_1419 : vector<16xf32> to vector<16xf32>
    %swap3A_1421 = vector.shape_cast %broadcast_in_dim3A_2 : vector<16xf32> to vector<16xf32>
    tpu.vector_store %arg9[%swap3A_1418], %swap3A_1421 {strides = array<i32>} : memref<8640xf32, #tpu.memory_space<vmem>>, vector<16xf32>,
    %swap3A_1422 = arith.constant 3632 : index
    %swap3A_1423 = tpu.vector_load %arg9[%swap3A_1422] {strides = array<i32>} : memref<8640xf32, #tpu.memory_space<vmem>>, vector<16xf32>,
    %swap3A_1424 = vector.shape_cast %swap3A_1423 : vector<16xf32> to vector<16xf32>
    %swap3A_1425 = vector.shape_cast %broadcast_in_dim3A_2 : vector<16xf32> to vector<16xf32>
    tpu.vector_store %arg9[%swap3A_1422], %swap3A_1425 {strides = array<i32>} : memref<8640xf32, #tpu.memory_space<vmem>>, vector<16xf32>,
    %swap3A_1426 = arith.constant 3648 : index
    %swap3A_1427 = tpu.vector_load %arg9[%swap3A_1426] {strides = array<i32>} : memref<8640xf32, #tpu.memory_space<vmem>>, vector<16xf32>,
    %swap3A_1428 = vector.shape_cast %swap3A_1427 : vector<16xf32> to vector<16xf32>
    %swap3A_1429 = vector.shape_cast %broadcast_in_dim3A_2 : vector<16xf32> to vector<16xf32>
    tpu.vector_store %arg9[%swap3A_1426], %swap3A_1429 {strides = array<i32>} : memref<8640xf32, #tpu.memory_space<vmem>>, vector<16xf32>,
    %swap3A_1430 = arith.constant 3664 : index
    %swap3A_1431 = tpu.vector_load %arg9[%swap3A_1430] {strides = array<i32>} : memref<8640xf32, #tpu.memory_space<vmem>>, vector<16xf32>,
    %swap3A_1432 = vector.shape_cast %swap3A_1431 : vector<16xf32> to vector<16xf32>
    %swap3A_1433 = vector.shape_cast %broadcast_in_dim3A_2 : vector<16xf32> to vector<16xf32>
    tpu.vector_store %arg9[%swap3A_1430], %swap3A_1433 {strides = array<i32>} : memref<8640xf32, #tpu.memory_space<vmem>>, vector<16xf32>,
    %swap3A_1434 = arith.constant 3680 : index
    %swap3A_1435 = tpu.vector_load %arg9[%swap3A_1434] {strides = array<i32>} : memref<8640xf32, #tpu.memory_space<vmem>>, vector<16xf32>,
    %swap3A_1436 = vector.shape_cast %swap3A_1435 : vector<16xf32> to vector<16xf32>
    %swap3A_1437 = vector.shape_cast %broadcast_in_dim3A_2 : vector<16xf32> to vector<16xf32>
    tpu.vector_store %arg9[%swap3A_1434], %swap3A_1437 {strides = array<i32>} : memref<8640xf32, #tpu.memory_space<vmem>>, vector<16xf32>,
    %swap3A_1438 = arith.constant 3696 : index
    %swap3A_1439 = tpu.vector_load %arg9[%swap3A_1438] {strides = array<i32>} : memref<8640xf32, #tpu.memory_space<vmem>>, vector<16xf32>,
    %swap3A_1440 = vector.shape_cast %swap3A_1439 : vector<16xf32> to vector<16xf32>
    %swap3A_1441 = vector.shape_cast %broadcast_in_dim3A_2 : vector<16xf32> to vector<16xf32>
    tpu.vector_store %arg9[%swap3A_1438], %swap3A_1441 {strides = array<i32>} : memref<8640xf32, #tpu.memory_space<vmem>>, vector<16xf32>,
    %swap3A_1442 = arith.constant 3712 : index
    %swap3A_1443 = tpu.vector_load %arg9[%swap3A_1442] {strides = array<i32>} : memref<8640xf32, #tpu.memory_space<vmem>>, vector<16xf32>,
    %swap3A_1444 = vector.shape_cast %swap3A_1443 : vector<16xf32> to vector<16xf32>
    %swap3A_1445 = vector.shape_cast %broadcast_in_dim3A_2 : vector<16xf32> to vector<16xf32>
    tpu.vector_store %arg9[%swap3A_1442], %swap3A_1445 {strides = array<i32>} : memref<8640xf32, #tpu.memory_space<vmem>>, vector<16xf32>,
    %swap3A_1446 = arith.constant 3728 : index
    %swap3A_1447 = tpu.vector_load %arg9[%swap3A_1446] {strides = array<i32>} : memref<8640xf32, #tpu.memory_space<vmem>>, vector<16xf32>,
    %swap3A_1448 = vector.shape_cast %swap3A_1447 : vector<16xf32> to vector<16xf32>
    %swap3A_1449 = vector.shape_cast %broadcast_in_dim3A_2 : vector<16xf32> to vector<16xf32>
    tpu.vector_store %arg9[%swap3A_1446], %swap3A_1449 {strides = array<i32>} : memref<8640xf32, #tpu.memory_space<vmem>>, vector<16xf32>,
    %swap3A_1450 = arith.constant 3744 : index
    %swap3A_1451 = tpu.vector_load %arg9[%swap3A_1450] {strides = array<i32>} : memref<8640xf32, #tpu.memory_space<vmem>>, vector<16xf32>,
    %swap3A_1452 = vector.shape_cast %swap3A_1451 : vector<16xf32> to vector<16xf32>
    %swap3A_1453 = vector.shape_cast %broadcast_in_dim3A_2 : vector<16xf32> to vector<16xf32>
    tpu.vector_store %arg9[%swap3A_1450], %swap3A_1453 {strides = array<i32>} : memref<8640xf32, #tpu.memory_space<vmem>>, vector<16xf32>,
    %swap3A_1454 = arith.constant 3760 : index
    %swap3A_1455 = tpu.vector_load %arg9[%swap3A_1454] {strides = array<i32>} : memref<8640xf32, #tpu.memory_space<vmem>>, vector<16xf32>,
    %swap3A_1456 = vector.shape_cast %swap3A_1455 : vector<16xf32> to vector<16xf32>
    %swap3A_1457 = vector.shape_cast %broadcast_in_dim3A_2 : vector<16xf32> to vector<16xf32>
    tpu.vector_store %arg9[%swap3A_1454], %swap3A_1457 {strides = array<i32>} : memref<8640xf32, #tpu.memory_space<vmem>>, vector<16xf32>,
    %swap3A_1458 = arith.constant 3776 : index
    %swap3A_1459 = tpu.vector_load %arg9[%swap3A_1458] {strides = array<i32>} : memref<8640xf32, #tpu.memory_space<vmem>>, vector<16xf32>,
    %swap3A_1460 = vector.shape_cast %swap3A_1459 : vector<16xf32> to vector<16xf32>
    %swap3A_1461 = vector.shape_cast %broadcast_in_dim3A_2 : vector<16xf32> to vector<16xf32>
    tpu.vector_store %arg9[%swap3A_1458], %swap3A_1461 {strides = array<i32>} : memref<8640xf32, #tpu.memory_space<vmem>>, vector<16xf32>,
    %swap3A_1462 = arith.constant 3792 : index
    %swap3A_1463 = tpu.vector_load %arg9[%swap3A_1462] {strides = array<i32>} : memref<8640xf32, #tpu.memory_space<vmem>>, vector<16xf32>,
    %swap3A_1464 = vector.shape_cast %swap3A_1463 : vector<16xf32> to vector<16xf32>
    %swap3A_1465 = vector.shape_cast %broadcast_in_dim3A_2 : vector<16xf32> to vector<16xf32>
    tpu.vector_store %arg9[%swap3A_1462], %swap3A_1465 {strides = array<i32>} : memref<8640xf32, #tpu.memory_space<vmem>>, vector<16xf32>,
    %swap3A_1466 = arith.constant 3808 : index
    %swap3A_1467 = tpu.vector_load %arg9[%swap3A_1466] {strides = array<i32>} : memref<8640xf32, #tpu.memory_space<vmem>>, vector<16xf32>,
    %swap3A_1468 = vector.shape_cast %swap3A_1467 : vector<16xf32> to vector<16xf32>
    %swap3A_1469 = vector.shape_cast %broadcast_in_dim3A_2 : vector<16xf32> to vector<16xf32>
    tpu.vector_store %arg9[%swap3A_1466], %swap3A_1469 {strides = array<i32>} : memref<8640xf32, #tpu.memory_space<vmem>>, vector<16xf32>,
    %swap3A_1470 = arith.constant 3824 : index
    %swap3A_1471 = tpu.vector_load %arg9[%swap3A_1470] {strides = array<i32>} : memref<8640xf32, #tpu.memory_space<vmem>>, vector<16xf32>,
    %swap3A_1472 = vector.shape_cast %swap3A_1471 : vector<16xf32> to vector<16xf32>
    %swap3A_1473 = vector.shape_cast %broadcast_in_dim3A_2 : vector<16xf32> to vector<16xf32>
    tpu.vector_store %arg9[%swap3A_1470], %swap3A_1473 {strides = array<i32>} : memref<8640xf32, #tpu.memory_space<vmem>>, vector<16xf32>,
    %swap3A_1474 = arith.constant 3840 : index
    %swap3A_1475 = tpu.vector_load %arg9[%swap3A_1474] {strides = array<i32>} : memref<8640xf32, #tpu.memory_space<vmem>>, vector<16xf32>,
    %swap3A_1476 = vector.shape_cast %swap3A_1475 : vector<16xf32> to vector<16xf32>
    %swap3A_1477 = vector.shape_cast %broadcast_in_dim3A_2 : vector<16xf32> to vector<16xf32>
    tpu.vector_store %arg9[%swap3A_1474], %swap3A_1477 {strides = array<i32>} : memref<8640xf32, #tpu.memory_space<vmem>>, vector<16xf32>,
    %swap3A_1478 = arith.constant 3856 : index
    %swap3A_1479 = tpu.vector_load %arg9[%swap3A_1478] {strides = array<i32>} : memref<8640xf32, #tpu.memory_space<vmem>>, vector<16xf32>,
    %swap3A_1480 = vector.shape_cast %swap3A_1479 : vector<16xf32> to vector<16xf32>
    %swap3A_1481 = vector.shape_cast %broadcast_in_dim3A_2 : vector<16xf32> to vector<16xf32>
    tpu.vector_store %arg9[%swap3A_1478], %swap3A_1481 {strides = array<i32>} : memref<8640xf32, #tpu.memory_space<vmem>>, vector<16xf32>,
    %swap3A_1482 = arith.constant 3872 : index
    %swap3A_1483 = tpu.vector_load %arg9[%swap3A_1482] {strides = array<i32>} : memref<8640xf32, #tpu.memory_space<vmem>>, vector<16xf32>,
    %swap3A_1484 = vector.shape_cast %swap3A_1483 : vector<16xf32> to vector<16xf32>
    %swap3A_1485 = vector.shape_cast %broadcast_in_dim3A_2 : vector<16xf32> to vector<16xf32>
    tpu.vector_store %arg9[%swap3A_1482], %swap3A_1485 {strides = array<i32>} : memref<8640xf32, #tpu.memory_space<vmem>>, vector<16xf32>,
    %swap3A_1486 = arith.constant 3888 : index
    %swap3A_1487 = tpu.vector_load %arg9[%swap3A_1486] {strides = array<i32>} : memref<8640xf32, #tpu.memory_space<vmem>>, vector<16xf32>,
    %swap3A_1488 = vector.shape_cast %swap3A_1487 : vector<16xf32> to vector<16xf32>
    %swap3A_1489 = vector.shape_cast %broadcast_in_dim3A_2 : vector<16xf32> to vector<16xf32>
    tpu.vector_store %arg9[%swap3A_1486], %swap3A_1489 {strides = array<i32>} : memref<8640xf32, #tpu.memory_space<vmem>>, vector<16xf32>,
    %swap3A_1490 = arith.constant 3904 : index
    %swap3A_1491 = tpu.vector_load %arg9[%swap3A_1490] {strides = array<i32>} : memref<8640xf32, #tpu.memory_space<vmem>>, vector<16xf32>,
    %swap3A_1492 = vector.shape_cast %swap3A_1491 : vector<16xf32> to vector<16xf32>
    %swap3A_1493 = vector.shape_cast %broadcast_in_dim3A_2 : vector<16xf32> to vector<16xf32>
    tpu.vector_store %arg9[%swap3A_1490], %swap3A_1493 {strides = array<i32>} : memref<8640xf32, #tpu.memory_space<vmem>>, vector<16xf32>,
    %swap3A_1494 = arith.constant 3920 : index
    %swap3A_1495 = tpu.vector_load %arg9[%swap3A_1494] {strides = array<i32>} : memref<8640xf32, #tpu.memory_space<vmem>>, vector<16xf32>,
    %swap3A_1496 = vector.shape_cast %swap3A_1495 : vector<16xf32> to vector<16xf32>
    %swap3A_1497 = vector.shape_cast %broadcast_in_dim3A_2 : vector<16xf32> to vector<16xf32>
    tpu.vector_store %arg9[%swap3A_1494], %swap3A_1497 {strides = array<i32>} : memref<8640xf32, #tpu.memory_space<vmem>>, vector<16xf32>,
    %swap3A_1498 = arith.constant 3936 : index
    %swap3A_1499 = tpu.vector_load %arg9[%swap3A_1498] {strides = array<i32>} : memref<8640xf32, #tpu.memory_space<vmem>>, vector<16xf32>,
    %swap3A_1500 = vector.shape_cast %swap3A_1499 : vector<16xf32> to vector<16xf32>
    %swap3A_1501 = vector.shape_cast %broadcast_in_dim3A_2 : vector<16xf32> to vector<16xf32>
    tpu.vector_store %arg9[%swap3A_1498], %swap3A_1501 {strides = array<i32>} : memref<8640xf32, #tpu.memory_space<vmem>>, vector<16xf32>,
    %swap3A_1502 = arith.constant 3952 : index
    %swap3A_1503 = tpu.vector_load %arg9[%swap3A_1502] {strides = array<i32>} : memref<8640xf32, #tpu.memory_space<vmem>>, vector<16xf32>,
    %swap3A_1504 = vector.shape_cast %swap3A_1503 : vector<16xf32> to vector<16xf32>
    %swap3A_1505 = vector.shape_cast %broadcast_in_dim3A_2 : vector<16xf32> to vector<16xf32>
    tpu.vector_store %arg9[%swap3A_1502], %swap3A_1505 {strides = array<i32>} : memref<8640xf32, #tpu.memory_space<vmem>>, vector<16xf32>,
    %swap3A_1506 = arith.constant 3968 : index
    %swap3A_1507 = tpu.vector_load %arg9[%swap3A_1506] {strides = array<i32>} : memref<8640xf32, #tpu.memory_space<vmem>>, vector<16xf32>,
    %swap3A_1508 = vector.shape_cast %swap3A_1507 : vector<16xf32> to vector<16xf32>
    %swap3A_1509 = vector.shape_cast %broadcast_in_dim3A_2 : vector<16xf32> to vector<16xf32>
    tpu.vector_store %arg9[%swap3A_1506], %swap3A_1509 {strides = array<i32>} : memref<8640xf32, #tpu.memory_space<vmem>>, vector<16xf32>,
    %swap3A_1510 = arith.constant 3984 : index
    %swap3A_1511 = tpu.vector_load %arg9[%swap3A_1510] {strides = array<i32>} : memref<8640xf32, #tpu.memory_space<vmem>>, vector<16xf32>,
    %swap3A_1512 = vector.shape_cast %swap3A_1511 : vector<16xf32> to vector<16xf32>
    %swap3A_1513 = vector.shape_cast %broadcast_in_dim3A_2 : vector<16xf32> to vector<16xf32>
    tpu.vector_store %arg9[%swap3A_1510], %swap3A_1513 {strides = array<i32>} : memref<8640xf32, #tpu.memory_space<vmem>>, vector<16xf32>,
    %swap3A_1514 = arith.constant 4000 : index
    %swap3A_1515 = tpu.vector_load %arg9[%swap3A_1514] {strides = array<i32>} : memref<8640xf32, #tpu.memory_space<vmem>>, vector<16xf32>,
    %swap3A_1516 = vector.shape_cast %swap3A_1515 : vector<16xf32> to vector<16xf32>
    %swap3A_1517 = vector.shape_cast %broadcast_in_dim3A_2 : vector<16xf32> to vector<16xf32>
    tpu.vector_store %arg9[%swap3A_1514], %swap3A_1517 {strides = array<i32>} : memref<8640xf32, #tpu.memory_space<vmem>>, vector<16xf32>,
    %swap3A_1518 = arith.constant 4016 : index
    %swap3A_1519 = tpu.vector_load %arg9[%swap3A_1518] {strides = array<i32>} : memref<8640xf32, #tpu.memory_space<vmem>>, vector<16xf32>,
    %swap3A_1520 = vector.shape_cast %swap3A_1519 : vector<16xf32> to vector<16xf32>
    %swap3A_1521 = vector.shape_cast %broadcast_in_dim3A_2 : vector<16xf32> to vector<16xf32>
    tpu.vector_store %arg9[%swap3A_1518], %swap3A_1521 {strides = array<i32>} : memref<8640xf32, #tpu.memory_space<vmem>>, vector<16xf32>,
    %swap3A_1522 = arith.constant 4032 : index
    %swap3A_1523 = tpu.vector_load %arg9[%swap3A_1522] {strides = array<i32>} : memref<8640xf32, #tpu.memory_space<vmem>>, vector<16xf32>,
    %swap3A_1524 = vector.shape_cast %swap3A_1523 : vector<16xf32> to vector<16xf32>
    %swap3A_1525 = vector.shape_cast %broadcast_in_dim3A_2 : vector<16xf32> to vector<16xf32>
    tpu.vector_store %arg9[%swap3A_1522], %swap3A_1525 {strides = array<i32>} : memref<8640xf32, #tpu.memory_space<vmem>>, vector<16xf32>,
    %swap3A_1526 = arith.constant 4048 : index
    %swap3A_1527 = tpu.vector_load %arg9[%swap3A_1526] {strides = array<i32>} : memref<8640xf32, #tpu.memory_space<vmem>>, vector<16xf32>,
    %swap3A_1528 = vector.shape_cast %swap3A_1527 : vector<16xf32> to vector<16xf32>
    %swap3A_1529 = vector.shape_cast %broadcast_in_dim3A_2 : vector<16xf32> to vector<16xf32>
    tpu.vector_store %arg9[%swap3A_1526], %swap3A_1529 {strides = array<i32>} : memref<8640xf32, #tpu.memory_space<vmem>>, vector<16xf32>,
    %swap3A_1530 = arith.constant 4064 : index
    %swap3A_1531 = tpu.vector_load %arg9[%swap3A_1530] {strides = array<i32>} : memref<8640xf32, #tpu.memory_space<vmem>>, vector<16xf32>,
    %swap3A_1532 = vector.shape_cast %swap3A_1531 : vector<16xf32> to vector<16xf32>
    %swap3A_1533 = vector.shape_cast %broadcast_in_dim3A_2 : vector<16xf32> to vector<16xf32>
    tpu.vector_store %arg9[%swap3A_1530], %swap3A_1533 {strides = array<i32>} : memref<8640xf32, #tpu.memory_space<vmem>>, vector<16xf32>,
    %swap3A_1534 = arith.constant 4080 : index
    %swap3A_1535 = tpu.vector_load %arg9[%swap3A_1534] {strides = array<i32>} : memref<8640xf32, #tpu.memory_space<vmem>>, vector<16xf32>,
    %swap3A_1536 = vector.shape_cast %swap3A_1535 : vector<16xf32> to vector<16xf32>
    %swap3A_1537 = vector.shape_cast %broadcast_in_dim3A_2 : vector<16xf32> to vector<16xf32>
    tpu.vector_store %arg9[%swap3A_1534], %swap3A_1537 {strides = array<i32>} : memref<8640xf32, #tpu.memory_space<vmem>>, vector<16xf32>,
    %swap3A_1538 = arith.constant 4096 : index
    %swap3A_1539 = tpu.vector_load %arg9[%swap3A_1538] {strides = array<i32>} : memref<8640xf32, #tpu.memory_space<vmem>>, vector<16xf32>,
    %swap3A_1540 = vector.shape_cast %swap3A_1539 : vector<16xf32> to vector<16xf32>
    %swap3A_1541 = vector.shape_cast %broadcast_in_dim3A_2 : vector<16xf32> to vector<16xf32>
    tpu.vector_store %arg9[%swap3A_1538], %swap3A_1541 {strides = array<i32>} : memref<8640xf32, #tpu.memory_space<vmem>>, vector<16xf32>,
    %swap3A_1542 = arith.constant 4112 : index
    %swap3A_1543 = tpu.vector_load %arg9[%swap3A_1542] {strides = array<i32>} : memref<8640xf32, #tpu.memory_space<vmem>>, vector<16xf32>,
    %swap3A_1544 = vector.shape_cast %swap3A_1543 : vector<16xf32> to vector<16xf32>
    %swap3A_1545 = vector.shape_cast %broadcast_in_dim3A_2 : vector<16xf32> to vector<16xf32>
    tpu.vector_store %arg9[%swap3A_1542], %swap3A_1545 {strides = array<i32>} : memref<8640xf32, #tpu.memory_space<vmem>>, vector<16xf32>,
    %swap3A_1546 = arith.constant 4128 : index
    %swap3A_1547 = tpu.vector_load %arg9[%swap3A_1546] {strides = array<i32>} : memref<8640xf32, #tpu.memory_space<vmem>>, vector<16xf32>,
    %swap3A_1548 = vector.shape_cast %swap3A_1547 : vector<16xf32> to vector<16xf32>
    %swap3A_1549 = vector.shape_cast %broadcast_in_dim3A_2 : vector<16xf32> to vector<16xf32>
    tpu.vector_store %arg9[%swap3A_1546], %swap3A_1549 {strides = array<i32>} : memref<8640xf32, #tpu.memory_space<vmem>>, vector<16xf32>,
    %swap3A_1550 = arith.constant 4144 : index
    %swap3A_1551 = tpu.vector_load %arg9[%swap3A_1550] {strides = array<i32>} : memref<8640xf32, #tpu.memory_space<vmem>>, vector<16xf32>,
    %swap3A_1552 = vector.shape_cast %swap3A_1551 : vector<16xf32> to vector<16xf32>
    %swap3A_1553 = vector.shape_cast %broadcast_in_dim3A_2 : vector<16xf32> to vector<16xf32>
    tpu.vector_store %arg9[%swap3A_1550], %swap3A_1553 {strides = array<i32>} : memref<8640xf32, #tpu.memory_space<vmem>>, vector<16xf32>,
    %swap3A_1554 = arith.constant 4160 : index
    %swap3A_1555 = tpu.vector_load %arg9[%swap3A_1554] {strides = array<i32>} : memref<8640xf32, #tpu.memory_space<vmem>>, vector<16xf32>,
    %swap3A_1556 = vector.shape_cast %swap3A_1555 : vector<16xf32> to vector<16xf32>
    %swap3A_1557 = vector.shape_cast %broadcast_in_dim3A_2 : vector<16xf32> to vector<16xf32>
    tpu.vector_store %arg9[%swap3A_1554], %swap3A_1557 {strides = array<i32>} : memref<8640xf32, #tpu.memory_space<vmem>>, vector<16xf32>,
    %swap3A_1558 = arith.constant 4176 : index
    %swap3A_1559 = tpu.vector_load %arg9[%swap3A_1558] {strides = array<i32>} : memref<8640xf32, #tpu.memory_space<vmem>>, vector<16xf32>,
    %swap3A_1560 = vector.shape_cast %swap3A_1559 : vector<16xf32> to vector<16xf32>
    %swap3A_1561 = vector.shape_cast %broadcast_in_dim3A_2 : vector<16xf32> to vector<16xf32>
    tpu.vector_store %arg9[%swap3A_1558], %swap3A_1561 {strides = array<i32>} : memref<8640xf32, #tpu.memory_space<vmem>>, vector<16xf32>,
    %swap3A_1562 = arith.constant 4192 : index
    %swap3A_1563 = tpu.vector_load %arg9[%swap3A_1562] {strides = array<i32>} : memref<8640xf32, #tpu.memory_space<vmem>>, vector<16xf32>,
    %swap3A_1564 = vector.shape_cast %swap3A_1563 : vector<16xf32> to vector<16xf32>
    %swap3A_1565 = vector.shape_cast %broadcast_in_dim3A_2 : vector<16xf32> to vector<16xf32>
    tpu.vector_store %arg9[%swap3A_1562], %swap3A_1565 {strides = array<i32>} : memref<8640xf32, #tpu.memory_space<vmem>>, vector<16xf32>,
    %swap3A_1566 = arith.constant 4208 : index
    %swap3A_1567 = tpu.vector_load %arg9[%swap3A_1566] {strides = array<i32>} : memref<8640xf32, #tpu.memory_space<vmem>>, vector<16xf32>,
    %swap3A_1568 = vector.shape_cast %swap3A_1567 : vector<16xf32> to vector<16xf32>
    %swap3A_1569 = vector.shape_cast %broadcast_in_dim3A_2 : vector<16xf32> to vector<16xf32>
    tpu.vector_store %arg9[%swap3A_1566], %swap3A_1569 {strides = array<i32>} : memref<8640xf32, #tpu.memory_space<vmem>>, vector<16xf32>,
    %swap3A_1570 = arith.constant 4224 : index
    %swap3A_1571 = tpu.vector_load %arg9[%swap3A_1570] {strides = array<i32>} : memref<8640xf32, #tpu.memory_space<vmem>>, vector<16xf32>,
    %swap3A_1572 = vector.shape_cast %swap3A_1571 : vector<16xf32> to vector<16xf32>
    %swap3A_1573 = vector.shape_cast %broadcast_in_dim3A_2 : vector<16xf32> to vector<16xf32>
    tpu.vector_store %arg9[%swap3A_1570], %swap3A_1573 {strides = array<i32>} : memref<8640xf32, #tpu.memory_space<vmem>>, vector<16xf32>,
    %swap3A_1574 = arith.constant 4240 : index
    %swap3A_1575 = tpu.vector_load %arg9[%swap3A_1574] {strides = array<i32>} : memref<8640xf32, #tpu.memory_space<vmem>>, vector<16xf32>,
    %swap3A_1576 = vector.shape_cast %swap3A_1575 : vector<16xf32> to vector<16xf32>
    %swap3A_1577 = vector.shape_cast %broadcast_in_dim3A_2 : vector<16xf32> to vector<16xf32>
    tpu.vector_store %arg9[%swap3A_1574], %swap3A_1577 {strides = array<i32>} : memref<8640xf32, #tpu.memory_space<vmem>>, vector<16xf32>,
    %swap3A_1578 = arith.constant 4256 : index
    %swap3A_1579 = tpu.vector_load %arg9[%swap3A_1578] {strides = array<i32>} : memref<8640xf32, #tpu.memory_space<vmem>>, vector<16xf32>,
    %swap3A_1580 = vector.shape_cast %swap3A_1579 : vector<16xf32> to vector<16xf32>
    %swap3A_1581 = vector.shape_cast %broadcast_in_dim3A_2 : vector<16xf32> to vector<16xf32>
    tpu.vector_store %arg9[%swap3A_1578], %swap3A_1581 {strides = array<i32>} : memref<8640xf32, #tpu.memory_space<vmem>>, vector<16xf32>,
    %swap3A_1582 = arith.constant 4272 : index
    %swap3A_1583 = tpu.vector_load %arg9[%swap3A_1582] {strides = array<i32>} : memref<8640xf32, #tpu.memory_space<vmem>>, vector<16xf32>,
    %swap3A_1584 = vector.shape_cast %swap3A_1583 : vector<16xf32> to vector<16xf32>
    %swap3A_1585 = vector.shape_cast %broadcast_in_dim3A_2 : vector<16xf32> to vector<16xf32>
    tpu.vector_store %arg9[%swap3A_1582], %swap3A_1585 {strides = array<i32>} : memref<8640xf32, #tpu.memory_space<vmem>>, vector<16xf32>,
    %swap3A_1586 = arith.constant 4288 : index
    %swap3A_1587 = tpu.vector_load %arg9[%swap3A_1586] {strides = array<i32>} : memref<8640xf32, #tpu.memory_space<vmem>>, vector<16xf32>,
    %swap3A_1588 = vector.shape_cast %swap3A_1587 : vector<16xf32> to vector<16xf32>
    %swap3A_1589 = vector.shape_cast %broadcast_in_dim3A_2 : vector<16xf32> to vector<16xf32>
    tpu.vector_store %arg9[%swap3A_1586], %swap3A_1589 {strides = array<i32>} : memref<8640xf32, #tpu.memory_space<vmem>>, vector<16xf32>,
    %swap3A_1590 = arith.constant 4304 : index
    %swap3A_1591 = tpu.vector_load %arg9[%swap3A_1590] {strides = array<i32>} : memref<8640xf32, #tpu.memory_space<vmem>>, vector<16xf32>,
    %swap3A_1592 = vector.shape_cast %swap3A_1591 : vector<16xf32> to vector<16xf32>
    %swap3A_1593 = vector.shape_cast %broadcast_in_dim3A_2 : vector<16xf32> to vector<16xf32>
    tpu.vector_store %arg9[%swap3A_1590], %swap3A_1593 {strides = array<i32>} : memref<8640xf32, #tpu.memory_space<vmem>>, vector<16xf32>,
    %swap3A_1594 = arith.constant 4320 : index
    %swap3A_1595 = tpu.vector_load %arg9[%swap3A_1594] {strides = array<i32>} : memref<8640xf32, #tpu.memory_space<vmem>>, vector<16xf32>,
    %swap3A_1596 = vector.shape_cast %swap3A_1595 : vector<16xf32> to vector<16xf32>
    %swap3A_1597 = vector.shape_cast %broadcast_in_dim3A_2 : vector<16xf32> to vector<16xf32>
    tpu.vector_store %arg9[%swap3A_1594], %swap3A_1597 {strides = array<i32>} : memref<8640xf32, #tpu.memory_space<vmem>>, vector<16xf32>,
    %swap3A_1598 = arith.constant 4336 : index
    %swap3A_1599 = tpu.vector_load %arg9[%swap3A_1598] {strides = array<i32>} : memref<8640xf32, #tpu.memory_space<vmem>>, vector<16xf32>,
    %swap3A_1600 = vector.shape_cast %swap3A_1599 : vector<16xf32> to vector<16xf32>
    %swap3A_1601 = vector.shape_cast %broadcast_in_dim3A_2 : vector<16xf32> to vector<16xf32>
    tpu.vector_store %arg9[%swap3A_1598], %swap3A_1601 {strides = array<i32>} : memref<8640xf32, #tpu.memory_space<vmem>>, vector<16xf32>,
    %swap3A_1602 = arith.constant 4352 : index
    %swap3A_1603 = tpu.vector_load %arg9[%swap3A_1602] {strides = array<i32>} : memref<8640xf32, #tpu.memory_space<vmem>>, vector<16xf32>,
    %swap3A_1604 = vector.shape_cast %swap3A_1603 : vector<16xf32> to vector<16xf32>
    %swap3A_1605 = vector.shape_cast %broadcast_in_dim3A_2 : vector<16xf32> to vector<16xf32>
    tpu.vector_store %arg9[%swap3A_1602], %swap3A_1605 {strides = array<i32>} : memref<8640xf32, #tpu.memory_space<vmem>>, vector<16xf32>,
    %swap3A_1606 = arith.constant 4368 : index
    %swap3A_1607 = tpu.vector_load %arg9[%swap3A_1606] {strides = array<i32>} : memref<8640xf32, #tpu.memory_space<vmem>>, vector<16xf32>,
    %swap3A_1608 = vector.shape_cast %swap3A_1607 : vector<16xf32> to vector<16xf32>
    %swap3A_1609 = vector.shape_cast %broadcast_in_dim3A_2 : vector<16xf32> to vector<16xf32>
    tpu.vector_store %arg9[%swap3A_1606], %swap3A_1609 {strides = array<i32>} : memref<8640xf32, #tpu.memory_space<vmem>>, vector<16xf32>,
    %swap3A_1610 = arith.constant 4384 : index
    %swap3A_1611 = tpu.vector_load %arg9[%swap3A_1610] {strides = array<i32>} : memref<8640xf32, #tpu.memory_space<vmem>>, vector<16xf32>,
    %swap3A_1612 = vector.shape_cast %swap3A_1611 : vector<16xf32> to vector<16xf32>
    %swap3A_1613 = vector.shape_cast %broadcast_in_dim3A_2 : vector<16xf32> to vector<16xf32>
    tpu.vector_store %arg9[%swap3A_1610], %swap3A_1613 {strides = array<i32>} : memref<8640xf32, #tpu.memory_space<vmem>>, vector<16xf32>,
    %swap3A_1614 = arith.constant 4400 : index
    %swap3A_1615 = tpu.vector_load %arg9[%swap3A_1614] {strides = array<i32>} : memref<8640xf32, #tpu.memory_space<vmem>>, vector<16xf32>,
    %swap3A_1616 = vector.shape_cast %swap3A_1615 : vector<16xf32> to vector<16xf32>
    %swap3A_1617 = vector.shape_cast %broadcast_in_dim3A_2 : vector<16xf32> to vector<16xf32>
    tpu.vector_store %arg9[%swap3A_1614], %swap3A_1617 {strides = array<i32>} : memref<8640xf32, #tpu.memory_space<vmem>>, vector<16xf32>,
    %swap3A_1618 = arith.constant 4416 : index
    %swap3A_1619 = tpu.vector_load %arg9[%swap3A_1618] {strides = array<i32>} : memref<8640xf32, #tpu.memory_space<vmem>>, vector<16xf32>,
    %swap3A_1620 = vector.shape_cast %swap3A_1619 : vector<16xf32> to vector<16xf32>
    %swap3A_1621 = vector.shape_cast %broadcast_in_dim3A_2 : vector<16xf32> to vector<16xf32>
    tpu.vector_store %arg9[%swap3A_1618], %swap3A_1621 {strides = array<i32>} : memref<8640xf32, #tpu.memory_space<vmem>>, vector<16xf32>,
    %swap3A_1622 = arith.constant 4432 : index
    %swap3A_1623 = tpu.vector_load %arg9[%swap3A_1622] {strides = array<i32>} : memref<8640xf32, #tpu.memory_space<vmem>>, vector<16xf32>,
    %swap3A_1624 = vector.shape_cast %swap3A_1623 : vector<16xf32> to vector<16xf32>
    %swap3A_1625 = vector.shape_cast %broadcast_in_dim3A_2 : vector<16xf32> to vector<16xf32>
    tpu.vector_store %arg9[%swap3A_1622], %swap3A_1625 {strides = array<i32>} : memref<8640xf32, #tpu.memory_space<vmem>>, vector<16xf32>,
    %swap3A_1626 = arith.constant 4448 : index
    %swap3A_1627 = tpu.vector_load %arg9[%swap3A_1626] {strides = array<i32>} : memref<8640xf32, #tpu.memory_space<vmem>>, vector<16xf32>,
    %swap3A_1628 = vector.shape_cast %swap3A_1627 : vector<16xf32> to vector<16xf32>
    %swap3A_1629 = vector.shape_cast %broadcast_in_dim3A_2 : vector<16xf32> to vector<16xf32>
    tpu.vector_store %arg9[%swap3A_1626], %swap3A_1629 {strides = array<i32>} : memref<8640xf32, #tpu.memory_space<vmem>>, vector<16xf32>,
    %swap3A_1630 = arith.constant 4464 : index
    %swap3A_1631 = tpu.vector_load %arg9[%swap3A_1630] {strides = array<i32>} : memref<8640xf32, #tpu.memory_space<vmem>>, vector<16xf32>,
    %swap3A_1632 = vector.shape_cast %swap3A_1631 : vector<16xf32> to vector<16xf32>
    %swap3A_1633 = vector.shape_cast %broadcast_in_dim3A_2 : vector<16xf32> to vector<16xf32>
    tpu.vector_store %arg9[%swap3A_1630], %swap3A_1633 {strides = array<i32>} : memref<8640xf32, #tpu.memory_space<vmem>>, vector<16xf32>,
    %swap3A_1634 = arith.constant 4480 : index
    %swap3A_1635 = tpu.vector_load %arg9[%swap3A_1634] {strides = array<i32>} : memref<8640xf32, #tpu.memory_space<vmem>>, vector<16xf32>,
    %swap3A_1636 = vector.shape_cast %swap3A_1635 : vector<16xf32> to vector<16xf32>
    %swap3A_1637 = vector.shape_cast %broadcast_in_dim3A_2 : vector<16xf32> to vector<16xf32>
    tpu.vector_store %arg9[%swap3A_1634], %swap3A_1637 {strides = array<i32>} : memref<8640xf32, #tpu.memory_space<vmem>>, vector<16xf32>,
    %swap3A_1638 = arith.constant 4496 : index
    %swap3A_1639 = tpu.vector_load %arg9[%swap3A_1638] {strides = array<i32>} : memref<8640xf32, #tpu.memory_space<vmem>>, vector<16xf32>,
    %swap3A_1640 = vector.shape_cast %swap3A_1639 : vector<16xf32> to vector<16xf32>
    %swap3A_1641 = vector.shape_cast %broadcast_in_dim3A_2 : vector<16xf32> to vector<16xf32>
    tpu.vector_store %arg9[%swap3A_1638], %swap3A_1641 {strides = array<i32>} : memref<8640xf32, #tpu.memory_space<vmem>>, vector<16xf32>,
    %swap3A_1642 = arith.constant 4512 : index
    %swap3A_1643 = tpu.vector_load %arg9[%swap3A_1642] {strides = array<i32>} : memref<8640xf32, #tpu.memory_space<vmem>>, vector<16xf32>,
    %swap3A_1644 = vector.shape_cast %swap3A_1643 : vector<16xf32> to vector<16xf32>
    %swap3A_1645 = vector.shape_cast %broadcast_in_dim3A_2 : vector<16xf32> to vector<16xf32>
    tpu.vector_store %arg9[%swap3A_1642], %swap3A_1645 {strides = array<i32>} : memref<8640xf32, #tpu.memory_space<vmem>>, vector<16xf32>,
    %swap3A_1646 = arith.constant 4528 : index
    %swap3A_1647 = tpu.vector_load %arg9[%swap3A_1646] {strides = array<i32>} : memref<8640xf32, #tpu.memory_space<vmem>>, vector<16xf32>,
    %swap3A_1648 = vector.shape_cast %swap3A_1647 : vector<16xf32> to vector<16xf32>
    %swap3A_1649 = vector.shape_cast %broadcast_in_dim3A_2 : vector<16xf32> to vector<16xf32>
    tpu.vector_store %arg9[%swap3A_1646], %swap3A_1649 {strides = array<i32>} : memref<8640xf32, #tpu.memory_space<vmem>>, vector<16xf32>,
    %swap3A_1650 = arith.constant 4544 : index
    %swap3A_1651 = tpu.vector_load %arg9[%swap3A_1650] {strides = array<i32>} : memref<8640xf32, #tpu.memory_space<vmem>>, vector<16xf32>,
    %swap3A_1652 = vector.shape_cast %swap3A_1651 : vector<16xf32> to vector<16xf32>
    %swap3A_1653 = vector.shape_cast %broadcast_in_dim3A_2 : vector<16xf32> to vector<16xf32>
    tpu.vector_store %arg9[%swap3A_1650], %swap3A_1653 {strides = array<i32>} : memref<8640xf32, #tpu.memory_space<vmem>>, vector<16xf32>,
    %swap3A_1654 = arith.constant 4560 : index
    %swap3A_1655 = tpu.vector_load %arg9[%swap3A_1654] {strides = array<i32>} : memref<8640xf32, #tpu.memory_space<vmem>>, vector<16xf32>,
    %swap3A_1656 = vector.shape_cast %swap3A_1655 : vector<16xf32> to vector<16xf32>
    %swap3A_1657 = vector.shape_cast %broadcast_in_dim3A_2 : vector<16xf32> to vector<16xf32>
    tpu.vector_store %arg9[%swap3A_1654], %swap3A_1657 {strides = array<i32>} : memref<8640xf32, #tpu.memory_space<vmem>>, vector<16xf32>,
    %swap3A_1658 = arith.constant 4576 : index
    %swap3A_1659 = tpu.vector_load %arg9[%swap3A_1658] {strides = array<i32>} : memref<8640xf32, #tpu.memory_space<vmem>>, vector<16xf32>,
    %swap3A_1660 = vector.shape_cast %swap3A_1659 : vector<16xf32> to vector<16xf32>
    %swap3A_1661 = vector.shape_cast %broadcast_in_dim3A_2 : vector<16xf32> to vector<16xf32>
    tpu.vector_store %arg9[%swap3A_1658], %swap3A_1661 {strides = array<i32>} : memref<8640xf32, #tpu.memory_space<vmem>>, vector<16xf32>,
    %swap3A_1662 = arith.constant 4592 : index
    %swap3A_1663 = tpu.vector_load %arg9[%swap3A_1662] {strides = array<i32>} : memref<8640xf32, #tpu.memory_space<vmem>>, vector<16xf32>,
    %swap3A_1664 = vector.shape_cast %swap3A_1663 : vector<16xf32> to vector<16xf32>
    %swap3A_1665 = vector.shape_cast %broadcast_in_dim3A_2 : vector<16xf32> to vector<16xf32>
    tpu.vector_store %arg9[%swap3A_1662], %swap3A_1665 {strides = array<i32>} : memref<8640xf32, #tpu.memory_space<vmem>>, vector<16xf32>,
    %swap3A_1666 = arith.constant 4608 : index
    %swap3A_1667 = tpu.vector_load %arg9[%swap3A_1666] {strides = array<i32>} : memref<8640xf32, #tpu.memory_space<vmem>>, vector<16xf32>,
    %swap3A_1668 = vector.shape_cast %swap3A_1667 : vector<16xf32> to vector<16xf32>
    %swap3A_1669 = vector.shape_cast %broadcast_in_dim3A_2 : vector<16xf32> to vector<16xf32>
    tpu.vector_store %arg9[%swap3A_1666], %swap3A_1669 {strides = array<i32>} : memref<8640xf32, #tpu.memory_space<vmem>>, vector<16xf32>,
    %swap3A_1670 = arith.constant 4624 : index
    %swap3A_1671 = tpu.vector_load %arg9[%swap3A_1670] {strides = array<i32>} : memref<8640xf32, #tpu.memory_space<vmem>>, vector<16xf32>,
    %swap3A_1672 = vector.shape_cast %swap3A_1671 : vector<16xf32> to vector<16xf32>
    %swap3A_1673 = vector.shape_cast %broadcast_in_dim3A_2 : vector<16xf32> to vector<16xf32>
    tpu.vector_store %arg9[%swap3A_1670], %swap3A_1673 {strides = array<i32>} : memref<8640xf32, #tpu.memory_space<vmem>>, vector<16xf32>,
    %swap3A_1674 = arith.constant 4640 : index
    %swap3A_1675 = tpu.vector_load %arg9[%swap3A_1674] {strides = array<i32>} : memref<8640xf32, #tpu.memory_space<vmem>>, vector<16xf32>,
    %swap3A_1676 = vector.shape_cast %swap3A_1675 : vector<16xf32> to vector<16xf32>
    %swap3A_1677 = vector.shape_cast %broadcast_in_dim3A_2 : vector<16xf32> to vector<16xf32>
    tpu.vector_store %arg9[%swap3A_1674], %swap3A_1677 {strides = array<i32>} : memref<8640xf32, #tpu.memory_space<vmem>>, vector<16xf32>,
    %swap3A_1678 = arith.constant 4656 : index
    %swap3A_1679 = tpu.vector_load %arg9[%swap3A_1678] {strides = array<i32>} : memref<8640xf32, #tpu.memory_space<vmem>>, vector<16xf32>,
    %swap3A_1680 = vector.shape_cast %swap3A_1679 : vector<16xf32> to vector<16xf32>
    %swap3A_1681 = vector.shape_cast %broadcast_in_dim3A_2 : vector<16xf32> to vector<16xf32>
    tpu.vector_store %arg9[%swap3A_1678], %swap3A_1681 {strides = array<i32>} : memref<8640xf32, #tpu.memory_space<vmem>>, vector<16xf32>,
    %swap3A_1682 = arith.constant 4672 : index
    %swap3A_1683 = tpu.vector_load %arg9[%swap3A_1682] {strides = array<i32>} : memref<8640xf32, #tpu.memory_space<vmem>>, vector<16xf32>,
    %swap3A_1684 = vector.shape_cast %swap3A_1683 : vector<16xf32> to vector<16xf32>
    %swap3A_1685 = vector.shape_cast %broadcast_in_dim3A_2 : vector<16xf32> to vector<16xf32>
    tpu.vector_store %arg9[%swap3A_1682], %swap3A_1685 {strides = array<i32>} : memref<8640xf32, #tpu.memory_space<vmem>>, vector<16xf32>,
    %swap3A_1686 = arith.constant 4688 : index
    %swap3A_1687 = tpu.vector_load %arg9[%swap3A_1686] {strides = array<i32>} : memref<8640xf32, #tpu.memory_space<vmem>>, vector<16xf32>,
    %swap3A_1688 = vector.shape_cast %swap3A_1687 : vector<16xf32> to vector<16xf32>
    %swap3A_1689 = vector.shape_cast %broadcast_in_dim3A_2 : vector<16xf32> to vector<16xf32>
    tpu.vector_store %arg9[%swap3A_1686], %swap3A_1689 {strides = array<i32>} : memref<8640xf32, #tpu.memory_space<vmem>>, vector<16xf32>,
    %swap3A_1690 = arith.constant 4704 : index
    %swap3A_1691 = tpu.vector_load %arg9[%swap3A_1690] {strides = array<i32>} : memref<8640xf32, #tpu.memory_space<vmem>>, vector<16xf32>,
    %swap3A_1692 = vector.shape_cast %swap3A_1691 : vector<16xf32> to vector<16xf32>
    %swap3A_1693 = vector.shape_cast %broadcast_in_dim3A_2 : vector<16xf32> to vector<16xf32>
    tpu.vector_store %arg9[%swap3A_1690], %swap3A_1693 {strides = array<i32>} : memref<8640xf32, #tpu.memory_space<vmem>>, vector<16xf32>,
    %swap3A_1694 = arith.constant 4720 : index
    %swap3A_1695 = tpu.vector_load %arg9[%swap3A_1694] {strides = array<i32>} : memref<8640xf32, #tpu.memory_space<vmem>>, vector<16xf32>,
    %swap3A_1696 = vector.shape_cast %swap3A_1695 : vector<16xf32> to vector<16xf32>
    %swap3A_1697 = vector.shape_cast %broadcast_in_dim3A_2 : vector<16xf32> to vector<16xf32>
    tpu.vector_store %arg9[%swap3A_1694], %swap3A_1697 {strides = array<i32>} : memref<8640xf32, #tpu.memory_space<vmem>>, vector<16xf32>,
    %swap3A_1698 = arith.constant 4736 : index
    %swap3A_1699 = tpu.vector_load %arg9[%swap3A_1698] {strides = array<i32>} : memref<8640xf32, #tpu.memory_space<vmem>>, vector<16xf32>,
    %swap3A_1700 = vector.shape_cast %swap3A_1699 : vector<16xf32> to vector<16xf32>
    %swap3A_1701 = vector.shape_cast %broadcast_in_dim3A_2 : vector<16xf32> to vector<16xf32>
    tpu.vector_store %arg9[%swap3A_1698], %swap3A_1701 {strides = array<i32>} : memref<8640xf32, #tpu.memory_space<vmem>>, vector<16xf32>,
    %swap3A_1702 = arith.constant 4752 : index
    %swap3A_1703 = tpu.vector_load %arg9[%swap3A_1702] {strides = array<i32>} : memref<8640xf32, #tpu.memory_space<vmem>>, vector<16xf32>,
    %swap3A_1704 = vector.shape_cast %swap3A_1703 : vector<16xf32> to vector<16xf32>
    %swap3A_1705 = vector.shape_cast %broadcast_in_dim3A_2 : vector<16xf32> to vector<16xf32>
    tpu.vector_store %arg9[%swap3A_1702], %swap3A_1705 {strides = array<i32>} : memref<8640xf32, #tpu.memory_space<vmem>>, vector<16xf32>,
    %swap3A_1706 = arith.constant 4768 : index
    %swap3A_1707 = tpu.vector_load %arg9[%swap3A_1706] {strides = array<i32>} : memref<8640xf32, #tpu.memory_space<vmem>>, vector<16xf32>,
    %swap3A_1708 = vector.shape_cast %swap3A_1707 : vector<16xf32> to vector<16xf32>
    %swap3A_1709 = vector.shape_cast %broadcast_in_dim3A_2 : vector<16xf32> to vector<16xf32>
    tpu.vector_store %arg9[%swap3A_1706], %swap3A_1709 {strides = array<i32>} : memref<8640xf32, #tpu.memory_space<vmem>>, vector<16xf32>,
    %swap3A_1710 = arith.constant 4784 : index
    %swap3A_1711 = tpu.vector_load %arg9[%swap3A_1710] {strides = array<i32>} : memref<8640xf32, #tpu.memory_space<vmem>>, vector<16xf32>,
    %swap3A_1712 = vector.shape_cast %swap3A_1711 : vector<16xf32> to vector<16xf32>
    %swap3A_1713 = vector.shape_cast %broadcast_in_dim3A_2 : vector<16xf32> to vector<16xf32>
    tpu.vector_store %arg9[%swap3A_1710], %swap3A_1713 {strides = array<i32>} : memref<8640xf32, #tpu.memory_space<vmem>>, vector<16xf32>,
    %swap3A_1714 = arith.constant 4800 : index
    %swap3A_1715 = tpu.vector_load %arg9[%swap3A_1714] {strides = array<i32>} : memref<8640xf32, #tpu.memory_space<vmem>>, vector<16xf32>,
    %swap3A_1716 = vector.shape_cast %swap3A_1715 : vector<16xf32> to vector<16xf32>
    %swap3A_1717 = vector.shape_cast %broadcast_in_dim3A_2 : vector<16xf32> to vector<16xf32>
    tpu.vector_store %arg9[%swap3A_1714], %swap3A_1717 {strides = array<i32>} : memref<8640xf32, #tpu.memory_space<vmem>>, vector<16xf32>,
    %swap3A_1718 = arith.constant 4816 : index
    %swap3A_1719 = tpu.vector_load %arg9[%swap3A_1718] {strides = array<i32>} : memref<8640xf32, #tpu.memory_space<vmem>>, vector<16xf32>,
    %swap3A_1720 = vector.shape_cast %swap3A_1719 : vector<16xf32> to vector<16xf32>
    %swap3A_1721 = vector.shape_cast %broadcast_in_dim3A_2 : vector<16xf32> to vector<16xf32>
    tpu.vector_store %arg9[%swap3A_1718], %swap3A_1721 {strides = array<i32>} : memref<8640xf32, #tpu.memory_space<vmem>>, vector<16xf32>,
    %swap3A_1722 = arith.constant 4832 : index
    %swap3A_1723 = tpu.vector_load %arg9[%swap3A_1722] {strides = array<i32>} : memref<8640xf32, #tpu.memory_space<vmem>>, vector<16xf32>,
    %swap3A_1724 = vector.shape_cast %swap3A_1723 : vector<16xf32> to vector<16xf32>
    %swap3A_1725 = vector.shape_cast %broadcast_in_dim3A_2 : vector<16xf32> to vector<16xf32>
    tpu.vector_store %arg9[%swap3A_1722], %swap3A_1725 {strides = array<i32>} : memref<8640xf32, #tpu.memory_space<vmem>>, vector<16xf32>,
    %swap3A_1726 = arith.constant 4848 : index
    %swap3A_1727 = tpu.vector_load %arg9[%swap3A_1726] {strides = array<i32>} : memref<8640xf32, #tpu.memory_space<vmem>>, vector<16xf32>,
    %swap3A_1728 = vector.shape_cast %swap3A_1727 : vector<16xf32> to vector<16xf32>
    %swap3A_1729 = vector.shape_cast %broadcast_in_dim3A_2 : vector<16xf32> to vector<16xf32>
    tpu.vector_store %arg9[%swap3A_1726], %swap3A_1729 {strides = array<i32>} : memref<8640xf32, #tpu.memory_space<vmem>>, vector<16xf32>,
    %swap3A_1730 = arith.constant 4864 : index
    %swap3A_1731 = tpu.vector_load %arg9[%swap3A_1730] {strides = array<i32>} : memref<8640xf32, #tpu.memory_space<vmem>>, vector<16xf32>,
    %swap3A_1732 = vector.shape_cast %swap3A_1731 : vector<16xf32> to vector<16xf32>
    %swap3A_1733 = vector.shape_cast %broadcast_in_dim3A_2 : vector<16xf32> to vector<16xf32>
    tpu.vector_store %arg9[%swap3A_1730], %swap3A_1733 {strides = array<i32>} : memref<8640xf32, #tpu.memory_space<vmem>>, vector<16xf32>,
    %swap3A_1734 = arith.constant 4880 : index
    %swap3A_1735 = tpu.vector_load %arg9[%swap3A_1734] {strides = array<i32>} : memref<8640xf32, #tpu.memory_space<vmem>>, vector<16xf32>,
    %swap3A_1736 = vector.shape_cast %swap3A_1735 : vector<16xf32> to vector<16xf32>
    %swap3A_1737 = vector.shape_cast %broadcast_in_dim3A_2 : vector<16xf32> to vector<16xf32>
    tpu.vector_store %arg9[%swap3A_1734], %swap3A_1737 {strides = array<i32>} : memref<8640xf32, #tpu.memory_space<vmem>>, vector<16xf32>,
    %swap3A_1738 = arith.constant 4896 : index
    %swap3A_1739 = tpu.vector_load %arg9[%swap3A_1738] {strides = array<i32>} : memref<8640xf32, #tpu.memory_space<vmem>>, vector<16xf32>,
    %swap3A_1740 = vector.shape_cast %swap3A_1739 : vector<16xf32> to vector<16xf32>
    %swap3A_1741 = vector.shape_cast %broadcast_in_dim3A_2 : vector<16xf32> to vector<16xf32>
    tpu.vector_store %arg9[%swap3A_1738], %swap3A_1741 {strides = array<i32>} : memref<8640xf32, #tpu.memory_space<vmem>>, vector<16xf32>,
    %swap3A_1742 = arith.constant 4912 : index
    %swap3A_1743 = tpu.vector_load %arg9[%swap3A_1742] {strides = array<i32>} : memref<8640xf32, #tpu.memory_space<vmem>>, vector<16xf32>,
    %swap3A_1744 = vector.shape_cast %swap3A_1743 : vector<16xf32> to vector<16xf32>
    %swap3A_1745 = vector.shape_cast %broadcast_in_dim3A_2 : vector<16xf32> to vector<16xf32>
    tpu.vector_store %arg9[%swap3A_1742], %swap3A_1745 {strides = array<i32>} : memref<8640xf32, #tpu.memory_space<vmem>>, vector<16xf32>,
    %swap3A_1746 = arith.constant 4928 : index
    %swap3A_1747 = tpu.vector_load %arg9[%swap3A_1746] {strides = array<i32>} : memref<8640xf32, #tpu.memory_space<vmem>>, vector<16xf32>,
    %swap3A_1748 = vector.shape_cast %swap3A_1747 : vector<16xf32> to vector<16xf32>
    %swap3A_1749 = vector.shape_cast %broadcast_in_dim3A_2 : vector<16xf32> to vector<16xf32>
    tpu.vector_store %arg9[%swap3A_1746], %swap3A_1749 {strides = array<i32>} : memref<8640xf32, #tpu.memory_space<vmem>>, vector<16xf32>,
    %swap3A_1750 = arith.constant 4944 : index
    %swap3A_1751 = tpu.vector_load %arg9[%swap3A_1750] {strides = array<i32>} : memref<8640xf32, #tpu.memory_space<vmem>>, vector<16xf32>,
    %swap3A_1752 = vector.shape_cast %swap3A_1751 : vector<16xf32> to vector<16xf32>
    %swap3A_1753 = vector.shape_cast %broadcast_in_dim3A_2 : vector<16xf32> to vector<16xf32>
    tpu.vector_store %arg9[%swap3A_1750], %swap3A_1753 {strides = array<i32>} : memref<8640xf32, #tpu.memory_space<vmem>>, vector<16xf32>,
    %swap3A_1754 = arith.constant 4960 : index
    %swap3A_1755 = tpu.vector_load %arg9[%swap3A_1754] {strides = array<i32>} : memref<8640xf32, #tpu.memory_space<vmem>>, vector<16xf32>,
    %swap3A_1756 = vector.shape_cast %swap3A_1755 : vector<16xf32> to vector<16xf32>
    %swap3A_1757 = vector.shape_cast %broadcast_in_dim3A_2 : vector<16xf32> to vector<16xf32>
    tpu.vector_store %arg9[%swap3A_1754], %swap3A_1757 {strides = array<i32>} : memref<8640xf32, #tpu.memory_space<vmem>>, vector<16xf32>,
    %swap3A_1758 = arith.constant 4976 : index
    %swap3A_1759 = tpu.vector_load %arg9[%swap3A_1758] {strides = array<i32>} : memref<8640xf32, #tpu.memory_space<vmem>>, vector<16xf32>,
    %swap3A_1760 = vector.shape_cast %swap3A_1759 : vector<16xf32> to vector<16xf32>
    %swap3A_1761 = vector.shape_cast %broadcast_in_dim3A_2 : vector<16xf32> to vector<16xf32>
    tpu.vector_store %arg9[%swap3A_1758], %swap3A_1761 {strides = array<i32>} : memref<8640xf32, #tpu.memory_space<vmem>>, vector<16xf32>,
    %swap3A_1762 = arith.constant 4992 : index
    %swap3A_1763 = tpu.vector_load %arg9[%swap3A_1762] {strides = array<i32>} : memref<8640xf32, #tpu.memory_space<vmem>>, vector<16xf32>,
    %swap3A_1764 = vector.shape_cast %swap3A_1763 : vector<16xf32> to vector<16xf32>
    %swap3A_1765 = vector.shape_cast %broadcast_in_dim3A_2 : vector<16xf32> to vector<16xf32>
    tpu.vector_store %arg9[%swap3A_1762], %swap3A_1765 {strides = array<i32>} : memref<8640xf32, #tpu.memory_space<vmem>>, vector<16xf32>,
    %swap3A_1766 = arith.constant 5008 : index
    %swap3A_1767 = tpu.vector_load %arg9[%swap3A_1766] {strides = array<i32>} : memref<8640xf32, #tpu.memory_space<vmem>>, vector<16xf32>,
    %swap3A_1768 = vector.shape_cast %swap3A_1767 : vector<16xf32> to vector<16xf32>
    %swap3A_1769 = vector.shape_cast %broadcast_in_dim3A_2 : vector<16xf32> to vector<16xf32>
    tpu.vector_store %arg9[%swap3A_1766], %swap3A_1769 {strides = array<i32>} : memref<8640xf32, #tpu.memory_space<vmem>>, vector<16xf32>,
    %swap3A_1770 = arith.constant 5024 : index
    %swap3A_1771 = tpu.vector_load %arg9[%swap3A_1770] {strides = array<i32>} : memref<8640xf32, #tpu.memory_space<vmem>>, vector<16xf32>,
    %swap3A_1772 = vector.shape_cast %swap3A_1771 : vector<16xf32> to vector<16xf32>
    %swap3A_1773 = vector.shape_cast %broadcast_in_dim3A_2 : vector<16xf32> to vector<16xf32>
    tpu.vector_store %arg9[%swap3A_1770], %swap3A_1773 {strides = array<i32>} : memref<8640xf32, #tpu.memory_space<vmem>>, vector<16xf32>,
    %swap3A_1774 = arith.constant 5040 : index
    %swap3A_1775 = tpu.vector_load %arg9[%swap3A_1774] {strides = array<i32>} : memref<8640xf32, #tpu.memory_space<vmem>>, vector<16xf32>,
    %swap3A_1776 = vector.shape_cast %swap3A_1775 : vector<16xf32> to vector<16xf32>
    %swap3A_1777 = vector.shape_cast %broadcast_in_dim3A_2 : vector<16xf32> to vector<16xf32>
    tpu.vector_store %arg9[%swap3A_1774], %swap3A_1777 {strides = array<i32>} : memref<8640xf32, #tpu.memory_space<vmem>>, vector<16xf32>,
    %swap3A_1778 = arith.constant 5056 : index
    %swap3A_1779 = tpu.vector_load %arg9[%swap3A_1778] {strides = array<i32>} : memref<8640xf32, #tpu.memory_space<vmem>>, vector<16xf32>,
    %swap3A_1780 = vector.shape_cast %swap3A_1779 : vector<16xf32> to vector<16xf32>
    %swap3A_1781 = vector.shape_cast %broadcast_in_dim3A_2 : vector<16xf32> to vector<16xf32>
    tpu.vector_store %arg9[%swap3A_1778], %swap3A_1781 {strides = array<i32>} : memref<8640xf32, #tpu.memory_space<vmem>>, vector<16xf32>,
    %swap3A_1782 = arith.constant 5072 : index
    %swap3A_1783 = tpu.vector_load %arg9[%swap3A_1782] {strides = array<i32>} : memref<8640xf32, #tpu.memory_space<vmem>>, vector<16xf32>,
    %swap3A_1784 = vector.shape_cast %swap3A_1783 : vector<16xf32> to vector<16xf32>
    %swap3A_1785 = vector.shape_cast %broadcast_in_dim3A_2 : vector<16xf32> to vector<16xf32>
    tpu.vector_store %arg9[%swap3A_1782], %swap3A_1785 {strides = array<i32>} : memref<8640xf32, #tpu.memory_space<vmem>>, vector<16xf32>,
    %swap3A_1786 = arith.constant 5088 : index
    %swap3A_1787 = tpu.vector_load %arg9[%swap3A_1786] {strides = array<i32>} : memref<8640xf32, #tpu.memory_space<vmem>>, vector<16xf32>,
    %swap3A_1788 = vector.shape_cast %swap3A_1787 : vector<16xf32> to vector<16xf32>
    %swap3A_1789 = vector.shape_cast %broadcast_in_dim3A_2 : vector<16xf32> to vector<16xf32>
    tpu.vector_store %arg9[%swap3A_1786], %swap3A_1789 {strides = array<i32>} : memref<8640xf32, #tpu.memory_space<vmem>>, vector<16xf32>,
    %swap3A_1790 = arith.constant 5104 : index
    %swap3A_1791 = tpu.vector_load %arg9[%swap3A_1790] {strides = array<i32>} : memref<8640xf32, #tpu.memory_space<vmem>>, vector<16xf32>,
    %swap3A_1792 = vector.shape_cast %swap3A_1791 : vector<16xf32> to vector<16xf32>
    %swap3A_1793 = vector.shape_cast %broadcast_in_dim3A_2 : vector<16xf32> to vector<16xf32>
    tpu.vector_store %arg9[%swap3A_1790], %swap3A_1793 {strides = array<i32>} : memref<8640xf32, #tpu.memory_space<vmem>>, vector<16xf32>,
    %swap3A_1794 = arith.constant 5120 : index
    %swap3A_1795 = tpu.vector_load %arg9[%swap3A_1794] {strides = array<i32>} : memref<8640xf32, #tpu.memory_space<vmem>>, vector<16xf32>,
    %swap3A_1796 = vector.shape_cast %swap3A_1795 : vector<16xf32> to vector<16xf32>
    %swap3A_1797 = vector.shape_cast %broadcast_in_dim3A_2 : vector<16xf32> to vector<16xf32>
    tpu.vector_store %arg9[%swap3A_1794], %swap3A_1797 {strides = array<i32>} : memref<8640xf32, #tpu.memory_space<vmem>>, vector<16xf32>,
    %swap3A_1798 = arith.constant 5136 : index
    %swap3A_1799 = tpu.vector_load %arg9[%swap3A_1798] {strides = array<i32>} : memref<8640xf32, #tpu.memory_space<vmem>>, vector<16xf32>,
    %swap3A_1800 = vector.shape_cast %swap3A_1799 : vector<16xf32> to vector<16xf32>
    %swap3A_1801 = vector.shape_cast %broadcast_in_dim3A_2 : vector<16xf32> to vector<16xf32>
    tpu.vector_store %arg9[%swap3A_1798], %swap3A_1801 {strides = array<i32>} : memref<8640xf32, #tpu.memory_space<vmem>>, vector<16xf32>,
    %swap3A_1802 = arith.constant 5152 : index
    %swap3A_1803 = tpu.vector_load %arg9[%swap3A_1802] {strides = array<i32>} : memref<8640xf32, #tpu.memory_space<vmem>>, vector<16xf32>,
    %swap3A_1804 = vector.shape_cast %swap3A_1803 : vector<16xf32> to vector<16xf32>
    %swap3A_1805 = vector.shape_cast %broadcast_in_dim3A_2 : vector<16xf32> to vector<16xf32>
    tpu.vector_store %arg9[%swap3A_1802], %swap3A_1805 {strides = array<i32>} : memref<8640xf32, #tpu.memory_space<vmem>>, vector<16xf32>,
    %swap3A_1806 = arith.constant 5168 : index
    %swap3A_1807 = tpu.vector_load %arg9[%swap3A_1806] {strides = array<i32>} : memref<8640xf32, #tpu.memory_space<vmem>>, vector<16xf32>,
    %swap3A_1808 = vector.shape_cast %swap3A_1807 : vector<16xf32> to vector<16xf32>
    %swap3A_1809 = vector.shape_cast %broadcast_in_dim3A_2 : vector<16xf32> to vector<16xf32>
    tpu.vector_store %arg9[%swap3A_1806], %swap3A_1809 {strides = array<i32>} : memref<8640xf32, #tpu.memory_space<vmem>>, vector<16xf32>,
    %swap3A_1810 = arith.constant 5184 : index
    %swap3A_1811 = tpu.vector_load %arg9[%swap3A_1810] {strides = array<i32>} : memref<8640xf32, #tpu.memory_space<vmem>>, vector<16xf32>,
    %swap3A_1812 = vector.shape_cast %swap3A_1811 : vector<16xf32> to vector<16xf32>
    %swap3A_1813 = vector.shape_cast %broadcast_in_dim3A_2 : vector<16xf32> to vector<16xf32>
    tpu.vector_store %arg9[%swap3A_1810], %swap3A_1813 {strides = array<i32>} : memref<8640xf32, #tpu.memory_space<vmem>>, vector<16xf32>,
    %swap3A_1814 = arith.constant 5200 : index
    %swap3A_1815 = tpu.vector_load %arg9[%swap3A_1814] {strides = array<i32>} : memref<8640xf32, #tpu.memory_space<vmem>>, vector<16xf32>,
    %swap3A_1816 = vector.shape_cast %swap3A_1815 : vector<16xf32> to vector<16xf32>
    %swap3A_1817 = vector.shape_cast %broadcast_in_dim3A_2 : vector<16xf32> to vector<16xf32>
    tpu.vector_store %arg9[%swap3A_1814], %swap3A_1817 {strides = array<i32>} : memref<8640xf32, #tpu.memory_space<vmem>>, vector<16xf32>,
    %swap3A_1818 = arith.constant 5216 : index
    %swap3A_1819 = tpu.vector_load %arg9[%swap3A_1818] {strides = array<i32>} : memref<8640xf32, #tpu.memory_space<vmem>>, vector<16xf32>,
    %swap3A_1820 = vector.shape_cast %swap3A_1819 : vector<16xf32> to vector<16xf32>
    %swap3A_1821 = vector.shape_cast %broadcast_in_dim3A_2 : vector<16xf32> to vector<16xf32>
    tpu.vector_store %arg9[%swap3A_1818], %swap3A_1821 {strides = array<i32>} : memref<8640xf32, #tpu.memory_space<vmem>>, vector<16xf32>,
    %swap3A_1822 = arith.constant 5232 : index
    %swap3A_1823 = tpu.vector_load %arg9[%swap3A_1822] {strides = array<i32>} : memref<8640xf32, #tpu.memory_space<vmem>>, vector<16xf32>,
    %swap3A_1824 = vector.shape_cast %swap3A_1823 : vector<16xf32> to vector<16xf32>
    %swap3A_1825 = vector.shape_cast %broadcast_in_dim3A_2 : vector<16xf32> to vector<16xf32>
    tpu.vector_store %arg9[%swap3A_1822], %swap3A_1825 {strides = array<i32>} : memref<8640xf32, #tpu.memory_space<vmem>>, vector<16xf32>,
    %swap3A_1826 = arith.constant 5248 : index
    %swap3A_1827 = tpu.vector_load %arg9[%swap3A_1826] {strides = array<i32>} : memref<8640xf32, #tpu.memory_space<vmem>>, vector<16xf32>,
    %swap3A_1828 = vector.shape_cast %swap3A_1827 : vector<16xf32> to vector<16xf32>
    %swap3A_1829 = vector.shape_cast %broadcast_in_dim3A_2 : vector<16xf32> to vector<16xf32>
    tpu.vector_store %arg9[%swap3A_1826], %swap3A_1829 {strides = array<i32>} : memref<8640xf32, #tpu.memory_space<vmem>>, vector<16xf32>,
    %swap3A_1830 = arith.constant 5264 : index
    %swap3A_1831 = tpu.vector_load %arg9[%swap3A_1830] {strides = array<i32>} : memref<8640xf32, #tpu.memory_space<vmem>>, vector<16xf32>,
    %swap3A_1832 = vector.shape_cast %swap3A_1831 : vector<16xf32> to vector<16xf32>
    %swap3A_1833 = vector.shape_cast %broadcast_in_dim3A_2 : vector<16xf32> to vector<16xf32>
    tpu.vector_store %arg9[%swap3A_1830], %swap3A_1833 {strides = array<i32>} : memref<8640xf32, #tpu.memory_space<vmem>>, vector<16xf32>,
    %swap3A_1834 = arith.constant 5280 : index
    %swap3A_1835 = tpu.vector_load %arg9[%swap3A_1834] {strides = array<i32>} : memref<8640xf32, #tpu.memory_space<vmem>>, vector<16xf32>,
    %swap3A_1836 = vector.shape_cast %swap3A_1835 : vector<16xf32> to vector<16xf32>
    %swap3A_1837 = vector.shape_cast %broadcast_in_dim3A_2 : vector<16xf32> to vector<16xf32>
    tpu.vector_store %arg9[%swap3A_1834], %swap3A_1837 {strides = array<i32>} : memref<8640xf32, #tpu.memory_space<vmem>>, vector<16xf32>,
    %swap3A_1838 = arith.constant 5296 : index
    %swap3A_1839 = tpu.vector_load %arg9[%swap3A_1838] {strides = array<i32>} : memref<8640xf32, #tpu.memory_space<vmem>>, vector<16xf32>,
    %swap3A_1840 = vector.shape_cast %swap3A_1839 : vector<16xf32> to vector<16xf32>
    %swap3A_1841 = vector.shape_cast %broadcast_in_dim3A_2 : vector<16xf32> to vector<16xf32>
    tpu.vector_store %arg9[%swap3A_1838], %swap3A_1841 {strides = array<i32>} : memref<8640xf32, #tpu.memory_space<vmem>>, vector<16xf32>,
    %swap3A_1842 = arith.constant 5312 : index
    %swap3A_1843 = tpu.vector_load %arg9[%swap3A_1842] {strides = array<i32>} : memref<8640xf32, #tpu.memory_space<vmem>>, vector<16xf32>,
    %swap3A_1844 = vector.shape_cast %swap3A_1843 : vector<16xf32> to vector<16xf32>
    %swap3A_1845 = vector.shape_cast %broadcast_in_dim3A_2 : vector<16xf32> to vector<16xf32>
    tpu.vector_store %arg9[%swap3A_1842], %swap3A_1845 {strides = array<i32>} : memref<8640xf32, #tpu.memory_space<vmem>>, vector<16xf32>,
    %swap3A_1846 = arith.constant 5328 : index
    %swap3A_1847 = tpu.vector_load %arg9[%swap3A_1846] {strides = array<i32>} : memref<8640xf32, #tpu.memory_space<vmem>>, vector<16xf32>,
    %swap3A_1848 = vector.shape_cast %swap3A_1847 : vector<16xf32> to vector<16xf32>
    %swap3A_1849 = vector.shape_cast %broadcast_in_dim3A_2 : vector<16xf32> to vector<16xf32>
    tpu.vector_store %arg9[%swap3A_1846], %swap3A_1849 {strides = array<i32>} : memref<8640xf32, #tpu.memory_space<vmem>>, vector<16xf32>,
    %swap3A_1850 = arith.constant 5344 : index
    %swap3A_1851 = tpu.vector_load %arg9[%swap3A_1850] {strides = array<i32>} : memref<8640xf32, #tpu.memory_space<vmem>>, vector<16xf32>,
    %swap3A_1852 = vector.shape_cast %swap3A_1851 : vector<16xf32> to vector<16xf32>
    %swap3A_1853 = vector.shape_cast %broadcast_in_dim3A_2 : vector<16xf32> to vector<16xf32>
    tpu.vector_store %arg9[%swap3A_1850], %swap3A_1853 {strides = array<i32>} : memref<8640xf32, #tpu.memory_space<vmem>>, vector<16xf32>,
    %swap3A_1854 = arith.constant 5360 : index
    %swap3A_1855 = tpu.vector_load %arg9[%swap3A_1854] {strides = array<i32>} : memref<8640xf32, #tpu.memory_space<vmem>>, vector<16xf32>,
    %swap3A_1856 = vector.shape_cast %swap3A_1855 : vector<16xf32> to vector<16xf32>
    %swap3A_1857 = vector.shape_cast %broadcast_in_dim3A_2 : vector<16xf32> to vector<16xf32>
    tpu.vector_store %arg9[%swap3A_1854], %swap3A_1857 {strides = array<i32>} : memref<8640xf32, #tpu.memory_space<vmem>>, vector<16xf32>,
    %swap3A_1858 = arith.constant 5376 : index
    %swap3A_1859 = tpu.vector_load %arg9[%swap3A_1858] {strides = array<i32>} : memref<8640xf32, #tpu.memory_space<vmem>>, vector<16xf32>,
    %swap3A_1860 = vector.shape_cast %swap3A_1859 : vector<16xf32> to vector<16xf32>
    %swap3A_1861 = vector.shape_cast %broadcast_in_dim3A_2 : vector<16xf32> to vector<16xf32>
    tpu.vector_store %arg9[%swap3A_1858], %swap3A_1861 {strides = array<i32>} : memref<8640xf32, #tpu.memory_space<vmem>>, vector<16xf32>,
    %swap3A_1862 = arith.constant 5392 : index
    %swap3A_1863 = tpu.vector_load %arg9[%swap3A_1862] {strides = array<i32>} : memref<8640xf32, #tpu.memory_space<vmem>>, vector<16xf32>,
    %swap3A_1864 = vector.shape_cast %swap3A_1863 : vector<16xf32> to vector<16xf32>
    %swap3A_1865 = vector.shape_cast %broadcast_in_dim3A_2 : vector<16xf32> to vector<16xf32>
    tpu.vector_store %arg9[%swap3A_1862], %swap3A_1865 {strides = array<i32>} : memref<8640xf32, #tpu.memory_space<vmem>>, vector<16xf32>,
    %swap3A_1866 = arith.constant 5408 : index
    %swap3A_1867 = tpu.vector_load %arg9[%swap3A_1866] {strides = array<i32>} : memref<8640xf32, #tpu.memory_space<vmem>>, vector<16xf32>,
    %swap3A_1868 = vector.shape_cast %swap3A_1867 : vector<16xf32> to vector<16xf32>
    %swap3A_1869 = vector.shape_cast %broadcast_in_dim3A_2 : vector<16xf32> to vector<16xf32>
    tpu.vector_store %arg9[%swap3A_1866], %swap3A_1869 {strides = array<i32>} : memref<8640xf32, #tpu.memory_space<vmem>>, vector<16xf32>,
    %swap3A_1870 = arith.constant 5424 : index
    %swap3A_1871 = tpu.vector_load %arg9[%swap3A_1870] {strides = array<i32>} : memref<8640xf32, #tpu.memory_space<vmem>>, vector<16xf32>,
    %swap3A_1872 = vector.shape_cast %swap3A_1871 : vector<16xf32> to vector<16xf32>
    %swap3A_1873 = vector.shape_cast %broadcast_in_dim3A_2 : vector<16xf32> to vector<16xf32>
    tpu.vector_store %arg9[%swap3A_1870], %swap3A_1873 {strides = array<i32>} : memref<8640xf32, #tpu.memory_space<vmem>>, vector<16xf32>,
    %swap3A_1874 = arith.constant 5440 : index
    %swap3A_1875 = tpu.vector_load %arg9[%swap3A_1874] {strides = array<i32>} : memref<8640xf32, #tpu.memory_space<vmem>>, vector<16xf32>,
    %swap3A_1876 = vector.shape_cast %swap3A_1875 : vector<16xf32> to vector<16xf32>
    %swap3A_1877 = vector.shape_cast %broadcast_in_dim3A_2 : vector<16xf32> to vector<16xf32>
    tpu.vector_store %arg9[%swap3A_1874], %swap3A_1877 {strides = array<i32>} : memref<8640xf32, #tpu.memory_space<vmem>>, vector<16xf32>,
    %swap3A_1878 = arith.constant 5456 : index
    %swap3A_1879 = tpu.vector_load %arg9[%swap3A_1878] {strides = array<i32>} : memref<8640xf32, #tpu.memory_space<vmem>>, vector<16xf32>,
    %swap3A_1880 = vector.shape_cast %swap3A_1879 : vector<16xf32> to vector<16xf32>
    %swap3A_1881 = vector.shape_cast %broadcast_in_dim3A_2 : vector<16xf32> to vector<16xf32>
    tpu.vector_store %arg9[%swap3A_1878], %swap3A_1881 {strides = array<i32>} : memref<8640xf32, #tpu.memory_space<vmem>>, vector<16xf32>,
    %swap3A_1882 = arith.constant 5472 : index
    %swap3A_1883 = tpu.vector_load %arg9[%swap3A_1882] {strides = array<i32>} : memref<8640xf32, #tpu.memory_space<vmem>>, vector<16xf32>,
    %swap3A_1884 = vector.shape_cast %swap3A_1883 : vector<16xf32> to vector<16xf32>
    %swap3A_1885 = vector.shape_cast %broadcast_in_dim3A_2 : vector<16xf32> to vector<16xf32>
    tpu.vector_store %arg9[%swap3A_1882], %swap3A_1885 {strides = array<i32>} : memref<8640xf32, #tpu.memory_space<vmem>>, vector<16xf32>,
    %swap3A_1886 = arith.constant 5488 : index
    %swap3A_1887 = tpu.vector_load %arg9[%swap3A_1886] {strides = array<i32>} : memref<8640xf32, #tpu.memory_space<vmem>>, vector<16xf32>,
    %swap3A_1888 = vector.shape_cast %swap3A_1887 : vector<16xf32> to vector<16xf32>
    %swap3A_1889 = vector.shape_cast %broadcast_in_dim3A_2 : vector<16xf32> to vector<16xf32>
    tpu.vector_store %arg9[%swap3A_1886], %swap3A_1889 {strides = array<i32>} : memref<8640xf32, #tpu.memory_space<vmem>>, vector<16xf32>,
    %swap3A_1890 = arith.constant 5504 : index
    %swap3A_1891 = tpu.vector_load %arg9[%swap3A_1890] {strides = array<i32>} : memref<8640xf32, #tpu.memory_space<vmem>>, vector<16xf32>,
    %swap3A_1892 = vector.shape_cast %swap3A_1891 : vector<16xf32> to vector<16xf32>
    %swap3A_1893 = vector.shape_cast %broadcast_in_dim3A_2 : vector<16xf32> to vector<16xf32>
    tpu.vector_store %arg9[%swap3A_1890], %swap3A_1893 {strides = array<i32>} : memref<8640xf32, #tpu.memory_space<vmem>>, vector<16xf32>,
    %swap3A_1894 = arith.constant 5520 : index
    %swap3A_1895 = tpu.vector_load %arg9[%swap3A_1894] {strides = array<i32>} : memref<8640xf32, #tpu.memory_space<vmem>>, vector<16xf32>,
    %swap3A_1896 = vector.shape_cast %swap3A_1895 : vector<16xf32> to vector<16xf32>
    %swap3A_1897 = vector.shape_cast %broadcast_in_dim3A_2 : vector<16xf32> to vector<16xf32>
    tpu.vector_store %arg9[%swap3A_1894], %swap3A_1897 {strides = array<i32>} : memref<8640xf32, #tpu.memory_space<vmem>>, vector<16xf32>,
    %swap3A_1898 = arith.constant 5536 : index
    %swap3A_1899 = tpu.vector_load %arg9[%swap3A_1898] {strides = array<i32>} : memref<8640xf32, #tpu.memory_space<vmem>>, vector<16xf32>,
    %swap3A_1900 = vector.shape_cast %swap3A_1899 : vector<16xf32> to vector<16xf32>
    %swap3A_1901 = vector.shape_cast %broadcast_in_dim3A_2 : vector<16xf32> to vector<16xf32>
    tpu.vector_store %arg9[%swap3A_1898], %swap3A_1901 {strides = array<i32>} : memref<8640xf32, #tpu.memory_space<vmem>>, vector<16xf32>,
    %swap3A_1902 = arith.constant 5552 : index
    %swap3A_1903 = tpu.vector_load %arg9[%swap3A_1902] {strides = array<i32>} : memref<8640xf32, #tpu.memory_space<vmem>>, vector<16xf32>,
    %swap3A_1904 = vector.shape_cast %swap3A_1903 : vector<16xf32> to vector<16xf32>
    %swap3A_1905 = vector.shape_cast %broadcast_in_dim3A_2 : vector<16xf32> to vector<16xf32>
    tpu.vector_store %arg9[%swap3A_1902], %swap3A_1905 {strides = array<i32>} : memref<8640xf32, #tpu.memory_space<vmem>>, vector<16xf32>,
    %swap3A_1906 = arith.constant 5568 : index
    %swap3A_1907 = tpu.vector_load %arg9[%swap3A_1906] {strides = array<i32>} : memref<8640xf32, #tpu.memory_space<vmem>>, vector<16xf32>,
    %swap3A_1908 = vector.shape_cast %swap3A_1907 : vector<16xf32> to vector<16xf32>
    %swap3A_1909 = vector.shape_cast %broadcast_in_dim3A_2 : vector<16xf32> to vector<16xf32>
    tpu.vector_store %arg9[%swap3A_1906], %swap3A_1909 {strides = array<i32>} : memref<8640xf32, #tpu.memory_space<vmem>>, vector<16xf32>,
    %swap3A_1910 = arith.constant 5584 : index
    %swap3A_1911 = tpu.vector_load %arg9[%swap3A_1910] {strides = array<i32>} : memref<8640xf32, #tpu.memory_space<vmem>>, vector<16xf32>,
    %swap3A_1912 = vector.shape_cast %swap3A_1911 : vector<16xf32> to vector<16xf32>
    %swap3A_1913 = vector.shape_cast %broadcast_in_dim3A_2 : vector<16xf32> to vector<16xf32>
    tpu.vector_store %arg9[%swap3A_1910], %swap3A_1913 {strides = array<i32>} : memref<8640xf32, #tpu.memory_space<vmem>>, vector<16xf32>,
    %swap3A_1914 = arith.constant 5600 : index
    %swap3A_1915 = tpu.vector_load %arg9[%swap3A_1914] {strides = array<i32>} : memref<8640xf32, #tpu.memory_space<vmem>>, vector<16xf32>,
    %swap3A_1916 = vector.shape_cast %swap3A_1915 : vector<16xf32> to vector<16xf32>
    %swap3A_1917 = vector.shape_cast %broadcast_in_dim3A_2 : vector<16xf32> to vector<16xf32>
    tpu.vector_store %arg9[%swap3A_1914], %swap3A_1917 {strides = array<i32>} : memref<8640xf32, #tpu.memory_space<vmem>>, vector<16xf32>,
    %swap3A_1918 = arith.constant 5616 : index
    %swap3A_1919 = tpu.vector_load %arg9[%swap3A_1918] {strides = array<i32>} : memref<8640xf32, #tpu.memory_space<vmem>>, vector<16xf32>,
    %swap3A_1920 = vector.shape_cast %swap3A_1919 : vector<16xf32> to vector<16xf32>
    %swap3A_1921 = vector.shape_cast %broadcast_in_dim3A_2 : vector<16xf32> to vector<16xf32>
    tpu.vector_store %arg9[%swap3A_1918], %swap3A_1921 {strides = array<i32>} : memref<8640xf32, #tpu.memory_space<vmem>>, vector<16xf32>,
    %swap3A_1922 = arith.constant 5632 : index
    %swap3A_1923 = tpu.vector_load %arg9[%swap3A_1922] {strides = array<i32>} : memref<8640xf32, #tpu.memory_space<vmem>>, vector<16xf32>,
    %swap3A_1924 = vector.shape_cast %swap3A_1923 : vector<16xf32> to vector<16xf32>
    %swap3A_1925 = vector.shape_cast %broadcast_in_dim3A_2 : vector<16xf32> to vector<16xf32>
    tpu.vector_store %arg9[%swap3A_1922], %swap3A_1925 {strides = array<i32>} : memref<8640xf32, #tpu.memory_space<vmem>>, vector<16xf32>,
    %swap3A_1926 = arith.constant 5648 : index
    %swap3A_1927 = tpu.vector_load %arg9[%swap3A_1926] {strides = array<i32>} : memref<8640xf32, #tpu.memory_space<vmem>>, vector<16xf32>,
    %swap3A_1928 = vector.shape_cast %swap3A_1927 : vector<16xf32> to vector<16xf32>
    %swap3A_1929 = vector.shape_cast %broadcast_in_dim3A_2 : vector<16xf32> to vector<16xf32>
    tpu.vector_store %arg9[%swap3A_1926], %swap3A_1929 {strides = array<i32>} : memref<8640xf32, #tpu.memory_space<vmem>>, vector<16xf32>,
    %swap3A_1930 = arith.constant 5664 : index
    %swap3A_1931 = tpu.vector_load %arg9[%swap3A_1930] {strides = array<i32>} : memref<8640xf32, #tpu.memory_space<vmem>>, vector<16xf32>,
    %swap3A_1932 = vector.shape_cast %swap3A_1931 : vector<16xf32> to vector<16xf32>
    %swap3A_1933 = vector.shape_cast %broadcast_in_dim3A_2 : vector<16xf32> to vector<16xf32>
    tpu.vector_store %arg9[%swap3A_1930], %swap3A_1933 {strides = array<i32>} : memref<8640xf32, #tpu.memory_space<vmem>>, vector<16xf32>,
    %swap3A_1934 = arith.constant 5680 : index
    %swap3A_1935 = tpu.vector_load %arg9[%swap3A_1934] {strides = array<i32>} : memref<8640xf32, #tpu.memory_space<vmem>>, vector<16xf32>,
    %swap3A_1936 = vector.shape_cast %swap3A_1935 : vector<16xf32> to vector<16xf32>
    %swap3A_1937 = vector.shape_cast %broadcast_in_dim3A_2 : vector<16xf32> to vector<16xf32>
    tpu.vector_store %arg9[%swap3A_1934], %swap3A_1937 {strides = array<i32>} : memref<8640xf32, #tpu.memory_space<vmem>>, vector<16xf32>,
    %swap3A_1938 = arith.constant 5696 : index
    %swap3A_1939 = tpu.vector_load %arg9[%swap3A_1938] {strides = array<i32>} : memref<8640xf32, #tpu.memory_space<vmem>>, vector<16xf32>,
    %swap3A_1940 = vector.shape_cast %swap3A_1939 : vector<16xf32> to vector<16xf32>
    %swap3A_1941 = vector.shape_cast %broadcast_in_dim3A_2 : vector<16xf32> to vector<16xf32>
    tpu.vector_store %arg9[%swap3A_1938], %swap3A_1941 {strides = array<i32>} : memref<8640xf32, #tpu.memory_space<vmem>>, vector<16xf32>,
    %swap3A_1942 = arith.constant 5712 : index
    %swap3A_1943 = tpu.vector_load %arg9[%swap3A_1942] {strides = array<i32>} : memref<8640xf32, #tpu.memory_space<vmem>>, vector<16xf32>,
    %swap3A_1944 = vector.shape_cast %swap3A_1943 : vector<16xf32> to vector<16xf32>
    %swap3A_1945 = vector.shape_cast %broadcast_in_dim3A_2 : vector<16xf32> to vector<16xf32>
    tpu.vector_store %arg9[%swap3A_1942], %swap3A_1945 {strides = array<i32>} : memref<8640xf32, #tpu.memory_space<vmem>>, vector<16xf32>,
    %swap3A_1946 = arith.constant 5728 : index
    %swap3A_1947 = tpu.vector_load %arg9[%swap3A_1946] {strides = array<i32>} : memref<8640xf32, #tpu.memory_space<vmem>>, vector<16xf32>,
    %swap3A_1948 = vector.shape_cast %swap3A_1947 : vector<16xf32> to vector<16xf32>
    %swap3A_1949 = vector.shape_cast %broadcast_in_dim3A_2 : vector<16xf32> to vector<16xf32>
    tpu.vector_store %arg9[%swap3A_1946], %swap3A_1949 {strides = array<i32>} : memref<8640xf32, #tpu.memory_space<vmem>>, vector<16xf32>,
    %swap3A_1950 = arith.constant 5744 : index
    %swap3A_1951 = tpu.vector_load %arg9[%swap3A_1950] {strides = array<i32>} : memref<8640xf32, #tpu.memory_space<vmem>>, vector<16xf32>,
    %swap3A_1952 = vector.shape_cast %swap3A_1951 : vector<16xf32> to vector<16xf32>
    %swap3A_1953 = vector.shape_cast %broadcast_in_dim3A_2 : vector<16xf32> to vector<16xf32>
    tpu.vector_store %arg9[%swap3A_1950], %swap3A_1953 {strides = array<i32>} : memref<8640xf32, #tpu.memory_space<vmem>>, vector<16xf32>,
    %swap3A_1954 = arith.constant 5760 : index
    %swap3A_1955 = tpu.vector_load %arg9[%swap3A_1954] {strides = array<i32>} : memref<8640xf32, #tpu.memory_space<vmem>>, vector<16xf32>,
    %swap3A_1956 = vector.shape_cast %swap3A_1955 : vector<16xf32> to vector<16xf32>
    %swap3A_1957 = vector.shape_cast %broadcast_in_dim3A_2 : vector<16xf32> to vector<16xf32>
    tpu.vector_store %arg9[%swap3A_1954], %swap3A_1957 {strides = array<i32>} : memref<8640xf32, #tpu.memory_space<vmem>>, vector<16xf32>,
    %swap3A_1958 = arith.constant 5776 : index
    %swap3A_1959 = tpu.vector_load %arg9[%swap3A_1958] {strides = array<i32>} : memref<8640xf32, #tpu.memory_space<vmem>>, vector<16xf32>,
    %swap3A_1960 = vector.shape_cast %swap3A_1959 : vector<16xf32> to vector<16xf32>
    %swap3A_1961 = vector.shape_cast %broadcast_in_dim3A_2 : vector<16xf32> to vector<16xf32>
    tpu.vector_store %arg9[%swap3A_1958], %swap3A_1961 {strides = array<i32>} : memref<8640xf32, #tpu.memory_space<vmem>>, vector<16xf32>,
    %swap3A_1962 = arith.constant 5792 : index
    %swap3A_1963 = tpu.vector_load %arg9[%swap3A_1962] {strides = array<i32>} : memref<8640xf32, #tpu.memory_space<vmem>>, vector<16xf32>,
    %swap3A_1964 = vector.shape_cast %swap3A_1963 : vector<16xf32> to vector<16xf32>
    %swap3A_1965 = vector.shape_cast %broadcast_in_dim3A_2 : vector<16xf32> to vector<16xf32>
    tpu.vector_store %arg9[%swap3A_1962], %swap3A_1965 {strides = array<i32>} : memref<8640xf32, #tpu.memory_space<vmem>>, vector<16xf32>,
    %swap3A_1966 = arith.constant 5808 : index
    %swap3A_1967 = tpu.vector_load %arg9[%swap3A_1966] {strides = array<i32>} : memref<8640xf32, #tpu.memory_space<vmem>>, vector<16xf32>,
    %swap3A_1968 = vector.shape_cast %swap3A_1967 : vector<16xf32> to vector<16xf32>
    %swap3A_1969 = vector.shape_cast %broadcast_in_dim3A_2 : vector<16xf32> to vector<16xf32>
    tpu.vector_store %arg9[%swap3A_1966], %swap3A_1969 {strides = array<i32>} : memref<8640xf32, #tpu.memory_space<vmem>>, vector<16xf32>,
    %swap3A_1970 = arith.constant 5824 : index
    %swap3A_1971 = tpu.vector_load %arg9[%swap3A_1970] {strides = array<i32>} : memref<8640xf32, #tpu.memory_space<vmem>>, vector<16xf32>,
    %swap3A_1972 = vector.shape_cast %swap3A_1971 : vector<16xf32> to vector<16xf32>
    %swap3A_1973 = vector.shape_cast %broadcast_in_dim3A_2 : vector<16xf32> to vector<16xf32>
    tpu.vector_store %arg9[%swap3A_1970], %swap3A_1973 {strides = array<i32>} : memref<8640xf32, #tpu.memory_space<vmem>>, vector<16xf32>,
    %swap3A_1974 = arith.constant 5840 : index
    %swap3A_1975 = tpu.vector_load %arg9[%swap3A_1974] {strides = array<i32>} : memref<8640xf32, #tpu.memory_space<vmem>>, vector<16xf32>,
    %swap3A_1976 = vector.shape_cast %swap3A_1975 : vector<16xf32> to vector<16xf32>
    %swap3A_1977 = vector.shape_cast %broadcast_in_dim3A_2 : vector<16xf32> to vector<16xf32>
    tpu.vector_store %arg9[%swap3A_1974], %swap3A_1977 {strides = array<i32>} : memref<8640xf32, #tpu.memory_space<vmem>>, vector<16xf32>,
    %swap3A_1978 = arith.constant 5856 : index
    %swap3A_1979 = tpu.vector_load %arg9[%swap3A_1978] {strides = array<i32>} : memref<8640xf32, #tpu.memory_space<vmem>>, vector<16xf32>,
    %swap3A_1980 = vector.shape_cast %swap3A_1979 : vector<16xf32> to vector<16xf32>
    %swap3A_1981 = vector.shape_cast %broadcast_in_dim3A_2 : vector<16xf32> to vector<16xf32>
    tpu.vector_store %arg9[%swap3A_1978], %swap3A_1981 {strides = array<i32>} : memref<8640xf32, #tpu.memory_space<vmem>>, vector<16xf32>,
    %swap3A_1982 = arith.constant 5872 : index
    %swap3A_1983 = tpu.vector_load %arg9[%swap3A_1982] {strides = array<i32>} : memref<8640xf32, #tpu.memory_space<vmem>>, vector<16xf32>,
    %swap3A_1984 = vector.shape_cast %swap3A_1983 : vector<16xf32> to vector<16xf32>
    %swap3A_1985 = vector.shape_cast %broadcast_in_dim3A_2 : vector<16xf32> to vector<16xf32>
    tpu.vector_store %arg9[%swap3A_1982], %swap3A_1985 {strides = array<i32>} : memref<8640xf32, #tpu.memory_space<vmem>>, vector<16xf32>,
    %swap3A_1986 = arith.constant 5888 : index
    %swap3A_1987 = tpu.vector_load %arg9[%swap3A_1986] {strides = array<i32>} : memref<8640xf32, #tpu.memory_space<vmem>>, vector<16xf32>,
    %swap3A_1988 = vector.shape_cast %swap3A_1987 : vector<16xf32> to vector<16xf32>
    %swap3A_1989 = vector.shape_cast %broadcast_in_dim3A_2 : vector<16xf32> to vector<16xf32>
    tpu.vector_store %arg9[%swap3A_1986], %swap3A_1989 {strides = array<i32>} : memref<8640xf32, #tpu.memory_space<vmem>>, vector<16xf32>,
    %swap3A_1990 = arith.constant 5904 : index
    %swap3A_1991 = tpu.vector_load %arg9[%swap3A_1990] {strides = array<i32>} : memref<8640xf32, #tpu.memory_space<vmem>>, vector<16xf32>,
    %swap3A_1992 = vector.shape_cast %swap3A_1991 : vector<16xf32> to vector<16xf32>
    %swap3A_1993 = vector.shape_cast %broadcast_in_dim3A_2 : vector<16xf32> to vector<16xf32>
    tpu.vector_store %arg9[%swap3A_1990], %swap3A_1993 {strides = array<i32>} : memref<8640xf32, #tpu.memory_space<vmem>>, vector<16xf32>,
    %swap3A_1994 = arith.constant 5920 : index
    %swap3A_1995 = tpu.vector_load %arg9[%swap3A_1994] {strides = array<i32>} : memref<8640xf32, #tpu.memory_space<vmem>>, vector<16xf32>,
    %swap3A_1996 = vector.shape_cast %swap3A_1995 : vector<16xf32> to vector<16xf32>
    %swap3A_1997 = vector.shape_cast %broadcast_in_dim3A_2 : vector<16xf32> to vector<16xf32>
    tpu.vector_store %arg9[%swap3A_1994], %swap3A_1997 {strides = array<i32>} : memref<8640xf32, #tpu.memory_space<vmem>>, vector<16xf32>,
    %swap3A_1998 = arith.constant 5936 : index
    %swap3A_1999 = tpu.vector_load %arg9[%swap3A_1998] {strides = array<i32>} : memref<8640xf32, #tpu.memory_space<vmem>>, vector<16xf32>,
    %swap3A_2000 = vector.shape_cast %swap3A_1999 : vector<16xf32> to vector<16xf32>
    %swap3A_2001 = vector.shape_cast %broadcast_in_dim3A_2 : vector<16xf32> to vector<16xf32>
    tpu.vector_store %arg9[%swap3A_1998], %swap3A_2001 {strides = array<i32>} : memref<8640xf32, #tpu.memory_space<vmem>>, vector<16xf32>,
    %swap3A_2002 = arith.constant 5952 : index
    %swap3A_2003 = tpu.vector_load %arg9[%swap3A_2002] {strides = array<i32>} : memref<8640xf32, #tpu.memory_space<vmem>>, vector<16xf32>,
    %swap3A_2004 = vector.shape_cast %swap3A_2003 : vector<16xf32> to vector<16xf32>
    %swap3A_2005 = vector.shape_cast %broadcast_in_dim3A_2 : vector<16xf32> to vector<16xf32>
    tpu.vector_store %arg9[%swap3A_2002], %swap3A_2005 {strides = array<i32>} : memref<8640xf32, #tpu.memory_space<vmem>>, vector<16xf32>,
    %swap3A_2006 = arith.constant 5968 : index
    %swap3A_2007 = tpu.vector_load %arg9[%swap3A_2006] {strides = array<i32>} : memref<8640xf32, #tpu.memory_space<vmem>>, vector<16xf32>,
    %swap3A_2008 = vector.shape_cast %swap3A_2007 : vector<16xf32> to vector<16xf32>
    %swap3A_2009 = vector.shape_cast %broadcast_in_dim3A_2 : vector<16xf32> to vector<16xf32>
    tpu.vector_store %arg9[%swap3A_2006], %swap3A_2009 {strides = array<i32>} : memref<8640xf32, #tpu.memory_space<vmem>>, vector<16xf32>,
    %swap3A_2010 = arith.constant 5984 : index
    %swap3A_2011 = tpu.vector_load %arg9[%swap3A_2010] {strides = array<i32>} : memref<8640xf32, #tpu.memory_space<vmem>>, vector<16xf32>,
    %swap3A_2012 = vector.shape_cast %swap3A_2011 : vector<16xf32> to vector<16xf32>
    %swap3A_2013 = vector.shape_cast %broadcast_in_dim3A_2 : vector<16xf32> to vector<16xf32>
    tpu.vector_store %arg9[%swap3A_2010], %swap3A_2013 {strides = array<i32>} : memref<8640xf32, #tpu.memory_space<vmem>>, vector<16xf32>,
    %swap3A_2014 = arith.constant 6000 : index
    %swap3A_2015 = tpu.vector_load %arg9[%swap3A_2014] {strides = array<i32>} : memref<8640xf32, #tpu.memory_space<vmem>>, vector<16xf32>,
    %swap3A_2016 = vector.shape_cast %swap3A_2015 : vector<16xf32> to vector<16xf32>
    %swap3A_2017 = vector.shape_cast %broadcast_in_dim3A_2 : vector<16xf32> to vector<16xf32>
    tpu.vector_store %arg9[%swap3A_2014], %swap3A_2017 {strides = array<i32>} : memref<8640xf32, #tpu.memory_space<vmem>>, vector<16xf32>,
    %swap3A_2018 = arith.constant 6016 : index
    %swap3A_2019 = tpu.vector_load %arg9[%swap3A_2018] {strides = array<i32>} : memref<8640xf32, #tpu.memory_space<vmem>>, vector<16xf32>,
    %swap3A_2020 = vector.shape_cast %swap3A_2019 : vector<16xf32> to vector<16xf32>
    %swap3A_2021 = vector.shape_cast %broadcast_in_dim3A_2 : vector<16xf32> to vector<16xf32>
    tpu.vector_store %arg9[%swap3A_2018], %swap3A_2021 {strides = array<i32>} : memref<8640xf32, #tpu.memory_space<vmem>>, vector<16xf32>,
    %swap3A_2022 = arith.constant 6032 : index
    %swap3A_2023 = tpu.vector_load %arg9[%swap3A_2022] {strides = array<i32>} : memref<8640xf32, #tpu.memory_space<vmem>>, vector<16xf32>,
    %swap3A_2024 = vector.shape_cast %swap3A_2023 : vector<16xf32> to vector<16xf32>
    %swap3A_2025 = vector.shape_cast %broadcast_in_dim3A_2 : vector<16xf32> to vector<16xf32>
    tpu.vector_store %arg9[%swap3A_2022], %swap3A_2025 {strides = array<i32>} : memref<8640xf32, #tpu.memory_space<vmem>>, vector<16xf32>,
    %swap3A_2026 = arith.constant 6048 : index
    %swap3A_2027 = tpu.vector_load %arg9[%swap3A_2026] {strides = array<i32>} : memref<8640xf32, #tpu.memory_space<vmem>>, vector<16xf32>,
    %swap3A_2028 = vector.shape_cast %swap3A_2027 : vector<16xf32> to vector<16xf32>
    %swap3A_2029 = vector.shape_cast %broadcast_in_dim3A_2 : vector<16xf32> to vector<16xf32>
    tpu.vector_store %arg9[%swap3A_2026], %swap3A_2029 {strides = array<i32>} : memref<8640xf32, #tpu.memory_space<vmem>>, vector<16xf32>,
    %swap3A_2030 = arith.constant 6064 : index
    %swap3A_2031 = tpu.vector_load %arg9[%swap3A_2030] {strides = array<i32>} : memref<8640xf32, #tpu.memory_space<vmem>>, vector<16xf32>,
    %swap3A_2032 = vector.shape_cast %swap3A_2031 : vector<16xf32> to vector<16xf32>
    %swap3A_2033 = vector.shape_cast %broadcast_in_dim3A_2 : vector<16xf32> to vector<16xf32>
    tpu.vector_store %arg9[%swap3A_2030], %swap3A_2033 {strides = array<i32>} : memref<8640xf32, #tpu.memory_space<vmem>>, vector<16xf32>,
    %swap3A_2034 = arith.constant 6080 : index
    %swap3A_2035 = tpu.vector_load %arg9[%swap3A_2034] {strides = array<i32>} : memref<8640xf32, #tpu.memory_space<vmem>>, vector<16xf32>,
    %swap3A_2036 = vector.shape_cast %swap3A_2035 : vector<16xf32> to vector<16xf32>
    %swap3A_2037 = vector.shape_cast %broadcast_in_dim3A_2 : vector<16xf32> to vector<16xf32>
    tpu.vector_store %arg9[%swap3A_2034], %swap3A_2037 {strides = array<i32>} : memref<8640xf32, #tpu.memory_space<vmem>>, vector<16xf32>,
    %swap3A_2038 = arith.constant 6096 : index
    %swap3A_2039 = tpu.vector_load %arg9[%swap3A_2038] {strides = array<i32>} : memref<8640xf32, #tpu.memory_space<vmem>>, vector<16xf32>,
    %swap3A_2040 = vector.shape_cast %swap3A_2039 : vector<16xf32> to vector<16xf32>
    %swap3A_2041 = vector.shape_cast %broadcast_in_dim3A_2 : vector<16xf32> to vector<16xf32>
    tpu.vector_store %arg9[%swap3A_2038], %swap3A_2041 {strides = array<i32>} : memref<8640xf32, #tpu.memory_space<vmem>>, vector<16xf32>,
    %swap3A_2042 = arith.constant 6112 : index
    %swap3A_2043 = tpu.vector_load %arg9[%swap3A_2042] {strides = array<i32>} : memref<8640xf32, #tpu.memory_space<vmem>>, vector<16xf32>,
    %swap3A_2044 = vector.shape_cast %swap3A_2043 : vector<16xf32> to vector<16xf32>
    %swap3A_2045 = vector.shape_cast %broadcast_in_dim3A_2 : vector<16xf32> to vector<16xf32>
    tpu.vector_store %arg9[%swap3A_2042], %swap3A_2045 {strides = array<i32>} : memref<8640xf32, #tpu.memory_space<vmem>>, vector<16xf32>,
    %swap3A_2046 = arith.constant 6128 : index
    %swap3A_2047 = tpu.vector_load %arg9[%swap3A_2046] {strides = array<i32>} : memref<8640xf32, #tpu.memory_space<vmem>>, vector<16xf32>,
    %swap3A_2048 = vector.shape_cast %swap3A_2047 : vector<16xf32> to vector<16xf32>
    %swap3A_2049 = vector.shape_cast %broadcast_in_dim3A_2 : vector<16xf32> to vector<16xf32>
    tpu.vector_store %arg9[%swap3A_2046], %swap3A_2049 {strides = array<i32>} : memref<8640xf32, #tpu.memory_space<vmem>>, vector<16xf32>,
    %swap3A_2050 = arith.constant 6144 : index
    %swap3A_2051 = tpu.vector_load %arg9[%swap3A_2050] {strides = array<i32>} : memref<8640xf32, #tpu.memory_space<vmem>>, vector<16xf32>,
    %swap3A_2052 = vector.shape_cast %swap3A_2051 : vector<16xf32> to vector<16xf32>
    %swap3A_2053 = vector.shape_cast %broadcast_in_dim3A_2 : vector<16xf32> to vector<16xf32>
    tpu.vector_store %arg9[%swap3A_2050], %swap3A_2053 {strides = array<i32>} : memref<8640xf32, #tpu.memory_space<vmem>>, vector<16xf32>,
    %swap3A_2054 = arith.constant 6160 : index
    %swap3A_2055 = tpu.vector_load %arg9[%swap3A_2054] {strides = array<i32>} : memref<8640xf32, #tpu.memory_space<vmem>>, vector<16xf32>,
    %swap3A_2056 = vector.shape_cast %swap3A_2055 : vector<16xf32> to vector<16xf32>
    %swap3A_2057 = vector.shape_cast %broadcast_in_dim3A_2 : vector<16xf32> to vector<16xf32>
    tpu.vector_store %arg9[%swap3A_2054], %swap3A_2057 {strides = array<i32>} : memref<8640xf32, #tpu.memory_space<vmem>>, vector<16xf32>,
    %swap3A_2058 = arith.constant 6176 : index
    %swap3A_2059 = tpu.vector_load %arg9[%swap3A_2058] {strides = array<i32>} : memref<8640xf32, #tpu.memory_space<vmem>>, vector<16xf32>,
    %swap3A_2060 = vector.shape_cast %swap3A_2059 : vector<16xf32> to vector<16xf32>
    %swap3A_2061 = vector.shape_cast %broadcast_in_dim3A_2 : vector<16xf32> to vector<16xf32>
    tpu.vector_store %arg9[%swap3A_2058], %swap3A_2061 {strides = array<i32>} : memref<8640xf32, #tpu.memory_space<vmem>>, vector<16xf32>,
    %swap3A_2062 = arith.constant 6192 : index
    %swap3A_2063 = tpu.vector_load %arg9[%swap3A_2062] {strides = array<i32>} : memref<8640xf32, #tpu.memory_space<vmem>>, vector<16xf32>,
    %swap3A_2064 = vector.shape_cast %swap3A_2063 : vector<16xf32> to vector<16xf32>
    %swap3A_2065 = vector.shape_cast %broadcast_in_dim3A_2 : vector<16xf32> to vector<16xf32>
    tpu.vector_store %arg9[%swap3A_2062], %swap3A_2065 {strides = array<i32>} : memref<8640xf32, #tpu.memory_space<vmem>>, vector<16xf32>,
    %swap3A_2066 = arith.constant 6208 : index
    %swap3A_2067 = tpu.vector_load %arg9[%swap3A_2066] {strides = array<i32>} : memref<8640xf32, #tpu.memory_space<vmem>>, vector<16xf32>,
    %swap3A_2068 = vector.shape_cast %swap3A_2067 : vector<16xf32> to vector<16xf32>
    %swap3A_2069 = vector.shape_cast %broadcast_in_dim3A_2 : vector<16xf32> to vector<16xf32>
    tpu.vector_store %arg9[%swap3A_2066], %swap3A_2069 {strides = array<i32>} : memref<8640xf32, #tpu.memory_space<vmem>>, vector<16xf32>,
    %swap3A_2070 = arith.constant 6224 : index
    %swap3A_2071 = tpu.vector_load %arg9[%swap3A_2070] {strides = array<i32>} : memref<8640xf32, #tpu.memory_space<vmem>>, vector<16xf32>,
    %swap3A_2072 = vector.shape_cast %swap3A_2071 : vector<16xf32> to vector<16xf32>
    %swap3A_2073 = vector.shape_cast %broadcast_in_dim3A_2 : vector<16xf32> to vector<16xf32>
    tpu.vector_store %arg9[%swap3A_2070], %swap3A_2073 {strides = array<i32>} : memref<8640xf32, #tpu.memory_space<vmem>>, vector<16xf32>,
    %swap3A_2074 = arith.constant 6240 : index
    %swap3A_2075 = tpu.vector_load %arg9[%swap3A_2074] {strides = array<i32>} : memref<8640xf32, #tpu.memory_space<vmem>>, vector<16xf32>,
    %swap3A_2076 = vector.shape_cast %swap3A_2075 : vector<16xf32> to vector<16xf32>
    %swap3A_2077 = vector.shape_cast %broadcast_in_dim3A_2 : vector<16xf32> to vector<16xf32>
    tpu.vector_store %arg9[%swap3A_2074], %swap3A_2077 {strides = array<i32>} : memref<8640xf32, #tpu.memory_space<vmem>>, vector<16xf32>,
    %swap3A_2078 = arith.constant 6256 : index
    %swap3A_2079 = tpu.vector_load %arg9[%swap3A_2078] {strides = array<i32>} : memref<8640xf32, #tpu.memory_space<vmem>>, vector<16xf32>,
    %swap3A_2080 = vector.shape_cast %swap3A_2079 : vector<16xf32> to vector<16xf32>
    %swap3A_2081 = vector.shape_cast %broadcast_in_dim3A_2 : vector<16xf32> to vector<16xf32>
    tpu.vector_store %arg9[%swap3A_2078], %swap3A_2081 {strides = array<i32>} : memref<8640xf32, #tpu.memory_space<vmem>>, vector<16xf32>,
    %swap3A_2082 = arith.constant 6272 : index
    %swap3A_2083 = tpu.vector_load %arg9[%swap3A_2082] {strides = array<i32>} : memref<8640xf32, #tpu.memory_space<vmem>>, vector<16xf32>,
    %swap3A_2084 = vector.shape_cast %swap3A_2083 : vector<16xf32> to vector<16xf32>
    %swap3A_2085 = vector.shape_cast %broadcast_in_dim3A_2 : vector<16xf32> to vector<16xf32>
    tpu.vector_store %arg9[%swap3A_2082], %swap3A_2085 {strides = array<i32>} : memref<8640xf32, #tpu.memory_space<vmem>>, vector<16xf32>,
    %swap3A_2086 = arith.constant 6288 : index
    %swap3A_2087 = tpu.vector_load %arg9[%swap3A_2086] {strides = array<i32>} : memref<8640xf32, #tpu.memory_space<vmem>>, vector<16xf32>,
    %swap3A_2088 = vector.shape_cast %swap3A_2087 : vector<16xf32> to vector<16xf32>
    %swap3A_2089 = vector.shape_cast %broadcast_in_dim3A_2 : vector<16xf32> to vector<16xf32>
    tpu.vector_store %arg9[%swap3A_2086], %swap3A_2089 {strides = array<i32>} : memref<8640xf32, #tpu.memory_space<vmem>>, vector<16xf32>,
    %swap3A_2090 = arith.constant 6304 : index
    %swap3A_2091 = tpu.vector_load %arg9[%swap3A_2090] {strides = array<i32>} : memref<8640xf32, #tpu.memory_space<vmem>>, vector<16xf32>,
    %swap3A_2092 = vector.shape_cast %swap3A_2091 : vector<16xf32> to vector<16xf32>
    %swap3A_2093 = vector.shape_cast %broadcast_in_dim3A_2 : vector<16xf32> to vector<16xf32>
    tpu.vector_store %arg9[%swap3A_2090], %swap3A_2093 {strides = array<i32>} : memref<8640xf32, #tpu.memory_space<vmem>>, vector<16xf32>,
    %swap3A_2094 = arith.constant 6320 : index
    %swap3A_2095 = tpu.vector_load %arg9[%swap3A_2094] {strides = array<i32>} : memref<8640xf32, #tpu.memory_space<vmem>>, vector<16xf32>,
    %swap3A_2096 = vector.shape_cast %swap3A_2095 : vector<16xf32> to vector<16xf32>
    %swap3A_2097 = vector.shape_cast %broadcast_in_dim3A_2 : vector<16xf32> to vector<16xf32>
    tpu.vector_store %arg9[%swap3A_2094], %swap3A_2097 {strides = array<i32>} : memref<8640xf32, #tpu.memory_space<vmem>>, vector<16xf32>,
    %swap3A_2098 = arith.constant 6336 : index
    %swap3A_2099 = tpu.vector_load %arg9[%swap3A_2098] {strides = array<i32>} : memref<8640xf32, #tpu.memory_space<vmem>>, vector<16xf32>,
    %swap3A_2100 = vector.shape_cast %swap3A_2099 : vector<16xf32> to vector<16xf32>
    %swap3A_2101 = vector.shape_cast %broadcast_in_dim3A_2 : vector<16xf32> to vector<16xf32>
    tpu.vector_store %arg9[%swap3A_2098], %swap3A_2101 {strides = array<i32>} : memref<8640xf32, #tpu.memory_space<vmem>>, vector<16xf32>,
    %swap3A_2102 = arith.constant 6352 : index
    %swap3A_2103 = tpu.vector_load %arg9[%swap3A_2102] {strides = array<i32>} : memref<8640xf32, #tpu.memory_space<vmem>>, vector<16xf32>,
    %swap3A_2104 = vector.shape_cast %swap3A_2103 : vector<16xf32> to vector<16xf32>
    %swap3A_2105 = vector.shape_cast %broadcast_in_dim3A_2 : vector<16xf32> to vector<16xf32>
    tpu.vector_store %arg9[%swap3A_2102], %swap3A_2105 {strides = array<i32>} : memref<8640xf32, #tpu.memory_space<vmem>>, vector<16xf32>,
    %swap3A_2106 = arith.constant 6368 : index
    %swap3A_2107 = tpu.vector_load %arg9[%swap3A_2106] {strides = array<i32>} : memref<8640xf32, #tpu.memory_space<vmem>>, vector<16xf32>,
    %swap3A_2108 = vector.shape_cast %swap3A_2107 : vector<16xf32> to vector<16xf32>
    %swap3A_2109 = vector.shape_cast %broadcast_in_dim3A_2 : vector<16xf32> to vector<16xf32>
    tpu.vector_store %arg9[%swap3A_2106], %swap3A_2109 {strides = array<i32>} : memref<8640xf32, #tpu.memory_space<vmem>>, vector<16xf32>,
    %swap3A_2110 = arith.constant 6384 : index
    %swap3A_2111 = tpu.vector_load %arg9[%swap3A_2110] {strides = array<i32>} : memref<8640xf32, #tpu.memory_space<vmem>>, vector<16xf32>,
    %swap3A_2112 = vector.shape_cast %swap3A_2111 : vector<16xf32> to vector<16xf32>
    %swap3A_2113 = vector.shape_cast %broadcast_in_dim3A_2 : vector<16xf32> to vector<16xf32>
    tpu.vector_store %arg9[%swap3A_2110], %swap3A_2113 {strides = array<i32>} : memref<8640xf32, #tpu.memory_space<vmem>>, vector<16xf32>,
    %swap3A_2114 = arith.constant 6400 : index
    %swap3A_2115 = tpu.vector_load %arg9[%swap3A_2114] {strides = array<i32>} : memref<8640xf32, #tpu.memory_space<vmem>>, vector<16xf32>,
    %swap3A_2116 = vector.shape_cast %swap3A_2115 : vector<16xf32> to vector<16xf32>
    %swap3A_2117 = vector.shape_cast %broadcast_in_dim3A_2 : vector<16xf32> to vector<16xf32>
    tpu.vector_store %arg9[%swap3A_2114], %swap3A_2117 {strides = array<i32>} : memref<8640xf32, #tpu.memory_space<vmem>>, vector<16xf32>,
    %swap3A_2118 = arith.constant 6416 : index
    %swap3A_2119 = tpu.vector_load %arg9[%swap3A_2118] {strides = array<i32>} : memref<8640xf32, #tpu.memory_space<vmem>>, vector<16xf32>,
    %swap3A_2120 = vector.shape_cast %swap3A_2119 : vector<16xf32> to vector<16xf32>
    %swap3A_2121 = vector.shape_cast %broadcast_in_dim3A_2 : vector<16xf32> to vector<16xf32>
    tpu.vector_store %arg9[%swap3A_2118], %swap3A_2121 {strides = array<i32>} : memref<8640xf32, #tpu.memory_space<vmem>>, vector<16xf32>,
    %swap3A_2122 = arith.constant 6432 : index
    %swap3A_2123 = tpu.vector_load %arg9[%swap3A_2122] {strides = array<i32>} : memref<8640xf32, #tpu.memory_space<vmem>>, vector<16xf32>,
    %swap3A_2124 = vector.shape_cast %swap3A_2123 : vector<16xf32> to vector<16xf32>
    %swap3A_2125 = vector.shape_cast %broadcast_in_dim3A_2 : vector<16xf32> to vector<16xf32>
    tpu.vector_store %arg9[%swap3A_2122], %swap3A_2125 {strides = array<i32>} : memref<8640xf32, #tpu.memory_space<vmem>>, vector<16xf32>,
    %swap3A_2126 = arith.constant 6448 : index
    %swap3A_2127 = tpu.vector_load %arg9[%swap3A_2126] {strides = array<i32>} : memref<8640xf32, #tpu.memory_space<vmem>>, vector<16xf32>,
    %swap3A_2128 = vector.shape_cast %swap3A_2127 : vector<16xf32> to vector<16xf32>
    %swap3A_2129 = vector.shape_cast %broadcast_in_dim3A_2 : vector<16xf32> to vector<16xf32>
    tpu.vector_store %arg9[%swap3A_2126], %swap3A_2129 {strides = array<i32>} : memref<8640xf32, #tpu.memory_space<vmem>>, vector<16xf32>,
    %swap3A_2130 = arith.constant 6464 : index
    %swap3A_2131 = tpu.vector_load %arg9[%swap3A_2130] {strides = array<i32>} : memref<8640xf32, #tpu.memory_space<vmem>>, vector<16xf32>,
    %swap3A_2132 = vector.shape_cast %swap3A_2131 : vector<16xf32> to vector<16xf32>
    %swap3A_2133 = vector.shape_cast %broadcast_in_dim3A_2 : vector<16xf32> to vector<16xf32>
    tpu.vector_store %arg9[%swap3A_2130], %swap3A_2133 {strides = array<i32>} : memref<8640xf32, #tpu.memory_space<vmem>>, vector<16xf32>,
    %swap3A_2134 = arith.constant 6480 : index
    %swap3A_2135 = tpu.vector_load %arg9[%swap3A_2134] {strides = array<i32>} : memref<8640xf32, #tpu.memory_space<vmem>>, vector<16xf32>,
    %swap3A_2136 = vector.shape_cast %swap3A_2135 : vector<16xf32> to vector<16xf32>
    %swap3A_2137 = vector.shape_cast %broadcast_in_dim3A_2 : vector<16xf32> to vector<16xf32>
    tpu.vector_store %arg9[%swap3A_2134], %swap3A_2137 {strides = array<i32>} : memref<8640xf32, #tpu.memory_space<vmem>>, vector<16xf32>,
    %swap3A_2138 = arith.constant 6496 : index
    %swap3A_2139 = tpu.vector_load %arg9[%swap3A_2138] {strides = array<i32>} : memref<8640xf32, #tpu.memory_space<vmem>>, vector<16xf32>,
    %swap3A_2140 = vector.shape_cast %swap3A_2139 : vector<16xf32> to vector<16xf32>
    %swap3A_2141 = vector.shape_cast %broadcast_in_dim3A_2 : vector<16xf32> to vector<16xf32>
    tpu.vector_store %arg9[%swap3A_2138], %swap3A_2141 {strides = array<i32>} : memref<8640xf32, #tpu.memory_space<vmem>>, vector<16xf32>,
    %swap3A_2142 = arith.constant 6512 : index
    %swap3A_2143 = tpu.vector_load %arg9[%swap3A_2142] {strides = array<i32>} : memref<8640xf32, #tpu.memory_space<vmem>>, vector<16xf32>,
    %swap3A_2144 = vector.shape_cast %swap3A_2143 : vector<16xf32> to vector<16xf32>
    %swap3A_2145 = vector.shape_cast %broadcast_in_dim3A_2 : vector<16xf32> to vector<16xf32>
    tpu.vector_store %arg9[%swap3A_2142], %swap3A_2145 {strides = array<i32>} : memref<8640xf32, #tpu.memory_space<vmem>>, vector<16xf32>,
    %swap3A_2146 = arith.constant 6528 : index
    %swap3A_2147 = tpu.vector_load %arg9[%swap3A_2146] {strides = array<i32>} : memref<8640xf32, #tpu.memory_space<vmem>>, vector<16xf32>,
    %swap3A_2148 = vector.shape_cast %swap3A_2147 : vector<16xf32> to vector<16xf32>
    %swap3A_2149 = vector.shape_cast %broadcast_in_dim3A_2 : vector<16xf32> to vector<16xf32>
    tpu.vector_store %arg9[%swap3A_2146], %swap3A_2149 {strides = array<i32>} : memref<8640xf32, #tpu.memory_space<vmem>>, vector<16xf32>,
    %swap3A_2150 = arith.constant 6544 : index
    %swap3A_2151 = tpu.vector_load %arg9[%swap3A_2150] {strides = array<i32>} : memref<8640xf32, #tpu.memory_space<vmem>>, vector<16xf32>,
    %swap3A_2152 = vector.shape_cast %swap3A_2151 : vector<16xf32> to vector<16xf32>
    %swap3A_2153 = vector.shape_cast %broadcast_in_dim3A_2 : vector<16xf32> to vector<16xf32>
    tpu.vector_store %arg9[%swap3A_2150], %swap3A_2153 {strides = array<i32>} : memref<8640xf32, #tpu.memory_space<vmem>>, vector<16xf32>,
    %swap3A_2154 = arith.constant 6560 : index
    %swap3A_2155 = tpu.vector_load %arg9[%swap3A_2154] {strides = array<i32>} : memref<8640xf32, #tpu.memory_space<vmem>>, vector<16xf32>,
    %swap3A_2156 = vector.shape_cast %swap3A_2155 : vector<16xf32> to vector<16xf32>
    %swap3A_2157 = vector.shape_cast %broadcast_in_dim3A_2 : vector<16xf32> to vector<16xf32>
    tpu.vector_store %arg9[%swap3A_2154], %swap3A_2157 {strides = array<i32>} : memref<8640xf32, #tpu.memory_space<vmem>>, vector<16xf32>,
    %swap3A_2158 = arith.constant 6576 : index
    %swap3A_2159 = tpu.vector_load %arg9[%swap3A_2158] {strides = array<i32>} : memref<8640xf32, #tpu.memory_space<vmem>>, vector<16xf32>,
    %swap3A_2160 = vector.shape_cast %swap3A_2159 : vector<16xf32> to vector<16xf32>
    %swap3A_2161 = vector.shape_cast %broadcast_in_dim3A_2 : vector<16xf32> to vector<16xf32>
    tpu.vector_store %arg9[%swap3A_2158], %swap3A_2161 {strides = array<i32>} : memref<8640xf32, #tpu.memory_space<vmem>>, vector<16xf32>,
    %swap3A_2162 = arith.constant 6592 : index
    %swap3A_2163 = tpu.vector_load %arg9[%swap3A_2162] {strides = array<i32>} : memref<8640xf32, #tpu.memory_space<vmem>>, vector<16xf32>,
    %swap3A_2164 = vector.shape_cast %swap3A_2163 : vector<16xf32> to vector<16xf32>
    %swap3A_2165 = vector.shape_cast %broadcast_in_dim3A_2 : vector<16xf32> to vector<16xf32>
    tpu.vector_store %arg9[%swap3A_2162], %swap3A_2165 {strides = array<i32>} : memref<8640xf32, #tpu.memory_space<vmem>>, vector<16xf32>,
    %swap3A_2166 = arith.constant 6608 : index
    %swap3A_2167 = tpu.vector_load %arg9[%swap3A_2166] {strides = array<i32>} : memref<8640xf32, #tpu.memory_space<vmem>>, vector<16xf32>,
    %swap3A_2168 = vector.shape_cast %swap3A_2167 : vector<16xf32> to vector<16xf32>
    %swap3A_2169 = vector.shape_cast %broadcast_in_dim3A_2 : vector<16xf32> to vector<16xf32>
    tpu.vector_store %arg9[%swap3A_2166], %swap3A_2169 {strides = array<i32>} : memref<8640xf32, #tpu.memory_space<vmem>>, vector<16xf32>,
    %swap3A_2170 = arith.constant 6624 : index
    %swap3A_2171 = tpu.vector_load %arg9[%swap3A_2170] {strides = array<i32>} : memref<8640xf32, #tpu.memory_space<vmem>>, vector<16xf32>,
    %swap3A_2172 = vector.shape_cast %swap3A_2171 : vector<16xf32> to vector<16xf32>
    %swap3A_2173 = vector.shape_cast %broadcast_in_dim3A_2 : vector<16xf32> to vector<16xf32>
    tpu.vector_store %arg9[%swap3A_2170], %swap3A_2173 {strides = array<i32>} : memref<8640xf32, #tpu.memory_space<vmem>>, vector<16xf32>,
    %swap3A_2174 = arith.constant 6640 : index
    %swap3A_2175 = tpu.vector_load %arg9[%swap3A_2174] {strides = array<i32>} : memref<8640xf32, #tpu.memory_space<vmem>>, vector<16xf32>,
    %swap3A_2176 = vector.shape_cast %swap3A_2175 : vector<16xf32> to vector<16xf32>
    %swap3A_2177 = vector.shape_cast %broadcast_in_dim3A_2 : vector<16xf32> to vector<16xf32>
    tpu.vector_store %arg9[%swap3A_2174], %swap3A_2177 {strides = array<i32>} : memref<8640xf32, #tpu.memory_space<vmem>>, vector<16xf32>,
    %swap3A_2178 = arith.constant 6656 : index
    %swap3A_2179 = tpu.vector_load %arg9[%swap3A_2178] {strides = array<i32>} : memref<8640xf32, #tpu.memory_space<vmem>>, vector<16xf32>,
    %swap3A_2180 = vector.shape_cast %swap3A_2179 : vector<16xf32> to vector<16xf32>
    %swap3A_2181 = vector.shape_cast %broadcast_in_dim3A_2 : vector<16xf32> to vector<16xf32>
    tpu.vector_store %arg9[%swap3A_2178], %swap3A_2181 {strides = array<i32>} : memref<8640xf32, #tpu.memory_space<vmem>>, vector<16xf32>,
    %swap3A_2182 = arith.constant 6672 : index
    %swap3A_2183 = tpu.vector_load %arg9[%swap3A_2182] {strides = array<i32>} : memref<8640xf32, #tpu.memory_space<vmem>>, vector<16xf32>,
    %swap3A_2184 = vector.shape_cast %swap3A_2183 : vector<16xf32> to vector<16xf32>
    %swap3A_2185 = vector.shape_cast %broadcast_in_dim3A_2 : vector<16xf32> to vector<16xf32>
    tpu.vector_store %arg9[%swap3A_2182], %swap3A_2185 {strides = array<i32>} : memref<8640xf32, #tpu.memory_space<vmem>>, vector<16xf32>,
    %swap3A_2186 = arith.constant 6688 : index
    %swap3A_2187 = tpu.vector_load %arg9[%swap3A_2186] {strides = array<i32>} : memref<8640xf32, #tpu.memory_space<vmem>>, vector<16xf32>,
    %swap3A_2188 = vector.shape_cast %swap3A_2187 : vector<16xf32> to vector<16xf32>
    %swap3A_2189 = vector.shape_cast %broadcast_in_dim3A_2 : vector<16xf32> to vector<16xf32>
    tpu.vector_store %arg9[%swap3A_2186], %swap3A_2189 {strides = array<i32>} : memref<8640xf32, #tpu.memory_space<vmem>>, vector<16xf32>,
    %swap3A_2190 = arith.constant 6704 : index
    %swap3A_2191 = tpu.vector_load %arg9[%swap3A_2190] {strides = array<i32>} : memref<8640xf32, #tpu.memory_space<vmem>>, vector<16xf32>,
    %swap3A_2192 = vector.shape_cast %swap3A_2191 : vector<16xf32> to vector<16xf32>
    %swap3A_2193 = vector.shape_cast %broadcast_in_dim3A_2 : vector<16xf32> to vector<16xf32>
    tpu.vector_store %arg9[%swap3A_2190], %swap3A_2193 {strides = array<i32>} : memref<8640xf32, #tpu.memory_space<vmem>>, vector<16xf32>,
    %swap3A_2194 = arith.constant 6720 : index
    %swap3A_2195 = tpu.vector_load %arg9[%swap3A_2194] {strides = array<i32>} : memref<8640xf32, #tpu.memory_space<vmem>>, vector<16xf32>,
    %swap3A_2196 = vector.shape_cast %swap3A_2195 : vector<16xf32> to vector<16xf32>
    %swap3A_2197 = vector.shape_cast %broadcast_in_dim3A_2 : vector<16xf32> to vector<16xf32>
    tpu.vector_store %arg9[%swap3A_2194], %swap3A_2197 {strides = array<i32>} : memref<8640xf32, #tpu.memory_space<vmem>>, vector<16xf32>,
    %swap3A_2198 = arith.constant 6736 : index
    %swap3A_2199 = tpu.vector_load %arg9[%swap3A_2198] {strides = array<i32>} : memref<8640xf32, #tpu.memory_space<vmem>>, vector<16xf32>,
    %swap3A_2200 = vector.shape_cast %swap3A_2199 : vector<16xf32> to vector<16xf32>
    %swap3A_2201 = vector.shape_cast %broadcast_in_dim3A_2 : vector<16xf32> to vector<16xf32>
    tpu.vector_store %arg9[%swap3A_2198], %swap3A_2201 {strides = array<i32>} : memref<8640xf32, #tpu.memory_space<vmem>>, vector<16xf32>,
    %swap3A_2202 = arith.constant 6752 : index
    %swap3A_2203 = tpu.vector_load %arg9[%swap3A_2202] {strides = array<i32>} : memref<8640xf32, #tpu.memory_space<vmem>>, vector<16xf32>,
    %swap3A_2204 = vector.shape_cast %swap3A_2203 : vector<16xf32> to vector<16xf32>
    %swap3A_2205 = vector.shape_cast %broadcast_in_dim3A_2 : vector<16xf32> to vector<16xf32>
    tpu.vector_store %arg9[%swap3A_2202], %swap3A_2205 {strides = array<i32>} : memref<8640xf32, #tpu.memory_space<vmem>>, vector<16xf32>,
    %swap3A_2206 = arith.constant 6768 : index
    %swap3A_2207 = tpu.vector_load %arg9[%swap3A_2206] {strides = array<i32>} : memref<8640xf32, #tpu.memory_space<vmem>>, vector<16xf32>,
    %swap3A_2208 = vector.shape_cast %swap3A_2207 : vector<16xf32> to vector<16xf32>
    %swap3A_2209 = vector.shape_cast %broadcast_in_dim3A_2 : vector<16xf32> to vector<16xf32>
    tpu.vector_store %arg9[%swap3A_2206], %swap3A_2209 {strides = array<i32>} : memref<8640xf32, #tpu.memory_space<vmem>>, vector<16xf32>,
    %swap3A_2210 = arith.constant 6784 : index
    %swap3A_2211 = tpu.vector_load %arg9[%swap3A_2210] {strides = array<i32>} : memref<8640xf32, #tpu.memory_space<vmem>>, vector<16xf32>,
    %swap3A_2212 = vector.shape_cast %swap3A_2211 : vector<16xf32> to vector<16xf32>
    %swap3A_2213 = vector.shape_cast %broadcast_in_dim3A_2 : vector<16xf32> to vector<16xf32>
    tpu.vector_store %arg9[%swap3A_2210], %swap3A_2213 {strides = array<i32>} : memref<8640xf32, #tpu.memory_space<vmem>>, vector<16xf32>,
    %swap3A_2214 = arith.constant 6800 : index
    %swap3A_2215 = tpu.vector_load %arg9[%swap3A_2214] {strides = array<i32>} : memref<8640xf32, #tpu.memory_space<vmem>>, vector<16xf32>,
    %swap3A_2216 = vector.shape_cast %swap3A_2215 : vector<16xf32> to vector<16xf32>
    %swap3A_2217 = vector.shape_cast %broadcast_in_dim3A_2 : vector<16xf32> to vector<16xf32>
    tpu.vector_store %arg9[%swap3A_2214], %swap3A_2217 {strides = array<i32>} : memref<8640xf32, #tpu.memory_space<vmem>>, vector<16xf32>,
    %swap3A_2218 = arith.constant 6816 : index
    %swap3A_2219 = tpu.vector_load %arg9[%swap3A_2218] {strides = array<i32>} : memref<8640xf32, #tpu.memory_space<vmem>>, vector<16xf32>,
    %swap3A_2220 = vector.shape_cast %swap3A_2219 : vector<16xf32> to vector<16xf32>
    %swap3A_2221 = vector.shape_cast %broadcast_in_dim3A_2 : vector<16xf32> to vector<16xf32>
    tpu.vector_store %arg9[%swap3A_2218], %swap3A_2221 {strides = array<i32>} : memref<8640xf32, #tpu.memory_space<vmem>>, vector<16xf32>,
    %swap3A_2222 = arith.constant 6832 : index
    %swap3A_2223 = tpu.vector_load %arg9[%swap3A_2222] {strides = array<i32>} : memref<8640xf32, #tpu.memory_space<vmem>>, vector<16xf32>,
    %swap3A_2224 = vector.shape_cast %swap3A_2223 : vector<16xf32> to vector<16xf32>
    %swap3A_2225 = vector.shape_cast %broadcast_in_dim3A_2 : vector<16xf32> to vector<16xf32>
    tpu.vector_store %arg9[%swap3A_2222], %swap3A_2225 {strides = array<i32>} : memref<8640xf32, #tpu.memory_space<vmem>>, vector<16xf32>,
    %swap3A_2226 = arith.constant 6848 : index
    %swap3A_2227 = tpu.vector_load %arg9[%swap3A_2226] {strides = array<i32>} : memref<8640xf32, #tpu.memory_space<vmem>>, vector<16xf32>,
    %swap3A_2228 = vector.shape_cast %swap3A_2227 : vector<16xf32> to vector<16xf32>
    %swap3A_2229 = vector.shape_cast %broadcast_in_dim3A_2 : vector<16xf32> to vector<16xf32>
    tpu.vector_store %arg9[%swap3A_2226], %swap3A_2229 {strides = array<i32>} : memref<8640xf32, #tpu.memory_space<vmem>>, vector<16xf32>,
    %swap3A_2230 = arith.constant 6864 : index
    %swap3A_2231 = tpu.vector_load %arg9[%swap3A_2230] {strides = array<i32>} : memref<8640xf32, #tpu.memory_space<vmem>>, vector<16xf32>,
    %swap3A_2232 = vector.shape_cast %swap3A_2231 : vector<16xf32> to vector<16xf32>
    %swap3A_2233 = vector.shape_cast %broadcast_in_dim3A_2 : vector<16xf32> to vector<16xf32>
    tpu.vector_store %arg9[%swap3A_2230], %swap3A_2233 {strides = array<i32>} : memref<8640xf32, #tpu.memory_space<vmem>>, vector<16xf32>,
    %swap3A_2234 = arith.constant 6880 : index
    %swap3A_2235 = tpu.vector_load %arg9[%swap3A_2234] {strides = array<i32>} : memref<8640xf32, #tpu.memory_space<vmem>>, vector<16xf32>,
    %swap3A_2236 = vector.shape_cast %swap3A_2235 : vector<16xf32> to vector<16xf32>
    %swap3A_2237 = vector.shape_cast %broadcast_in_dim3A_2 : vector<16xf32> to vector<16xf32>
    tpu.vector_store %arg9[%swap3A_2234], %swap3A_2237 {strides = array<i32>} : memref<8640xf32, #tpu.memory_space<vmem>>, vector<16xf32>,
    %swap3A_2238 = arith.constant 6896 : index
    %swap3A_2239 = tpu.vector_load %arg9[%swap3A_2238] {strides = array<i32>} : memref<8640xf32, #tpu.memory_space<vmem>>, vector<16xf32>,
    %swap3A_2240 = vector.shape_cast %swap3A_2239 : vector<16xf32> to vector<16xf32>
    %swap3A_2241 = vector.shape_cast %broadcast_in_dim3A_2 : vector<16xf32> to vector<16xf32>
    tpu.vector_store %arg9[%swap3A_2238], %swap3A_2241 {strides = array<i32>} : memref<8640xf32, #tpu.memory_space<vmem>>, vector<16xf32>,
    %swap3A_2242 = arith.constant 6912 : index
    %swap3A_2243 = tpu.vector_load %arg9[%swap3A_2242] {strides = array<i32>} : memref<8640xf32, #tpu.memory_space<vmem>>, vector<16xf32>,
    %swap3A_2244 = vector.shape_cast %swap3A_2243 : vector<16xf32> to vector<16xf32>
    %swap3A_2245 = vector.shape_cast %broadcast_in_dim3A_2 : vector<16xf32> to vector<16xf32>
    tpu.vector_store %arg9[%swap3A_2242], %swap3A_2245 {strides = array<i32>} : memref<8640xf32, #tpu.memory_space<vmem>>, vector<16xf32>,
    %swap3A_2246 = arith.constant 6928 : index
    %swap3A_2247 = tpu.vector_load %arg9[%swap3A_2246] {strides = array<i32>} : memref<8640xf32, #tpu.memory_space<vmem>>, vector<16xf32>,
    %swap3A_2248 = vector.shape_cast %swap3A_2247 : vector<16xf32> to vector<16xf32>
    %swap3A_2249 = vector.shape_cast %broadcast_in_dim3A_2 : vector<16xf32> to vector<16xf32>
    tpu.vector_store %arg9[%swap3A_2246], %swap3A_2249 {strides = array<i32>} : memref<8640xf32, #tpu.memory_space<vmem>>, vector<16xf32>,
    %swap3A_2250 = arith.constant 6944 : index
    %swap3A_2251 = tpu.vector_load %arg9[%swap3A_2250] {strides = array<i32>} : memref<8640xf32, #tpu.memory_space<vmem>>, vector<16xf32>,
    %swap3A_2252 = vector.shape_cast %swap3A_2251 : vector<16xf32> to vector<16xf32>
    %swap3A_2253 = vector.shape_cast %broadcast_in_dim3A_2 : vector<16xf32> to vector<16xf32>
    tpu.vector_store %arg9[%swap3A_2250], %swap3A_2253 {strides = array<i32>} : memref<8640xf32, #tpu.memory_space<vmem>>, vector<16xf32>,
    %swap3A_2254 = arith.constant 6960 : index
    %swap3A_2255 = tpu.vector_load %arg9[%swap3A_2254] {strides = array<i32>} : memref<8640xf32, #tpu.memory_space<vmem>>, vector<16xf32>,
    %swap3A_2256 = vector.shape_cast %swap3A_2255 : vector<16xf32> to vector<16xf32>
    %swap3A_2257 = vector.shape_cast %broadcast_in_dim3A_2 : vector<16xf32> to vector<16xf32>
    tpu.vector_store %arg9[%swap3A_2254], %swap3A_2257 {strides = array<i32>} : memref<8640xf32, #tpu.memory_space<vmem>>, vector<16xf32>,
    %swap3A_2258 = arith.constant 6976 : index
    %swap3A_2259 = tpu.vector_load %arg9[%swap3A_2258] {strides = array<i32>} : memref<8640xf32, #tpu.memory_space<vmem>>, vector<16xf32>,
    %swap3A_2260 = vector.shape_cast %swap3A_2259 : vector<16xf32> to vector<16xf32>
    %swap3A_2261 = vector.shape_cast %broadcast_in_dim3A_2 : vector<16xf32> to vector<16xf32>
    tpu.vector_store %arg9[%swap3A_2258], %swap3A_2261 {strides = array<i32>} : memref<8640xf32, #tpu.memory_space<vmem>>, vector<16xf32>,
    %swap3A_2262 = arith.constant 6992 : index
    %swap3A_2263 = tpu.vector_load %arg9[%swap3A_2262] {strides = array<i32>} : memref<8640xf32, #tpu.memory_space<vmem>>, vector<16xf32>,
    %swap3A_2264 = vector.shape_cast %swap3A_2263 : vector<16xf32> to vector<16xf32>
    %swap3A_2265 = vector.shape_cast %broadcast_in_dim3A_2 : vector<16xf32> to vector<16xf32>
    tpu.vector_store %arg9[%swap3A_2262], %swap3A_2265 {strides = array<i32>} : memref<8640xf32, #tpu.memory_space<vmem>>, vector<16xf32>,
    %swap3A_2266 = arith.constant 7008 : index
    %swap3A_2267 = tpu.vector_load %arg9[%swap3A_2266] {strides = array<i32>} : memref<8640xf32, #tpu.memory_space<vmem>>, vector<16xf32>,
    %swap3A_2268 = vector.shape_cast %swap3A_2267 : vector<16xf32> to vector<16xf32>
    %swap3A_2269 = vector.shape_cast %broadcast_in_dim3A_2 : vector<16xf32> to vector<16xf32>
    tpu.vector_store %arg9[%swap3A_2266], %swap3A_2269 {strides = array<i32>} : memref<8640xf32, #tpu.memory_space<vmem>>, vector<16xf32>,
    %swap3A_2270 = arith.constant 7024 : index
    %swap3A_2271 = tpu.vector_load %arg9[%swap3A_2270] {strides = array<i32>} : memref<8640xf32, #tpu.memory_space<vmem>>, vector<16xf32>,
    %swap3A_2272 = vector.shape_cast %swap3A_2271 : vector<16xf32> to vector<16xf32>
    %swap3A_2273 = vector.shape_cast %broadcast_in_dim3A_2 : vector<16xf32> to vector<16xf32>
    tpu.vector_store %arg9[%swap3A_2270], %swap3A_2273 {strides = array<i32>} : memref<8640xf32, #tpu.memory_space<vmem>>, vector<16xf32>,
    %swap3A_2274 = arith.constant 7040 : index
    %swap3A_2275 = tpu.vector_load %arg9[%swap3A_2274] {strides = array<i32>} : memref<8640xf32, #tpu.memory_space<vmem>>, vector<16xf32>,
    %swap3A_2276 = vector.shape_cast %swap3A_2275 : vector<16xf32> to vector<16xf32>
    %swap3A_2277 = vector.shape_cast %broadcast_in_dim3A_2 : vector<16xf32> to vector<16xf32>
    tpu.vector_store %arg9[%swap3A_2274], %swap3A_2277 {strides = array<i32>} : memref<8640xf32, #tpu.memory_space<vmem>>, vector<16xf32>,
    %swap3A_2278 = arith.constant 7056 : index
    %swap3A_2279 = tpu.vector_load %arg9[%swap3A_2278] {strides = array<i32>} : memref<8640xf32, #tpu.memory_space<vmem>>, vector<16xf32>,
    %swap3A_2280 = vector.shape_cast %swap3A_2279 : vector<16xf32> to vector<16xf32>
    %swap3A_2281 = vector.shape_cast %broadcast_in_dim3A_2 : vector<16xf32> to vector<16xf32>
    tpu.vector_store %arg9[%swap3A_2278], %swap3A_2281 {strides = array<i32>} : memref<8640xf32, #tpu.memory_space<vmem>>, vector<16xf32>,
    %swap3A_2282 = arith.constant 7072 : index
    %swap3A_2283 = tpu.vector_load %arg9[%swap3A_2282] {strides = array<i32>} : memref<8640xf32, #tpu.memory_space<vmem>>, vector<16xf32>,
    %swap3A_2284 = vector.shape_cast %swap3A_2283 : vector<16xf32> to vector<16xf32>
    %swap3A_2285 = vector.shape_cast %broadcast_in_dim3A_2 : vector<16xf32> to vector<16xf32>
    tpu.vector_store %arg9[%swap3A_2282], %swap3A_2285 {strides = array<i32>} : memref<8640xf32, #tpu.memory_space<vmem>>, vector<16xf32>,
    %swap3A_2286 = arith.constant 7088 : index
    %swap3A_2287 = tpu.vector_load %arg9[%swap3A_2286] {strides = array<i32>} : memref<8640xf32, #tpu.memory_space<vmem>>, vector<16xf32>,
    %swap3A_2288 = vector.shape_cast %swap3A_2287 : vector<16xf32> to vector<16xf32>
    %swap3A_2289 = vector.shape_cast %broadcast_in_dim3A_2 : vector<16xf32> to vector<16xf32>
    tpu.vector_store %arg9[%swap3A_2286], %swap3A_2289 {strides = array<i32>} : memref<8640xf32, #tpu.memory_space<vmem>>, vector<16xf32>,
    %swap3A_2290 = arith.constant 7104 : index
    %swap3A_2291 = tpu.vector_load %arg9[%swap3A_2290] {strides = array<i32>} : memref<8640xf32, #tpu.memory_space<vmem>>, vector<16xf32>,
    %swap3A_2292 = vector.shape_cast %swap3A_2291 : vector<16xf32> to vector<16xf32>
    %swap3A_2293 = vector.shape_cast %broadcast_in_dim3A_2 : vector<16xf32> to vector<16xf32>
    tpu.vector_store %arg9[%swap3A_2290], %swap3A_2293 {strides = array<i32>} : memref<8640xf32, #tpu.memory_space<vmem>>, vector<16xf32>,
    %swap3A_2294 = arith.constant 7120 : index
    %swap3A_2295 = tpu.vector_load %arg9[%swap3A_2294] {strides = array<i32>} : memref<8640xf32, #tpu.memory_space<vmem>>, vector<16xf32>,
    %swap3A_2296 = vector.shape_cast %swap3A_2295 : vector<16xf32> to vector<16xf32>
    %swap3A_2297 = vector.shape_cast %broadcast_in_dim3A_2 : vector<16xf32> to vector<16xf32>
    tpu.vector_store %arg9[%swap3A_2294], %swap3A_2297 {strides = array<i32>} : memref<8640xf32, #tpu.memory_space<vmem>>, vector<16xf32>,
    %swap3A_2298 = arith.constant 7136 : index
    %swap3A_2299 = tpu.vector_load %arg9[%swap3A_2298] {strides = array<i32>} : memref<8640xf32, #tpu.memory_space<vmem>>, vector<16xf32>,
    %swap3A_2300 = vector.shape_cast %swap3A_2299 : vector<16xf32> to vector<16xf32>
    %swap3A_2301 = vector.shape_cast %broadcast_in_dim3A_2 : vector<16xf32> to vector<16xf32>
    tpu.vector_store %arg9[%swap3A_2298], %swap3A_2301 {strides = array<i32>} : memref<8640xf32, #tpu.memory_space<vmem>>, vector<16xf32>,
    %swap3A_2302 = arith.constant 7152 : index
    %swap3A_2303 = tpu.vector_load %arg9[%swap3A_2302] {strides = array<i32>} : memref<8640xf32, #tpu.memory_space<vmem>>, vector<16xf32>,
    %swap3A_2304 = vector.shape_cast %swap3A_2303 : vector<16xf32> to vector<16xf32>
    %swap3A_2305 = vector.shape_cast %broadcast_in_dim3A_2 : vector<16xf32> to vector<16xf32>
    tpu.vector_store %arg9[%swap3A_2302], %swap3A_2305 {strides = array<i32>} : memref<8640xf32, #tpu.memory_space<vmem>>, vector<16xf32>,
    %swap3A_2306 = arith.constant 7168 : index
    %swap3A_2307 = tpu.vector_load %arg9[%swap3A_2306] {strides = array<i32>} : memref<8640xf32, #tpu.memory_space<vmem>>, vector<16xf32>,
    %swap3A_2308 = vector.shape_cast %swap3A_2307 : vector<16xf32> to vector<16xf32>
    %swap3A_2309 = vector.shape_cast %broadcast_in_dim3A_2 : vector<16xf32> to vector<16xf32>
    tpu.vector_store %arg9[%swap3A_2306], %swap3A_2309 {strides = array<i32>} : memref<8640xf32, #tpu.memory_space<vmem>>, vector<16xf32>,
    %swap3A_2310 = arith.constant 7184 : index
    %swap3A_2311 = tpu.vector_load %arg9[%swap3A_2310] {strides = array<i32>} : memref<8640xf32, #tpu.memory_space<vmem>>, vector<16xf32>,
    %swap3A_2312 = vector.shape_cast %swap3A_2311 : vector<16xf32> to vector<16xf32>
    %swap3A_2313 = vector.shape_cast %broadcast_in_dim3A_2 : vector<16xf32> to vector<16xf32>
    tpu.vector_store %arg9[%swap3A_2310], %swap3A_2313 {strides = array<i32>} : memref<8640xf32, #tpu.memory_space<vmem>>, vector<16xf32>,
    %swap3A_2314 = arith.constant 7200 : index
    %swap3A_2315 = tpu.vector_load %arg9[%swap3A_2314] {strides = array<i32>} : memref<8640xf32, #tpu.memory_space<vmem>>, vector<16xf32>,
    %swap3A_2316 = vector.shape_cast %swap3A_2315 : vector<16xf32> to vector<16xf32>
    %swap3A_2317 = vector.shape_cast %broadcast_in_dim3A_2 : vector<16xf32> to vector<16xf32>
    tpu.vector_store %arg9[%swap3A_2314], %swap3A_2317 {strides = array<i32>} : memref<8640xf32, #tpu.memory_space<vmem>>, vector<16xf32>,
    %swap3A_2318 = arith.constant 7216 : index
    %swap3A_2319 = tpu.vector_load %arg9[%swap3A_2318] {strides = array<i32>} : memref<8640xf32, #tpu.memory_space<vmem>>, vector<16xf32>,
    %swap3A_2320 = vector.shape_cast %swap3A_2319 : vector<16xf32> to vector<16xf32>
    %swap3A_2321 = vector.shape_cast %broadcast_in_dim3A_2 : vector<16xf32> to vector<16xf32>
    tpu.vector_store %arg9[%swap3A_2318], %swap3A_2321 {strides = array<i32>} : memref<8640xf32, #tpu.memory_space<vmem>>, vector<16xf32>,
    %swap3A_2322 = arith.constant 7232 : index
    %swap3A_2323 = tpu.vector_load %arg9[%swap3A_2322] {strides = array<i32>} : memref<8640xf32, #tpu.memory_space<vmem>>, vector<16xf32>,
    %swap3A_2324 = vector.shape_cast %swap3A_2323 : vector<16xf32> to vector<16xf32>
    %swap3A_2325 = vector.shape_cast %broadcast_in_dim3A_2 : vector<16xf32> to vector<16xf32>
    tpu.vector_store %arg9[%swap3A_2322], %swap3A_2325 {strides = array<i32>} : memref<8640xf32, #tpu.memory_space<vmem>>, vector<16xf32>,
    %swap3A_2326 = arith.constant 7248 : index
    %swap3A_2327 = tpu.vector_load %arg9[%swap3A_2326] {strides = array<i32>} : memref<8640xf32, #tpu.memory_space<vmem>>, vector<16xf32>,
    %swap3A_2328 = vector.shape_cast %swap3A_2327 : vector<16xf32> to vector<16xf32>
    %swap3A_2329 = vector.shape_cast %broadcast_in_dim3A_2 : vector<16xf32> to vector<16xf32>
    tpu.vector_store %arg9[%swap3A_2326], %swap3A_2329 {strides = array<i32>} : memref<8640xf32, #tpu.memory_space<vmem>>, vector<16xf32>,
    %swap3A_2330 = arith.constant 7264 : index
    %swap3A_2331 = tpu.vector_load %arg9[%swap3A_2330] {strides = array<i32>} : memref<8640xf32, #tpu.memory_space<vmem>>, vector<16xf32>,
    %swap3A_2332 = vector.shape_cast %swap3A_2331 : vector<16xf32> to vector<16xf32>
    %swap3A_2333 = vector.shape_cast %broadcast_in_dim3A_2 : vector<16xf32> to vector<16xf32>
    tpu.vector_store %arg9[%swap3A_2330], %swap3A_2333 {strides = array<i32>} : memref<8640xf32, #tpu.memory_space<vmem>>, vector<16xf32>,
    %swap3A_2334 = arith.constant 7280 : index
    %swap3A_2335 = tpu.vector_load %arg9[%swap3A_2334] {strides = array<i32>} : memref<8640xf32, #tpu.memory_space<vmem>>, vector<16xf32>,
    %swap3A_2336 = vector.shape_cast %swap3A_2335 : vector<16xf32> to vector<16xf32>
    %swap3A_2337 = vector.shape_cast %broadcast_in_dim3A_2 : vector<16xf32> to vector<16xf32>
    tpu.vector_store %arg9[%swap3A_2334], %swap3A_2337 {strides = array<i32>} : memref<8640xf32, #tpu.memory_space<vmem>>, vector<16xf32>,
    %swap3A_2338 = arith.constant 7296 : index
    %swap3A_2339 = tpu.vector_load %arg9[%swap3A_2338] {strides = array<i32>} : memref<8640xf32, #tpu.memory_space<vmem>>, vector<16xf32>,
    %swap3A_2340 = vector.shape_cast %swap3A_2339 : vector<16xf32> to vector<16xf32>
    %swap3A_2341 = vector.shape_cast %broadcast_in_dim3A_2 : vector<16xf32> to vector<16xf32>
    tpu.vector_store %arg9[%swap3A_2338], %swap3A_2341 {strides = array<i32>} : memref<8640xf32, #tpu.memory_space<vmem>>, vector<16xf32>,
    %swap3A_2342 = arith.constant 7312 : index
    %swap3A_2343 = tpu.vector_load %arg9[%swap3A_2342] {strides = array<i32>} : memref<8640xf32, #tpu.memory_space<vmem>>, vector<16xf32>,
    %swap3A_2344 = vector.shape_cast %swap3A_2343 : vector<16xf32> to vector<16xf32>
    %swap3A_2345 = vector.shape_cast %broadcast_in_dim3A_2 : vector<16xf32> to vector<16xf32>
    tpu.vector_store %arg9[%swap3A_2342], %swap3A_2345 {strides = array<i32>} : memref<8640xf32, #tpu.memory_space<vmem>>, vector<16xf32>,
    %swap3A_2346 = arith.constant 7328 : index
    %swap3A_2347 = tpu.vector_load %arg9[%swap3A_2346] {strides = array<i32>} : memref<8640xf32, #tpu.memory_space<vmem>>, vector<16xf32>,
    %swap3A_2348 = vector.shape_cast %swap3A_2347 : vector<16xf32> to vector<16xf32>
    %swap3A_2349 = vector.shape_cast %broadcast_in_dim3A_2 : vector<16xf32> to vector<16xf32>
    tpu.vector_store %arg9[%swap3A_2346], %swap3A_2349 {strides = array<i32>} : memref<8640xf32, #tpu.memory_space<vmem>>, vector<16xf32>,
    %swap3A_2350 = arith.constant 7344 : index
    %swap3A_2351 = tpu.vector_load %arg9[%swap3A_2350] {strides = array<i32>} : memref<8640xf32, #tpu.memory_space<vmem>>, vector<16xf32>,
    %swap3A_2352 = vector.shape_cast %swap3A_2351 : vector<16xf32> to vector<16xf32>
    %swap3A_2353 = vector.shape_cast %broadcast_in_dim3A_2 : vector<16xf32> to vector<16xf32>
    tpu.vector_store %arg9[%swap3A_2350], %swap3A_2353 {strides = array<i32>} : memref<8640xf32, #tpu.memory_space<vmem>>, vector<16xf32>,
    %swap3A_2354 = arith.constant 7360 : index
    %swap3A_2355 = tpu.vector_load %arg9[%swap3A_2354] {strides = array<i32>} : memref<8640xf32, #tpu.memory_space<vmem>>, vector<16xf32>,
    %swap3A_2356 = vector.shape_cast %swap3A_2355 : vector<16xf32> to vector<16xf32>
    %swap3A_2357 = vector.shape_cast %broadcast_in_dim3A_2 : vector<16xf32> to vector<16xf32>
    tpu.vector_store %arg9[%swap3A_2354], %swap3A_2357 {strides = array<i32>} : memref<8640xf32, #tpu.memory_space<vmem>>, vector<16xf32>,
    %swap3A_2358 = arith.constant 7376 : index
    %swap3A_2359 = tpu.vector_load %arg9[%swap3A_2358] {strides = array<i32>} : memref<8640xf32, #tpu.memory_space<vmem>>, vector<16xf32>,
    %swap3A_2360 = vector.shape_cast %swap3A_2359 : vector<16xf32> to vector<16xf32>
    %swap3A_2361 = vector.shape_cast %broadcast_in_dim3A_2 : vector<16xf32> to vector<16xf32>
    tpu.vector_store %arg9[%swap3A_2358], %swap3A_2361 {strides = array<i32>} : memref<8640xf32, #tpu.memory_space<vmem>>, vector<16xf32>,
    %swap3A_2362 = arith.constant 7392 : index
    %swap3A_2363 = tpu.vector_load %arg9[%swap3A_2362] {strides = array<i32>} : memref<8640xf32, #tpu.memory_space<vmem>>, vector<16xf32>,
    %swap3A_2364 = vector.shape_cast %swap3A_2363 : vector<16xf32> to vector<16xf32>
    %swap3A_2365 = vector.shape_cast %broadcast_in_dim3A_2 : vector<16xf32> to vector<16xf32>
    tpu.vector_store %arg9[%swap3A_2362], %swap3A_2365 {strides = array<i32>} : memref<8640xf32, #tpu.memory_space<vmem>>, vector<16xf32>,
    %swap3A_2366 = arith.constant 7408 : index
    %swap3A_2367 = tpu.vector_load %arg9[%swap3A_2366] {strides = array<i32>} : memref<8640xf32, #tpu.memory_space<vmem>>, vector<16xf32>,
    %swap3A_2368 = vector.shape_cast %swap3A_2367 : vector<16xf32> to vector<16xf32>
    %swap3A_2369 = vector.shape_cast %broadcast_in_dim3A_2 : vector<16xf32> to vector<16xf32>
    tpu.vector_store %arg9[%swap3A_2366], %swap3A_2369 {strides = array<i32>} : memref<8640xf32, #tpu.memory_space<vmem>>, vector<16xf32>,
    %swap3A_2370 = arith.constant 7424 : index
    %swap3A_2371 = tpu.vector_load %arg9[%swap3A_2370] {strides = array<i32>} : memref<8640xf32, #tpu.memory_space<vmem>>, vector<16xf32>,
    %swap3A_2372 = vector.shape_cast %swap3A_2371 : vector<16xf32> to vector<16xf32>
    %swap3A_2373 = vector.shape_cast %broadcast_in_dim3A_2 : vector<16xf32> to vector<16xf32>
    tpu.vector_store %arg9[%swap3A_2370], %swap3A_2373 {strides = array<i32>} : memref<8640xf32, #tpu.memory_space<vmem>>, vector<16xf32>,
    %swap3A_2374 = arith.constant 7440 : index
    %swap3A_2375 = tpu.vector_load %arg9[%swap3A_2374] {strides = array<i32>} : memref<8640xf32, #tpu.memory_space<vmem>>, vector<16xf32>,
    %swap3A_2376 = vector.shape_cast %swap3A_2375 : vector<16xf32> to vector<16xf32>
    %swap3A_2377 = vector.shape_cast %broadcast_in_dim3A_2 : vector<16xf32> to vector<16xf32>
    tpu.vector_store %arg9[%swap3A_2374], %swap3A_2377 {strides = array<i32>} : memref<8640xf32, #tpu.memory_space<vmem>>, vector<16xf32>,
    %swap3A_2378 = arith.constant 7456 : index
    %swap3A_2379 = tpu.vector_load %arg9[%swap3A_2378] {strides = array<i32>} : memref<8640xf32, #tpu.memory_space<vmem>>, vector<16xf32>,
    %swap3A_2380 = vector.shape_cast %swap3A_2379 : vector<16xf32> to vector<16xf32>
    %swap3A_2381 = vector.shape_cast %broadcast_in_dim3A_2 : vector<16xf32> to vector<16xf32>
    tpu.vector_store %arg9[%swap3A_2378], %swap3A_2381 {strides = array<i32>} : memref<8640xf32, #tpu.memory_space<vmem>>, vector<16xf32>,
    %swap3A_2382 = arith.constant 7472 : index
    %swap3A_2383 = tpu.vector_load %arg9[%swap3A_2382] {strides = array<i32>} : memref<8640xf32, #tpu.memory_space<vmem>>, vector<16xf32>,
    %swap3A_2384 = vector.shape_cast %swap3A_2383 : vector<16xf32> to vector<16xf32>
    %swap3A_2385 = vector.shape_cast %broadcast_in_dim3A_2 : vector<16xf32> to vector<16xf32>
    tpu.vector_store %arg9[%swap3A_2382], %swap3A_2385 {strides = array<i32>} : memref<8640xf32, #tpu.memory_space<vmem>>, vector<16xf32>,
    %swap3A_2386 = arith.constant 7488 : index
    %swap3A_2387 = tpu.vector_load %arg9[%swap3A_2386] {strides = array<i32>} : memref<8640xf32, #tpu.memory_space<vmem>>, vector<16xf32>,
    %swap3A_2388 = vector.shape_cast %swap3A_2387 : vector<16xf32> to vector<16xf32>
    %swap3A_2389 = vector.shape_cast %broadcast_in_dim3A_2 : vector<16xf32> to vector<16xf32>
    tpu.vector_store %arg9[%swap3A_2386], %swap3A_2389 {strides = array<i32>} : memref<8640xf32, #tpu.memory_space<vmem>>, vector<16xf32>,
    %swap3A_2390 = arith.constant 7504 : index
    %swap3A_2391 = tpu.vector_load %arg9[%swap3A_2390] {strides = array<i32>} : memref<8640xf32, #tpu.memory_space<vmem>>, vector<16xf32>,
    %swap3A_2392 = vector.shape_cast %swap3A_2391 : vector<16xf32> to vector<16xf32>
    %swap3A_2393 = vector.shape_cast %broadcast_in_dim3A_2 : vector<16xf32> to vector<16xf32>
    tpu.vector_store %arg9[%swap3A_2390], %swap3A_2393 {strides = array<i32>} : memref<8640xf32, #tpu.memory_space<vmem>>, vector<16xf32>,
    %swap3A_2394 = arith.constant 7520 : index
    %swap3A_2395 = tpu.vector_load %arg9[%swap3A_2394] {strides = array<i32>} : memref<8640xf32, #tpu.memory_space<vmem>>, vector<16xf32>,
    %swap3A_2396 = vector.shape_cast %swap3A_2395 : vector<16xf32> to vector<16xf32>
    %swap3A_2397 = vector.shape_cast %broadcast_in_dim3A_2 : vector<16xf32> to vector<16xf32>
    tpu.vector_store %arg9[%swap3A_2394], %swap3A_2397 {strides = array<i32>} : memref<8640xf32, #tpu.memory_space<vmem>>, vector<16xf32>,
    %swap3A_2398 = arith.constant 7536 : index
    %swap3A_2399 = tpu.vector_load %arg9[%swap3A_2398] {strides = array<i32>} : memref<8640xf32, #tpu.memory_space<vmem>>, vector<16xf32>,
    %swap3A_2400 = vector.shape_cast %swap3A_2399 : vector<16xf32> to vector<16xf32>
    %swap3A_2401 = vector.shape_cast %broadcast_in_dim3A_2 : vector<16xf32> to vector<16xf32>
    tpu.vector_store %arg9[%swap3A_2398], %swap3A_2401 {strides = array<i32>} : memref<8640xf32, #tpu.memory_space<vmem>>, vector<16xf32>,
    %swap3A_2402 = arith.constant 7552 : index
    %swap3A_2403 = tpu.vector_load %arg9[%swap3A_2402] {strides = array<i32>} : memref<8640xf32, #tpu.memory_space<vmem>>, vector<16xf32>,
    %swap3A_2404 = vector.shape_cast %swap3A_2403 : vector<16xf32> to vector<16xf32>
    %swap3A_2405 = vector.shape_cast %broadcast_in_dim3A_2 : vector<16xf32> to vector<16xf32>
    tpu.vector_store %arg9[%swap3A_2402], %swap3A_2405 {strides = array<i32>} : memref<8640xf32, #tpu.memory_space<vmem>>, vector<16xf32>,
    %swap3A_2406 = arith.constant 7568 : index
    %swap3A_2407 = tpu.vector_load %arg9[%swap3A_2406] {strides = array<i32>} : memref<8640xf32, #tpu.memory_space<vmem>>, vector<16xf32>,
    %swap3A_2408 = vector.shape_cast %swap3A_2407 : vector<16xf32> to vector<16xf32>
    %swap3A_2409 = vector.shape_cast %broadcast_in_dim3A_2 : vector<16xf32> to vector<16xf32>
    tpu.vector_store %arg9[%swap3A_2406], %swap3A_2409 {strides = array<i32>} : memref<8640xf32, #tpu.memory_space<vmem>>, vector<16xf32>,
    %swap3A_2410 = arith.constant 7584 : index
    %swap3A_2411 = tpu.vector_load %arg9[%swap3A_2410] {strides = array<i32>} : memref<8640xf32, #tpu.memory_space<vmem>>, vector<16xf32>,
    %swap3A_2412 = vector.shape_cast %swap3A_2411 : vector<16xf32> to vector<16xf32>
    %swap3A_2413 = vector.shape_cast %broadcast_in_dim3A_2 : vector<16xf32> to vector<16xf32>
    tpu.vector_store %arg9[%swap3A_2410], %swap3A_2413 {strides = array<i32>} : memref<8640xf32, #tpu.memory_space<vmem>>, vector<16xf32>,
    %swap3A_2414 = arith.constant 7600 : index
    %swap3A_2415 = tpu.vector_load %arg9[%swap3A_2414] {strides = array<i32>} : memref<8640xf32, #tpu.memory_space<vmem>>, vector<16xf32>,
    %swap3A_2416 = vector.shape_cast %swap3A_2415 : vector<16xf32> to vector<16xf32>
    %swap3A_2417 = vector.shape_cast %broadcast_in_dim3A_2 : vector<16xf32> to vector<16xf32>
    tpu.vector_store %arg9[%swap3A_2414], %swap3A_2417 {strides = array<i32>} : memref<8640xf32, #tpu.memory_space<vmem>>, vector<16xf32>,
    %swap3A_2418 = arith.constant 7616 : index
    %swap3A_2419 = tpu.vector_load %arg9[%swap3A_2418] {strides = array<i32>} : memref<8640xf32, #tpu.memory_space<vmem>>, vector<16xf32>,
    %swap3A_2420 = vector.shape_cast %swap3A_2419 : vector<16xf32> to vector<16xf32>
    %swap3A_2421 = vector.shape_cast %broadcast_in_dim3A_2 : vector<16xf32> to vector<16xf32>
    tpu.vector_store %arg9[%swap3A_2418], %swap3A_2421 {strides = array<i32>} : memref<8640xf32, #tpu.memory_space<vmem>>, vector<16xf32>,
    %swap3A_2422 = arith.constant 7632 : index
    %swap3A_2423 = tpu.vector_load %arg9[%swap3A_2422] {strides = array<i32>} : memref<8640xf32, #tpu.memory_space<vmem>>, vector<16xf32>,
    %swap3A_2424 = vector.shape_cast %swap3A_2423 : vector<16xf32> to vector<16xf32>
    %swap3A_2425 = vector.shape_cast %broadcast_in_dim3A_2 : vector<16xf32> to vector<16xf32>
    tpu.vector_store %arg9[%swap3A_2422], %swap3A_2425 {strides = array<i32>} : memref<8640xf32, #tpu.memory_space<vmem>>, vector<16xf32>,
    %swap3A_2426 = arith.constant 7648 : index
    %swap3A_2427 = tpu.vector_load %arg9[%swap3A_2426] {strides = array<i32>} : memref<8640xf32, #tpu.memory_space<vmem>>, vector<16xf32>,
    %swap3A_2428 = vector.shape_cast %swap3A_2427 : vector<16xf32> to vector<16xf32>
    %swap3A_2429 = vector.shape_cast %broadcast_in_dim3A_2 : vector<16xf32> to vector<16xf32>
    tpu.vector_store %arg9[%swap3A_2426], %swap3A_2429 {strides = array<i32>} : memref<8640xf32, #tpu.memory_space<vmem>>, vector<16xf32>,
    %swap3A_2430 = arith.constant 7664 : index
    %swap3A_2431 = tpu.vector_load %arg9[%swap3A_2430] {strides = array<i32>} : memref<8640xf32, #tpu.memory_space<vmem>>, vector<16xf32>,
    %swap3A_2432 = vector.shape_cast %swap3A_2431 : vector<16xf32> to vector<16xf32>
    %swap3A_2433 = vector.shape_cast %broadcast_in_dim3A_2 : vector<16xf32> to vector<16xf32>
    tpu.vector_store %arg9[%swap3A_2430], %swap3A_2433 {strides = array<i32>} : memref<8640xf32, #tpu.memory_space<vmem>>, vector<16xf32>,
    %swap3A_2434 = arith.constant 7680 : index
    %swap3A_2435 = tpu.vector_load %arg9[%swap3A_2434] {strides = array<i32>} : memref<8640xf32, #tpu.memory_space<vmem>>, vector<16xf32>,
    %swap3A_2436 = vector.shape_cast %swap3A_2435 : vector<16xf32> to vector<16xf32>
    %swap3A_2437 = vector.shape_cast %broadcast_in_dim3A_2 : vector<16xf32> to vector<16xf32>
    tpu.vector_store %arg9[%swap3A_2434], %swap3A_2437 {strides = array<i32>} : memref<8640xf32, #tpu.memory_space<vmem>>, vector<16xf32>,
    %swap3A_2438 = arith.constant 7696 : index
    %swap3A_2439 = tpu.vector_load %arg9[%swap3A_2438] {strides = array<i32>} : memref<8640xf32, #tpu.memory_space<vmem>>, vector<16xf32>,
    %swap3A_2440 = vector.shape_cast %swap3A_2439 : vector<16xf32> to vector<16xf32>
    %swap3A_2441 = vector.shape_cast %broadcast_in_dim3A_2 : vector<16xf32> to vector<16xf32>
    tpu.vector_store %arg9[%swap3A_2438], %swap3A_2441 {strides = array<i32>} : memref<8640xf32, #tpu.memory_space<vmem>>, vector<16xf32>,
    %swap3A_2442 = arith.constant 7712 : index
    %swap3A_2443 = tpu.vector_load %arg9[%swap3A_2442] {strides = array<i32>} : memref<8640xf32, #tpu.memory_space<vmem>>, vector<16xf32>,
    %swap3A_2444 = vector.shape_cast %swap3A_2443 : vector<16xf32> to vector<16xf32>
    %swap3A_2445 = vector.shape_cast %broadcast_in_dim3A_2 : vector<16xf32> to vector<16xf32>
    tpu.vector_store %arg9[%swap3A_2442], %swap3A_2445 {strides = array<i32>} : memref<8640xf32, #tpu.memory_space<vmem>>, vector<16xf32>,
    %swap3A_2446 = arith.constant 7728 : index
    %swap3A_2447 = tpu.vector_load %arg9[%swap3A_2446] {strides = array<i32>} : memref<8640xf32, #tpu.memory_space<vmem>>, vector<16xf32>,
    %swap3A_2448 = vector.shape_cast %swap3A_2447 : vector<16xf32> to vector<16xf32>
    %swap3A_2449 = vector.shape_cast %broadcast_in_dim3A_2 : vector<16xf32> to vector<16xf32>
    tpu.vector_store %arg9[%swap3A_2446], %swap3A_2449 {strides = array<i32>} : memref<8640xf32, #tpu.memory_space<vmem>>, vector<16xf32>,
    %swap3A_2450 = arith.constant 7744 : index
    %swap3A_2451 = tpu.vector_load %arg9[%swap3A_2450] {strides = array<i32>} : memref<8640xf32, #tpu.memory_space<vmem>>, vector<16xf32>,
    %swap3A_2452 = vector.shape_cast %swap3A_2451 : vector<16xf32> to vector<16xf32>
    %swap3A_2453 = vector.shape_cast %broadcast_in_dim3A_2 : vector<16xf32> to vector<16xf32>
    tpu.vector_store %arg9[%swap3A_2450], %swap3A_2453 {strides = array<i32>} : memref<8640xf32, #tpu.memory_space<vmem>>, vector<16xf32>,
    %swap3A_2454 = arith.constant 7760 : index
    %swap3A_2455 = tpu.vector_load %arg9[%swap3A_2454] {strides = array<i32>} : memref<8640xf32, #tpu.memory_space<vmem>>, vector<16xf32>,
    %swap3A_2456 = vector.shape_cast %swap3A_2455 : vector<16xf32> to vector<16xf32>
    %swap3A_2457 = vector.shape_cast %broadcast_in_dim3A_2 : vector<16xf32> to vector<16xf32>
    tpu.vector_store %arg9[%swap3A_2454], %swap3A_2457 {strides = array<i32>} : memref<8640xf32, #tpu.memory_space<vmem>>, vector<16xf32>,
    %swap3A_2458 = arith.constant 7776 : index
    %swap3A_2459 = tpu.vector_load %arg9[%swap3A_2458] {strides = array<i32>} : memref<8640xf32, #tpu.memory_space<vmem>>, vector<16xf32>,
    %swap3A_2460 = vector.shape_cast %swap3A_2459 : vector<16xf32> to vector<16xf32>
    %swap3A_2461 = vector.shape_cast %broadcast_in_dim3A_2 : vector<16xf32> to vector<16xf32>
    tpu.vector_store %arg9[%swap3A_2458], %swap3A_2461 {strides = array<i32>} : memref<8640xf32, #tpu.memory_space<vmem>>, vector<16xf32>,
    %swap3A_2462 = arith.constant 7792 : index
    %swap3A_2463 = tpu.vector_load %arg9[%swap3A_2462] {strides = array<i32>} : memref<8640xf32, #tpu.memory_space<vmem>>, vector<16xf32>,
    %swap3A_2464 = vector.shape_cast %swap3A_2463 : vector<16xf32> to vector<16xf32>
    %swap3A_2465 = vector.shape_cast %broadcast_in_dim3A_2 : vector<16xf32> to vector<16xf32>
    tpu.vector_store %arg9[%swap3A_2462], %swap3A_2465 {strides = array<i32>} : memref<8640xf32, #tpu.memory_space<vmem>>, vector<16xf32>,
    %swap3A_2466 = arith.constant 7808 : index
    %swap3A_2467 = tpu.vector_load %arg9[%swap3A_2466] {strides = array<i32>} : memref<8640xf32, #tpu.memory_space<vmem>>, vector<16xf32>,
    %swap3A_2468 = vector.shape_cast %swap3A_2467 : vector<16xf32> to vector<16xf32>
    %swap3A_2469 = vector.shape_cast %broadcast_in_dim3A_2 : vector<16xf32> to vector<16xf32>
    tpu.vector_store %arg9[%swap3A_2466], %swap3A_2469 {strides = array<i32>} : memref<8640xf32, #tpu.memory_space<vmem>>, vector<16xf32>,
    %swap3A_2470 = arith.constant 7824 : index
    %swap3A_2471 = tpu.vector_load %arg9[%swap3A_2470] {strides = array<i32>} : memref<8640xf32, #tpu.memory_space<vmem>>, vector<16xf32>,
    %swap3A_2472 = vector.shape_cast %swap3A_2471 : vector<16xf32> to vector<16xf32>
    %swap3A_2473 = vector.shape_cast %broadcast_in_dim3A_2 : vector<16xf32> to vector<16xf32>
    tpu.vector_store %arg9[%swap3A_2470], %swap3A_2473 {strides = array<i32>} : memref<8640xf32, #tpu.memory_space<vmem>>, vector<16xf32>,
    %swap3A_2474 = arith.constant 7840 : index
    %swap3A_2475 = tpu.vector_load %arg9[%swap3A_2474] {strides = array<i32>} : memref<8640xf32, #tpu.memory_space<vmem>>, vector<16xf32>,
    %swap3A_2476 = vector.shape_cast %swap3A_2475 : vector<16xf32> to vector<16xf32>
    %swap3A_2477 = vector.shape_cast %broadcast_in_dim3A_2 : vector<16xf32> to vector<16xf32>
    tpu.vector_store %arg9[%swap3A_2474], %swap3A_2477 {strides = array<i32>} : memref<8640xf32, #tpu.memory_space<vmem>>, vector<16xf32>,
    %swap3A_2478 = arith.constant 7856 : index
    %swap3A_2479 = tpu.vector_load %arg9[%swap3A_2478] {strides = array<i32>} : memref<8640xf32, #tpu.memory_space<vmem>>, vector<16xf32>,
    %swap3A_2480 = vector.shape_cast %swap3A_2479 : vector<16xf32> to vector<16xf32>
    %swap3A_2481 = vector.shape_cast %broadcast_in_dim3A_2 : vector<16xf32> to vector<16xf32>
    tpu.vector_store %arg9[%swap3A_2478], %swap3A_2481 {strides = array<i32>} : memref<8640xf32, #tpu.memory_space<vmem>>, vector<16xf32>,
    %swap3A_2482 = arith.constant 7872 : index
    %swap3A_2483 = tpu.vector_load %arg9[%swap3A_2482] {strides = array<i32>} : memref<8640xf32, #tpu.memory_space<vmem>>, vector<16xf32>,
    %swap3A_2484 = vector.shape_cast %swap3A_2483 : vector<16xf32> to vector<16xf32>
    %swap3A_2485 = vector.shape_cast %broadcast_in_dim3A_2 : vector<16xf32> to vector<16xf32>
    tpu.vector_store %arg9[%swap3A_2482], %swap3A_2485 {strides = array<i32>} : memref<8640xf32, #tpu.memory_space<vmem>>, vector<16xf32>,
    %swap3A_2486 = arith.constant 7888 : index
    %swap3A_2487 = tpu.vector_load %arg9[%swap3A_2486] {strides = array<i32>} : memref<8640xf32, #tpu.memory_space<vmem>>, vector<16xf32>,
    %swap3A_2488 = vector.shape_cast %swap3A_2487 : vector<16xf32> to vector<16xf32>
    %swap3A_2489 = vector.shape_cast %broadcast_in_dim3A_2 : vector<16xf32> to vector<16xf32>
    tpu.vector_store %arg9[%swap3A_2486], %swap3A_2489 {strides = array<i32>} : memref<8640xf32, #tpu.memory_space<vmem>>, vector<16xf32>,
    %swap3A_2490 = arith.constant 7904 : index
    %swap3A_2491 = tpu.vector_load %arg9[%swap3A_2490] {strides = array<i32>} : memref<8640xf32, #tpu.memory_space<vmem>>, vector<16xf32>,
    %swap3A_2492 = vector.shape_cast %swap3A_2491 : vector<16xf32> to vector<16xf32>
    %swap3A_2493 = vector.shape_cast %broadcast_in_dim3A_2 : vector<16xf32> to vector<16xf32>
    tpu.vector_store %arg9[%swap3A_2490], %swap3A_2493 {strides = array<i32>} : memref<8640xf32, #tpu.memory_space<vmem>>, vector<16xf32>,
    %swap3A_2494 = arith.constant 7920 : index
    %swap3A_2495 = tpu.vector_load %arg9[%swap3A_2494] {strides = array<i32>} : memref<8640xf32, #tpu.memory_space<vmem>>, vector<16xf32>,
    %swap3A_2496 = vector.shape_cast %swap3A_2495 : vector<16xf32> to vector<16xf32>
    %swap3A_2497 = vector.shape_cast %broadcast_in_dim3A_2 : vector<16xf32> to vector<16xf32>
    tpu.vector_store %arg9[%swap3A_2494], %swap3A_2497 {strides = array<i32>} : memref<8640xf32, #tpu.memory_space<vmem>>, vector<16xf32>,
    %swap3A_2498 = arith.constant 7936 : index
    %swap3A_2499 = tpu.vector_load %arg9[%swap3A_2498] {strides = array<i32>} : memref<8640xf32, #tpu.memory_space<vmem>>, vector<16xf32>,
    %swap3A_2500 = vector.shape_cast %swap3A_2499 : vector<16xf32> to vector<16xf32>
    %swap3A_2501 = vector.shape_cast %broadcast_in_dim3A_2 : vector<16xf32> to vector<16xf32>
    tpu.vector_store %arg9[%swap3A_2498], %swap3A_2501 {strides = array<i32>} : memref<8640xf32, #tpu.memory_space<vmem>>, vector<16xf32>,
    %swap3A_2502 = arith.constant 7952 : index
    %swap3A_2503 = tpu.vector_load %arg9[%swap3A_2502] {strides = array<i32>} : memref<8640xf32, #tpu.memory_space<vmem>>, vector<16xf32>,
    %swap3A_2504 = vector.shape_cast %swap3A_2503 : vector<16xf32> to vector<16xf32>
    %swap3A_2505 = vector.shape_cast %broadcast_in_dim3A_2 : vector<16xf32> to vector<16xf32>
    tpu.vector_store %arg9[%swap3A_2502], %swap3A_2505 {strides = array<i32>} : memref<8640xf32, #tpu.memory_space<vmem>>, vector<16xf32>,
    %swap3A_2506 = arith.constant 7968 : index
    %swap3A_2507 = tpu.vector_load %arg9[%swap3A_2506] {strides = array<i32>} : memref<8640xf32, #tpu.memory_space<vmem>>, vector<16xf32>,
    %swap3A_2508 = vector.shape_cast %swap3A_2507 : vector<16xf32> to vector<16xf32>
    %swap3A_2509 = vector.shape_cast %broadcast_in_dim3A_2 : vector<16xf32> to vector<16xf32>
    tpu.vector_store %arg9[%swap3A_2506], %swap3A_2509 {strides = array<i32>} : memref<8640xf32, #tpu.memory_space<vmem>>, vector<16xf32>,
    %swap3A_2510 = arith.constant 7984 : index
    %swap3A_2511 = tpu.vector_load %arg9[%swap3A_2510] {strides = array<i32>} : memref<8640xf32, #tpu.memory_space<vmem>>, vector<16xf32>,
    %swap3A_2512 = vector.shape_cast %swap3A_2511 : vector<16xf32> to vector<16xf32>
    %swap3A_2513 = vector.shape_cast %broadcast_in_dim3A_2 : vector<16xf32> to vector<16xf32>
    tpu.vector_store %arg9[%swap3A_2510], %swap3A_2513 {strides = array<i32>} : memref<8640xf32, #tpu.memory_space<vmem>>, vector<16xf32>,
    %swap3A_2514 = arith.constant 8000 : index
    %swap3A_2515 = tpu.vector_load %arg9[%swap3A_2514] {strides = array<i32>} : memref<8640xf32, #tpu.memory_space<vmem>>, vector<16xf32>,
    %swap3A_2516 = vector.shape_cast %swap3A_2515 : vector<16xf32> to vector<16xf32>
    %swap3A_2517 = vector.shape_cast %broadcast_in_dim3A_2 : vector<16xf32> to vector<16xf32>
    tpu.vector_store %arg9[%swap3A_2514], %swap3A_2517 {strides = array<i32>} : memref<8640xf32, #tpu.memory_space<vmem>>, vector<16xf32>,
    %swap3A_2518 = arith.constant 8016 : index
    %swap3A_2519 = tpu.vector_load %arg9[%swap3A_2518] {strides = array<i32>} : memref<8640xf32, #tpu.memory_space<vmem>>, vector<16xf32>,
    %swap3A_2520 = vector.shape_cast %swap3A_2519 : vector<16xf32> to vector<16xf32>
    %swap3A_2521 = vector.shape_cast %broadcast_in_dim3A_2 : vector<16xf32> to vector<16xf32>
    tpu.vector_store %arg9[%swap3A_2518], %swap3A_2521 {strides = array<i32>} : memref<8640xf32, #tpu.memory_space<vmem>>, vector<16xf32>,
    %swap3A_2522 = arith.constant 8032 : index
    %swap3A_2523 = tpu.vector_load %arg9[%swap3A_2522] {strides = array<i32>} : memref<8640xf32, #tpu.memory_space<vmem>>, vector<16xf32>,
    %swap3A_2524 = vector.shape_cast %swap3A_2523 : vector<16xf32> to vector<16xf32>
    %swap3A_2525 = vector.shape_cast %broadcast_in_dim3A_2 : vector<16xf32> to vector<16xf32>
    tpu.vector_store %arg9[%swap3A_2522], %swap3A_2525 {strides = array<i32>} : memref<8640xf32, #tpu.memory_space<vmem>>, vector<16xf32>,
    %swap3A_2526 = arith.constant 8048 : index
    %swap3A_2527 = tpu.vector_load %arg9[%swap3A_2526] {strides = array<i32>} : memref<8640xf32, #tpu.memory_space<vmem>>, vector<16xf32>,
    %swap3A_2528 = vector.shape_cast %swap3A_2527 : vector<16xf32> to vector<16xf32>
    %swap3A_2529 = vector.shape_cast %broadcast_in_dim3A_2 : vector<16xf32> to vector<16xf32>
    tpu.vector_store %arg9[%swap3A_2526], %swap3A_2529 {strides = array<i32>} : memref<8640xf32, #tpu.memory_space<vmem>>, vector<16xf32>,
    %swap3A_2530 = arith.constant 8064 : index
    %swap3A_2531 = tpu.vector_load %arg9[%swap3A_2530] {strides = array<i32>} : memref<8640xf32, #tpu.memory_space<vmem>>, vector<16xf32>,
    %swap3A_2532 = vector.shape_cast %swap3A_2531 : vector<16xf32> to vector<16xf32>
    %swap3A_2533 = vector.shape_cast %broadcast_in_dim3A_2 : vector<16xf32> to vector<16xf32>
    tpu.vector_store %arg9[%swap3A_2530], %swap3A_2533 {strides = array<i32>} : memref<8640xf32, #tpu.memory_space<vmem>>, vector<16xf32>,
    %swap3A_2534 = arith.constant 8080 : index
    %swap3A_2535 = tpu.vector_load %arg9[%swap3A_2534] {strides = array<i32>} : memref<8640xf32, #tpu.memory_space<vmem>>, vector<16xf32>,
    %swap3A_2536 = vector.shape_cast %swap3A_2535 : vector<16xf32> to vector<16xf32>
    %swap3A_2537 = vector.shape_cast %broadcast_in_dim3A_2 : vector<16xf32> to vector<16xf32>
    tpu.vector_store %arg9[%swap3A_2534], %swap3A_2537 {strides = array<i32>} : memref<8640xf32, #tpu.memory_space<vmem>>, vector<16xf32>,
    %swap3A_2538 = arith.constant 8096 : index
    %swap3A_2539 = tpu.vector_load %arg9[%swap3A_2538] {strides = array<i32>} : memref<8640xf32, #tpu.memory_space<vmem>>, vector<16xf32>,
    %swap3A_2540 = vector.shape_cast %swap3A_2539 : vector<16xf32> to vector<16xf32>
    %swap3A_2541 = vector.shape_cast %broadcast_in_dim3A_2 : vector<16xf32> to vector<16xf32>
    tpu.vector_store %arg9[%swap3A_2538], %swap3A_2541 {strides = array<i32>} : memref<8640xf32, #tpu.memory_space<vmem>>, vector<16xf32>,
    %swap3A_2542 = arith.constant 8112 : index
    %swap3A_2543 = tpu.vector_load %arg9[%swap3A_2542] {strides = array<i32>} : memref<8640xf32, #tpu.memory_space<vmem>>, vector<16xf32>,
    %swap3A_2544 = vector.shape_cast %swap3A_2543 : vector<16xf32> to vector<16xf32>
    %swap3A_2545 = vector.shape_cast %broadcast_in_dim3A_2 : vector<16xf32> to vector<16xf32>
    tpu.vector_store %arg9[%swap3A_2542], %swap3A_2545 {strides = array<i32>} : memref<8640xf32, #tpu.memory_space<vmem>>, vector<16xf32>,
    %swap3A_2546 = arith.constant 8128 : index
    %swap3A_2547 = tpu.vector_load %arg9[%swap3A_2546] {strides = array<i32>} : memref<8640xf32, #tpu.memory_space<vmem>>, vector<16xf32>,
    %swap3A_2548 = vector.shape_cast %swap3A_2547 : vector<16xf32> to vector<16xf32>
    %swap3A_2549 = vector.shape_cast %broadcast_in_dim3A_2 : vector<16xf32> to vector<16xf32>
    tpu.vector_store %arg9[%swap3A_2546], %swap3A_2549 {strides = array<i32>} : memref<8640xf32, #tpu.memory_space<vmem>>, vector<16xf32>,
    %swap3A_2550 = arith.constant 8144 : index
    %swap3A_2551 = tpu.vector_load %arg9[%swap3A_2550] {strides = array<i32>} : memref<8640xf32, #tpu.memory_space<vmem>>, vector<16xf32>,
    %swap3A_2552 = vector.shape_cast %swap3A_2551 : vector<16xf32> to vector<16xf32>
    %swap3A_2553 = vector.shape_cast %broadcast_in_dim3A_2 : vector<16xf32> to vector<16xf32>
    tpu.vector_store %arg9[%swap3A_2550], %swap3A_2553 {strides = array<i32>} : memref<8640xf32, #tpu.memory_space<vmem>>, vector<16xf32>,
    %swap3A_2554 = arith.constant 8160 : index
    %swap3A_2555 = tpu.vector_load %arg9[%swap3A_2554] {strides = array<i32>} : memref<8640xf32, #tpu.memory_space<vmem>>, vector<16xf32>,
    %swap3A_2556 = vector.shape_cast %swap3A_2555 : vector<16xf32> to vector<16xf32>
    %swap3A_2557 = vector.shape_cast %broadcast_in_dim3A_2 : vector<16xf32> to vector<16xf32>
    tpu.vector_store %arg9[%swap3A_2554], %swap3A_2557 {strides = array<i32>} : memref<8640xf32, #tpu.memory_space<vmem>>, vector<16xf32>,
    %swap3A_2558 = arith.constant 8176 : index
    %swap3A_2559 = tpu.vector_load %arg9[%swap3A_2558] {strides = array<i32>} : memref<8640xf32, #tpu.memory_space<vmem>>, vector<16xf32>,
    %swap3A_2560 = vector.shape_cast %swap3A_2559 : vector<16xf32> to vector<16xf32>
    %swap3A_2561 = vector.shape_cast %broadcast_in_dim3A_2 : vector<16xf32> to vector<16xf32>
    tpu.vector_store %arg9[%swap3A_2558], %swap3A_2561 {strides = array<i32>} : memref<8640xf32, #tpu.memory_space<vmem>>, vector<16xf32>,
    %swap3A_2562 = arith.constant 8192 : index
    %swap3A_2563 = tpu.vector_load %arg9[%swap3A_2562] {strides = array<i32>} : memref<8640xf32, #tpu.memory_space<vmem>>, vector<16xf32>,
    %swap3A_2564 = vector.shape_cast %swap3A_2563 : vector<16xf32> to vector<16xf32>
    %swap3A_2565 = vector.shape_cast %broadcast_in_dim3A_2 : vector<16xf32> to vector<16xf32>
    tpu.vector_store %arg9[%swap3A_2562], %swap3A_2565 {strides = array<i32>} : memref<8640xf32, #tpu.memory_space<vmem>>, vector<16xf32>,
    %swap3A_2566 = arith.constant 8208 : index
    %swap3A_2567 = tpu.vector_load %arg9[%swap3A_2566] {strides = array<i32>} : memref<8640xf32, #tpu.memory_space<vmem>>, vector<16xf32>,
    %swap3A_2568 = vector.shape_cast %swap3A_2567 : vector<16xf32> to vector<16xf32>
    %swap3A_2569 = vector.shape_cast %broadcast_in_dim3A_2 : vector<16xf32> to vector<16xf32>
    tpu.vector_store %arg9[%swap3A_2566], %swap3A_2569 {strides = array<i32>} : memref<8640xf32, #tpu.memory_space<vmem>>, vector<16xf32>,
    %swap3A_2570 = arith.constant 8224 : index
    %swap3A_2571 = tpu.vector_load %arg9[%swap3A_2570] {strides = array<i32>} : memref<8640xf32, #tpu.memory_space<vmem>>, vector<16xf32>,
    %swap3A_2572 = vector.shape_cast %swap3A_2571 : vector<16xf32> to vector<16xf32>
    %swap3A_2573 = vector.shape_cast %broadcast_in_dim3A_2 : vector<16xf32> to vector<16xf32>
    tpu.vector_store %arg9[%swap3A_2570], %swap3A_2573 {strides = array<i32>} : memref<8640xf32, #tpu.memory_space<vmem>>, vector<16xf32>,
    %swap3A_2574 = arith.constant 8240 : index
    %swap3A_2575 = tpu.vector_load %arg9[%swap3A_2574] {strides = array<i32>} : memref<8640xf32, #tpu.memory_space<vmem>>, vector<16xf32>,
    %swap3A_2576 = vector.shape_cast %swap3A_2575 : vector<16xf32> to vector<16xf32>
    %swap3A_2577 = vector.shape_cast %broadcast_in_dim3A_2 : vector<16xf32> to vector<16xf32>
    tpu.vector_store %arg9[%swap3A_2574], %swap3A_2577 {strides = array<i32>} : memref<8640xf32, #tpu.memory_space<vmem>>, vector<16xf32>,
    %swap3A_2578 = arith.constant 8256 : index
    %swap3A_2579 = tpu.vector_load %arg9[%swap3A_2578] {strides = array<i32>} : memref<8640xf32, #tpu.memory_space<vmem>>, vector<16xf32>,
    %swap3A_2580 = vector.shape_cast %swap3A_2579 : vector<16xf32> to vector<16xf32>
    %swap3A_2581 = vector.shape_cast %broadcast_in_dim3A_2 : vector<16xf32> to vector<16xf32>
    tpu.vector_store %arg9[%swap3A_2578], %swap3A_2581 {strides = array<i32>} : memref<8640xf32, #tpu.memory_space<vmem>>, vector<16xf32>,
    %swap3A_2582 = arith.constant 8272 : index
    %swap3A_2583 = tpu.vector_load %arg9[%swap3A_2582] {strides = array<i32>} : memref<8640xf32, #tpu.memory_space<vmem>>, vector<16xf32>,
    %swap3A_2584 = vector.shape_cast %swap3A_2583 : vector<16xf32> to vector<16xf32>
    %swap3A_2585 = vector.shape_cast %broadcast_in_dim3A_2 : vector<16xf32> to vector<16xf32>
    tpu.vector_store %arg9[%swap3A_2582], %swap3A_2585 {strides = array<i32>} : memref<8640xf32, #tpu.memory_space<vmem>>, vector<16xf32>,
    %swap3A_2586 = arith.constant 8288 : index
    %swap3A_2587 = tpu.vector_load %arg9[%swap3A_2586] {strides = array<i32>} : memref<8640xf32, #tpu.memory_space<vmem>>, vector<16xf32>,
    %swap3A_2588 = vector.shape_cast %swap3A_2587 : vector<16xf32> to vector<16xf32>
    %swap3A_2589 = vector.shape_cast %broadcast_in_dim3A_2 : vector<16xf32> to vector<16xf32>
    tpu.vector_store %arg9[%swap3A_2586], %swap3A_2589 {strides = array<i32>} : memref<8640xf32, #tpu.memory_space<vmem>>, vector<16xf32>,
    %swap3A_2590 = arith.constant 8304 : index
    %swap3A_2591 = tpu.vector_load %arg9[%swap3A_2590] {strides = array<i32>} : memref<8640xf32, #tpu.memory_space<vmem>>, vector<16xf32>,
    %swap3A_2592 = vector.shape_cast %swap3A_2591 : vector<16xf32> to vector<16xf32>
    %swap3A_2593 = vector.shape_cast %broadcast_in_dim3A_2 : vector<16xf32> to vector<16xf32>
    tpu.vector_store %arg9[%swap3A_2590], %swap3A_2593 {strides = array<i32>} : memref<8640xf32, #tpu.memory_space<vmem>>, vector<16xf32>,
    %swap3A_2594 = arith.constant 8320 : index
    %swap3A_2595 = tpu.vector_load %arg9[%swap3A_2594] {strides = array<i32>} : memref<8640xf32, #tpu.memory_space<vmem>>, vector<16xf32>,
    %swap3A_2596 = vector.shape_cast %swap3A_2595 : vector<16xf32> to vector<16xf32>
    %swap3A_2597 = vector.shape_cast %broadcast_in_dim3A_2 : vector<16xf32> to vector<16xf32>
    tpu.vector_store %arg9[%swap3A_2594], %swap3A_2597 {strides = array<i32>} : memref<8640xf32, #tpu.memory_space<vmem>>, vector<16xf32>,
    %swap3A_2598 = arith.constant 8336 : index
    %swap3A_2599 = tpu.vector_load %arg9[%swap3A_2598] {strides = array<i32>} : memref<8640xf32, #tpu.memory_space<vmem>>, vector<16xf32>,
    %swap3A_2600 = vector.shape_cast %swap3A_2599 : vector<16xf32> to vector<16xf32>
    %swap3A_2601 = vector.shape_cast %broadcast_in_dim3A_2 : vector<16xf32> to vector<16xf32>
    tpu.vector_store %arg9[%swap3A_2598], %swap3A_2601 {strides = array<i32>} : memref<8640xf32, #tpu.memory_space<vmem>>, vector<16xf32>,
    %swap3A_2602 = arith.constant 8352 : index
    %swap3A_2603 = tpu.vector_load %arg9[%swap3A_2602] {strides = array<i32>} : memref<8640xf32, #tpu.memory_space<vmem>>, vector<16xf32>,
    %swap3A_2604 = vector.shape_cast %swap3A_2603 : vector<16xf32> to vector<16xf32>
    %swap3A_2605 = vector.shape_cast %broadcast_in_dim3A_2 : vector<16xf32> to vector<16xf32>
    tpu.vector_store %arg9[%swap3A_2602], %swap3A_2605 {strides = array<i32>} : memref<8640xf32, #tpu.memory_space<vmem>>, vector<16xf32>,
    %swap3A_2606 = arith.constant 8368 : index
    %swap3A_2607 = tpu.vector_load %arg9[%swap3A_2606] {strides = array<i32>} : memref<8640xf32, #tpu.memory_space<vmem>>, vector<16xf32>,
    %swap3A_2608 = vector.shape_cast %swap3A_2607 : vector<16xf32> to vector<16xf32>
    %swap3A_2609 = vector.shape_cast %broadcast_in_dim3A_2 : vector<16xf32> to vector<16xf32>
    tpu.vector_store %arg9[%swap3A_2606], %swap3A_2609 {strides = array<i32>} : memref<8640xf32, #tpu.memory_space<vmem>>, vector<16xf32>,
    %swap3A_2610 = arith.constant 8384 : index
    %swap3A_2611 = tpu.vector_load %arg9[%swap3A_2610] {strides = array<i32>} : memref<8640xf32, #tpu.memory_space<vmem>>, vector<16xf32>,
    %swap3A_2612 = vector.shape_cast %swap3A_2611 : vector<16xf32> to vector<16xf32>
    %swap3A_2613 = vector.shape_cast %broadcast_in_dim3A_2 : vector<16xf32> to vector<16xf32>
    tpu.vector_store %arg9[%swap3A_2610], %swap3A_2613 {strides = array<i32>} : memref<8640xf32, #tpu.memory_space<vmem>>, vector<16xf32>,
    %swap3A_2614 = arith.constant 8400 : index
    %swap3A_2615 = tpu.vector_load %arg9[%swap3A_2614] {strides = array<i32>} : memref<8640xf32, #tpu.memory_space<vmem>>, vector<16xf32>,
    %swap3A_2616 = vector.shape_cast %swap3A_2615 : vector<16xf32> to vector<16xf32>
    %swap3A_2617 = vector.shape_cast %broadcast_in_dim3A_2 : vector<16xf32> to vector<16xf32>
    tpu.vector_store %arg9[%swap3A_2614], %swap3A_2617 {strides = array<i32>} : memref<8640xf32, #tpu.memory_space<vmem>>, vector<16xf32>,
    %swap3A_2618 = arith.constant 8416 : index
    %swap3A_2619 = tpu.vector_load %arg9[%swap3A_2618] {strides = array<i32>} : memref<8640xf32, #tpu.memory_space<vmem>>, vector<16xf32>,
    %swap3A_2620 = vector.shape_cast %swap3A_2619 : vector<16xf32> to vector<16xf32>
    %swap3A_2621 = vector.shape_cast %broadcast_in_dim3A_2 : vector<16xf32> to vector<16xf32>
    tpu.vector_store %arg9[%swap3A_2618], %swap3A_2621 {strides = array<i32>} : memref<8640xf32, #tpu.memory_space<vmem>>, vector<16xf32>,
    %swap3A_2622 = arith.constant 8432 : index
    %swap3A_2623 = tpu.vector_load %arg9[%swap3A_2622] {strides = array<i32>} : memref<8640xf32, #tpu.memory_space<vmem>>, vector<16xf32>,
    %swap3A_2624 = vector.shape_cast %swap3A_2623 : vector<16xf32> to vector<16xf32>
    %swap3A_2625 = vector.shape_cast %broadcast_in_dim3A_2 : vector<16xf32> to vector<16xf32>
    tpu.vector_store %arg9[%swap3A_2622], %swap3A_2625 {strides = array<i32>} : memref<8640xf32, #tpu.memory_space<vmem>>, vector<16xf32>,
    %swap3A_2626 = arith.constant 8448 : index
    %swap3A_2627 = tpu.vector_load %arg9[%swap3A_2626] {strides = array<i32>} : memref<8640xf32, #tpu.memory_space<vmem>>, vector<16xf32>,
    %swap3A_2628 = vector.shape_cast %swap3A_2627 : vector<16xf32> to vector<16xf32>
    %swap3A_2629 = vector.shape_cast %broadcast_in_dim3A_2 : vector<16xf32> to vector<16xf32>
    tpu.vector_store %arg9[%swap3A_2626], %swap3A_2629 {strides = array<i32>} : memref<8640xf32, #tpu.memory_space<vmem>>, vector<16xf32>,
    %swap3A_2630 = arith.constant 8464 : index
    %swap3A_2631 = tpu.vector_load %arg9[%swap3A_2630] {strides = array<i32>} : memref<8640xf32, #tpu.memory_space<vmem>>, vector<16xf32>,
    %swap3A_2632 = vector.shape_cast %swap3A_2631 : vector<16xf32> to vector<16xf32>
    %swap3A_2633 = vector.shape_cast %broadcast_in_dim3A_2 : vector<16xf32> to vector<16xf32>
    tpu.vector_store %arg9[%swap3A_2630], %swap3A_2633 {strides = array<i32>} : memref<8640xf32, #tpu.memory_space<vmem>>, vector<16xf32>,
    %swap3A_2634 = arith.constant 8480 : index
    %swap3A_2635 = tpu.vector_load %arg9[%swap3A_2634] {strides = array<i32>} : memref<8640xf32, #tpu.memory_space<vmem>>, vector<16xf32>,
    %swap3A_2636 = vector.shape_cast %swap3A_2635 : vector<16xf32> to vector<16xf32>
    %swap3A_2637 = vector.shape_cast %broadcast_in_dim3A_2 : vector<16xf32> to vector<16xf32>
    tpu.vector_store %arg9[%swap3A_2634], %swap3A_2637 {strides = array<i32>} : memref<8640xf32, #tpu.memory_space<vmem>>, vector<16xf32>,
    %swap3A_2638 = arith.constant 8496 : index
    %swap3A_2639 = tpu.vector_load %arg9[%swap3A_2638] {strides = array<i32>} : memref<8640xf32, #tpu.memory_space<vmem>>, vector<16xf32>,
    %swap3A_2640 = vector.shape_cast %swap3A_2639 : vector<16xf32> to vector<16xf32>
    %swap3A_2641 = vector.shape_cast %broadcast_in_dim3A_2 : vector<16xf32> to vector<16xf32>
    tpu.vector_store %arg9[%swap3A_2638], %swap3A_2641 {strides = array<i32>} : memref<8640xf32, #tpu.memory_space<vmem>>, vector<16xf32>,
    %swap3A_2642 = arith.constant 8512 : index
    %swap3A_2643 = tpu.vector_load %arg9[%swap3A_2642] {strides = array<i32>} : memref<8640xf32, #tpu.memory_space<vmem>>, vector<16xf32>,
    %swap3A_2644 = vector.shape_cast %swap3A_2643 : vector<16xf32> to vector<16xf32>
    %swap3A_2645 = vector.shape_cast %broadcast_in_dim3A_2 : vector<16xf32> to vector<16xf32>
    tpu.vector_store %arg9[%swap3A_2642], %swap3A_2645 {strides = array<i32>} : memref<8640xf32, #tpu.memory_space<vmem>>, vector<16xf32>,
    %swap3A_2646 = arith.constant 8528 : index
    %swap3A_2647 = tpu.vector_load %arg9[%swap3A_2646] {strides = array<i32>} : memref<8640xf32, #tpu.memory_space<vmem>>, vector<16xf32>,
    %swap3A_2648 = vector.shape_cast %swap3A_2647 : vector<16xf32> to vector<16xf32>
    %swap3A_2649 = vector.shape_cast %broadcast_in_dim3A_2 : vector<16xf32> to vector<16xf32>
    tpu.vector_store %arg9[%swap3A_2646], %swap3A_2649 {strides = array<i32>} : memref<8640xf32, #tpu.memory_space<vmem>>, vector<16xf32>,
    %swap3A_2650 = arith.constant 8544 : index
    %swap3A_2651 = tpu.vector_load %arg9[%swap3A_2650] {strides = array<i32>} : memref<8640xf32, #tpu.memory_space<vmem>>, vector<16xf32>,
    %swap3A_2652 = vector.shape_cast %swap3A_2651 : vector<16xf32> to vector<16xf32>
    %swap3A_2653 = vector.shape_cast %broadcast_in_dim3A_2 : vector<16xf32> to vector<16xf32>
    tpu.vector_store %arg9[%swap3A_2650], %swap3A_2653 {strides = array<i32>} : memref<8640xf32, #tpu.memory_space<vmem>>, vector<16xf32>,
    %swap3A_2654 = arith.constant 8560 : index
    %swap3A_2655 = tpu.vector_load %arg9[%swap3A_2654] {strides = array<i32>} : memref<8640xf32, #tpu.memory_space<vmem>>, vector<16xf32>,
    %swap3A_2656 = vector.shape_cast %swap3A_2655 : vector<16xf32> to vector<16xf32>
    %swap3A_2657 = vector.shape_cast %broadcast_in_dim3A_2 : vector<16xf32> to vector<16xf32>
    tpu.vector_store %arg9[%swap3A_2654], %swap3A_2657 {strides = array<i32>} : memref<8640xf32, #tpu.memory_space<vmem>>, vector<16xf32>,
    %swap3A_2658 = arith.constant 8576 : index
    %swap3A_2659 = tpu.vector_load %arg9[%swap3A_2658] {strides = array<i32>} : memref<8640xf32, #tpu.memory_space<vmem>>, vector<16xf32>,
    %swap3A_2660 = vector.shape_cast %swap3A_2659 : vector<16xf32> to vector<16xf32>
    %swap3A_2661 = vector.shape_cast %broadcast_in_dim3A_2 : vector<16xf32> to vector<16xf32>
    tpu.vector_store %arg9[%swap3A_2658], %swap3A_2661 {strides = array<i32>} : memref<8640xf32, #tpu.memory_space<vmem>>, vector<16xf32>,
    %swap3A_2662 = arith.constant 8592 : index
    %swap3A_2663 = tpu.vector_load %arg9[%swap3A_2662] {strides = array<i32>} : memref<8640xf32, #tpu.memory_space<vmem>>, vector<16xf32>,
    %swap3A_2664 = vector.shape_cast %swap3A_2663 : vector<16xf32> to vector<16xf32>
    %swap3A_2665 = vector.shape_cast %broadcast_in_dim3A_2 : vector<16xf32> to vector<16xf32>
    tpu.vector_store %arg9[%swap3A_2662], %swap3A_2665 {strides = array<i32>} : memref<8640xf32, #tpu.memory_space<vmem>>, vector<16xf32>,
    %swap3A_2666 = arith.constant 8608 : index
    %swap3A_2667 = tpu.vector_load %arg9[%swap3A_2666] {strides = array<i32>} : memref<8640xf32, #tpu.memory_space<vmem>>, vector<16xf32>,
    %swap3A_2668 = vector.shape_cast %swap3A_2667 : vector<16xf32> to vector<16xf32>
    %swap3A_2669 = vector.shape_cast %broadcast_in_dim3A_2 : vector<16xf32> to vector<16xf32>
    tpu.vector_store %arg9[%swap3A_2666], %swap3A_2669 {strides = array<i32>} : memref<8640xf32, #tpu.memory_space<vmem>>, vector<16xf32>,
    %swap3A_2670 = arith.constant 8624 : index
    %swap3A_2671 = tpu.vector_load %arg9[%swap3A_2670] {strides = array<i32>} : memref<8640xf32, #tpu.memory_space<vmem>>, vector<16xf32>,
    %swap3A_2672 = vector.shape_cast %swap3A_2671 : vector<16xf32> to vector<16xf32>
    %swap3A_2673 = vector.shape_cast %broadcast_in_dim3A_2 : vector<16xf32> to vector<16xf32>
    tpu.vector_store %arg9[%swap3A_2670], %swap3A_2673 {strides = array<i32>} : memref<8640xf32, #tpu.memory_space<vmem>>, vector<16xf32>,
    %iota3A = tpu.iota {dimensions = array<i32: 0>} : vector<16xi32>
    %mul3A = arith.constant 2 : i32
    %mul3A_2674 = arith.muli %arg0, %mul3A : i32
    %add3A = arith.constant 0 : i32
    %add3A_2675 = arith.addi %mul3A_2674, %add3A : i32
    %mul3A_2676 = arith.constant 1382400 : i32
    %mul3A_2677 = arith.muli %add3A_2675, %mul3A_2676 : i32
    %mul3A_2678 = arith.constant 86400 : i32
    %mul3A_2679 = arith.muli %arg1, %mul3A_2678 : i32
    %add3A_2680 = arith.constant 0 : i32
    %add3A_2681 = arith.addi %mul3A_2679, %add3A_2680 : i32
    "tpu.region"() ({
      %run_scoped3A = tpu.sem_alloc : memref<!tpu.dma_semaphore, #tpu.memory_space<semaphore_mem>>
      %dma_start3A_2877 = tpu.memref_slice %arg10[%add3A_2681] : memref<1384448xf32, #tpu.memory_space<vmem_shared>> -> memref<8640xf32, #tpu.memory_space<vmem_shared>>
      %dma_start3A_2878 = tpu.memref_slice %arg10[%add3A_2681] : memref<1384448xf32, #tpu.memory_space<vmem_shared>> -> memref<8640xf32, #tpu.memory_space<vmem_shared>>
      tpu.enqueue_dma source(%arg9 : memref<8640xf32, #tpu.memory_space<vmem>>) target(%dma_start3A_2878 : memref<8640xf32, #tpu.memory_space<vmem_shared>>) target_semaphore(%run_scoped3A : memref<!tpu.dma_semaphore, #tpu.memory_space<semaphore_mem>>)
      %dma_wait3A_2879 = tpu.memref_slice %arg10[%add3A_2681] : memref<1384448xf32, #tpu.memory_space<vmem_shared>> -> memref<8640xf32, #tpu.memory_space<vmem_shared>>
      %dma_wait3A_2880 = tpu.memref_slice %arg10[%add3A_2681] : memref<1384448xf32, #tpu.memory_space<vmem_shared>> -> memref<8640xf32, #tpu.memory_space<vmem_shared>>
      tpu.wait_dma2 semaphore(%run_scoped3A : memref<!tpu.dma_semaphore, #tpu.memory_space<semaphore_mem>>) src(%arg9 : memref<8640xf32, #tpu.memory_space<vmem>>) dst(%dma_wait3A_2880 : memref<8640xf32, #tpu.memory_space<vmem_shared>>)
      tpu.yield
    }) : () -> ()
    %mul3A_2682 = arith.constant 86400 : i32
    %mul3A_2683 = arith.muli %arg1, %mul3A_2682 : i32
    %add3A_2684 = arith.constant 8640 : i32
    %add3A_2685 = arith.addi %mul3A_2683, %add3A_2684 : i32
    "tpu.region"() ({
      %run_scoped3A = tpu.sem_alloc : memref<!tpu.dma_semaphore, #tpu.memory_space<semaphore_mem>>
      %dma_start3A_2877 = tpu.memref_slice %arg10[%add3A_2685] : memref<1384448xf32, #tpu.memory_space<vmem_shared>> -> memref<8640xf32, #tpu.memory_space<vmem_shared>>
      %dma_start3A_2878 = tpu.memref_slice %arg10[%add3A_2685] : memref<1384448xf32, #tpu.memory_space<vmem_shared>> -> memref<8640xf32, #tpu.memory_space<vmem_shared>>
      tpu.enqueue_dma source(%arg9 : memref<8640xf32, #tpu.memory_space<vmem>>) target(%dma_start3A_2878 : memref<8640xf32, #tpu.memory_space<vmem_shared>>) target_semaphore(%run_scoped3A : memref<!tpu.dma_semaphore, #tpu.memory_space<semaphore_mem>>)
      %dma_wait3A_2879 = tpu.memref_slice %arg10[%add3A_2685] : memref<1384448xf32, #tpu.memory_space<vmem_shared>> -> memref<8640xf32, #tpu.memory_space<vmem_shared>>
      %dma_wait3A_2880 = tpu.memref_slice %arg10[%add3A_2685] : memref<1384448xf32, #tpu.memory_space<vmem_shared>> -> memref<8640xf32, #tpu.memory_space<vmem_shared>>
      tpu.wait_dma2 semaphore(%run_scoped3A : memref<!tpu.dma_semaphore, #tpu.memory_space<semaphore_mem>>) src(%arg9 : memref<8640xf32, #tpu.memory_space<vmem>>) dst(%dma_wait3A_2880 : memref<8640xf32, #tpu.memory_space<vmem_shared>>)
      tpu.yield
    }) : () -> ()
    %mul3A_2686 = arith.constant 86400 : i32
    %mul3A_2687 = arith.muli %arg1, %mul3A_2686 : i32
    %add3A_2688 = arith.constant 17280 : i32
    %add3A_2689 = arith.addi %mul3A_2687, %add3A_2688 : i32
    "tpu.region"() ({
      %run_scoped3A = tpu.sem_alloc : memref<!tpu.dma_semaphore, #tpu.memory_space<semaphore_mem>>
      %dma_start3A_2877 = tpu.memref_slice %arg10[%add3A_2689] : memref<1384448xf32, #tpu.memory_space<vmem_shared>> -> memref<8640xf32, #tpu.memory_space<vmem_shared>>
      %dma_start3A_2878 = tpu.memref_slice %arg10[%add3A_2689] : memref<1384448xf32, #tpu.memory_space<vmem_shared>> -> memref<8640xf32, #tpu.memory_space<vmem_shared>>
      tpu.enqueue_dma source(%arg9 : memref<8640xf32, #tpu.memory_space<vmem>>) target(%dma_start3A_2878 : memref<8640xf32, #tpu.memory_space<vmem_shared>>) target_semaphore(%run_scoped3A : memref<!tpu.dma_semaphore, #tpu.memory_space<semaphore_mem>>)
      %dma_wait3A_2879 = tpu.memref_slice %arg10[%add3A_2689] : memref<1384448xf32, #tpu.memory_space<vmem_shared>> -> memref<8640xf32, #tpu.memory_space<vmem_shared>>
      %dma_wait3A_2880 = tpu.memref_slice %arg10[%add3A_2689] : memref<1384448xf32, #tpu.memory_space<vmem_shared>> -> memref<8640xf32, #tpu.memory_space<vmem_shared>>
      tpu.wait_dma2 semaphore(%run_scoped3A : memref<!tpu.dma_semaphore, #tpu.memory_space<semaphore_mem>>) src(%arg9 : memref<8640xf32, #tpu.memory_space<vmem>>) dst(%dma_wait3A_2880 : memref<8640xf32, #tpu.memory_space<vmem_shared>>)
      tpu.yield
    }) : () -> ()
    %mul3A_2690 = arith.constant 86400 : i32
    %mul3A_2691 = arith.muli %arg1, %mul3A_2690 : i32
    %add3A_2692 = arith.constant 25920 : i32
    %add3A_2693 = arith.addi %mul3A_2691, %add3A_2692 : i32
    "tpu.region"() ({
      %run_scoped3A = tpu.sem_alloc : memref<!tpu.dma_semaphore, #tpu.memory_space<semaphore_mem>>
      %dma_start3A_2877 = tpu.memref_slice %arg10[%add3A_2693] : memref<1384448xf32, #tpu.memory_space<vmem_shared>> -> memref<8640xf32, #tpu.memory_space<vmem_shared>>
      %dma_start3A_2878 = tpu.memref_slice %arg10[%add3A_2693] : memref<1384448xf32, #tpu.memory_space<vmem_shared>> -> memref<8640xf32, #tpu.memory_space<vmem_shared>>
      tpu.enqueue_dma source(%arg9 : memref<8640xf32, #tpu.memory_space<vmem>>) target(%dma_start3A_2878 : memref<8640xf32, #tpu.memory_space<vmem_shared>>) target_semaphore(%run_scoped3A : memref<!tpu.dma_semaphore, #tpu.memory_space<semaphore_mem>>)
      %dma_wait3A_2879 = tpu.memref_slice %arg10[%add3A_2693] : memref<1384448xf32, #tpu.memory_space<vmem_shared>> -> memref<8640xf32, #tpu.memory_space<vmem_shared>>
      %dma_wait3A_2880 = tpu.memref_slice %arg10[%add3A_2693] : memref<1384448xf32, #tpu.memory_space<vmem_shared>> -> memref<8640xf32, #tpu.memory_space<vmem_shared>>
      tpu.wait_dma2 semaphore(%run_scoped3A : memref<!tpu.dma_semaphore, #tpu.memory_space<semaphore_mem>>) src(%arg9 : memref<8640xf32, #tpu.memory_space<vmem>>) dst(%dma_wait3A_2880 : memref<8640xf32, #tpu.memory_space<vmem_shared>>)
      tpu.yield
    }) : () -> ()
    %mul3A_2694 = arith.constant 86400 : i32
    %mul3A_2695 = arith.muli %arg1, %mul3A_2694 : i32
    %add3A_2696 = arith.constant 34560 : i32
    %add3A_2697 = arith.addi %mul3A_2695, %add3A_2696 : i32
    "tpu.region"() ({
      %run_scoped3A = tpu.sem_alloc : memref<!tpu.dma_semaphore, #tpu.memory_space<semaphore_mem>>
      %dma_start3A_2877 = tpu.memref_slice %arg10[%add3A_2697] : memref<1384448xf32, #tpu.memory_space<vmem_shared>> -> memref<8640xf32, #tpu.memory_space<vmem_shared>>
      %dma_start3A_2878 = tpu.memref_slice %arg10[%add3A_2697] : memref<1384448xf32, #tpu.memory_space<vmem_shared>> -> memref<8640xf32, #tpu.memory_space<vmem_shared>>
      tpu.enqueue_dma source(%arg9 : memref<8640xf32, #tpu.memory_space<vmem>>) target(%dma_start3A_2878 : memref<8640xf32, #tpu.memory_space<vmem_shared>>) target_semaphore(%run_scoped3A : memref<!tpu.dma_semaphore, #tpu.memory_space<semaphore_mem>>)
      %dma_wait3A_2879 = tpu.memref_slice %arg10[%add3A_2697] : memref<1384448xf32, #tpu.memory_space<vmem_shared>> -> memref<8640xf32, #tpu.memory_space<vmem_shared>>
      %dma_wait3A_2880 = tpu.memref_slice %arg10[%add3A_2697] : memref<1384448xf32, #tpu.memory_space<vmem_shared>> -> memref<8640xf32, #tpu.memory_space<vmem_shared>>
      tpu.wait_dma2 semaphore(%run_scoped3A : memref<!tpu.dma_semaphore, #tpu.memory_space<semaphore_mem>>) src(%arg9 : memref<8640xf32, #tpu.memory_space<vmem>>) dst(%dma_wait3A_2880 : memref<8640xf32, #tpu.memory_space<vmem_shared>>)
      tpu.yield
    }) : () -> ()
    %mul3A_2698 = arith.constant 86400 : i32
    %mul3A_2699 = arith.muli %arg1, %mul3A_2698 : i32
    %add3A_2700 = arith.constant 43200 : i32
    %add3A_2701 = arith.addi %mul3A_2699, %add3A_2700 : i32
    "tpu.region"() ({
      %run_scoped3A = tpu.sem_alloc : memref<!tpu.dma_semaphore, #tpu.memory_space<semaphore_mem>>
      %dma_start3A_2877 = tpu.memref_slice %arg10[%add3A_2701] : memref<1384448xf32, #tpu.memory_space<vmem_shared>> -> memref<8640xf32, #tpu.memory_space<vmem_shared>>
      %dma_start3A_2878 = tpu.memref_slice %arg10[%add3A_2701] : memref<1384448xf32, #tpu.memory_space<vmem_shared>> -> memref<8640xf32, #tpu.memory_space<vmem_shared>>
      tpu.enqueue_dma source(%arg9 : memref<8640xf32, #tpu.memory_space<vmem>>) target(%dma_start3A_2878 : memref<8640xf32, #tpu.memory_space<vmem_shared>>) target_semaphore(%run_scoped3A : memref<!tpu.dma_semaphore, #tpu.memory_space<semaphore_mem>>)
      %dma_wait3A_2879 = tpu.memref_slice %arg10[%add3A_2701] : memref<1384448xf32, #tpu.memory_space<vmem_shared>> -> memref<8640xf32, #tpu.memory_space<vmem_shared>>
      %dma_wait3A_2880 = tpu.memref_slice %arg10[%add3A_2701] : memref<1384448xf32, #tpu.memory_space<vmem_shared>> -> memref<8640xf32, #tpu.memory_space<vmem_shared>>
      tpu.wait_dma2 semaphore(%run_scoped3A : memref<!tpu.dma_semaphore, #tpu.memory_space<semaphore_mem>>) src(%arg9 : memref<8640xf32, #tpu.memory_space<vmem>>) dst(%dma_wait3A_2880 : memref<8640xf32, #tpu.memory_space<vmem_shared>>)
      tpu.yield
    }) : () -> ()
    %mul3A_2702 = arith.constant 86400 : i32
    %mul3A_2703 = arith.muli %arg1, %mul3A_2702 : i32
    %add3A_2704 = arith.constant 51840 : i32
    %add3A_2705 = arith.addi %mul3A_2703, %add3A_2704 : i32
    "tpu.region"() ({
      %run_scoped3A = tpu.sem_alloc : memref<!tpu.dma_semaphore, #tpu.memory_space<semaphore_mem>>
      %dma_start3A_2877 = tpu.memref_slice %arg10[%add3A_2705] : memref<1384448xf32, #tpu.memory_space<vmem_shared>> -> memref<8640xf32, #tpu.memory_space<vmem_shared>>
      %dma_start3A_2878 = tpu.memref_slice %arg10[%add3A_2705] : memref<1384448xf32, #tpu.memory_space<vmem_shared>> -> memref<8640xf32, #tpu.memory_space<vmem_shared>>
      tpu.enqueue_dma source(%arg9 : memref<8640xf32, #tpu.memory_space<vmem>>) target(%dma_start3A_2878 : memref<8640xf32, #tpu.memory_space<vmem_shared>>) target_semaphore(%run_scoped3A : memref<!tpu.dma_semaphore, #tpu.memory_space<semaphore_mem>>)
      %dma_wait3A_2879 = tpu.memref_slice %arg10[%add3A_2705] : memref<1384448xf32, #tpu.memory_space<vmem_shared>> -> memref<8640xf32, #tpu.memory_space<vmem_shared>>
      %dma_wait3A_2880 = tpu.memref_slice %arg10[%add3A_2705] : memref<1384448xf32, #tpu.memory_space<vmem_shared>> -> memref<8640xf32, #tpu.memory_space<vmem_shared>>
      tpu.wait_dma2 semaphore(%run_scoped3A : memref<!tpu.dma_semaphore, #tpu.memory_space<semaphore_mem>>) src(%arg9 : memref<8640xf32, #tpu.memory_space<vmem>>) dst(%dma_wait3A_2880 : memref<8640xf32, #tpu.memory_space<vmem_shared>>)
      tpu.yield
    }) : () -> ()
    %mul3A_2706 = arith.constant 86400 : i32
    %mul3A_2707 = arith.muli %arg1, %mul3A_2706 : i32
    %add3A_2708 = arith.constant 60480 : i32
    %add3A_2709 = arith.addi %mul3A_2707, %add3A_2708 : i32
    "tpu.region"() ({
      %run_scoped3A = tpu.sem_alloc : memref<!tpu.dma_semaphore, #tpu.memory_space<semaphore_mem>>
      %dma_start3A_2877 = tpu.memref_slice %arg10[%add3A_2709] : memref<1384448xf32, #tpu.memory_space<vmem_shared>> -> memref<8640xf32, #tpu.memory_space<vmem_shared>>
      %dma_start3A_2878 = tpu.memref_slice %arg10[%add3A_2709] : memref<1384448xf32, #tpu.memory_space<vmem_shared>> -> memref<8640xf32, #tpu.memory_space<vmem_shared>>
      tpu.enqueue_dma source(%arg9 : memref<8640xf32, #tpu.memory_space<vmem>>) target(%dma_start3A_2878 : memref<8640xf32, #tpu.memory_space<vmem_shared>>) target_semaphore(%run_scoped3A : memref<!tpu.dma_semaphore, #tpu.memory_space<semaphore_mem>>)
      %dma_wait3A_2879 = tpu.memref_slice %arg10[%add3A_2709] : memref<1384448xf32, #tpu.memory_space<vmem_shared>> -> memref<8640xf32, #tpu.memory_space<vmem_shared>>
      %dma_wait3A_2880 = tpu.memref_slice %arg10[%add3A_2709] : memref<1384448xf32, #tpu.memory_space<vmem_shared>> -> memref<8640xf32, #tpu.memory_space<vmem_shared>>
      tpu.wait_dma2 semaphore(%run_scoped3A : memref<!tpu.dma_semaphore, #tpu.memory_space<semaphore_mem>>) src(%arg9 : memref<8640xf32, #tpu.memory_space<vmem>>) dst(%dma_wait3A_2880 : memref<8640xf32, #tpu.memory_space<vmem_shared>>)
      tpu.yield
    }) : () -> ()
    %mul3A_2710 = arith.constant 86400 : i32
    %mul3A_2711 = arith.muli %arg1, %mul3A_2710 : i32
    %add3A_2712 = arith.constant 69120 : i32
    %add3A_2713 = arith.addi %mul3A_2711, %add3A_2712 : i32
    "tpu.region"() ({
      %run_scoped3A = tpu.sem_alloc : memref<!tpu.dma_semaphore, #tpu.memory_space<semaphore_mem>>
      %dma_start3A_2877 = tpu.memref_slice %arg10[%add3A_2713] : memref<1384448xf32, #tpu.memory_space<vmem_shared>> -> memref<8640xf32, #tpu.memory_space<vmem_shared>>
      %dma_start3A_2878 = tpu.memref_slice %arg10[%add3A_2713] : memref<1384448xf32, #tpu.memory_space<vmem_shared>> -> memref<8640xf32, #tpu.memory_space<vmem_shared>>
      tpu.enqueue_dma source(%arg9 : memref<8640xf32, #tpu.memory_space<vmem>>) target(%dma_start3A_2878 : memref<8640xf32, #tpu.memory_space<vmem_shared>>) target_semaphore(%run_scoped3A : memref<!tpu.dma_semaphore, #tpu.memory_space<semaphore_mem>>)
      %dma_wait3A_2879 = tpu.memref_slice %arg10[%add3A_2713] : memref<1384448xf32, #tpu.memory_space<vmem_shared>> -> memref<8640xf32, #tpu.memory_space<vmem_shared>>
      %dma_wait3A_2880 = tpu.memref_slice %arg10[%add3A_2713] : memref<1384448xf32, #tpu.memory_space<vmem_shared>> -> memref<8640xf32, #tpu.memory_space<vmem_shared>>
      tpu.wait_dma2 semaphore(%run_scoped3A : memref<!tpu.dma_semaphore, #tpu.memory_space<semaphore_mem>>) src(%arg9 : memref<8640xf32, #tpu.memory_space<vmem>>) dst(%dma_wait3A_2880 : memref<8640xf32, #tpu.memory_space<vmem_shared>>)
      tpu.yield
    }) : () -> ()
    %mul3A_2714 = arith.constant 86400 : i32
    %mul3A_2715 = arith.muli %arg1, %mul3A_2714 : i32
    %add3A_2716 = arith.constant 77760 : i32
    %add3A_2717 = arith.addi %mul3A_2715, %add3A_2716 : i32
    "tpu.region"() ({
      %run_scoped3A = tpu.sem_alloc : memref<!tpu.dma_semaphore, #tpu.memory_space<semaphore_mem>>
      %dma_start3A_2877 = tpu.memref_slice %arg10[%add3A_2717] : memref<1384448xf32, #tpu.memory_space<vmem_shared>> -> memref<8640xf32, #tpu.memory_space<vmem_shared>>
      %dma_start3A_2878 = tpu.memref_slice %arg10[%add3A_2717] : memref<1384448xf32, #tpu.memory_space<vmem_shared>> -> memref<8640xf32, #tpu.memory_space<vmem_shared>>
      tpu.enqueue_dma source(%arg9 : memref<8640xf32, #tpu.memory_space<vmem>>) target(%dma_start3A_2878 : memref<8640xf32, #tpu.memory_space<vmem_shared>>) target_semaphore(%run_scoped3A : memref<!tpu.dma_semaphore, #tpu.memory_space<semaphore_mem>>)
      %dma_wait3A_2879 = tpu.memref_slice %arg10[%add3A_2717] : memref<1384448xf32, #tpu.memory_space<vmem_shared>> -> memref<8640xf32, #tpu.memory_space<vmem_shared>>
      %dma_wait3A_2880 = tpu.memref_slice %arg10[%add3A_2717] : memref<1384448xf32, #tpu.memory_space<vmem_shared>> -> memref<8640xf32, #tpu.memory_space<vmem_shared>>
      tpu.wait_dma2 semaphore(%run_scoped3A : memref<!tpu.dma_semaphore, #tpu.memory_space<semaphore_mem>>) src(%arg9 : memref<8640xf32, #tpu.memory_space<vmem>>) dst(%dma_wait3A_2880 : memref<8640xf32, #tpu.memory_space<vmem_shared>>)
      tpu.yield
    }) : () -> ()
    %scan3A = arith.constant 0 : i32
    %scan3A_2718 = arith.constant 128 : i32
    %scan3A_2719 = arith.addi %scan3A, %scan3A_2718 : i32
    %scan3A_2720 = arith.constant 1 : i32
    scf.for %scan3A_2877 = %scan3A to %scan3A_2719 step %scan3A_2720  : i32 {
      %add3A_2878 = arith.constant 1382400 : i32
      %add3A_2879 = vector.broadcast %add3A_2878 : i32 to vector<16xi32>
      %add3A_2880 = arith.addi %add3A_2879, %iota3A : vector<16xi32>
      %and3A = arith.constant 127 : i32
      %and3A_2881 = arith.andi %scan3A_2877, %and3A : i32
      %mul3A_2882 = arith.constant 16 : i32
      %mul3A_2883 = arith.muli %and3A_2881, %mul3A_2882 : i32
      %add3A_2884 = vector.broadcast %mul3A_2883 : i32 to vector<16xi32>
      %add3A_2885 = arith.addi %add3A_2880, %add3A_2884 : vector<16xi32>
      %mul3A_2886 = arith.constant 16 : i32
      %mul3A_2887 = arith.muli %scan3A_2877, %mul3A_2886 : i32
      %swap3A_2888 = arith.index_cast %mul3A_2887 : i32 to index
      %swap3A_2889 = tpu.vector_load %arg6[%swap3A_2888] {strides = array<i32>} : memref<2048xi32, #tpu.memory_space<vmem>>, vector<16xi32>,
      %swap3A_2890 = vector.shape_cast %swap3A_2889 : vector<16xi32> to vector<16xi32>
      %swap3A_2891 = vector.shape_cast %add3A_2885 : vector<16xi32> to vector<16xi32>
      tpu.vector_store %arg6[%swap3A_2888], %swap3A_2891 {strides = array<i32>} : memref<2048xi32, #tpu.memory_space<vmem>>, vector<16xi32>,
    }
    %scan3A_2721 = arith.constant 128 : i32
    %scan3A_2722 = arith.constant 0 : i32
    %scan3A_2723 = arith.constant 128 : i32
    %scan3A_2724 = arith.addi %scan3A_2722, %scan3A_2723 : i32
    %scan3A_2725 = arith.constant 1 : i32
    scf.for %scan3A_2877 = %scan3A_2722 to %scan3A_2724 step %scan3A_2725  : i32 {
      %add3A_2878 = arith.constant 1382400 : i32
      %add3A_2879 = vector.broadcast %add3A_2878 : i32 to vector<16xi32>
      %add3A_2880 = arith.addi %add3A_2879, %iota3A : vector<16xi32>
      %and3A = arith.constant 127 : i32
      %and3A_2881 = arith.andi %scan3A_2877, %and3A : i32
      %mul3A_2882 = arith.constant 16 : i32
      %mul3A_2883 = arith.muli %and3A_2881, %mul3A_2882 : i32
      %add3A_2884 = vector.broadcast %mul3A_2883 : i32 to vector<16xi32>
      %add3A_2885 = arith.addi %add3A_2880, %add3A_2884 : vector<16xi32>
      %mul3A_2886 = arith.constant 16 : i32
      %mul3A_2887 = arith.muli %scan3A_2877, %mul3A_2886 : i32
      %swap3A_2888 = arith.index_cast %mul3A_2887 : i32 to index
      %swap3A_2889 = tpu.vector_load %arg7[%swap3A_2888] {strides = array<i32>} : memref<2048xi32, #tpu.memory_space<vmem>>, vector<16xi32>,
      %swap3A_2890 = vector.shape_cast %swap3A_2889 : vector<16xi32> to vector<16xi32>
      %swap3A_2891 = vector.shape_cast %add3A_2885 : vector<16xi32> to vector<16xi32>
      tpu.vector_store %arg7[%swap3A_2888], %swap3A_2891 {strides = array<i32>} : memref<2048xi32, #tpu.memory_space<vmem>>, vector<16xi32>,
    }
    %scan3A_2726 = arith.constant 128 : i32
    %barrier3A = arith.constant 0 : index
    tpu.barrier barrier_id(%barrier3A)
    %dma_start3A = arith.constant 0 : i32
    %dma_start3A_2727 = tpu.memref_slice %arg10[%dma_start3A] : memref<1384448xf32, #tpu.memory_space<vmem_shared>> -> memref<1384448xf32, #tpu.memory_space<vmem_shared>>
    tpu.enqueue_indirect_dma source(%arg8 : memref<2048xf32, #tpu.memory_space<vmem>>) target(%dma_start3A_2727 : memref<1384448xf32, #tpu.memory_space<vmem_shared>>) offsets(%arg6 : memref<2048xi32, #tpu.memory_space<vmem>>) semaphore(%arg13 : memref<!tpu.dma_semaphore, #tpu.memory_space<semaphore_mem>>)
    %dma_start3A_2728 = arith.constant 0 : i32
    %dma_start3A_2729 = tpu.memref_slice %arg10[%dma_start3A_2728] : memref<1384448xf32, #tpu.memory_space<vmem_shared>> -> memref<1384448xf32, #tpu.memory_space<vmem_shared>>
    tpu.enqueue_indirect_dma source(%arg8 : memref<2048xf32, #tpu.memory_space<vmem>>) target(%dma_start3A_2729 : memref<1384448xf32, #tpu.memory_space<vmem_shared>>) offsets(%arg7 : memref<2048xi32, #tpu.memory_space<vmem>>) semaphore(%arg14 : memref<!tpu.dma_semaphore, #tpu.memory_space<semaphore_mem>>)
    %add3A_2730 = arith.constant 0 : i32
    %add3A_2731 = arith.addi %arg1, %add3A_2730 : i32
    %mul3A_2732 = arith.constant 2048 : i32
    %mul3A_2733 = arith.muli %add3A_2731, %mul3A_2732 : i32
    %dma_start3A_2734 = tpu.memref_slice %arg2[%mul3A_2733] : memref<2000000xi32, #tpu.memory_space<hbm>> -> memref<2048xi32, #tpu.memory_space<hbm>>
    %dma_start3A_2735 = tpu.memref_slice %arg2[%mul3A_2733] : memref<2000000xi32, #tpu.memory_space<hbm>> -> memref<2048xi32, #tpu.memory_space<hbm>>
    tpu.enqueue_dma source(%dma_start3A_2735 : memref<2048xi32, #tpu.memory_space<hbm>>) target(%arg4 : memref<2048xi32, #tpu.memory_space<vmem>>) target_semaphore(%arg11 : memref<!tpu.dma_semaphore, #tpu.memory_space<semaphore_mem>>)
    %scan3A_2736 = arith.constant 0 : i32
    %scan3A_2737 = arith.constant 30 : i32
    %scan3A_2738 = arith.addi %scan3A_2736, %scan3A_2737 : i32
    %scan3A_2739 = arith.constant 1 : i32
    scf.for %scan3A_2877 = %scan3A_2736 to %scan3A_2738 step %scan3A_2739  : i32 {
      %mul3A_2878 = arith.constant 2 : i32
      %mul3A_2879 = arith.muli %mul3A_2878, %scan3A_2877 : i32
      %add3A_2880 = arith.constant 1 : i32
      %add3A_2881 = arith.addi %mul3A_2879, %add3A_2880 : i32
      %mul3A_2882 = arith.constant 16 : i32
      %mul3A_2883 = arith.muli %add3A_2881, %mul3A_2882 : i32
      %add3A_2884 = arith.addi %arg1, %mul3A_2883 : i32
      %mul3A_2885 = arith.constant 2048 : i32
      %mul3A_2886 = arith.muli %add3A_2884, %mul3A_2885 : i32
      %dma_start3A_2887 = tpu.memref_slice %arg2[%mul3A_2886] : memref<2000000xi32, #tpu.memory_space<hbm>> -> memref<2048xi32, #tpu.memory_space<hbm>>
      %dma_start3A_2888 = tpu.memref_slice %arg2[%mul3A_2886] : memref<2000000xi32, #tpu.memory_space<hbm>> -> memref<2048xi32, #tpu.memory_space<hbm>>
      tpu.enqueue_dma source(%dma_start3A_2888 : memref<2048xi32, #tpu.memory_space<hbm>>) target(%arg5 : memref<2048xi32, #tpu.memory_space<vmem>>) target_semaphore(%arg12 : memref<!tpu.dma_semaphore, #tpu.memory_space<semaphore_mem>>)
      %dma_wait3A_2889 = arith.constant 0 : i32
      %dma_wait3A_2890 = tpu.memref_slice %arg2[%dma_wait3A_2889] : memref<2000000xi32, #tpu.memory_space<hbm>> -> memref<2048xi32, #tpu.memory_space<hbm>>
      %dma_wait3A_2891 = arith.constant 0 : i32
      %dma_wait3A_2892 = tpu.memref_slice %arg2[%dma_wait3A_2891] : memref<2000000xi32, #tpu.memory_space<hbm>> -> memref<2048xi32, #tpu.memory_space<hbm>>
      tpu.wait_dma2 semaphore(%arg11 : memref<!tpu.dma_semaphore, #tpu.memory_space<semaphore_mem>>) src(%dma_wait3A_2892 : memref<2048xi32, #tpu.memory_space<hbm>>) dst(%arg4 : memref<2048xi32, #tpu.memory_space<vmem>>)
      %dma_wait3A_2893 = arith.constant 0 : i32
      %dma_wait3A_2894 = tpu.memref_slice %arg10[%dma_wait3A_2893] : memref<1384448xf32, #tpu.memory_space<vmem_shared>> -> memref<1384448xf32, #tpu.memory_space<vmem_shared>>
      tpu.wait_indirect_dma semaphore(%arg13 : memref<!tpu.dma_semaphore, #tpu.memory_space<semaphore_mem>>) src(%arg8 : memref<2048xf32, #tpu.memory_space<vmem>>) dst(%dma_wait3A_2894 : memref<1384448xf32, #tpu.memory_space<vmem_shared>>)
      %scan3A_2895 = arith.constant 0 : i32
      %scan3A_2896 = arith.constant 128 : i32
      %scan3A_2897 = arith.addi %scan3A_2895, %scan3A_2896 : i32
      %scan3A_2898 = arith.constant 1 : i32
      scf.for %scan3A_2926 = %scan3A_2895 to %scan3A_2897 step %scan3A_2898  : i32 {
        %mul3A_2927 = arith.constant 16 : i32
        %mul3A_2928 = arith.muli %scan3A_2926, %mul3A_2927 : i32
        %get3A = arith.index_cast %mul3A_2928 : i32 to index
        %get3A_2929 = tpu.vector_load %arg4[%get3A] {strides = array<i32>} : memref<2048xi32, #tpu.memory_space<vmem>>, vector<16xi32>,
        %get3A_2930 = vector.shape_cast %get3A_2929 : vector<16xi32> to vector<16xi32>
        %sub3A = vector.broadcast %mul3A_2677 : i32 to vector<16xi32>
        %sub3A_2931 = arith.subi %get3A_2930, %sub3A : vector<16xi32>
        %ge3A = arith.constant 0 : i32
        %ge3A_2932 = vector.broadcast %ge3A : i32 to vector<16xi32>
        %ge3A_2933 = arith.cmpi sge, %sub3A_2931, %ge3A_2932 : vector<16xi32>
        %lt3A = arith.constant 1382400 : i32
        %lt3A_2934 = vector.broadcast %lt3A : i32 to vector<16xi32>
        %lt3A_2935 = arith.cmpi slt, %sub3A_2931, %lt3A_2934 : vector<16xi32>
        %and3A = arith.andi %ge3A_2933, %lt3A_2935 : vector<16xi1>
        %add3A_2936 = arith.constant 1382400 : i32
        %add3A_2937 = vector.broadcast %add3A_2936 : i32 to vector<16xi32>
        %add3A_2938 = arith.addi %add3A_2937, %iota3A : vector<16xi32>
        %and3A_2939 = arith.constant 127 : i32
        %and3A_2940 = arith.andi %scan3A_2926, %and3A_2939 : i32
        %mul3A_2941 = arith.constant 16 : i32
        %mul3A_2942 = arith.muli %and3A_2940, %mul3A_2941 : i32
        %add3A_2943 = vector.broadcast %mul3A_2942 : i32 to vector<16xi32>
        %add3A_2944 = arith.addi %add3A_2938, %add3A_2943 : vector<16xi32>
        %select_n3A = arith.select %and3A, %sub3A_2931, %add3A_2944 : vector<16xi1>, vector<16xi32>
        %swap3A_2945 = arith.index_cast %mul3A_2928 : i32 to index
        %swap3A_2946 = tpu.vector_load %arg6[%swap3A_2945] {strides = array<i32>} : memref<2048xi32, #tpu.memory_space<vmem>>, vector<16xi32>,
        %swap3A_2947 = vector.shape_cast %swap3A_2946 : vector<16xi32> to vector<16xi32>
        %swap3A_2948 = vector.shape_cast %select_n3A : vector<16xi32> to vector<16xi32>
        tpu.vector_store %arg6[%swap3A_2945], %swap3A_2948 {strides = array<i32>} : memref<2048xi32, #tpu.memory_space<vmem>>, vector<16xi32>,
      }
      %scan3A_2899 = arith.constant 128 : i32
      %dma_start3A_2900 = arith.constant 0 : i32
      %dma_start3A_2901 = tpu.memref_slice %arg10[%dma_start3A_2900] : memref<1384448xf32, #tpu.memory_space<vmem_shared>> -> memref<1384448xf32, #tpu.memory_space<vmem_shared>>
      tpu.enqueue_indirect_dma source(%arg8 : memref<2048xf32, #tpu.memory_space<vmem>>) target(%dma_start3A_2901 : memref<1384448xf32, #tpu.memory_space<vmem_shared>>) offsets(%arg6 : memref<2048xi32, #tpu.memory_space<vmem>>) semaphore(%arg13 : memref<!tpu.dma_semaphore, #tpu.memory_space<semaphore_mem>>)
      %mul3A_2902 = arith.constant 2 : i32
      %mul3A_2903 = arith.muli %mul3A_2902, %scan3A_2877 : i32
      %add3A_2904 = arith.constant 2 : i32
      %add3A_2905 = arith.addi %mul3A_2903, %add3A_2904 : i32
      %mul3A_2906 = arith.constant 16 : i32
      %mul3A_2907 = arith.muli %add3A_2905, %mul3A_2906 : i32
      %add3A_2908 = arith.addi %arg1, %mul3A_2907 : i32
      %mul3A_2909 = arith.constant 2048 : i32
      %mul3A_2910 = arith.muli %add3A_2908, %mul3A_2909 : i32
      %dma_start3A_2911 = tpu.memref_slice %arg2[%mul3A_2910] : memref<2000000xi32, #tpu.memory_space<hbm>> -> memref<2048xi32, #tpu.memory_space<hbm>>
      %dma_start3A_2912 = tpu.memref_slice %arg2[%mul3A_2910] : memref<2000000xi32, #tpu.memory_space<hbm>> -> memref<2048xi32, #tpu.memory_space<hbm>>
      tpu.enqueue_dma source(%dma_start3A_2912 : memref<2048xi32, #tpu.memory_space<hbm>>) target(%arg4 : memref<2048xi32, #tpu.memory_space<vmem>>) target_semaphore(%arg11 : memref<!tpu.dma_semaphore, #tpu.memory_space<semaphore_mem>>)
      %dma_wait3A_2913 = arith.constant 0 : i32
      %dma_wait3A_2914 = tpu.memref_slice %arg2[%dma_wait3A_2913] : memref<2000000xi32, #tpu.memory_space<hbm>> -> memref<2048xi32, #tpu.memory_space<hbm>>
      %dma_wait3A_2915 = arith.constant 0 : i32
      %dma_wait3A_2916 = tpu.memref_slice %arg2[%dma_wait3A_2915] : memref<2000000xi32, #tpu.memory_space<hbm>> -> memref<2048xi32, #tpu.memory_space<hbm>>
      tpu.wait_dma2 semaphore(%arg12 : memref<!tpu.dma_semaphore, #tpu.memory_space<semaphore_mem>>) src(%dma_wait3A_2916 : memref<2048xi32, #tpu.memory_space<hbm>>) dst(%arg5 : memref<2048xi32, #tpu.memory_space<vmem>>)
      %dma_wait3A_2917 = arith.constant 0 : i32
      %dma_wait3A_2918 = tpu.memref_slice %arg10[%dma_wait3A_2917] : memref<1384448xf32, #tpu.memory_space<vmem_shared>> -> memref<1384448xf32, #tpu.memory_space<vmem_shared>>
      tpu.wait_indirect_dma semaphore(%arg14 : memref<!tpu.dma_semaphore, #tpu.memory_space<semaphore_mem>>) src(%arg8 : memref<2048xf32, #tpu.memory_space<vmem>>) dst(%dma_wait3A_2918 : memref<1384448xf32, #tpu.memory_space<vmem_shared>>)
      %scan3A_2919 = arith.constant 0 : i32
      %scan3A_2920 = arith.constant 128 : i32
      %scan3A_2921 = arith.addi %scan3A_2919, %scan3A_2920 : i32
      %scan3A_2922 = arith.constant 1 : i32
      scf.for %scan3A_2926 = %scan3A_2919 to %scan3A_2921 step %scan3A_2922  : i32 {
        %mul3A_2927 = arith.constant 16 : i32
        %mul3A_2928 = arith.muli %scan3A_2926, %mul3A_2927 : i32
        %get3A = arith.index_cast %mul3A_2928 : i32 to index
        %get3A_2929 = tpu.vector_load %arg5[%get3A] {strides = array<i32>} : memref<2048xi32, #tpu.memory_space<vmem>>, vector<16xi32>,
        %get3A_2930 = vector.shape_cast %get3A_2929 : vector<16xi32> to vector<16xi32>
        %sub3A = vector.broadcast %mul3A_2677 : i32 to vector<16xi32>
        %sub3A_2931 = arith.subi %get3A_2930, %sub3A : vector<16xi32>
        %ge3A = arith.constant 0 : i32
        %ge3A_2932 = vector.broadcast %ge3A : i32 to vector<16xi32>
        %ge3A_2933 = arith.cmpi sge, %sub3A_2931, %ge3A_2932 : vector<16xi32>
        %lt3A = arith.constant 1382400 : i32
        %lt3A_2934 = vector.broadcast %lt3A : i32 to vector<16xi32>
        %lt3A_2935 = arith.cmpi slt, %sub3A_2931, %lt3A_2934 : vector<16xi32>
        %and3A = arith.andi %ge3A_2933, %lt3A_2935 : vector<16xi1>
        %add3A_2936 = arith.constant 1382400 : i32
        %add3A_2937 = vector.broadcast %add3A_2936 : i32 to vector<16xi32>
        %add3A_2938 = arith.addi %add3A_2937, %iota3A : vector<16xi32>
        %and3A_2939 = arith.constant 127 : i32
        %and3A_2940 = arith.andi %scan3A_2926, %and3A_2939 : i32
        %mul3A_2941 = arith.constant 16 : i32
        %mul3A_2942 = arith.muli %and3A_2940, %mul3A_2941 : i32
        %add3A_2943 = vector.broadcast %mul3A_2942 : i32 to vector<16xi32>
        %add3A_2944 = arith.addi %add3A_2938, %add3A_2943 : vector<16xi32>
        %select_n3A = arith.select %and3A, %sub3A_2931, %add3A_2944 : vector<16xi1>, vector<16xi32>
        %swap3A_2945 = arith.index_cast %mul3A_2928 : i32 to index
        %swap3A_2946 = tpu.vector_load %arg7[%swap3A_2945] {strides = array<i32>} : memref<2048xi32, #tpu.memory_space<vmem>>, vector<16xi32>,
        %swap3A_2947 = vector.shape_cast %swap3A_2946 : vector<16xi32> to vector<16xi32>
        %swap3A_2948 = vector.shape_cast %select_n3A : vector<16xi32> to vector<16xi32>
        tpu.vector_store %arg7[%swap3A_2945], %swap3A_2948 {strides = array<i32>} : memref<2048xi32, #tpu.memory_space<vmem>>, vector<16xi32>,
      }
      %scan3A_2923 = arith.constant 128 : i32
      %dma_start3A_2924 = arith.constant 0 : i32
      %dma_start3A_2925 = tpu.memref_slice %arg10[%dma_start3A_2924] : memref<1384448xf32, #tpu.memory_space<vmem_shared>> -> memref<1384448xf32, #tpu.memory_space<vmem_shared>>
      tpu.enqueue_indirect_dma source(%arg8 : memref<2048xf32, #tpu.memory_space<vmem>>) target(%dma_start3A_2925 : memref<1384448xf32, #tpu.memory_space<vmem_shared>>) offsets(%arg7 : memref<2048xi32, #tpu.memory_space<vmem>>) semaphore(%arg14 : memref<!tpu.dma_semaphore, #tpu.memory_space<semaphore_mem>>)
    }
    %scan3A_2740 = arith.constant 30 : i32
    %dma_wait3A = arith.constant 0 : i32
    %dma_wait3A_2741 = tpu.memref_slice %arg2[%dma_wait3A] : memref<2000000xi32, #tpu.memory_space<hbm>> -> memref<2048xi32, #tpu.memory_space<hbm>>
    %dma_wait3A_2742 = arith.constant 0 : i32
    %dma_wait3A_2743 = tpu.memref_slice %arg2[%dma_wait3A_2742] : memref<2000000xi32, #tpu.memory_space<hbm>> -> memref<2048xi32, #tpu.memory_space<hbm>>
    tpu.wait_dma2 semaphore(%arg11 : memref<!tpu.dma_semaphore, #tpu.memory_space<semaphore_mem>>) src(%dma_wait3A_2743 : memref<2048xi32, #tpu.memory_space<hbm>>) dst(%arg4 : memref<2048xi32, #tpu.memory_space<vmem>>)
    %dma_wait3A_2744 = arith.constant 0 : i32
    %dma_wait3A_2745 = tpu.memref_slice %arg10[%dma_wait3A_2744] : memref<1384448xf32, #tpu.memory_space<vmem_shared>> -> memref<1384448xf32, #tpu.memory_space<vmem_shared>>
    tpu.wait_indirect_dma semaphore(%arg13 : memref<!tpu.dma_semaphore, #tpu.memory_space<semaphore_mem>>) src(%arg8 : memref<2048xf32, #tpu.memory_space<vmem>>) dst(%dma_wait3A_2745 : memref<1384448xf32, #tpu.memory_space<vmem_shared>>)
    %scan3A_2746 = arith.constant 0 : i32
    %scan3A_2747 = arith.constant 128 : i32
    %scan3A_2748 = arith.addi %scan3A_2746, %scan3A_2747 : i32
    %scan3A_2749 = arith.constant 1 : i32
    scf.for %scan3A_2877 = %scan3A_2746 to %scan3A_2748 step %scan3A_2749  : i32 {
      %mul3A_2878 = arith.constant 16 : i32
      %mul3A_2879 = arith.muli %scan3A_2877, %mul3A_2878 : i32
      %get3A = arith.index_cast %mul3A_2879 : i32 to index
      %get3A_2880 = tpu.vector_load %arg4[%get3A] {strides = array<i32>} : memref<2048xi32, #tpu.memory_space<vmem>>, vector<16xi32>,
      %get3A_2881 = vector.shape_cast %get3A_2880 : vector<16xi32> to vector<16xi32>
      %sub3A = vector.broadcast %mul3A_2677 : i32 to vector<16xi32>
      %sub3A_2882 = arith.subi %get3A_2881, %sub3A : vector<16xi32>
      %ge3A = arith.constant 0 : i32
      %ge3A_2883 = vector.broadcast %ge3A : i32 to vector<16xi32>
      %ge3A_2884 = arith.cmpi sge, %sub3A_2882, %ge3A_2883 : vector<16xi32>
      %lt3A = arith.constant 1382400 : i32
      %lt3A_2885 = vector.broadcast %lt3A : i32 to vector<16xi32>
      %lt3A_2886 = arith.cmpi slt, %sub3A_2882, %lt3A_2885 : vector<16xi32>
      %and3A = arith.andi %ge3A_2884, %lt3A_2886 : vector<16xi1>
      %add3A_2887 = arith.constant 1382400 : i32
      %add3A_2888 = vector.broadcast %add3A_2887 : i32 to vector<16xi32>
      %add3A_2889 = arith.addi %add3A_2888, %iota3A : vector<16xi32>
      %and3A_2890 = arith.constant 127 : i32
      %and3A_2891 = arith.andi %scan3A_2877, %and3A_2890 : i32
      %mul3A_2892 = arith.constant 16 : i32
      %mul3A_2893 = arith.muli %and3A_2891, %mul3A_2892 : i32
      %add3A_2894 = vector.broadcast %mul3A_2893 : i32 to vector<16xi32>
      %add3A_2895 = arith.addi %add3A_2889, %add3A_2894 : vector<16xi32>
      %select_n3A = arith.select %and3A, %sub3A_2882, %add3A_2895 : vector<16xi1>, vector<16xi32>
      %swap3A_2896 = arith.index_cast %mul3A_2879 : i32 to index
      %swap3A_2897 = tpu.vector_load %arg6[%swap3A_2896] {strides = array<i32>} : memref<2048xi32, #tpu.memory_space<vmem>>, vector<16xi32>,
      %swap3A_2898 = vector.shape_cast %swap3A_2897 : vector<16xi32> to vector<16xi32>
      %swap3A_2899 = vector.shape_cast %select_n3A : vector<16xi32> to vector<16xi32>
      tpu.vector_store %arg6[%swap3A_2896], %swap3A_2899 {strides = array<i32>} : memref<2048xi32, #tpu.memory_space<vmem>>, vector<16xi32>,
    }
    %scan3A_2750 = arith.constant 128 : i32
    %dma_start3A_2751 = arith.constant 0 : i32
    %dma_start3A_2752 = tpu.memref_slice %arg10[%dma_start3A_2751] : memref<1384448xf32, #tpu.memory_space<vmem_shared>> -> memref<1384448xf32, #tpu.memory_space<vmem_shared>>
    tpu.enqueue_indirect_dma source(%arg8 : memref<2048xf32, #tpu.memory_space<vmem>>) target(%dma_start3A_2752 : memref<1384448xf32, #tpu.memory_space<vmem_shared>>) offsets(%arg6 : memref<2048xi32, #tpu.memory_space<vmem>>) semaphore(%arg13 : memref<!tpu.dma_semaphore, #tpu.memory_space<semaphore_mem>>)
    %dma_wait3A_2753 = arith.constant 0 : i32
    %dma_wait3A_2754 = tpu.memref_slice %arg10[%dma_wait3A_2753] : memref<1384448xf32, #tpu.memory_space<vmem_shared>> -> memref<1384448xf32, #tpu.memory_space<vmem_shared>>
    tpu.wait_indirect_dma semaphore(%arg13 : memref<!tpu.dma_semaphore, #tpu.memory_space<semaphore_mem>>) src(%arg8 : memref<2048xf32, #tpu.memory_space<vmem>>) dst(%dma_wait3A_2754 : memref<1384448xf32, #tpu.memory_space<vmem_shared>>)
    %dma_wait3A_2755 = arith.constant 0 : i32
    %dma_wait3A_2756 = tpu.memref_slice %arg10[%dma_wait3A_2755] : memref<1384448xf32, #tpu.memory_space<vmem_shared>> -> memref<1384448xf32, #tpu.memory_space<vmem_shared>>
    tpu.wait_indirect_dma semaphore(%arg14 : memref<!tpu.dma_semaphore, #tpu.memory_space<semaphore_mem>>) src(%arg8 : memref<2048xf32, #tpu.memory_space<vmem>>) dst(%dma_wait3A_2756 : memref<1384448xf32, #tpu.memory_space<vmem_shared>>)
    %eq3A = arith.constant 0 : i32
    %eq3A_2757 = arith.cmpi eq, %arg1, %eq3A : i32
    %convert_element_type3A = arith.extui %eq3A_2757 : i1 to i32
    %cond3A = arith.constant 0 : i32
    %cond3A_2758 = arith.cmpi ne, %convert_element_type3A, %cond3A : i32
    scf.if %cond3A_2758 {
      "tpu.region"() ({
        %run_scoped3A = tpu.sem_alloc : memref<!tpu.dma_semaphore, #tpu.memory_space<semaphore_mem>>
        %dma_start3A_2882 = arith.constant 0 : i32
        %dma_start3A_2883 = tpu.memref_slice %arg5[%dma_start3A_2882] : memref<2048xi32, #tpu.memory_space<vmem>> -> memref<1152xi32, #tpu.memory_space<vmem>>
        %dma_start3A_2884 = arith.constant 1998848 : i32
        %dma_start3A_2885 = tpu.memref_slice %arg2[%dma_start3A_2884] : memref<2000000xi32, #tpu.memory_space<hbm>> -> memref<1152xi32, #tpu.memory_space<hbm>>
        %dma_start3A_2886 = arith.constant 0 : i32
        %dma_start3A_2887 = tpu.memref_slice %arg5[%dma_start3A_2886] : memref<2048xi32, #tpu.memory_space<vmem>> -> memref<1152xi32, #tpu.memory_space<vmem>>
        %dma_start3A_2888 = arith.constant 1998848 : i32
        %dma_start3A_2889 = tpu.memref_slice %arg2[%dma_start3A_2888] : memref<2000000xi32, #tpu.memory_space<hbm>> -> memref<1152xi32, #tpu.memory_space<hbm>>
        tpu.enqueue_dma source(%dma_start3A_2889 : memref<1152xi32, #tpu.memory_space<hbm>>) target(%dma_start3A_2887 : memref<1152xi32, #tpu.memory_space<vmem>>) target_semaphore(%run_scoped3A : memref<!tpu.dma_semaphore, #tpu.memory_space<semaphore_mem>>)
        %dma_wait3A_2890 = arith.constant 0 : i32
        %dma_wait3A_2891 = tpu.memref_slice %arg5[%dma_wait3A_2890] : memref<2048xi32, #tpu.memory_space<vmem>> -> memref<1152xi32, #tpu.memory_space<vmem>>
        %dma_wait3A_2892 = arith.constant 1998848 : i32
        %dma_wait3A_2893 = tpu.memref_slice %arg2[%dma_wait3A_2892] : memref<2000000xi32, #tpu.memory_space<hbm>> -> memref<1152xi32, #tpu.memory_space<hbm>>
        %dma_wait3A_2894 = arith.constant 0 : i32
        %dma_wait3A_2895 = tpu.memref_slice %arg5[%dma_wait3A_2894] : memref<2048xi32, #tpu.memory_space<vmem>> -> memref<1152xi32, #tpu.memory_space<vmem>>
        %dma_wait3A_2896 = arith.constant 1998848 : i32
        %dma_wait3A_2897 = tpu.memref_slice %arg2[%dma_wait3A_2896] : memref<2000000xi32, #tpu.memory_space<hbm>> -> memref<1152xi32, #tpu.memory_space<hbm>>
        tpu.wait_dma2 semaphore(%run_scoped3A : memref<!tpu.dma_semaphore, #tpu.memory_space<semaphore_mem>>) src(%dma_wait3A_2897 : memref<1152xi32, #tpu.memory_space<hbm>>) dst(%dma_wait3A_2895 : memref<1152xi32, #tpu.memory_space<vmem>>)
        tpu.yield
      }) : () -> ()
      %scan3A_2877 = arith.constant 0 : i32
      %scan3A_2878 = arith.constant 72 : i32
      %scan3A_2879 = arith.addi %scan3A_2877, %scan3A_2878 : i32
      %scan3A_2880 = arith.constant 1 : i32
      scf.for %scan3A_2882 = %scan3A_2877 to %scan3A_2879 step %scan3A_2880  : i32 {
        %mul3A_2883 = arith.constant 16 : i32
        %mul3A_2884 = arith.muli %scan3A_2882, %mul3A_2883 : i32
        %get3A = arith.index_cast %mul3A_2884 : i32 to index
        %get3A_2885 = tpu.vector_load %arg5[%get3A] {strides = array<i32>} : memref<2048xi32, #tpu.memory_space<vmem>>, vector<16xi32>,
        %get3A_2886 = vector.shape_cast %get3A_2885 : vector<16xi32> to vector<16xi32>
        %sub3A = vector.broadcast %mul3A_2677 : i32 to vector<16xi32>
        %sub3A_2887 = arith.subi %get3A_2886, %sub3A : vector<16xi32>
        %ge3A = arith.constant 0 : i32
        %ge3A_2888 = vector.broadcast %ge3A : i32 to vector<16xi32>
        %ge3A_2889 = arith.cmpi sge, %sub3A_2887, %ge3A_2888 : vector<16xi32>
        %lt3A = arith.constant 1382400 : i32
        %lt3A_2890 = vector.broadcast %lt3A : i32 to vector<16xi32>
        %lt3A_2891 = arith.cmpi slt, %sub3A_2887, %lt3A_2890 : vector<16xi32>
        %and3A = arith.andi %ge3A_2889, %lt3A_2891 : vector<16xi1>
        %add3A_2892 = arith.constant 1382400 : i32
        %add3A_2893 = vector.broadcast %add3A_2892 : i32 to vector<16xi32>
        %add3A_2894 = arith.addi %add3A_2893, %iota3A : vector<16xi32>
        %and3A_2895 = arith.constant 127 : i32
        %and3A_2896 = arith.andi %scan3A_2882, %and3A_2895 : i32
        %mul3A_2897 = arith.constant 16 : i32
        %mul3A_2898 = arith.muli %and3A_2896, %mul3A_2897 : i32
        %add3A_2899 = vector.broadcast %mul3A_2898 : i32 to vector<16xi32>
        %add3A_2900 = arith.addi %add3A_2894, %add3A_2899 : vector<16xi32>
        %select_n3A = arith.select %and3A, %sub3A_2887, %add3A_2900 : vector<16xi1>, vector<16xi32>
        %swap3A_2901 = arith.index_cast %mul3A_2884 : i32 to index
        %swap3A_2902 = tpu.vector_load %arg7[%swap3A_2901] {strides = array<i32>} : memref<2048xi32, #tpu.memory_space<vmem>>, vector<16xi32>,
        %swap3A_2903 = vector.shape_cast %swap3A_2902 : vector<16xi32> to vector<16xi32>
        %swap3A_2904 = vector.shape_cast %select_n3A : vector<16xi32> to vector<16xi32>
        tpu.vector_store %arg7[%swap3A_2901], %swap3A_2904 {strides = array<i32>} : memref<2048xi32, #tpu.memory_space<vmem>>, vector<16xi32>,
      }
      %scan3A_2881 = arith.constant 72 : i32
      "tpu.region"() ({
        %run_scoped3A = tpu.sem_alloc : memref<!tpu.dma_semaphore, #tpu.memory_space<semaphore_mem>>
        %dma_start3A_2882 = arith.constant 0 : i32
        %dma_start3A_2883 = tpu.memref_slice %arg10[%dma_start3A_2882] : memref<1384448xf32, #tpu.memory_space<vmem_shared>> -> memref<1384448xf32, #tpu.memory_space<vmem_shared>>
        tpu.enqueue_indirect_dma source(%arg8 : memref<2048xf32, #tpu.memory_space<vmem>>) target(%dma_start3A_2883 : memref<1384448xf32, #tpu.memory_space<vmem_shared>>) offsets(%arg7 : memref<2048xi32, #tpu.memory_space<vmem>>) semaphore(%run_scoped3A : memref<!tpu.dma_semaphore, #tpu.memory_space<semaphore_mem>>)
        %dma_wait3A_2884 = arith.constant 0 : i32
        %dma_wait3A_2885 = tpu.memref_slice %arg10[%dma_wait3A_2884] : memref<1384448xf32, #tpu.memory_space<vmem_shared>> -> memref<1384448xf32, #tpu.memory_space<vmem_shared>>
        tpu.wait_indirect_dma semaphore(%run_scoped3A : memref<!tpu.dma_semaphore, #tpu.memory_space<semaphore_mem>>) src(%arg8 : memref<2048xf32, #tpu.memory_space<vmem>>) dst(%dma_wait3A_2885 : memref<1384448xf32, #tpu.memory_space<vmem_shared>>)
        tpu.yield
      }) : () -> ()
    } else {
    }
    %barrier3A_2759 = arith.constant 0 : index
    tpu.barrier barrier_id(%barrier3A_2759)
    %mul3A_2760 = arith.constant 86400 : i32
    %mul3A_2761 = arith.muli %arg1, %mul3A_2760 : i32
    %mul3A_2762 = arith.constant 2 : i32
    %mul3A_2763 = arith.muli %arg0, %mul3A_2762 : i32
    %add3A_2764 = arith.constant 0 : i32
    %add3A_2765 = arith.addi %mul3A_2763, %add3A_2764 : i32
    %mul3A_2766 = arith.constant 1382400 : i32
    %mul3A_2767 = arith.muli %add3A_2765, %mul3A_2766 : i32
    %mul3A_2768 = arith.constant 86400 : i32
    %mul3A_2769 = arith.muli %arg1, %mul3A_2768 : i32
    %add3A_2770 = arith.addi %mul3A_2767, %mul3A_2769 : i32
    "tpu.region"() ({
      %run_scoped3A = tpu.sem_alloc : memref<!tpu.dma_semaphore, #tpu.memory_space<semaphore_mem>>
      %dma_start3A_2877 = tpu.memref_slice %arg3[%add3A_2770] : memref<5529600xf32, #tpu.memory_space<hbm>> -> memref<86400xf32, #tpu.memory_space<hbm>>
      %dma_start3A_2878 = tpu.memref_slice %arg10[%mul3A_2761] : memref<1384448xf32, #tpu.memory_space<vmem_shared>> -> memref<86400xf32, #tpu.memory_space<vmem_shared>>
      tpu.enqueue_dma source(%dma_start3A_2878 : memref<86400xf32, #tpu.memory_space<vmem_shared>>) target(%dma_start3A_2877 : memref<86400xf32, #tpu.memory_space<hbm>>) target_semaphore(%run_scoped3A : memref<!tpu.dma_semaphore, #tpu.memory_space<semaphore_mem>>)
      %dma_wait3A_2879 = tpu.memref_slice %arg3[%add3A_2770] : memref<5529600xf32, #tpu.memory_space<hbm>> -> memref<86400xf32, #tpu.memory_space<hbm>>
      %dma_wait3A_2880 = tpu.memref_slice %arg10[%mul3A_2761] : memref<1384448xf32, #tpu.memory_space<vmem_shared>> -> memref<86400xf32, #tpu.memory_space<vmem_shared>>
      tpu.wait_dma2 semaphore(%run_scoped3A : memref<!tpu.dma_semaphore, #tpu.memory_space<semaphore_mem>>) src(%dma_wait3A_2880 : memref<86400xf32, #tpu.memory_space<vmem_shared>>) dst(%dma_wait3A_2879 : memref<86400xf32, #tpu.memory_space<hbm>>)
      tpu.yield
    }) : () -> ()
    %mul3A_2771 = arith.constant 2 : i32
    %mul3A_2772 = arith.muli %arg0, %mul3A_2771 : i32
    %add3A_2773 = arith.constant 1 : i32
    %add3A_2774 = arith.addi %mul3A_2772, %add3A_2773 : i32
    %mul3A_2775 = arith.constant 1382400 : i32
    %mul3A_2776 = arith.muli %add3A_2774, %mul3A_2775 : i32
    %mul3A_2777 = arith.constant 86400 : i32
    %mul3A_2778 = arith.muli %arg1, %mul3A_2777 : i32
    %add3A_2779 = arith.constant 0 : i32
    %add3A_2780 = arith.addi %mul3A_2778, %add3A_2779 : i32
    "tpu.region"() ({
      %run_scoped3A = tpu.sem_alloc : memref<!tpu.dma_semaphore, #tpu.memory_space<semaphore_mem>>
      %dma_start3A_2877 = tpu.memref_slice %arg10[%add3A_2780] : memref<1384448xf32, #tpu.memory_space<vmem_shared>> -> memref<8640xf32, #tpu.memory_space<vmem_shared>>
      %dma_start3A_2878 = tpu.memref_slice %arg10[%add3A_2780] : memref<1384448xf32, #tpu.memory_space<vmem_shared>> -> memref<8640xf32, #tpu.memory_space<vmem_shared>>
      tpu.enqueue_dma source(%arg9 : memref<8640xf32, #tpu.memory_space<vmem>>) target(%dma_start3A_2878 : memref<8640xf32, #tpu.memory_space<vmem_shared>>) target_semaphore(%run_scoped3A : memref<!tpu.dma_semaphore, #tpu.memory_space<semaphore_mem>>)
      %dma_wait3A_2879 = tpu.memref_slice %arg10[%add3A_2780] : memref<1384448xf32, #tpu.memory_space<vmem_shared>> -> memref<8640xf32, #tpu.memory_space<vmem_shared>>
      %dma_wait3A_2880 = tpu.memref_slice %arg10[%add3A_2780] : memref<1384448xf32, #tpu.memory_space<vmem_shared>> -> memref<8640xf32, #tpu.memory_space<vmem_shared>>
      tpu.wait_dma2 semaphore(%run_scoped3A : memref<!tpu.dma_semaphore, #tpu.memory_space<semaphore_mem>>) src(%arg9 : memref<8640xf32, #tpu.memory_space<vmem>>) dst(%dma_wait3A_2880 : memref<8640xf32, #tpu.memory_space<vmem_shared>>)
      tpu.yield
    }) : () -> ()
    %mul3A_2781 = arith.constant 86400 : i32
    %mul3A_2782 = arith.muli %arg1, %mul3A_2781 : i32
    %add3A_2783 = arith.constant 8640 : i32
    %add3A_2784 = arith.addi %mul3A_2782, %add3A_2783 : i32
    "tpu.region"() ({
      %run_scoped3A = tpu.sem_alloc : memref<!tpu.dma_semaphore, #tpu.memory_space<semaphore_mem>>
      %dma_start3A_2877 = tpu.memref_slice %arg10[%add3A_2784] : memref<1384448xf32, #tpu.memory_space<vmem_shared>> -> memref<8640xf32, #tpu.memory_space<vmem_shared>>
      %dma_start3A_2878 = tpu.memref_slice %arg10[%add3A_2784] : memref<1384448xf32, #tpu.memory_space<vmem_shared>> -> memref<8640xf32, #tpu.memory_space<vmem_shared>>
      tpu.enqueue_dma source(%arg9 : memref<8640xf32, #tpu.memory_space<vmem>>) target(%dma_start3A_2878 : memref<8640xf32, #tpu.memory_space<vmem_shared>>) target_semaphore(%run_scoped3A : memref<!tpu.dma_semaphore, #tpu.memory_space<semaphore_mem>>)
      %dma_wait3A_2879 = tpu.memref_slice %arg10[%add3A_2784] : memref<1384448xf32, #tpu.memory_space<vmem_shared>> -> memref<8640xf32, #tpu.memory_space<vmem_shared>>
      %dma_wait3A_2880 = tpu.memref_slice %arg10[%add3A_2784] : memref<1384448xf32, #tpu.memory_space<vmem_shared>> -> memref<8640xf32, #tpu.memory_space<vmem_shared>>
      tpu.wait_dma2 semaphore(%run_scoped3A : memref<!tpu.dma_semaphore, #tpu.memory_space<semaphore_mem>>) src(%arg9 : memref<8640xf32, #tpu.memory_space<vmem>>) dst(%dma_wait3A_2880 : memref<8640xf32, #tpu.memory_space<vmem_shared>>)
      tpu.yield
    }) : () -> ()
    %mul3A_2785 = arith.constant 86400 : i32
    %mul3A_2786 = arith.muli %arg1, %mul3A_2785 : i32
    %add3A_2787 = arith.constant 17280 : i32
    %add3A_2788 = arith.addi %mul3A_2786, %add3A_2787 : i32
    "tpu.region"() ({
      %run_scoped3A = tpu.sem_alloc : memref<!tpu.dma_semaphore, #tpu.memory_space<semaphore_mem>>
      %dma_start3A_2877 = tpu.memref_slice %arg10[%add3A_2788] : memref<1384448xf32, #tpu.memory_space<vmem_shared>> -> memref<8640xf32, #tpu.memory_space<vmem_shared>>
      %dma_start3A_2878 = tpu.memref_slice %arg10[%add3A_2788] : memref<1384448xf32, #tpu.memory_space<vmem_shared>> -> memref<8640xf32, #tpu.memory_space<vmem_shared>>
      tpu.enqueue_dma source(%arg9 : memref<8640xf32, #tpu.memory_space<vmem>>) target(%dma_start3A_2878 : memref<8640xf32, #tpu.memory_space<vmem_shared>>) target_semaphore(%run_scoped3A : memref<!tpu.dma_semaphore, #tpu.memory_space<semaphore_mem>>)
      %dma_wait3A_2879 = tpu.memref_slice %arg10[%add3A_2788] : memref<1384448xf32, #tpu.memory_space<vmem_shared>> -> memref<8640xf32, #tpu.memory_space<vmem_shared>>
      %dma_wait3A_2880 = tpu.memref_slice %arg10[%add3A_2788] : memref<1384448xf32, #tpu.memory_space<vmem_shared>> -> memref<8640xf32, #tpu.memory_space<vmem_shared>>
      tpu.wait_dma2 semaphore(%run_scoped3A : memref<!tpu.dma_semaphore, #tpu.memory_space<semaphore_mem>>) src(%arg9 : memref<8640xf32, #tpu.memory_space<vmem>>) dst(%dma_wait3A_2880 : memref<8640xf32, #tpu.memory_space<vmem_shared>>)
      tpu.yield
    }) : () -> ()
    %mul3A_2789 = arith.constant 86400 : i32
    %mul3A_2790 = arith.muli %arg1, %mul3A_2789 : i32
    %add3A_2791 = arith.constant 25920 : i32
    %add3A_2792 = arith.addi %mul3A_2790, %add3A_2791 : i32
    "tpu.region"() ({
      %run_scoped3A = tpu.sem_alloc : memref<!tpu.dma_semaphore, #tpu.memory_space<semaphore_mem>>
      %dma_start3A_2877 = tpu.memref_slice %arg10[%add3A_2792] : memref<1384448xf32, #tpu.memory_space<vmem_shared>> -> memref<8640xf32, #tpu.memory_space<vmem_shared>>
      %dma_start3A_2878 = tpu.memref_slice %arg10[%add3A_2792] : memref<1384448xf32, #tpu.memory_space<vmem_shared>> -> memref<8640xf32, #tpu.memory_space<vmem_shared>>
      tpu.enqueue_dma source(%arg9 : memref<8640xf32, #tpu.memory_space<vmem>>) target(%dma_start3A_2878 : memref<8640xf32, #tpu.memory_space<vmem_shared>>) target_semaphore(%run_scoped3A : memref<!tpu.dma_semaphore, #tpu.memory_space<semaphore_mem>>)
      %dma_wait3A_2879 = tpu.memref_slice %arg10[%add3A_2792] : memref<1384448xf32, #tpu.memory_space<vmem_shared>> -> memref<8640xf32, #tpu.memory_space<vmem_shared>>
      %dma_wait3A_2880 = tpu.memref_slice %arg10[%add3A_2792] : memref<1384448xf32, #tpu.memory_space<vmem_shared>> -> memref<8640xf32, #tpu.memory_space<vmem_shared>>
      tpu.wait_dma2 semaphore(%run_scoped3A : memref<!tpu.dma_semaphore, #tpu.memory_space<semaphore_mem>>) src(%arg9 : memref<8640xf32, #tpu.memory_space<vmem>>) dst(%dma_wait3A_2880 : memref<8640xf32, #tpu.memory_space<vmem_shared>>)
      tpu.yield
    }) : () -> ()
    %mul3A_2793 = arith.constant 86400 : i32
    %mul3A_2794 = arith.muli %arg1, %mul3A_2793 : i32
    %add3A_2795 = arith.constant 34560 : i32
    %add3A_2796 = arith.addi %mul3A_2794, %add3A_2795 : i32
    "tpu.region"() ({
      %run_scoped3A = tpu.sem_alloc : memref<!tpu.dma_semaphore, #tpu.memory_space<semaphore_mem>>
      %dma_start3A_2877 = tpu.memref_slice %arg10[%add3A_2796] : memref<1384448xf32, #tpu.memory_space<vmem_shared>> -> memref<8640xf32, #tpu.memory_space<vmem_shared>>
      %dma_start3A_2878 = tpu.memref_slice %arg10[%add3A_2796] : memref<1384448xf32, #tpu.memory_space<vmem_shared>> -> memref<8640xf32, #tpu.memory_space<vmem_shared>>
      tpu.enqueue_dma source(%arg9 : memref<8640xf32, #tpu.memory_space<vmem>>) target(%dma_start3A_2878 : memref<8640xf32, #tpu.memory_space<vmem_shared>>) target_semaphore(%run_scoped3A : memref<!tpu.dma_semaphore, #tpu.memory_space<semaphore_mem>>)
      %dma_wait3A_2879 = tpu.memref_slice %arg10[%add3A_2796] : memref<1384448xf32, #tpu.memory_space<vmem_shared>> -> memref<8640xf32, #tpu.memory_space<vmem_shared>>
      %dma_wait3A_2880 = tpu.memref_slice %arg10[%add3A_2796] : memref<1384448xf32, #tpu.memory_space<vmem_shared>> -> memref<8640xf32, #tpu.memory_space<vmem_shared>>
      tpu.wait_dma2 semaphore(%run_scoped3A : memref<!tpu.dma_semaphore, #tpu.memory_space<semaphore_mem>>) src(%arg9 : memref<8640xf32, #tpu.memory_space<vmem>>) dst(%dma_wait3A_2880 : memref<8640xf32, #tpu.memory_space<vmem_shared>>)
      tpu.yield
    }) : () -> ()
    %mul3A_2797 = arith.constant 86400 : i32
    %mul3A_2798 = arith.muli %arg1, %mul3A_2797 : i32
    %add3A_2799 = arith.constant 43200 : i32
    %add3A_2800 = arith.addi %mul3A_2798, %add3A_2799 : i32
    "tpu.region"() ({
      %run_scoped3A = tpu.sem_alloc : memref<!tpu.dma_semaphore, #tpu.memory_space<semaphore_mem>>
      %dma_start3A_2877 = tpu.memref_slice %arg10[%add3A_2800] : memref<1384448xf32, #tpu.memory_space<vmem_shared>> -> memref<8640xf32, #tpu.memory_space<vmem_shared>>
      %dma_start3A_2878 = tpu.memref_slice %arg10[%add3A_2800] : memref<1384448xf32, #tpu.memory_space<vmem_shared>> -> memref<8640xf32, #tpu.memory_space<vmem_shared>>
      tpu.enqueue_dma source(%arg9 : memref<8640xf32, #tpu.memory_space<vmem>>) target(%dma_start3A_2878 : memref<8640xf32, #tpu.memory_space<vmem_shared>>) target_semaphore(%run_scoped3A : memref<!tpu.dma_semaphore, #tpu.memory_space<semaphore_mem>>)
      %dma_wait3A_2879 = tpu.memref_slice %arg10[%add3A_2800] : memref<1384448xf32, #tpu.memory_space<vmem_shared>> -> memref<8640xf32, #tpu.memory_space<vmem_shared>>
      %dma_wait3A_2880 = tpu.memref_slice %arg10[%add3A_2800] : memref<1384448xf32, #tpu.memory_space<vmem_shared>> -> memref<8640xf32, #tpu.memory_space<vmem_shared>>
      tpu.wait_dma2 semaphore(%run_scoped3A : memref<!tpu.dma_semaphore, #tpu.memory_space<semaphore_mem>>) src(%arg9 : memref<8640xf32, #tpu.memory_space<vmem>>) dst(%dma_wait3A_2880 : memref<8640xf32, #tpu.memory_space<vmem_shared>>)
      tpu.yield
    }) : () -> ()
    %mul3A_2801 = arith.constant 86400 : i32
    %mul3A_2802 = arith.muli %arg1, %mul3A_2801 : i32
    %add3A_2803 = arith.constant 51840 : i32
    %add3A_2804 = arith.addi %mul3A_2802, %add3A_2803 : i32
    "tpu.region"() ({
      %run_scoped3A = tpu.sem_alloc : memref<!tpu.dma_semaphore, #tpu.memory_space<semaphore_mem>>
      %dma_start3A_2877 = tpu.memref_slice %arg10[%add3A_2804] : memref<1384448xf32, #tpu.memory_space<vmem_shared>> -> memref<8640xf32, #tpu.memory_space<vmem_shared>>
      %dma_start3A_2878 = tpu.memref_slice %arg10[%add3A_2804] : memref<1384448xf32, #tpu.memory_space<vmem_shared>> -> memref<8640xf32, #tpu.memory_space<vmem_shared>>
      tpu.enqueue_dma source(%arg9 : memref<8640xf32, #tpu.memory_space<vmem>>) target(%dma_start3A_2878 : memref<8640xf32, #tpu.memory_space<vmem_shared>>) target_semaphore(%run_scoped3A : memref<!tpu.dma_semaphore, #tpu.memory_space<semaphore_mem>>)
      %dma_wait3A_2879 = tpu.memref_slice %arg10[%add3A_2804] : memref<1384448xf32, #tpu.memory_space<vmem_shared>> -> memref<8640xf32, #tpu.memory_space<vmem_shared>>
      %dma_wait3A_2880 = tpu.memref_slice %arg10[%add3A_2804] : memref<1384448xf32, #tpu.memory_space<vmem_shared>> -> memref<8640xf32, #tpu.memory_space<vmem_shared>>
      tpu.wait_dma2 semaphore(%run_scoped3A : memref<!tpu.dma_semaphore, #tpu.memory_space<semaphore_mem>>) src(%arg9 : memref<8640xf32, #tpu.memory_space<vmem>>) dst(%dma_wait3A_2880 : memref<8640xf32, #tpu.memory_space<vmem_shared>>)
      tpu.yield
    }) : () -> ()
    %mul3A_2805 = arith.constant 86400 : i32
    %mul3A_2806 = arith.muli %arg1, %mul3A_2805 : i32
    %add3A_2807 = arith.constant 60480 : i32
    %add3A_2808 = arith.addi %mul3A_2806, %add3A_2807 : i32
    "tpu.region"() ({
      %run_scoped3A = tpu.sem_alloc : memref<!tpu.dma_semaphore, #tpu.memory_space<semaphore_mem>>
      %dma_start3A_2877 = tpu.memref_slice %arg10[%add3A_2808] : memref<1384448xf32, #tpu.memory_space<vmem_shared>> -> memref<8640xf32, #tpu.memory_space<vmem_shared>>
      %dma_start3A_2878 = tpu.memref_slice %arg10[%add3A_2808] : memref<1384448xf32, #tpu.memory_space<vmem_shared>> -> memref<8640xf32, #tpu.memory_space<vmem_shared>>
      tpu.enqueue_dma source(%arg9 : memref<8640xf32, #tpu.memory_space<vmem>>) target(%dma_start3A_2878 : memref<8640xf32, #tpu.memory_space<vmem_shared>>) target_semaphore(%run_scoped3A : memref<!tpu.dma_semaphore, #tpu.memory_space<semaphore_mem>>)
      %dma_wait3A_2879 = tpu.memref_slice %arg10[%add3A_2808] : memref<1384448xf32, #tpu.memory_space<vmem_shared>> -> memref<8640xf32, #tpu.memory_space<vmem_shared>>
      %dma_wait3A_2880 = tpu.memref_slice %arg10[%add3A_2808] : memref<1384448xf32, #tpu.memory_space<vmem_shared>> -> memref<8640xf32, #tpu.memory_space<vmem_shared>>
      tpu.wait_dma2 semaphore(%run_scoped3A : memref<!tpu.dma_semaphore, #tpu.memory_space<semaphore_mem>>) src(%arg9 : memref<8640xf32, #tpu.memory_space<vmem>>) dst(%dma_wait3A_2880 : memref<8640xf32, #tpu.memory_space<vmem_shared>>)
      tpu.yield
    }) : () -> ()
    %mul3A_2809 = arith.constant 86400 : i32
    %mul3A_2810 = arith.muli %arg1, %mul3A_2809 : i32
    %add3A_2811 = arith.constant 69120 : i32
    %add3A_2812 = arith.addi %mul3A_2810, %add3A_2811 : i32
    "tpu.region"() ({
      %run_scoped3A = tpu.sem_alloc : memref<!tpu.dma_semaphore, #tpu.memory_space<semaphore_mem>>
      %dma_start3A_2877 = tpu.memref_slice %arg10[%add3A_2812] : memref<1384448xf32, #tpu.memory_space<vmem_shared>> -> memref<8640xf32, #tpu.memory_space<vmem_shared>>
      %dma_start3A_2878 = tpu.memref_slice %arg10[%add3A_2812] : memref<1384448xf32, #tpu.memory_space<vmem_shared>> -> memref<8640xf32, #tpu.memory_space<vmem_shared>>
      tpu.enqueue_dma source(%arg9 : memref<8640xf32, #tpu.memory_space<vmem>>) target(%dma_start3A_2878 : memref<8640xf32, #tpu.memory_space<vmem_shared>>) target_semaphore(%run_scoped3A : memref<!tpu.dma_semaphore, #tpu.memory_space<semaphore_mem>>)
      %dma_wait3A_2879 = tpu.memref_slice %arg10[%add3A_2812] : memref<1384448xf32, #tpu.memory_space<vmem_shared>> -> memref<8640xf32, #tpu.memory_space<vmem_shared>>
      %dma_wait3A_2880 = tpu.memref_slice %arg10[%add3A_2812] : memref<1384448xf32, #tpu.memory_space<vmem_shared>> -> memref<8640xf32, #tpu.memory_space<vmem_shared>>
      tpu.wait_dma2 semaphore(%run_scoped3A : memref<!tpu.dma_semaphore, #tpu.memory_space<semaphore_mem>>) src(%arg9 : memref<8640xf32, #tpu.memory_space<vmem>>) dst(%dma_wait3A_2880 : memref<8640xf32, #tpu.memory_space<vmem_shared>>)
      tpu.yield
    }) : () -> ()
    %mul3A_2813 = arith.constant 86400 : i32
    %mul3A_2814 = arith.muli %arg1, %mul3A_2813 : i32
    %add3A_2815 = arith.constant 77760 : i32
    %add3A_2816 = arith.addi %mul3A_2814, %add3A_2815 : i32
    "tpu.region"() ({
      %run_scoped3A = tpu.sem_alloc : memref<!tpu.dma_semaphore, #tpu.memory_space<semaphore_mem>>
      %dma_start3A_2877 = tpu.memref_slice %arg10[%add3A_2816] : memref<1384448xf32, #tpu.memory_space<vmem_shared>> -> memref<8640xf32, #tpu.memory_space<vmem_shared>>
      %dma_start3A_2878 = tpu.memref_slice %arg10[%add3A_2816] : memref<1384448xf32, #tpu.memory_space<vmem_shared>> -> memref<8640xf32, #tpu.memory_space<vmem_shared>>
      tpu.enqueue_dma source(%arg9 : memref<8640xf32, #tpu.memory_space<vmem>>) target(%dma_start3A_2878 : memref<8640xf32, #tpu.memory_space<vmem_shared>>) target_semaphore(%run_scoped3A : memref<!tpu.dma_semaphore, #tpu.memory_space<semaphore_mem>>)
      %dma_wait3A_2879 = tpu.memref_slice %arg10[%add3A_2816] : memref<1384448xf32, #tpu.memory_space<vmem_shared>> -> memref<8640xf32, #tpu.memory_space<vmem_shared>>
      %dma_wait3A_2880 = tpu.memref_slice %arg10[%add3A_2816] : memref<1384448xf32, #tpu.memory_space<vmem_shared>> -> memref<8640xf32, #tpu.memory_space<vmem_shared>>
      tpu.wait_dma2 semaphore(%run_scoped3A : memref<!tpu.dma_semaphore, #tpu.memory_space<semaphore_mem>>) src(%arg9 : memref<8640xf32, #tpu.memory_space<vmem>>) dst(%dma_wait3A_2880 : memref<8640xf32, #tpu.memory_space<vmem_shared>>)
      tpu.yield
    }) : () -> ()
    %scan3A_2817 = arith.constant 0 : i32
    %scan3A_2818 = arith.constant 128 : i32
    %scan3A_2819 = arith.addi %scan3A_2817, %scan3A_2818 : i32
    %scan3A_2820 = arith.constant 1 : i32
    scf.for %scan3A_2877 = %scan3A_2817 to %scan3A_2819 step %scan3A_2820  : i32 {
      %add3A_2878 = arith.constant 1382400 : i32
      %add3A_2879 = vector.broadcast %add3A_2878 : i32 to vector<16xi32>
      %add3A_2880 = arith.addi %add3A_2879, %iota3A : vector<16xi32>
      %and3A = arith.constant 127 : i32
      %and3A_2881 = arith.andi %scan3A_2877, %and3A : i32
      %mul3A_2882 = arith.constant 16 : i32
      %mul3A_2883 = arith.muli %and3A_2881, %mul3A_2882 : i32
      %add3A_2884 = vector.broadcast %mul3A_2883 : i32 to vector<16xi32>
      %add3A_2885 = arith.addi %add3A_2880, %add3A_2884 : vector<16xi32>
      %mul3A_2886 = arith.constant 16 : i32
      %mul3A_2887 = arith.muli %scan3A_2877, %mul3A_2886 : i32
      %swap3A_2888 = arith.index_cast %mul3A_2887 : i32 to index
      %swap3A_2889 = tpu.vector_load %arg6[%swap3A_2888] {strides = array<i32>} : memref<2048xi32, #tpu.memory_space<vmem>>, vector<16xi32>,
      %swap3A_2890 = vector.shape_cast %swap3A_2889 : vector<16xi32> to vector<16xi32>
      %swap3A_2891 = vector.shape_cast %add3A_2885 : vector<16xi32> to vector<16xi32>
      tpu.vector_store %arg6[%swap3A_2888], %swap3A_2891 {strides = array<i32>} : memref<2048xi32, #tpu.memory_space<vmem>>, vector<16xi32>,
    }
    %scan3A_2821 = arith.constant 128 : i32
    %scan3A_2822 = arith.constant 0 : i32
    %scan3A_2823 = arith.constant 128 : i32
    %scan3A_2824 = arith.addi %scan3A_2822, %scan3A_2823 : i32
    %scan3A_2825 = arith.constant 1 : i32
    scf.for %scan3A_2877 = %scan3A_2822 to %scan3A_2824 step %scan3A_2825  : i32 {
      %add3A_2878 = arith.constant 1382400 : i32
      %add3A_2879 = vector.broadcast %add3A_2878 : i32 to vector<16xi32>
      %add3A_2880 = arith.addi %add3A_2879, %iota3A : vector<16xi32>
      %and3A = arith.constant 127 : i32
      %and3A_2881 = arith.andi %scan3A_2877, %and3A : i32
      %mul3A_2882 = arith.constant 16 : i32
      %mul3A_2883 = arith.muli %and3A_2881, %mul3A_2882 : i32
      %add3A_2884 = vector.broadcast %mul3A_2883 : i32 to vector<16xi32>
      %add3A_2885 = arith.addi %add3A_2880, %add3A_2884 : vector<16xi32>
      %mul3A_2886 = arith.constant 16 : i32
      %mul3A_2887 = arith.muli %scan3A_2877, %mul3A_2886 : i32
      %swap3A_2888 = arith.index_cast %mul3A_2887 : i32 to index
      %swap3A_2889 = tpu.vector_load %arg7[%swap3A_2888] {strides = array<i32>} : memref<2048xi32, #tpu.memory_space<vmem>>, vector<16xi32>,
      %swap3A_2890 = vector.shape_cast %swap3A_2889 : vector<16xi32> to vector<16xi32>
      %swap3A_2891 = vector.shape_cast %add3A_2885 : vector<16xi32> to vector<16xi32>
      tpu.vector_store %arg7[%swap3A_2888], %swap3A_2891 {strides = array<i32>} : memref<2048xi32, #tpu.memory_space<vmem>>, vector<16xi32>,
    }
    %scan3A_2826 = arith.constant 128 : i32
    %barrier3A_2827 = arith.constant 0 : index
    tpu.barrier barrier_id(%barrier3A_2827)
    %dma_start3A_2828 = arith.constant 0 : i32
    %dma_start3A_2829 = tpu.memref_slice %arg10[%dma_start3A_2828] : memref<1384448xf32, #tpu.memory_space<vmem_shared>> -> memref<1384448xf32, #tpu.memory_space<vmem_shared>>
    tpu.enqueue_indirect_dma source(%arg8 : memref<2048xf32, #tpu.memory_space<vmem>>) target(%dma_start3A_2829 : memref<1384448xf32, #tpu.memory_space<vmem_shared>>) offsets(%arg6 : memref<2048xi32, #tpu.memory_space<vmem>>) semaphore(%arg13 : memref<!tpu.dma_semaphore, #tpu.memory_space<semaphore_mem>>)
    %dma_start3A_2830 = arith.constant 0 : i32
    %dma_start3A_2831 = tpu.memref_slice %arg10[%dma_start3A_2830] : memref<1384448xf32, #tpu.memory_space<vmem_shared>> -> memref<1384448xf32, #tpu.memory_space<vmem_shared>>
    tpu.enqueue_indirect_dma source(%arg8 : memref<2048xf32, #tpu.memory_space<vmem>>) target(%dma_start3A_2831 : memref<1384448xf32, #tpu.memory_space<vmem_shared>>) offsets(%arg7 : memref<2048xi32, #tpu.memory_space<vmem>>) semaphore(%arg14 : memref<!tpu.dma_semaphore, #tpu.memory_space<semaphore_mem>>)
    %add3A_2832 = arith.constant 0 : i32
    %add3A_2833 = arith.addi %arg1, %add3A_2832 : i32
    %mul3A_2834 = arith.constant 2048 : i32
    %mul3A_2835 = arith.muli %add3A_2833, %mul3A_2834 : i32
    %dma_start3A_2836 = tpu.memref_slice %arg2[%mul3A_2835] : memref<2000000xi32, #tpu.memory_space<hbm>> -> memref<2048xi32, #tpu.memory_space<hbm>>
    %dma_start3A_2837 = tpu.memref_slice %arg2[%mul3A_2835] : memref<2000000xi32, #tpu.memory_space<hbm>> -> memref<2048xi32, #tpu.memory_space<hbm>>
    tpu.enqueue_dma source(%dma_start3A_2837 : memref<2048xi32, #tpu.memory_space<hbm>>) target(%arg4 : memref<2048xi32, #tpu.memory_space<vmem>>) target_semaphore(%arg11 : memref<!tpu.dma_semaphore, #tpu.memory_space<semaphore_mem>>)
    %scan3A_2838 = arith.constant 0 : i32
    %scan3A_2839 = arith.constant 30 : i32
    %scan3A_2840 = arith.addi %scan3A_2838, %scan3A_2839 : i32
    %scan3A_2841 = arith.constant 1 : i32
    scf.for %scan3A_2877 = %scan3A_2838 to %scan3A_2840 step %scan3A_2841  : i32 {
      %mul3A_2878 = arith.constant 2 : i32
      %mul3A_2879 = arith.muli %mul3A_2878, %scan3A_2877 : i32
      %add3A_2880 = arith.constant 1 : i32
      %add3A_2881 = arith.addi %mul3A_2879, %add3A_2880 : i32
      %mul3A_2882 = arith.constant 16 : i32
      %mul3A_2883 = arith.muli %add3A_2881, %mul3A_2882 : i32
      %add3A_2884 = arith.addi %arg1, %mul3A_2883 : i32
      %mul3A_2885 = arith.constant 2048 : i32
      %mul3A_2886 = arith.muli %add3A_2884, %mul3A_2885 : i32
      %dma_start3A_2887 = tpu.memref_slice %arg2[%mul3A_2886] : memref<2000000xi32, #tpu.memory_space<hbm>> -> memref<2048xi32, #tpu.memory_space<hbm>>
      %dma_start3A_2888 = tpu.memref_slice %arg2[%mul3A_2886] : memref<2000000xi32, #tpu.memory_space<hbm>> -> memref<2048xi32, #tpu.memory_space<hbm>>
      tpu.enqueue_dma source(%dma_start3A_2888 : memref<2048xi32, #tpu.memory_space<hbm>>) target(%arg5 : memref<2048xi32, #tpu.memory_space<vmem>>) target_semaphore(%arg12 : memref<!tpu.dma_semaphore, #tpu.memory_space<semaphore_mem>>)
      %dma_wait3A_2889 = arith.constant 0 : i32
      %dma_wait3A_2890 = tpu.memref_slice %arg2[%dma_wait3A_2889] : memref<2000000xi32, #tpu.memory_space<hbm>> -> memref<2048xi32, #tpu.memory_space<hbm>>
      %dma_wait3A_2891 = arith.constant 0 : i32
      %dma_wait3A_2892 = tpu.memref_slice %arg2[%dma_wait3A_2891] : memref<2000000xi32, #tpu.memory_space<hbm>> -> memref<2048xi32, #tpu.memory_space<hbm>>
      tpu.wait_dma2 semaphore(%arg11 : memref<!tpu.dma_semaphore, #tpu.memory_space<semaphore_mem>>) src(%dma_wait3A_2892 : memref<2048xi32, #tpu.memory_space<hbm>>) dst(%arg4 : memref<2048xi32, #tpu.memory_space<vmem>>)
      %dma_wait3A_2893 = arith.constant 0 : i32
      %dma_wait3A_2894 = tpu.memref_slice %arg10[%dma_wait3A_2893] : memref<1384448xf32, #tpu.memory_space<vmem_shared>> -> memref<1384448xf32, #tpu.memory_space<vmem_shared>>
      tpu.wait_indirect_dma semaphore(%arg13 : memref<!tpu.dma_semaphore, #tpu.memory_space<semaphore_mem>>) src(%arg8 : memref<2048xf32, #tpu.memory_space<vmem>>) dst(%dma_wait3A_2894 : memref<1384448xf32, #tpu.memory_space<vmem_shared>>)
      %scan3A_2895 = arith.constant 0 : i32
      %scan3A_2896 = arith.constant 128 : i32
      %scan3A_2897 = arith.addi %scan3A_2895, %scan3A_2896 : i32
      %scan3A_2898 = arith.constant 1 : i32
      scf.for %scan3A_2926 = %scan3A_2895 to %scan3A_2897 step %scan3A_2898  : i32 {
        %mul3A_2927 = arith.constant 16 : i32
        %mul3A_2928 = arith.muli %scan3A_2926, %mul3A_2927 : i32
        %get3A = arith.index_cast %mul3A_2928 : i32 to index
        %get3A_2929 = tpu.vector_load %arg4[%get3A] {strides = array<i32>} : memref<2048xi32, #tpu.memory_space<vmem>>, vector<16xi32>,
        %get3A_2930 = vector.shape_cast %get3A_2929 : vector<16xi32> to vector<16xi32>
        %sub3A = vector.broadcast %mul3A_2776 : i32 to vector<16xi32>
        %sub3A_2931 = arith.subi %get3A_2930, %sub3A : vector<16xi32>
        %ge3A = arith.constant 0 : i32
        %ge3A_2932 = vector.broadcast %ge3A : i32 to vector<16xi32>
        %ge3A_2933 = arith.cmpi sge, %sub3A_2931, %ge3A_2932 : vector<16xi32>
        %lt3A = arith.constant 1382400 : i32
        %lt3A_2934 = vector.broadcast %lt3A : i32 to vector<16xi32>
        %lt3A_2935 = arith.cmpi slt, %sub3A_2931, %lt3A_2934 : vector<16xi32>
        %and3A = arith.andi %ge3A_2933, %lt3A_2935 : vector<16xi1>
        %add3A_2936 = arith.constant 1382400 : i32
        %add3A_2937 = vector.broadcast %add3A_2936 : i32 to vector<16xi32>
        %add3A_2938 = arith.addi %add3A_2937, %iota3A : vector<16xi32>
        %and3A_2939 = arith.constant 127 : i32
        %and3A_2940 = arith.andi %scan3A_2926, %and3A_2939 : i32
        %mul3A_2941 = arith.constant 16 : i32
        %mul3A_2942 = arith.muli %and3A_2940, %mul3A_2941 : i32
        %add3A_2943 = vector.broadcast %mul3A_2942 : i32 to vector<16xi32>
        %add3A_2944 = arith.addi %add3A_2938, %add3A_2943 : vector<16xi32>
        %select_n3A = arith.select %and3A, %sub3A_2931, %add3A_2944 : vector<16xi1>, vector<16xi32>
        %swap3A_2945 = arith.index_cast %mul3A_2928 : i32 to index
        %swap3A_2946 = tpu.vector_load %arg6[%swap3A_2945] {strides = array<i32>} : memref<2048xi32, #tpu.memory_space<vmem>>, vector<16xi32>,
        %swap3A_2947 = vector.shape_cast %swap3A_2946 : vector<16xi32> to vector<16xi32>
        %swap3A_2948 = vector.shape_cast %select_n3A : vector<16xi32> to vector<16xi32>
        tpu.vector_store %arg6[%swap3A_2945], %swap3A_2948 {strides = array<i32>} : memref<2048xi32, #tpu.memory_space<vmem>>, vector<16xi32>,
      }
      %scan3A_2899 = arith.constant 128 : i32
      %dma_start3A_2900 = arith.constant 0 : i32
      %dma_start3A_2901 = tpu.memref_slice %arg10[%dma_start3A_2900] : memref<1384448xf32, #tpu.memory_space<vmem_shared>> -> memref<1384448xf32, #tpu.memory_space<vmem_shared>>
      tpu.enqueue_indirect_dma source(%arg8 : memref<2048xf32, #tpu.memory_space<vmem>>) target(%dma_start3A_2901 : memref<1384448xf32, #tpu.memory_space<vmem_shared>>) offsets(%arg6 : memref<2048xi32, #tpu.memory_space<vmem>>) semaphore(%arg13 : memref<!tpu.dma_semaphore, #tpu.memory_space<semaphore_mem>>)
      %mul3A_2902 = arith.constant 2 : i32
      %mul3A_2903 = arith.muli %mul3A_2902, %scan3A_2877 : i32
      %add3A_2904 = arith.constant 2 : i32
      %add3A_2905 = arith.addi %mul3A_2903, %add3A_2904 : i32
      %mul3A_2906 = arith.constant 16 : i32
      %mul3A_2907 = arith.muli %add3A_2905, %mul3A_2906 : i32
      %add3A_2908 = arith.addi %arg1, %mul3A_2907 : i32
      %mul3A_2909 = arith.constant 2048 : i32
      %mul3A_2910 = arith.muli %add3A_2908, %mul3A_2909 : i32
      %dma_start3A_2911 = tpu.memref_slice %arg2[%mul3A_2910] : memref<2000000xi32, #tpu.memory_space<hbm>> -> memref<2048xi32, #tpu.memory_space<hbm>>
      %dma_start3A_2912 = tpu.memref_slice %arg2[%mul3A_2910] : memref<2000000xi32, #tpu.memory_space<hbm>> -> memref<2048xi32, #tpu.memory_space<hbm>>
      tpu.enqueue_dma source(%dma_start3A_2912 : memref<2048xi32, #tpu.memory_space<hbm>>) target(%arg4 : memref<2048xi32, #tpu.memory_space<vmem>>) target_semaphore(%arg11 : memref<!tpu.dma_semaphore, #tpu.memory_space<semaphore_mem>>)
      %dma_wait3A_2913 = arith.constant 0 : i32
      %dma_wait3A_2914 = tpu.memref_slice %arg2[%dma_wait3A_2913] : memref<2000000xi32, #tpu.memory_space<hbm>> -> memref<2048xi32, #tpu.memory_space<hbm>>
      %dma_wait3A_2915 = arith.constant 0 : i32
      %dma_wait3A_2916 = tpu.memref_slice %arg2[%dma_wait3A_2915] : memref<2000000xi32, #tpu.memory_space<hbm>> -> memref<2048xi32, #tpu.memory_space<hbm>>
      tpu.wait_dma2 semaphore(%arg12 : memref<!tpu.dma_semaphore, #tpu.memory_space<semaphore_mem>>) src(%dma_wait3A_2916 : memref<2048xi32, #tpu.memory_space<hbm>>) dst(%arg5 : memref<2048xi32, #tpu.memory_space<vmem>>)
      %dma_wait3A_2917 = arith.constant 0 : i32
      %dma_wait3A_2918 = tpu.memref_slice %arg10[%dma_wait3A_2917] : memref<1384448xf32, #tpu.memory_space<vmem_shared>> -> memref<1384448xf32, #tpu.memory_space<vmem_shared>>
      tpu.wait_indirect_dma semaphore(%arg14 : memref<!tpu.dma_semaphore, #tpu.memory_space<semaphore_mem>>) src(%arg8 : memref<2048xf32, #tpu.memory_space<vmem>>) dst(%dma_wait3A_2918 : memref<1384448xf32, #tpu.memory_space<vmem_shared>>)
      %scan3A_2919 = arith.constant 0 : i32
      %scan3A_2920 = arith.constant 128 : i32
      %scan3A_2921 = arith.addi %scan3A_2919, %scan3A_2920 : i32
      %scan3A_2922 = arith.constant 1 : i32
      scf.for %scan3A_2926 = %scan3A_2919 to %scan3A_2921 step %scan3A_2922  : i32 {
        %mul3A_2927 = arith.constant 16 : i32
        %mul3A_2928 = arith.muli %scan3A_2926, %mul3A_2927 : i32
        %get3A = arith.index_cast %mul3A_2928 : i32 to index
        %get3A_2929 = tpu.vector_load %arg5[%get3A] {strides = array<i32>} : memref<2048xi32, #tpu.memory_space<vmem>>, vector<16xi32>,
        %get3A_2930 = vector.shape_cast %get3A_2929 : vector<16xi32> to vector<16xi32>
        %sub3A = vector.broadcast %mul3A_2776 : i32 to vector<16xi32>
        %sub3A_2931 = arith.subi %get3A_2930, %sub3A : vector<16xi32>
        %ge3A = arith.constant 0 : i32
        %ge3A_2932 = vector.broadcast %ge3A : i32 to vector<16xi32>
        %ge3A_2933 = arith.cmpi sge, %sub3A_2931, %ge3A_2932 : vector<16xi32>
        %lt3A = arith.constant 1382400 : i32
        %lt3A_2934 = vector.broadcast %lt3A : i32 to vector<16xi32>
        %lt3A_2935 = arith.cmpi slt, %sub3A_2931, %lt3A_2934 : vector<16xi32>
        %and3A = arith.andi %ge3A_2933, %lt3A_2935 : vector<16xi1>
        %add3A_2936 = arith.constant 1382400 : i32
        %add3A_2937 = vector.broadcast %add3A_2936 : i32 to vector<16xi32>
        %add3A_2938 = arith.addi %add3A_2937, %iota3A : vector<16xi32>
        %and3A_2939 = arith.constant 127 : i32
        %and3A_2940 = arith.andi %scan3A_2926, %and3A_2939 : i32
        %mul3A_2941 = arith.constant 16 : i32
        %mul3A_2942 = arith.muli %and3A_2940, %mul3A_2941 : i32
        %add3A_2943 = vector.broadcast %mul3A_2942 : i32 to vector<16xi32>
        %add3A_2944 = arith.addi %add3A_2938, %add3A_2943 : vector<16xi32>
        %select_n3A = arith.select %and3A, %sub3A_2931, %add3A_2944 : vector<16xi1>, vector<16xi32>
        %swap3A_2945 = arith.index_cast %mul3A_2928 : i32 to index
        %swap3A_2946 = tpu.vector_load %arg7[%swap3A_2945] {strides = array<i32>} : memref<2048xi32, #tpu.memory_space<vmem>>, vector<16xi32>,
        %swap3A_2947 = vector.shape_cast %swap3A_2946 : vector<16xi32> to vector<16xi32>
        %swap3A_2948 = vector.shape_cast %select_n3A : vector<16xi32> to vector<16xi32>
        tpu.vector_store %arg7[%swap3A_2945], %swap3A_2948 {strides = array<i32>} : memref<2048xi32, #tpu.memory_space<vmem>>, vector<16xi32>,
      }
      %scan3A_2923 = arith.constant 128 : i32
      %dma_start3A_2924 = arith.constant 0 : i32
      %dma_start3A_2925 = tpu.memref_slice %arg10[%dma_start3A_2924] : memref<1384448xf32, #tpu.memory_space<vmem_shared>> -> memref<1384448xf32, #tpu.memory_space<vmem_shared>>
      tpu.enqueue_indirect_dma source(%arg8 : memref<2048xf32, #tpu.memory_space<vmem>>) target(%dma_start3A_2925 : memref<1384448xf32, #tpu.memory_space<vmem_shared>>) offsets(%arg7 : memref<2048xi32, #tpu.memory_space<vmem>>) semaphore(%arg14 : memref<!tpu.dma_semaphore, #tpu.memory_space<semaphore_mem>>)
    }
    %scan3A_2842 = arith.constant 30 : i32
    %dma_wait3A_2843 = arith.constant 0 : i32
    %dma_wait3A_2844 = tpu.memref_slice %arg2[%dma_wait3A_2843] : memref<2000000xi32, #tpu.memory_space<hbm>> -> memref<2048xi32, #tpu.memory_space<hbm>>
    %dma_wait3A_2845 = arith.constant 0 : i32
    %dma_wait3A_2846 = tpu.memref_slice %arg2[%dma_wait3A_2845] : memref<2000000xi32, #tpu.memory_space<hbm>> -> memref<2048xi32, #tpu.memory_space<hbm>>
    tpu.wait_dma2 semaphore(%arg11 : memref<!tpu.dma_semaphore, #tpu.memory_space<semaphore_mem>>) src(%dma_wait3A_2846 : memref<2048xi32, #tpu.memory_space<hbm>>) dst(%arg4 : memref<2048xi32, #tpu.memory_space<vmem>>)
    %dma_wait3A_2847 = arith.constant 0 : i32
    %dma_wait3A_2848 = tpu.memref_slice %arg10[%dma_wait3A_2847] : memref<1384448xf32, #tpu.memory_space<vmem_shared>> -> memref<1384448xf32, #tpu.memory_space<vmem_shared>>
    tpu.wait_indirect_dma semaphore(%arg13 : memref<!tpu.dma_semaphore, #tpu.memory_space<semaphore_mem>>) src(%arg8 : memref<2048xf32, #tpu.memory_space<vmem>>) dst(%dma_wait3A_2848 : memref<1384448xf32, #tpu.memory_space<vmem_shared>>)
    %scan3A_2849 = arith.constant 0 : i32
    %scan3A_2850 = arith.constant 128 : i32
    %scan3A_2851 = arith.addi %scan3A_2849, %scan3A_2850 : i32
    %scan3A_2852 = arith.constant 1 : i32
    scf.for %scan3A_2877 = %scan3A_2849 to %scan3A_2851 step %scan3A_2852  : i32 {
      %mul3A_2878 = arith.constant 16 : i32
      %mul3A_2879 = arith.muli %scan3A_2877, %mul3A_2878 : i32
      %get3A = arith.index_cast %mul3A_2879 : i32 to index
      %get3A_2880 = tpu.vector_load %arg4[%get3A] {strides = array<i32>} : memref<2048xi32, #tpu.memory_space<vmem>>, vector<16xi32>,
      %get3A_2881 = vector.shape_cast %get3A_2880 : vector<16xi32> to vector<16xi32>
      %sub3A = vector.broadcast %mul3A_2776 : i32 to vector<16xi32>
      %sub3A_2882 = arith.subi %get3A_2881, %sub3A : vector<16xi32>
      %ge3A = arith.constant 0 : i32
      %ge3A_2883 = vector.broadcast %ge3A : i32 to vector<16xi32>
      %ge3A_2884 = arith.cmpi sge, %sub3A_2882, %ge3A_2883 : vector<16xi32>
      %lt3A = arith.constant 1382400 : i32
      %lt3A_2885 = vector.broadcast %lt3A : i32 to vector<16xi32>
      %lt3A_2886 = arith.cmpi slt, %sub3A_2882, %lt3A_2885 : vector<16xi32>
      %and3A = arith.andi %ge3A_2884, %lt3A_2886 : vector<16xi1>
      %add3A_2887 = arith.constant 1382400 : i32
      %add3A_2888 = vector.broadcast %add3A_2887 : i32 to vector<16xi32>
      %add3A_2889 = arith.addi %add3A_2888, %iota3A : vector<16xi32>
      %and3A_2890 = arith.constant 127 : i32
      %and3A_2891 = arith.andi %scan3A_2877, %and3A_2890 : i32
      %mul3A_2892 = arith.constant 16 : i32
      %mul3A_2893 = arith.muli %and3A_2891, %mul3A_2892 : i32
      %add3A_2894 = vector.broadcast %mul3A_2893 : i32 to vector<16xi32>
      %add3A_2895 = arith.addi %add3A_2889, %add3A_2894 : vector<16xi32>
      %select_n3A = arith.select %and3A, %sub3A_2882, %add3A_2895 : vector<16xi1>, vector<16xi32>
      %swap3A_2896 = arith.index_cast %mul3A_2879 : i32 to index
      %swap3A_2897 = tpu.vector_load %arg6[%swap3A_2896] {strides = array<i32>} : memref<2048xi32, #tpu.memory_space<vmem>>, vector<16xi32>,
      %swap3A_2898 = vector.shape_cast %swap3A_2897 : vector<16xi32> to vector<16xi32>
      %swap3A_2899 = vector.shape_cast %select_n3A : vector<16xi32> to vector<16xi32>
      tpu.vector_store %arg6[%swap3A_2896], %swap3A_2899 {strides = array<i32>} : memref<2048xi32, #tpu.memory_space<vmem>>, vector<16xi32>,
    }
    %scan3A_2853 = arith.constant 128 : i32
    %dma_start3A_2854 = arith.constant 0 : i32
    %dma_start3A_2855 = tpu.memref_slice %arg10[%dma_start3A_2854] : memref<1384448xf32, #tpu.memory_space<vmem_shared>> -> memref<1384448xf32, #tpu.memory_space<vmem_shared>>
    tpu.enqueue_indirect_dma source(%arg8 : memref<2048xf32, #tpu.memory_space<vmem>>) target(%dma_start3A_2855 : memref<1384448xf32, #tpu.memory_space<vmem_shared>>) offsets(%arg6 : memref<2048xi32, #tpu.memory_space<vmem>>) semaphore(%arg13 : memref<!tpu.dma_semaphore, #tpu.memory_space<semaphore_mem>>)
    %dma_wait3A_2856 = arith.constant 0 : i32
    %dma_wait3A_2857 = tpu.memref_slice %arg10[%dma_wait3A_2856] : memref<1384448xf32, #tpu.memory_space<vmem_shared>> -> memref<1384448xf32, #tpu.memory_space<vmem_shared>>
    tpu.wait_indirect_dma semaphore(%arg13 : memref<!tpu.dma_semaphore, #tpu.memory_space<semaphore_mem>>) src(%arg8 : memref<2048xf32, #tpu.memory_space<vmem>>) dst(%dma_wait3A_2857 : memref<1384448xf32, #tpu.memory_space<vmem_shared>>)
    %dma_wait3A_2858 = arith.constant 0 : i32
    %dma_wait3A_2859 = tpu.memref_slice %arg10[%dma_wait3A_2858] : memref<1384448xf32, #tpu.memory_space<vmem_shared>> -> memref<1384448xf32, #tpu.memory_space<vmem_shared>>
    tpu.wait_indirect_dma semaphore(%arg14 : memref<!tpu.dma_semaphore, #tpu.memory_space<semaphore_mem>>) src(%arg8 : memref<2048xf32, #tpu.memory_space<vmem>>) dst(%dma_wait3A_2859 : memref<1384448xf32, #tpu.memory_space<vmem_shared>>)
    %eq3A_2860 = arith.constant 0 : i32
    %eq3A_2861 = arith.cmpi eq, %arg1, %eq3A_2860 : i32
    %convert_element_type3A_2862 = arith.extui %eq3A_2861 : i1 to i32
    %cond3A_2863 = arith.constant 0 : i32
    %cond3A_2864 = arith.cmpi ne, %convert_element_type3A_2862, %cond3A_2863 : i32
    scf.if %cond3A_2864 {
      "tpu.region"() ({
        %run_scoped3A = tpu.sem_alloc : memref<!tpu.dma_semaphore, #tpu.memory_space<semaphore_mem>>
        %dma_start3A_2882 = arith.constant 0 : i32
        %dma_start3A_2883 = tpu.memref_slice %arg5[%dma_start3A_2882] : memref<2048xi32, #tpu.memory_space<vmem>> -> memref<1152xi32, #tpu.memory_space<vmem>>
        %dma_start3A_2884 = arith.constant 1998848 : i32
        %dma_start3A_2885 = tpu.memref_slice %arg2[%dma_start3A_2884] : memref<2000000xi32, #tpu.memory_space<hbm>> -> memref<1152xi32, #tpu.memory_space<hbm>>
        %dma_start3A_2886 = arith.constant 0 : i32
        %dma_start3A_2887 = tpu.memref_slice %arg5[%dma_start3A_2886] : memref<2048xi32, #tpu.memory_space<vmem>> -> memref<1152xi32, #tpu.memory_space<vmem>>
        %dma_start3A_2888 = arith.constant 1998848 : i32
        %dma_start3A_2889 = tpu.memref_slice %arg2[%dma_start3A_2888] : memref<2000000xi32, #tpu.memory_space<hbm>> -> memref<1152xi32, #tpu.memory_space<hbm>>
        tpu.enqueue_dma source(%dma_start3A_2889 : memref<1152xi32, #tpu.memory_space<hbm>>) target(%dma_start3A_2887 : memref<1152xi32, #tpu.memory_space<vmem>>) target_semaphore(%run_scoped3A : memref<!tpu.dma_semaphore, #tpu.memory_space<semaphore_mem>>)
        %dma_wait3A_2890 = arith.constant 0 : i32
        %dma_wait3A_2891 = tpu.memref_slice %arg5[%dma_wait3A_2890] : memref<2048xi32, #tpu.memory_space<vmem>> -> memref<1152xi32, #tpu.memory_space<vmem>>
        %dma_wait3A_2892 = arith.constant 1998848 : i32
        %dma_wait3A_2893 = tpu.memref_slice %arg2[%dma_wait3A_2892] : memref<2000000xi32, #tpu.memory_space<hbm>> -> memref<1152xi32, #tpu.memory_space<hbm>>
        %dma_wait3A_2894 = arith.constant 0 : i32
        %dma_wait3A_2895 = tpu.memref_slice %arg5[%dma_wait3A_2894] : memref<2048xi32, #tpu.memory_space<vmem>> -> memref<1152xi32, #tpu.memory_space<vmem>>
        %dma_wait3A_2896 = arith.constant 1998848 : i32
        %dma_wait3A_2897 = tpu.memref_slice %arg2[%dma_wait3A_2896] : memref<2000000xi32, #tpu.memory_space<hbm>> -> memref<1152xi32, #tpu.memory_space<hbm>>
        tpu.wait_dma2 semaphore(%run_scoped3A : memref<!tpu.dma_semaphore, #tpu.memory_space<semaphore_mem>>) src(%dma_wait3A_2897 : memref<1152xi32, #tpu.memory_space<hbm>>) dst(%dma_wait3A_2895 : memref<1152xi32, #tpu.memory_space<vmem>>)
        tpu.yield
      }) : () -> ()
      %scan3A_2877 = arith.constant 0 : i32
      %scan3A_2878 = arith.constant 72 : i32
      %scan3A_2879 = arith.addi %scan3A_2877, %scan3A_2878 : i32
      %scan3A_2880 = arith.constant 1 : i32
      scf.for %scan3A_2882 = %scan3A_2877 to %scan3A_2879 step %scan3A_2880  : i32 {
        %mul3A_2883 = arith.constant 16 : i32
        %mul3A_2884 = arith.muli %scan3A_2882, %mul3A_2883 : i32
        %get3A = arith.index_cast %mul3A_2884 : i32 to index
        %get3A_2885 = tpu.vector_load %arg5[%get3A] {strides = array<i32>} : memref<2048xi32, #tpu.memory_space<vmem>>, vector<16xi32>,
        %get3A_2886 = vector.shape_cast %get3A_2885 : vector<16xi32> to vector<16xi32>
        %sub3A = vector.broadcast %mul3A_2776 : i32 to vector<16xi32>
        %sub3A_2887 = arith.subi %get3A_2886, %sub3A : vector<16xi32>
        %ge3A = arith.constant 0 : i32
        %ge3A_2888 = vector.broadcast %ge3A : i32 to vector<16xi32>
        %ge3A_2889 = arith.cmpi sge, %sub3A_2887, %ge3A_2888 : vector<16xi32>
        %lt3A = arith.constant 1382400 : i32
        %lt3A_2890 = vector.broadcast %lt3A : i32 to vector<16xi32>
        %lt3A_2891 = arith.cmpi slt, %sub3A_2887, %lt3A_2890 : vector<16xi32>
        %and3A = arith.andi %ge3A_2889, %lt3A_2891 : vector<16xi1>
        %add3A_2892 = arith.constant 1382400 : i32
        %add3A_2893 = vector.broadcast %add3A_2892 : i32 to vector<16xi32>
        %add3A_2894 = arith.addi %add3A_2893, %iota3A : vector<16xi32>
        %and3A_2895 = arith.constant 127 : i32
        %and3A_2896 = arith.andi %scan3A_2882, %and3A_2895 : i32
        %mul3A_2897 = arith.constant 16 : i32
        %mul3A_2898 = arith.muli %and3A_2896, %mul3A_2897 : i32
        %add3A_2899 = vector.broadcast %mul3A_2898 : i32 to vector<16xi32>
        %add3A_2900 = arith.addi %add3A_2894, %add3A_2899 : vector<16xi32>
        %select_n3A = arith.select %and3A, %sub3A_2887, %add3A_2900 : vector<16xi1>, vector<16xi32>
        %swap3A_2901 = arith.index_cast %mul3A_2884 : i32 to index
        %swap3A_2902 = tpu.vector_load %arg7[%swap3A_2901] {strides = array<i32>} : memref<2048xi32, #tpu.memory_space<vmem>>, vector<16xi32>,
        %swap3A_2903 = vector.shape_cast %swap3A_2902 : vector<16xi32> to vector<16xi32>
        %swap3A_2904 = vector.shape_cast %select_n3A : vector<16xi32> to vector<16xi32>
        tpu.vector_store %arg7[%swap3A_2901], %swap3A_2904 {strides = array<i32>} : memref<2048xi32, #tpu.memory_space<vmem>>, vector<16xi32>,
      }
      %scan3A_2881 = arith.constant 72 : i32
      "tpu.region"() ({
        %run_scoped3A = tpu.sem_alloc : memref<!tpu.dma_semaphore, #tpu.memory_space<semaphore_mem>>
        %dma_start3A_2882 = arith.constant 0 : i32
        %dma_start3A_2883 = tpu.memref_slice %arg10[%dma_start3A_2882] : memref<1384448xf32, #tpu.memory_space<vmem_shared>> -> memref<1384448xf32, #tpu.memory_space<vmem_shared>>
        tpu.enqueue_indirect_dma source(%arg8 : memref<2048xf32, #tpu.memory_space<vmem>>) target(%dma_start3A_2883 : memref<1384448xf32, #tpu.memory_space<vmem_shared>>) offsets(%arg7 : memref<2048xi32, #tpu.memory_space<vmem>>) semaphore(%run_scoped3A : memref<!tpu.dma_semaphore, #tpu.memory_space<semaphore_mem>>)
        %dma_wait3A_2884 = arith.constant 0 : i32
        %dma_wait3A_2885 = tpu.memref_slice %arg10[%dma_wait3A_2884] : memref<1384448xf32, #tpu.memory_space<vmem_shared>> -> memref<1384448xf32, #tpu.memory_space<vmem_shared>>
        tpu.wait_indirect_dma semaphore(%run_scoped3A : memref<!tpu.dma_semaphore, #tpu.memory_space<semaphore_mem>>) src(%arg8 : memref<2048xf32, #tpu.memory_space<vmem>>) dst(%dma_wait3A_2885 : memref<1384448xf32, #tpu.memory_space<vmem_shared>>)
        tpu.yield
      }) : () -> ()
    } else {
    }
    %barrier3A_2865 = arith.constant 0 : index
    tpu.barrier barrier_id(%barrier3A_2865)
    %mul3A_2866 = arith.constant 86400 : i32
    %mul3A_2867 = arith.muli %arg1, %mul3A_2866 : i32
    %mul3A_2868 = arith.constant 2 : i32
    %mul3A_2869 = arith.muli %arg0, %mul3A_2868 : i32
    %add3A_2870 = arith.constant 1 : i32
    %add3A_2871 = arith.addi %mul3A_2869, %add3A_2870 : i32
    %mul3A_2872 = arith.constant 1382400 : i32
    %mul3A_2873 = arith.muli %add3A_2871, %mul3A_2872 : i32
    %mul3A_2874 = arith.constant 86400 : i32
    %mul3A_2875 = arith.muli %arg1, %mul3A_2874 : i32
    %add3A_2876 = arith.addi %mul3A_2873, %mul3A_2875 : i32
    "tpu.region"() ({
      %run_scoped3A = tpu.sem_alloc : memref<!tpu.dma_semaphore, #tpu.memory_space<semaphore_mem>>
      %dma_start3A_2877 = tpu.memref_slice %arg3[%add3A_2876] : memref<5529600xf32, #tpu.memory_space<hbm>> -> memref<86400xf32, #tpu.memory_space<hbm>>
      %dma_start3A_2878 = tpu.memref_slice %arg10[%mul3A_2867] : memref<1384448xf32, #tpu.memory_space<vmem_shared>> -> memref<86400xf32, #tpu.memory_space<vmem_shared>>
      tpu.enqueue_dma source(%dma_start3A_2878 : memref<86400xf32, #tpu.memory_space<vmem_shared>>) target(%dma_start3A_2877 : memref<86400xf32, #tpu.memory_space<hbm>>) target_semaphore(%run_scoped3A : memref<!tpu.dma_semaphore, #tpu.memory_space<semaphore_mem>>)
      %dma_wait3A_2879 = tpu.memref_slice %arg3[%add3A_2876] : memref<5529600xf32, #tpu.memory_space<hbm>> -> memref<86400xf32, #tpu.memory_space<hbm>>
      %dma_wait3A_2880 = tpu.memref_slice %arg10[%mul3A_2867] : memref<1384448xf32, #tpu.memory_space<vmem_shared>> -> memref<86400xf32, #tpu.memory_space<vmem_shared>>
      tpu.wait_dma2 semaphore(%run_scoped3A : memref<!tpu.dma_semaphore, #tpu.memory_space<semaphore_mem>>) src(%dma_wait3A_2880 : memref<86400xf32, #tpu.memory_space<vmem_shared>>) dst(%dma_wait3A_2879 : memref<86400xf32, #tpu.memory_space<hbm>>)
      tpu.yield
    }) : () -> ()
    return
  }
}

module attributes {stable_mosaic.version = 14 : i64} {
  func.func @_event_index_tc(%arg0: i32, %arg1: memref<1000x128xf32, #tpu.memory_space<vmem>>, %arg2: memref<1000x128xf32, #tpu.memory_space<vmem>>, %arg3: memref<1000x128xf32, #tpu.memory_space<vmem>>, %arg4: memref<1000x128xf32, #tpu.memory_space<vmem>>, %arg5: memref<1000x128xi32, #tpu.memory_space<vmem>>) attributes {dimension_semantics = [#tpu.dimension_semantics<arbitrary>], iteration_bounds = array<i64: 16>, scalar_prefetch = 0 : i64, scratch_operands = 0 : i64, tpu.core_type = #tpu.core_type<tc>, window_params = [{transform_indices = @transform_0, window_bounds = array<i64: 1000, 128>}, {transform_indices = @transform_1, window_bounds = array<i64: 1000, 128>}, {transform_indices = @transform_2, window_bounds = array<i64: 1000, 128>}, {transform_indices = @transform_3, window_bounds = array<i64: 1000, 128>}, {transform_indices = @transform_4, window_bounds = array<i64: 1000, 128>}]} {
    %get3A = arith.constant 0 : index
    %get3A_0 = arith.constant 0 : index
    %get3A_1 = vector.load %arg1[%get3A, %get3A_0] : memref<1000x128xf32, #tpu.memory_space<vmem>>, vector<1000x128xf32>
    %get3A_2 = arith.constant 0 : index
    %get3A_3 = arith.constant 0 : index
    %get3A_4 = vector.load %arg2[%get3A_2, %get3A_3] : memref<1000x128xf32, #tpu.memory_space<vmem>>, vector<1000x128xf32>
    %get3A_5 = arith.constant 0 : index
    %get3A_6 = arith.constant 0 : index
    %get3A_7 = vector.load %arg3[%get3A_5, %get3A_6] : memref<1000x128xf32, #tpu.memory_space<vmem>>, vector<1000x128xf32>
    %get3A_8 = arith.constant 0 : index
    %get3A_9 = arith.constant 0 : index
    %get3A_10 = vector.load %arg4[%get3A_8, %get3A_9] : memref<1000x128xf32, #tpu.memory_space<vmem>>, vector<1000x128xf32>
    %mul3A = arith.constant 6.400000e+02 : f32
    %mul3A_11 = vector.broadcast %mul3A : f32 to vector<1000x128xf32>
    %mul3A_12 = arith.mulf %mul3A_11, %get3A_4 : vector<1000x128xf32>
    %add3A = arith.addf %get3A_1, %mul3A_12 : vector<1000x128xf32>
    %gt3A = arith.constant 0.000000e+00 : f32
    %gt3A_13 = vector.broadcast %gt3A : f32 to vector<1000x128xf32>
    %gt3A_14 = arith.cmpf ogt, %get3A_10, %gt3A_13 : vector<1000x128xf32>
    %jit3A = arith.constant 2.764800e+06 : f32
    %jit3A_15 = arith.constant 0.000000e+00 : f32
    %broadcast_in_dim3A = vector.broadcast %jit3A : f32 to vector<1000x128xf32>
    %broadcast_in_dim3A_16 = vector.broadcast %jit3A_15 : f32 to vector<1000x128xf32>
    %select_n3A = arith.select %gt3A_14, %broadcast_in_dim3A, %broadcast_in_dim3A_16 : vector<1000x128xi1>, vector<1000x128xf32>
    %add3A_17 = arith.addf %add3A, %select_n3A : vector<1000x128xf32>
    %gt3A_18 = arith.constant 0.111111112 : f32
    %gt3A_19 = vector.broadcast %gt3A_18 : f32 to vector<1000x128xf32>
    %gt3A_20 = arith.cmpf ogt, %get3A_7, %gt3A_19 : vector<1000x128xf32>
    %jit3A_21 = arith.constant 3.072000e+05 : f32
    %jit3A_22 = arith.constant 0.000000e+00 : f32
    %broadcast_in_dim3A_23 = vector.broadcast %jit3A_21 : f32 to vector<1000x128xf32>
    %broadcast_in_dim3A_24 = vector.broadcast %jit3A_22 : f32 to vector<1000x128xf32>
    %select_n3A_25 = arith.select %gt3A_20, %broadcast_in_dim3A_23, %broadcast_in_dim3A_24 : vector<1000x128xi1>, vector<1000x128xf32>
    %gt3A_26 = arith.constant 0.222222224 : f32
    %gt3A_27 = vector.broadcast %gt3A_26 : f32 to vector<1000x128xf32>
    %gt3A_28 = arith.cmpf ogt, %get3A_7, %gt3A_27 : vector<1000x128xf32>
    %jit3A_29 = arith.constant 3.072000e+05 : f32
    %jit3A_30 = arith.constant 0.000000e+00 : f32
    %broadcast_in_dim3A_31 = vector.broadcast %jit3A_29 : f32 to vector<1000x128xf32>
    %broadcast_in_dim3A_32 = vector.broadcast %jit3A_30 : f32 to vector<1000x128xf32>
    %select_n3A_33 = arith.select %gt3A_28, %broadcast_in_dim3A_31, %broadcast_in_dim3A_32 : vector<1000x128xi1>, vector<1000x128xf32>
    %gt3A_34 = arith.constant 0.333333343 : f32
    %gt3A_35 = vector.broadcast %gt3A_34 : f32 to vector<1000x128xf32>
    %gt3A_36 = arith.cmpf ogt, %get3A_7, %gt3A_35 : vector<1000x128xf32>
    %jit3A_37 = arith.constant 3.072000e+05 : f32
    %jit3A_38 = arith.constant 0.000000e+00 : f32
    %broadcast_in_dim3A_39 = vector.broadcast %jit3A_37 : f32 to vector<1000x128xf32>
    %broadcast_in_dim3A_40 = vector.broadcast %jit3A_38 : f32 to vector<1000x128xf32>
    %select_n3A_41 = arith.select %gt3A_36, %broadcast_in_dim3A_39, %broadcast_in_dim3A_40 : vector<1000x128xi1>, vector<1000x128xf32>
    %gt3A_42 = arith.constant 0.444444448 : f32
    %gt3A_43 = vector.broadcast %gt3A_42 : f32 to vector<1000x128xf32>
    %gt3A_44 = arith.cmpf ogt, %get3A_7, %gt3A_43 : vector<1000x128xf32>
    %jit3A_45 = arith.constant 3.072000e+05 : f32
    %jit3A_46 = arith.constant 0.000000e+00 : f32
    %broadcast_in_dim3A_47 = vector.broadcast %jit3A_45 : f32 to vector<1000x128xf32>
    %broadcast_in_dim3A_48 = vector.broadcast %jit3A_46 : f32 to vector<1000x128xf32>
    %select_n3A_49 = arith.select %gt3A_44, %broadcast_in_dim3A_47, %broadcast_in_dim3A_48 : vector<1000x128xi1>, vector<1000x128xf32>
    %gt3A_50 = arith.constant 0.555555582 : f32
    %gt3A_51 = vector.broadcast %gt3A_50 : f32 to vector<1000x128xf32>
    %gt3A_52 = arith.cmpf ogt, %get3A_7, %gt3A_51 : vector<1000x128xf32>
    %jit3A_53 = arith.constant 3.072000e+05 : f32
    %jit3A_54 = arith.constant 0.000000e+00 : f32
    %broadcast_in_dim3A_55 = vector.broadcast %jit3A_53 : f32 to vector<1000x128xf32>
    %broadcast_in_dim3A_56 = vector.broadcast %jit3A_54 : f32 to vector<1000x128xf32>
    %select_n3A_57 = arith.select %gt3A_52, %broadcast_in_dim3A_55, %broadcast_in_dim3A_56 : vector<1000x128xi1>, vector<1000x128xf32>
    %gt3A_58 = arith.constant 0.666666686 : f32
    %gt3A_59 = vector.broadcast %gt3A_58 : f32 to vector<1000x128xf32>
    %gt3A_60 = arith.cmpf ogt, %get3A_7, %gt3A_59 : vector<1000x128xf32>
    %jit3A_61 = arith.constant 3.072000e+05 : f32
    %jit3A_62 = arith.constant 0.000000e+00 : f32
    %broadcast_in_dim3A_63 = vector.broadcast %jit3A_61 : f32 to vector<1000x128xf32>
    %broadcast_in_dim3A_64 = vector.broadcast %jit3A_62 : f32 to vector<1000x128xf32>
    %select_n3A_65 = arith.select %gt3A_60, %broadcast_in_dim3A_63, %broadcast_in_dim3A_64 : vector<1000x128xi1>, vector<1000x128xf32>
    %gt3A_66 = arith.constant 0.777777791 : f32
    %gt3A_67 = vector.broadcast %gt3A_66 : f32 to vector<1000x128xf32>
    %gt3A_68 = arith.cmpf ogt, %get3A_7, %gt3A_67 : vector<1000x128xf32>
    %jit3A_69 = arith.constant 3.072000e+05 : f32
    %jit3A_70 = arith.constant 0.000000e+00 : f32
    %broadcast_in_dim3A_71 = vector.broadcast %jit3A_69 : f32 to vector<1000x128xf32>
    %broadcast_in_dim3A_72 = vector.broadcast %jit3A_70 : f32 to vector<1000x128xf32>
    %select_n3A_73 = arith.select %gt3A_68, %broadcast_in_dim3A_71, %broadcast_in_dim3A_72 : vector<1000x128xi1>, vector<1000x128xf32>
    %gt3A_74 = arith.constant 0.888888895 : f32
    %gt3A_75 = vector.broadcast %gt3A_74 : f32 to vector<1000x128xf32>
    %gt3A_76 = arith.cmpf ogt, %get3A_7, %gt3A_75 : vector<1000x128xf32>
    %jit3A_77 = arith.constant 3.072000e+05 : f32
    %jit3A_78 = arith.constant 0.000000e+00 : f32
    %broadcast_in_dim3A_79 = vector.broadcast %jit3A_77 : f32 to vector<1000x128xf32>
    %broadcast_in_dim3A_80 = vector.broadcast %jit3A_78 : f32 to vector<1000x128xf32>
    %select_n3A_81 = arith.select %gt3A_76, %broadcast_in_dim3A_79, %broadcast_in_dim3A_80 : vector<1000x128xi1>, vector<1000x128xf32>
    %add3A_82 = arith.addf %select_n3A_25, %select_n3A_33 : vector<1000x128xf32>
    %add3A_83 = arith.addf %select_n3A_41, %select_n3A_49 : vector<1000x128xf32>
    %add3A_84 = arith.addf %add3A_82, %add3A_83 : vector<1000x128xf32>
    %add3A_85 = arith.addf %select_n3A_57, %select_n3A_65 : vector<1000x128xf32>
    %add3A_86 = arith.addf %select_n3A_73, %select_n3A_81 : vector<1000x128xf32>
    %add3A_87 = arith.addf %add3A_85, %add3A_86 : vector<1000x128xf32>
    %add3A_88 = arith.addf %add3A_84, %add3A_87 : vector<1000x128xf32>
    %add3A_89 = arith.addf %add3A_17, %add3A_88 : vector<1000x128xf32>
    %gt3A_90 = arith.constant 0.000000e+00 : f32
    %gt3A_91 = vector.broadcast %gt3A_90 : f32 to vector<1000x128xf32>
    %gt3A_92 = arith.cmpf ogt, %get3A_7, %gt3A_91 : vector<1000x128xf32>
    %convert_element_type3A = arith.fptosi %add3A_89 : vector<1000x128xf32> to vector<1000x128xi32>
    %jit3A_93 = arith.constant 1073741824 : i32
    %broadcast_in_dim3A_94 = vector.broadcast %jit3A_93 : i32 to vector<1000x128xi32>
    %select_n3A_95 = arith.select %gt3A_92, %convert_element_type3A, %broadcast_in_dim3A_94 : vector<1000x128xi1>, vector<1000x128xi32>
    %swap3A = arith.constant 0 : index
    %swap3A_96 = arith.constant 0 : index
    %swap3A_97 = vector.load %arg5[%swap3A, %swap3A_96] : memref<1000x128xi32, #tpu.memory_space<vmem>>, vector<1000x128xi32>
    tpu.vector_store %arg5[%swap3A, %swap3A_96], %select_n3A_95 {strides = array<i32>} : memref<1000x128xi32, #tpu.memory_space<vmem>>, vector<1000x128xi32>,
    return
  }
  func.func @transform_0(%arg0: i32) -> (i32, i32) {
    %c0_i32 = arith.constant 0 : i32
    %c0_i32_0 = arith.constant 0 : i32
    return %arg0, %c0_i32 : i32, i32
  }
  func.func @transform_1(%arg0: i32) -> (i32, i32) {
    %c0_i32 = arith.constant 0 : i32
    %c0_i32_0 = arith.constant 0 : i32
    return %arg0, %c0_i32 : i32, i32
  }
  func.func @transform_2(%arg0: i32) -> (i32, i32) {
    %c0_i32 = arith.constant 0 : i32
    %c0_i32_0 = arith.constant 0 : i32
    return %arg0, %c0_i32 : i32, i32
  }
  func.func @transform_3(%arg0: i32) -> (i32, i32) {
    %c0_i32 = arith.constant 0 : i32
    %c0_i32_0 = arith.constant 0 : i32
    return %arg0, %c0_i32 : i32, i32
  }
  func.func @transform_4(%arg0: i32) -> (i32, i32) {
    %c0_i32 = arith.constant 0 : i32
    %c0_i32_0 = arith.constant 0 : i32
    return %arg0, %c0_i32 : i32, i32
  }
}

</mosaic_0001>

<sc_bundles>
// kernel: kernel.4.cloned.1.call-start
scs
__scs_entry_jumppad:
0x0: {  	(pc) =	sbr.rel $0x88, $3  }
0x1: {  	(tag) =	ssettag $0x0;
	lr =	simm.s32 $0x1  }
0x2: {  	[smem:$0x3FA0] =	sst lr;
	_ =	strace $0xD0000000  }
0x3: {  	_ = 	snop  }
0x4: {  	_ = 	snop  }
0x5: {  	_ = 	snop  }
0x6: {  	_ = 	snop  }
0x7: {  	_ = 	snop  }
__scs_overlays_trampoline_lowered:
0x8: {  	[smem:$0x3FAF] =	sst s0  }
0x9: {  	[smem:$0x3FB0] =	sst s1  }
0xa: {  	[smem:$0x3FB1] =	sst s2  }
0xb: {  	[smem:$0x3FB2] =	sst s3  }
0xc: {  	[smem:$0x3FB3] =	sst s4  }
0xd: {  	[smem:$0x3FB4] =	sst s5  }
0xe: {  	[smem:$0x3FB5] =	sst s6  }
0xf: {  	[smem:$0x3FB6] =	sst s7  }
0x10: {  	[smem:$0x3FB7] =	sst s8  }
0x11: {  	[smem:$0x3FB8] =	sst s9;
	s0 =	simm.s32 @!p0 $0x0  }
0x12: {  	s1 =	sld [smem:$0x3F9E];
	s0 =	simm.s32 @p0 $0x1  }
0x13: {  	[smem:$0x3FB9] =	sst s0;
	s0 =	simm.s32 @!p1 $0x0  }
0x14: {  	s2 =	sld [smem:$0x3F9D];
	s0 =	simm.s32 @p1 $0x1  }
0x15: {  	[smem:$0x3FBA] =	sst s0;
	s0 =	simm.s32 @!p2 $0x0  }
0x16: {  	s3 =	sld [smem:$0x3FDB];
	s0 =	simm.s32 @p2 $0x1  }
0x17: {  	s4 =	simm.s32 $0x1BF5;
	[smem:$0x3FBC] =	sst s0  }
0x18: {  	s0 =	sld [smem:$0x3F9F];
	_ =	swait.ge [sflag:s4], $0x0  }
0x19: {  	s7 =	sld [smem:$0x3FA0]  }
0x1a: {  	s8 =	sadd.s32 $0xFFFFE003, lr  }
0x1b: {  	s9 =	sadd.s32 $0xFFFFFEF7, lr;
	s5 =	simm.s32 $0xFFFFFFFF;
	p2 =	slt.u32 s8, $0xFFFFF086  }
0x1c: {  	p1 =	slt.u32 s9, $0xF7A;
	s5 =	simm.s32 @!p2 $0x0  }
0x1d: {  	s5 =	simm.s32 @p1 $0x1;
	p0 =	seq.s32 s7, s2  }
0x1e: {  	s7 =	smul.u32 @!p0 $0xF7A, s2;
	p2 =	seq.s32 @!p0 s5, $0x0  }
0x1f: {  	s9 =	smul.u32 $0xF7A, s1;
	s8 =	simm.s32 @!p0 $0x1BF5;
	p2 =	por !p2, p0  }
0x20: {  	[sflag:s8] =	ssyncset.s32 @!p0 $0xFFFFF086;
	s6 =	sadd.s32 @!p0 s3, s7;
	s7 =	simm.s32 @!p0 $0x108  }
0x21: {  	s3 =	sadd.s32 s3, s9;
	s6 =	sadd.s32 @!p0 $0x88, s6;
	s7 =	simm.s32 @p2 $0x1082  }
0x22: {  	[simem:s7], [sflag:s8] =	dma.local @!p0 [hbm:s6], $0xF7A  }
0x23: {  	s9 =	sor.u32 $0xD0000000, s2;
	s6 =	simm.s32 $0x108;
	_ =	swait.ge @!p0 [sflag:s8], $0x0  }
0x24: {  	s3 =	sadd.s32 $0x88, s3;
	s6 =	simm.s32 @!p1 $0x1082;
	[sflag:s4] =	ssyncset.s32 $0xFFFFF086  }
0x25: {  	[simem:s6], [sflag:s4] =	dma.local [hbm:s3], $0xF7A  }
0x26: {  	[smem:$0x3FA0] =	sst s1;
	(tag) =	ssettag s2;
	_ =	strace s9  }
0x27: {  	s1 =	sld [smem:$0x3FB0]  }
0x28: {  	s2 =	sld [smem:$0x3FB1]  }
0x29: {  	s4 =	sld [smem:$0x3FB3]  }
0x2a: {  	p0 =	seq.s32 s5, $0x0;
	s5 =	sld [smem:$0x3FB4]  }
0x2b: {  	s6 =	sld [smem:$0x3FB5]  }
0x2c: {  	s7 =	sld [smem:$0x3FB6]  }
0x2d: {  	s3 =	simm.s32 $0x108;
	s8 =	sld [smem:$0x3FB7]  }
0x2e: {  	s3 =	simm.s32 @!p0 $0x1082;
	s9 =	sld [smem:$0x3FB8]  }
0x2f: {  	lr =	sadd.s32 s0, s3;
	s0 =	sld [smem:$0x3FAF]  }
0x30: {  	s3 =	sld [smem:$0x3FB2]  }
0x31: {  	[smem:$0x3FBB] =	sst s10  }
0x32: {  	s10 =	sld [smem:$0x3FB9];
	_ =	sdelay $0x3  }
0x33: {  	p0 =	seq.s32 s10, $0x1;
	s10 =	sld [smem:$0x3FBB];
	_ =	sdelay $0x3  }
0x34: {  	[smem:$0x3FBB] =	sst s10  }
0x35: {  	s10 =	sld [smem:$0x3FBA];
	_ =	sdelay $0x3  }
0x36: {  	p1 =	seq.s32 s10, $0x1;
	s10 =	sld [smem:$0x3FBB];
	_ =	sdelay $0x3  }
0x37: {  	[smem:$0x3FBB] =	sst s10  }
0x38: {  	s10 =	sld [smem:$0x3FBC]  }
0x39: {  	_ = 	snop;
	(pc) =	sbr.ind lr, $3  }
0x3a: {  	_ = 	snop  }
0x3b: {  	_ = 	snop  }
0x3c: {  	p2 =	seq.s32 s10, $0x1;
	s10 =	sld [smem:$0x3FBB]  }
0x3d: {  	_ =	shalt  }
0x3e: {  	_ =	shalt  }
0x3f: {  	_ =	shalt  }
0x40: {  	_ =	shalt  }
0x41: {  	_ =	shalt  }
0x42: {  	_ =	shalt  }
0x43: {  	_ =	shalt  }
0x44: {  	_ =	shalt  }
0x45: {  	_ =	shalt  }
0x46: {  	_ =	shalt  }
0x47: {  	_ =	shalt  }
0x48: {  	_ =	shalt  }
0x49: {  	_ =	shalt  }
0x4a: {  	_ =	shalt  }
0x4b: {  	_ =	shalt  }
0x4c: {  	_ =	shalt  }
0x4d: {  	_ =	shalt  }
0x4e: {  	_ =	shalt  }
0x4f: {  	_ =	shalt  }
0x50: {  	_ =	shalt  }
0x51: {  	_ =	shalt  }
0x52: {  	_ =	shalt  }
0x53: {  	_ =	shalt  }
0x54: {  	_ =	shalt  }
0x55: {  	_ =	shalt  }
0x56: {  	_ =	shalt  }
0x57: {  	_ =	shalt  }
0x58: {  	_ =	shalt  }
0x59: {  	_ =	shalt  }
0x5a: {  	_ =	shalt  }
0x5b: {  	_ =	shalt  }
0x5c: {  	_ =	shalt  }
0x5d: {  	_ =	shalt  }
0x5e: {  	_ =	shalt  }
0x5f: {  	_ =	shalt  }
0x60: {  	_ =	shalt  }
0x61: {  	_ =	shalt  }
0x62: {  	_ =	shalt  }
0x63: {  	_ =	shalt  }
0x64: {  	_ =	shalt  }
0x65: {  	_ =	shalt  }
0x66: {  	_ =	shalt  }
0x67: {  	_ =	shalt  }
0x68: {  	_ =	shalt  }
0x69: {  	_ =	shalt  }
0x6a: {  	_ =	shalt  }
0x6b: {  	_ =	shalt  }
0x6c: {  	_ =	shalt  }
0x6d: {  	_ =	shalt  }
0x6e: {  	_ =	shalt  }
0x6f: {  	_ =	shalt  }
0x70: {  	_ =	shalt  }
0x71: {  	_ =	shalt  }
0x72: {  	_ =	shalt  }
0x73: {  	_ =	shalt  }
0x74: {  	_ =	shalt  }
0x75: {  	_ =	shalt  }
0x76: {  	_ =	shalt  }
0x77: {  	_ =	shalt  }
0x78: {  	_ =	shalt  }
0x79: {  	_ =	shalt  }
0x7a: {  	_ =	shalt  }
0x7b: {  	_ =	shalt  }
0x7c: {  	_ =	shalt  }
0x7d: {  	_ =	shalt  }
0x7e: {  	_ =	shalt  }
0x7f: {  	_ =	shalt  }
0x80: {  	_ =	shalt  }
0x81: {  	_ =	shalt  }
0x82: {  	_ =	shalt  }
0x83: {  	_ =	shalt  }
0x84: {  	_ =	shalt  }
0x85: {  	_ =	shalt  }
0x86: {  	_ =	shalt  }
0x87: {  	_ =	shalt  }
.Lfunc_end0:
.L_simem_size_0:
called_computation_lowered:
.L_overlay_start_0:
0x88: {  	s2 =	sld [smem:$0x3FD9]  }
0x89: {  	s3 =	sld [smem:$0x3FFE];
	_ =	sdelay $0x1  }
0x8a: {  	s1 =	srdreg.scid  }
0x8b: {  	s0 =	sand.u32 $0x1, s1  }
0x8c: {  	s17 =	sshll.u32 s0, $0xA;
	s2 =	sadd.s32 s3, s2  }
0x8d: {  	s2 =	sadd.s32 s2, s17  }
0x8e: {  	[smem:$0x3FC7] =	sst s2  }
0x8f: {  	_ = 	snop  }
0x90: {  	s2 =	sld [smem:$0x3FD0];
	(tm) =	ssettm $0x1  }
0x91: {  	s18 =	sld [smem:$0x3FFB];
	_ =	sdelay $0x3  }
0x92: {  	_ =	strace s18  }
0x93: {  	s3 =	sld [smem:$0x3FFC];
	_ =	sdelay $0x3  }
0x94: {  	_ =	strace s3  }
0x95: {  	s3 =	sld [smem:$0x3FFD];
	_ =	sdelay $0x3  }
0x96: {  	_ =	strace s3  }
0x97: {  	_ =	strace $0x8FFFFFFF  }
0x98: {  	s19 =	sld [smem:$0x3FDB];
	_ =	sdelay $0x1  }
0x99: {  	s4 =	simm.s32 $_scs_section_size  }
0x9a: {  	s5 =	simm.s32 $_size__tile_overlayer_lowered;
	s6 =	simm.s32 $_tile_overlayer_lowered  }
0x9b: {  	s22 =	simm.s32 $0x1BFF;
	s21 =	sshll.u32 s6, $0x1;
	s3 =	sadd.s32 s4, s19  }
0x9c: {  	s7 =	simm.s32 $0x0;
	s20 =	sshll.u32 s5, $0x1;
	s5 =	sadd.s32 s21, s3  }
0x9d: {  	[timem:s7], [sflag:s22] =	dma.local [hbm:s5], s20  }
0x9e: {  	_ =	swait.ge [sflag:s22], s20  }
0x9f: {  	s4 =	ssub.s32 $0x0, s20;
	[sflag:s22] =	ssyncset.done $0x0  }
0xa0: {  	[sflag:s22] =	ssyncadd.s32 s4;
	_ =	sdelay $0x1  }
0xa1: {  	s23 =	simm.s32 $0x1B8B  }
0xa2: {  	_ =	swait.ge [sflag:s23], $0x1  }
0xa3: {  	[sflag:s23] =	ssyncset.done $0x0  }
0xa4: {  	s25 =	simm.s32 $0x1B8E;
	s24 =	sld [smem:$0x3FFE];
	[sflag:s23] =	ssyncadd.s32 $0xFFFFFFFF  }
0xa5: {  	s26 =	simm.s32 $execute0_lowered;
	[smem:$0x3FD2] =	sst s25  }
0xa6: {  	s5 =	sshll.u32 s26, $0x1;
	_ =	strace $0x80000046;
	[dreg:$0x1] =	wrdreg $0xFFFFFFFF  }
0xa7: {  	s28 =	simm.s32 $_size_execute0_lowered;
	s3 =	sadd.s32 s3, s5;
	[dreg:$0x0] =	wrdreg $0x0  }
0xa8: {  	s5 =	sshll.u32 s28, $0x1;
	[dreg:$0x2] =	wrdreg s3  }
0xa9: {  	[dreg:$0x3] =	wrdreg s5  }
0xaa: {  	[dreg:$0x4] =	wrdreg $0xC0  }
0xab: {  	_ =	task [dreg:s7], $0x5FFFF  }
0xac: {  	[dreg:$0x1] =	wrdreg $0xFFFFFFFF  }
0xad: {  	[dreg:$0x0] =	wrdreg $0x60  }
0xae: {  	[dreg:$0x2] =	wrdreg s2  }
0xaf: {  	[dreg:$0x3] =	wrdreg s24  }
0xb0: {  	[dreg:$0x4] =	wrdreg $0x4A000  }
0xb1: {  	[dreg:$0x5] =	wrdreg $0x9  }
0xb2: {  	_ =	task.clear_ibuf [dreg:s7], $0x6FFFF;
	_ =	strace $0x90000046  }
0xb3: {  	s29 =	simm.s32 $0x9;
	_ =	strace $0x80000048  }
0xb4: {  	_ =	swait.ge [sflag:s29], $0x1  }
0xb5: {  	[sflag:s29] =	ssyncadd.s32 $0xFFFFFFFF  }
0xb6: {  	_ =	strace $0x90000048  }
0xb7: {  	_ =	sfence  }
0xb8: {  	s30 =	sld [smem:$0x0];
	_ =	sdelay $0x2  }
0xb9: {  	s31 =	sshll.u32 s1, $0xD;
	s1 =	sshrl.u32 s1, $0x2  }
0xba: {  	s3 =	sand.u32 $0x4000, s31;
	s1 =	sadd.s32 s1, s30  }
0xbb: {  	s0 =	sor.u32 s3, s0;
	s1 =	sshll.u32 s1, $0x11  }
0xbc: {  	s0 =	sor.u32 s1, s0  }
0xbd: {  	s0 =	sadd.s32 $0x8F2B, s0  }
0xbe: {  	[sflag:s0] =	ssyncadd.remote.s32 $0x1  }
0xbf: {  	_ =	sfence.sel $0xFFFF  }
0xc0: {  	[dreg:$0x0] =	wrdreg $0xFFFFFFFF;
	(pc) =	sbr.abs _section_cstart, $3  }
0xc1: {  	[dreg:$0x1] =	wrdreg $0xFFFFFFFF  }
0xc2: {  	_ =	task.clear_ibuf [dreg:s7], $0x2FFFF;
	_ =	strace $0x9FFFFFFF  }
0xc3: {  	(tm) =	ssettm $0x7FFFFFFF  }
tec
execute0_lowered:
.L_overlay_start_1:
0x0: {  	(tag) =	ssettag $0x1  }
0x1: {  	s1 =	rddreg [dreg:$0x0]  }
0x2: {  	s0 =	rddreg [dreg:$0x1]  }
0x3: {  	s2 =	rddreg [dreg:$0x2]  }
0x4: {  	s4 =	srdreg.scid;
	s3 =	stileid.u32  }
0x5: {  	s28 =	simm.s32 $0x1;
	s29 =	simm.s32 $0x3;
	s30 =	simm.s32 $0x2  }
0x6: {  	s31 =	simm.s32 $0x4;
	s6 =	sand.u32 $0x1, s4;
	s4 =	simm.s32 $0x0  }
0x7: {  	s7 =	smul.u32 $0x15180, s3;
	s24 =	sshll.u32 s3, $0x8;
	s16 =	sor.u32 $0x20, s3  }
0x8: {  	s11 =	sadd.s32 $0x3D000, s1;
	p0 =	sne.s32 s3, $0x0;
	s5 =	ssub.s32 $0x2, s6  }
0x9: {  	[smem:$0x7FF] =	sst s4;
	s6 =	smul.u32 $0x2A3000, s6;
	s15 =	sadd.s32 s1, s24  }
0xa: {  	s24 =	simm.s32 $0x1000;
	s8 =	sshrl.u32 s5, $0x1;
	_ =	strace $0x80000047  }
0xb: {  	[dreg:$0x8] =	wrdreg s11;
	s8 =	ssub.s32 s5, s8;
	s5 =	sadd.s32 s7, s2  }
0xc: {  	s17 =	sadd.s32 $0x151800, s6;
	s25 =	sadd.s32 s7, s6;
	s20 =	sadd.s32 $0x21C0, s5  }
0xd: {  	s10 =	sadd.s32 $0x4380, s5;
	s9 =	sadd.s32 $0x6540, s5;
	s21 =	sadd.s32 $0x8700, s5  }
0xe: {  	s22 =	sadd.s32 $0xA8C0, s5;
	s23 =	sadd.s32 $0xCA80, s5;
	[dreg:$0x4] =	wrdreg s9  }
0xf: {  	s12 =	sadd.s32 $0xEC40, s5;
	s13 =	sadd.s32 $0x10E00, s5;
	[dreg:$0x5] =	wrdreg s21  }
0x10: {  	s14 =	sadd.s32 $0x12FC0, s5;
	s7 =	sadd.s32 s7, s17;
	[dreg:$0x6] =	wrdreg s22  }
.Ltmp0:
0x11: {  	s26 =	smax.u32 s8, $0x1;
	[dreg:$0x7] =	wrdreg s23;
	(pc) =	sbr.rel .LBB2_1-.Ltmp0, $4  }
0x12: {  	s9 =	sshrl.u32 s25, $0x3;
	s7 =	sshrl.u32 s7, $0x3;
	[dreg:$0xb] =	wrdreg s26  }
0x13: {  	s21 =	simm.s32 $0x2800;
	s22 =	simm.s32 $0x5;
	s9 =	sadd.s32 s0, s9  }
0x14: {  	v4 =	vlaneseq.u32;
	v2 =	vimm.f32 $1.000000000e+00;
	v3 =	vimm.f32 $0.0e+00;
	s23 =	simm.s32 $0x800;
	s0 =	sadd.s32 s0, s7;
	[dreg:$0x9] =	wrdreg s9  }
0x15: {  	v4 =	vor.u32 $0x151800, v4;
	v0 =	vmov s6;
	v1 =	vmov s17;
	s25 =	simm.s32 $0x2000;
	s26 =	simm.s32 $0x1800;
	[dreg:$0xa] =	wrdreg s0  }
.LBB2_33:
0x16: {  	[bflag:$0x0] =	sbarrier.arrive $0xFFFF  }
0x17: {  	s6 =	rddreg [dreg:$0xa]  }
0x18: {  	[hbm:s6], [sflag:s0] =	dma.local [spmem:s17], $0x2A30  }
0x19: {  	_ =	swait.ge [sflag:s22], $0x2A30  }
0x1a: {  	s4 =	sadd.s32 $0x1, s4;
	s19 =	rddreg [dreg:$0xb]  }
0x1b: {  	p1 =	sne.s32 s4, s19  }
.Ltmp1:
0x1c: {  	_ = 	snop;
	(pc) =	sbr.rel @!p1 .LBB2_34-.Ltmp1, $3  }
0x1d: {  	_ =	sdelay $0x1  }
0x1e: {  	[sflag:s22] =	ssyncset.done $0x0  }
0x1f: {  	[sflag:s22] =	ssyncadd.s32 $0xFFFFD5D0  }
.LBB2_1:
0x20: {  	[tilespmem:$0x2000] =	vst v2  }
0x21: {  	[tilespmem:$0x2010] =	vst v2  }
0x22: {  	[tilespmem:$0x2020] =	vst v2  }
0x23: {  	[tilespmem:$0x2030] =	vst v2  }
0x24: {  	[tilespmem:$0x2040] =	vst v2  }
0x25: {  	[tilespmem:$0x2050] =	vst v2  }
0x26: {  	[tilespmem:$0x2060] =	vst v2  }
0x27: {  	[tilespmem:$0x2070] =	vst v2  }
0x28: {  	[tilespmem:$0x2080] =	vst v2  }
0x29: {  	[tilespmem:$0x2090] =	vst v2  }
0x2a: {  	[tilespmem:$0x20A0] =	vst v2  }
0x2b: {  	[tilespmem:$0x20B0] =	vst v2  }
0x2c: {  	[tilespmem:$0x20C0] =	vst v2  }
0x2d: {  	[tilespmem:$0x20D0] =	vst v2  }
0x2e: {  	[tilespmem:$0x20E0] =	vst v2  }
0x2f: {  	[tilespmem:$0x20F0] =	vst v2  }
0x30: {  	[tilespmem:$0x2100] =	vst v2  }
0x31: {  	[tilespmem:$0x2110] =	vst v2  }
0x32: {  	[tilespmem:$0x2120] =	vst v2  }
0x33: {  	[tilespmem:$0x2130] =	vst v2  }
0x34: {  	[tilespmem:$0x2140] =	vst v2  }
0x35: {  	[tilespmem:$0x2150] =	vst v2  }
0x36: {  	[tilespmem:$0x2160] =	vst v2  }
0x37: {  	[tilespmem:$0x2170] =	vst v2  }
0x38: {  	[tilespmem:$0x2180] =	vst v2  }
0x39: {  	[tilespmem:$0x2190] =	vst v2  }
0x3a: {  	[tilespmem:$0x21A0] =	vst v2  }
0x3b: {  	[tilespmem:$0x21B0] =	vst v2  }
0x3c: {  	[tilespmem:$0x21C0] =	vst v2  }
0x3d: {  	[tilespmem:$0x21D0] =	vst v2  }
0x3e: {  	[tilespmem:$0x21E0] =	vst v2  }
0x3f: {  	[tilespmem:$0x21F0] =	vst v2  }
0x40: {  	[tilespmem:$0x2200] =	vst v2  }
0x41: {  	[tilespmem:$0x2210] =	vst v2  }
0x42: {  	[tilespmem:$0x2220] =	vst v2  }
0x43: {  	[tilespmem:$0x2230] =	vst v2  }
0x44: {  	[tilespmem:$0x2240] =	vst v2  }
0x45: {  	[tilespmem:$0x2250] =	vst v2  }
0x46: {  	[tilespmem:$0x2260] =	vst v2  }
0x47: {  	[tilespmem:$0x2270] =	vst v2  }
0x48: {  	[tilespmem:$0x2280] =	vst v2  }
0x49: {  	[tilespmem:$0x2290] =	vst v2  }
0x4a: {  	[tilespmem:$0x22A0] =	vst v2  }
0x4b: {  	[tilespmem:$0x22B0] =	vst v2  }
0x4c: {  	[tilespmem:$0x22C0] =	vst v2  }
0x4d: {  	[tilespmem:$0x22D0] =	vst v2  }
0x4e: {  	[tilespmem:$0x22E0] =	vst v2  }
0x4f: {  	[tilespmem:$0x22F0] =	vst v2  }
0x50: {  	[tilespmem:$0x2300] =	vst v2  }
0x51: {  	[tilespmem:$0x2310] =	vst v2  }
0x52: {  	[tilespmem:$0x2320] =	vst v2  }
0x53: {  	[tilespmem:$0x2330] =	vst v2  }
0x54: {  	[tilespmem:$0x2340] =	vst v2  }
0x55: {  	[tilespmem:$0x2350] =	vst v2  }
0x56: {  	[tilespmem:$0x2360] =	vst v2  }
0x57: {  	[tilespmem:$0x2370] =	vst v2  }
0x58: {  	[tilespmem:$0x2380] =	vst v2  }
0x59: {  	[tilespmem:$0x2390] =	vst v2  }
0x5a: {  	[tilespmem:$0x23A0] =	vst v2  }
0x5b: {  	[tilespmem:$0x23B0] =	vst v2  }
0x5c: {  	[tilespmem:$0x23C0] =	vst v2  }
0x5d: {  	[tilespmem:$0x23D0] =	vst v2  }
0x5e: {  	[tilespmem:$0x23E0] =	vst v2  }
0x5f: {  	[tilespmem:$0x23F0] =	vst v2  }
0x60: {  	[tilespmem:$0x2400] =	vst v2  }
0x61: {  	[tilespmem:$0x2410] =	vst v2  }
0x62: {  	[tilespmem:$0x2420] =	vst v2  }
0x63: {  	[tilespmem:$0x2430] =	vst v2  }
0x64: {  	[tilespmem:$0x2440] =	vst v2  }
0x65: {  	[tilespmem:$0x2450] =	vst v2  }
0x66: {  	[tilespmem:$0x2460] =	vst v2  }
0x67: {  	[tilespmem:$0x2470] =	vst v2  }
0x68: {  	[tilespmem:$0x2480] =	vst v2  }
0x69: {  	[tilespmem:$0x2490] =	vst v2  }
0x6a: {  	[tilespmem:$0x24A0] =	vst v2  }
0x6b: {  	[tilespmem:$0x24B0] =	vst v2  }
0x6c: {  	[tilespmem:$0x24C0] =	vst v2  }
0x6d: {  	[tilespmem:$0x24D0] =	vst v2  }
0x6e: {  	[tilespmem:$0x24E0] =	vst v2  }
0x6f: {  	[tilespmem:$0x24F0] =	vst v2  }
0x70: {  	[tilespmem:$0x2500] =	vst v2  }
0x71: {  	[tilespmem:$0x2510] =	vst v2  }
0x72: {  	[tilespmem:$0x2520] =	vst v2  }
0x73: {  	[tilespmem:$0x2530] =	vst v2  }
0x74: {  	[tilespmem:$0x2540] =	vst v2  }
0x75: {  	[tilespmem:$0x2550] =	vst v2  }
0x76: {  	[tilespmem:$0x2560] =	vst v2  }
0x77: {  	[tilespmem:$0x2570] =	vst v2  }
0x78: {  	[tilespmem:$0x2580] =	vst v2  }
0x79: {  	[tilespmem:$0x2590] =	vst v2  }
0x7a: {  	[tilespmem:$0x25A0] =	vst v2  }
0x7b: {  	[tilespmem:$0x25B0] =	vst v2  }
0x7c: {  	[tilespmem:$0x25C0] =	vst v2  }
0x7d: {  	[tilespmem:$0x25D0] =	vst v2  }
0x7e: {  	[tilespmem:$0x25E0] =	vst v2  }
0x7f: {  	[tilespmem:$0x25F0] =	vst v2  }
0x80: {  	[tilespmem:$0x2600] =	vst v2  }
0x81: {  	[tilespmem:$0x2610] =	vst v2  }
0x82: {  	[tilespmem:$0x2620] =	vst v2  }
0x83: {  	[tilespmem:$0x2630] =	vst v2  }
0x84: {  	[tilespmem:$0x2640] =	vst v2  }
0x85: {  	[tilespmem:$0x2650] =	vst v2  }
0x86: {  	[tilespmem:$0x2660] =	vst v2  }
0x87: {  	[tilespmem:$0x2670] =	vst v2  }
0x88: {  	[tilespmem:$0x2680] =	vst v2  }
0x89: {  	[tilespmem:$0x2690] =	vst v2  }
0x8a: {  	[tilespmem:$0x26A0] =	vst v2  }
0x8b: {  	[tilespmem:$0x26B0] =	vst v2  }
0x8c: {  	[tilespmem:$0x26C0] =	vst v2  }
0x8d: {  	[tilespmem:$0x26D0] =	vst v2  }
0x8e: {  	[tilespmem:$0x26E0] =	vst v2  }
0x8f: {  	[tilespmem:$0x26F0] =	vst v2  }
0x90: {  	[tilespmem:$0x2700] =	vst v2  }
0x91: {  	[tilespmem:$0x2710] =	vst v2  }
0x92: {  	[tilespmem:$0x2720] =	vst v2  }
0x93: {  	[tilespmem:$0x2730] =	vst v2  }
0x94: {  	[tilespmem:$0x2740] =	vst v2  }
0x95: {  	[tilespmem:$0x2750] =	vst v2  }
0x96: {  	[tilespmem:$0x2760] =	vst v2  }
0x97: {  	[tilespmem:$0x2770] =	vst v2  }
0x98: {  	[tilespmem:$0x2780] =	vst v2  }
0x99: {  	[tilespmem:$0x2790] =	vst v2  }
0x9a: {  	[tilespmem:$0x27A0] =	vst v2  }
0x9b: {  	[tilespmem:$0x27B0] =	vst v2  }
0x9c: {  	[tilespmem:$0x27C0] =	vst v2  }
0x9d: {  	[tilespmem:$0x27D0] =	vst v2  }
0x9e: {  	[tilespmem:$0x27E0] =	vst v2  }
0x9f: {  	[tilespmem:$0x27F0] =	vst v2  }
0xa0: {  	[tilespmem:$0x2800] =	vst v3  }
0xa1: {  	[tilespmem:$0x2810] =	vst v3  }
0xa2: {  	[tilespmem:$0x2820] =	vst v3  }
0xa3: {  	[tilespmem:$0x2830] =	vst v3  }
0xa4: {  	[tilespmem:$0x2840] =	vst v3  }
0xa5: {  	[tilespmem:$0x2850] =	vst v3  }
0xa6: {  	[tilespmem:$0x2860] =	vst v3  }
0xa7: {  	[tilespmem:$0x2870] =	vst v3  }
0xa8: {  	[tilespmem:$0x2880] =	vst v3  }
0xa9: {  	[tilespmem:$0x2890] =	vst v3  }
0xaa: {  	[tilespmem:$0x28A0] =	vst v3  }
0xab: {  	[tilespmem:$0x28B0] =	vst v3  }
0xac: {  	[tilespmem:$0x28C0] =	vst v3  }
0xad: {  	[tilespmem:$0x28D0] =	vst v3  }
0xae: {  	[tilespmem:$0x28E0] =	vst v3  }
0xaf: {  	[tilespmem:$0x28F0] =	vst v3  }
0xb0: {  	[tilespmem:$0x2900] =	vst v3  }
0xb1: {  	[tilespmem:$0x2910] =	vst v3  }
0xb2: {  	[tilespmem:$0x2920] =	vst v3  }
0xb3: {  	[tilespmem:$0x2930] =	vst v3  }
0xb4: {  	[tilespmem:$0x2940] =	vst v3  }
0xb5: {  	[tilespmem:$0x2950] =	vst v3  }
0xb6: {  	[tilespmem:$0x2960] =	vst v3  }
0xb7: {  	[tilespmem:$0x2970] =	vst v3  }
0xb8: {  	[tilespmem:$0x2980] =	vst v3  }
0xb9: {  	[tilespmem:$0x2990] =	vst v3  }
0xba: {  	[tilespmem:$0x29A0] =	vst v3  }
0xbb: {  	[tilespmem:$0x29B0] =	vst v3  }
0xbc: {  	[tilespmem:$0x29C0] =	vst v3  }
0xbd: {  	[tilespmem:$0x29D0] =	vst v3  }
0xbe: {  	[tilespmem:$0x29E0] =	vst v3  }
0xbf: {  	[tilespmem:$0x29F0] =	vst v3  }
0xc0: {  	[tilespmem:$0x2A00] =	vst v3  }
0xc1: {  	[tilespmem:$0x2A10] =	vst v3  }
0xc2: {  	[tilespmem:$0x2A20] =	vst v3  }
0xc3: {  	[tilespmem:$0x2A30] =	vst v3  }
0xc4: {  	[tilespmem:$0x2A40] =	vst v3  }
0xc5: {  	[tilespmem:$0x2A50] =	vst v3  }
0xc6: {  	[tilespmem:$0x2A60] =	vst v3  }
0xc7: {  	[tilespmem:$0x2A70] =	vst v3  }
0xc8: {  	[tilespmem:$0x2A80] =	vst v3  }
0xc9: {  	[tilespmem:$0x2A90] =	vst v3  }
0xca: {  	[tilespmem:$0x2AA0] =	vst v3  }
0xcb: {  	[tilespmem:$0x2AB0] =	vst v3  }
0xcc: {  	[tilespmem:$0x2AC0] =	vst v3  }
0xcd: {  	[tilespmem:$0x2AD0] =	vst v3  }
0xce: {  	[tilespmem:$0x2AE0] =	vst v3  }
0xcf: {  	[tilespmem:$0x2AF0] =	vst v3  }
0xd0: {  	[tilespmem:$0x2B00] =	vst v3  }
0xd1: {  	[tilespmem:$0x2B10] =	vst v3  }
0xd2: {  	[tilespmem:$0x2B20] =	vst v3  }
0xd3: {  	[tilespmem:$0x2B30] =	vst v3  }
0xd4: {  	[tilespmem:$0x2B40] =	vst v3  }
0xd5: {  	[tilespmem:$0x2B50] =	vst v3  }
0xd6: {  	[tilespmem:$0x2B60] =	vst v3  }
0xd7: {  	[tilespmem:$0x2B70] =	vst v3  }
0xd8: {  	[tilespmem:$0x2B80] =	vst v3  }
0xd9: {  	[tilespmem:$0x2B90] =	vst v3  }
0xda: {  	[tilespmem:$0x2BA0] =	vst v3  }
0xdb: {  	[tilespmem:$0x2BB0] =	vst v3  }
0xdc: {  	[tilespmem:$0x2BC0] =	vst v3  }
0xdd: {  	[tilespmem:$0x2BD0] =	vst v3  }
0xde: {  	[tilespmem:$0x2BE0] =	vst v3  }
0xdf: {  	[tilespmem:$0x2BF0] =	vst v3  }
0xe0: {  	[tilespmem:$0x2C00] =	vst v3  }
0xe1: {  	[tilespmem:$0x2C10] =	vst v3  }
0xe2: {  	[tilespmem:$0x2C20] =	vst v3  }
0xe3: {  	[tilespmem:$0x2C30] =	vst v3  }
0xe4: {  	[tilespmem:$0x2C40] =	vst v3  }
0xe5: {  	[tilespmem:$0x2C50] =	vst v3  }
0xe6: {  	[tilespmem:$0x2C60] =	vst v3  }
0xe7: {  	[tilespmem:$0x2C70] =	vst v3  }
0xe8: {  	[tilespmem:$0x2C80] =	vst v3  }
0xe9: {  	[tilespmem:$0x2C90] =	vst v3  }
0xea: {  	[tilespmem:$0x2CA0] =	vst v3  }
0xeb: {  	[tilespmem:$0x2CB0] =	vst v3  }
0xec: {  	[tilespmem:$0x2CC0] =	vst v3  }
0xed: {  	[tilespmem:$0x2CD0] =	vst v3  }
0xee: {  	[tilespmem:$0x2CE0] =	vst v3  }
0xef: {  	[tilespmem:$0x2CF0] =	vst v3  }
0xf0: {  	[tilespmem:$0x2D00] =	vst v3  }
0xf1: {  	[tilespmem:$0x2D10] =	vst v3  }
0xf2: {  	[tilespmem:$0x2D20] =	vst v3  }
0xf3: {  	[tilespmem:$0x2D30] =	vst v3  }
0xf4: {  	[tilespmem:$0x2D40] =	vst v3  }
0xf5: {  	[tilespmem:$0x2D50] =	vst v3  }
0xf6: {  	[tilespmem:$0x2D60] =	vst v3  }
0xf7: {  	[tilespmem:$0x2D70] =	vst v3  }
0xf8: {  	[tilespmem:$0x2D80] =	vst v3  }
0xf9: {  	[tilespmem:$0x2D90] =	vst v3  }
0xfa: {  	[tilespmem:$0x2DA0] =	vst v3  }
0xfb: {  	[tilespmem:$0x2DB0] =	vst v3  }
0xfc: {  	[tilespmem:$0x2DC0] =	vst v3  }
0xfd: {  	[tilespmem:$0x2DD0] =	vst v3  }
0xfe: {  	[tilespmem:$0x2DE0] =	vst v3  }
0xff: {  	[tilespmem:$0x2DF0] =	vst v3  }
0x100: {  	[tilespmem:$0x2E00] =	vst v3  }
0x101: {  	[tilespmem:$0x2E10] =	vst v3  }
0x102: {  	[tilespmem:$0x2E20] =	vst v3  }
0x103: {  	[tilespmem:$0x2E30] =	vst v3  }
0x104: {  	[tilespmem:$0x2E40] =	vst v3  }
0x105: {  	[tilespmem:$0x2E50] =	vst v3  }
0x106: {  	[tilespmem:$0x2E60] =	vst v3  }
0x107: {  	[tilespmem:$0x2E70] =	vst v3  }
0x108: {  	[tilespmem:$0x2E80] =	vst v3  }
0x109: {  	[tilespmem:$0x2E90] =	vst v3  }
0x10a: {  	[tilespmem:$0x2EA0] =	vst v3  }
0x10b: {  	[tilespmem:$0x2EB0] =	vst v3  }
0x10c: {  	[tilespmem:$0x2EC0] =	vst v3  }
0x10d: {  	[tilespmem:$0x2ED0] =	vst v3  }
0x10e: {  	[tilespmem:$0x2EE0] =	vst v3  }
0x10f: {  	[tilespmem:$0x2EF0] =	vst v3  }
0x110: {  	[tilespmem:$0x2F00] =	vst v3  }
0x111: {  	[tilespmem:$0x2F10] =	vst v3  }
0x112: {  	[tilespmem:$0x2F20] =	vst v3  }
0x113: {  	[tilespmem:$0x2F30] =	vst v3  }
0x114: {  	[tilespmem:$0x2F40] =	vst v3  }
0x115: {  	[tilespmem:$0x2F50] =	vst v3  }
0x116: {  	[tilespmem:$0x2F60] =	vst v3  }
0x117: {  	[tilespmem:$0x2F70] =	vst v3  }
0x118: {  	[tilespmem:$0x2F80] =	vst v3  }
0x119: {  	[tilespmem:$0x2F90] =	vst v3  }
0x11a: {  	[tilespmem:$0x2FA0] =	vst v3  }
0x11b: {  	[tilespmem:$0x2FB0] =	vst v3  }
0x11c: {  	[tilespmem:$0x2FC0] =	vst v3  }
0x11d: {  	[tilespmem:$0x2FD0] =	vst v3  }
0x11e: {  	[tilespmem:$0x2FE0] =	vst v3  }
0x11f: {  	[tilespmem:$0x2FF0] =	vst v3  }
0x120: {  	[tilespmem:$0x3000] =	vst v3  }
0x121: {  	[tilespmem:$0x3010] =	vst v3  }
0x122: {  	[tilespmem:$0x3020] =	vst v3  }
0x123: {  	[tilespmem:$0x3030] =	vst v3  }
0x124: {  	[tilespmem:$0x3040] =	vst v3  }
0x125: {  	[tilespmem:$0x3050] =	vst v3  }
0x126: {  	[tilespmem:$0x3060] =	vst v3  }
0x127: {  	[tilespmem:$0x3070] =	vst v3  }
0x128: {  	[tilespmem:$0x3080] =	vst v3  }
0x129: {  	[tilespmem:$0x3090] =	vst v3  }
0x12a: {  	[tilespmem:$0x30A0] =	vst v3  }
0x12b: {  	[tilespmem:$0x30B0] =	vst v3  }
0x12c: {  	[tilespmem:$0x30C0] =	vst v3  }
0x12d: {  	[tilespmem:$0x30D0] =	vst v3  }
0x12e: {  	[tilespmem:$0x30E0] =	vst v3  }
0x12f: {  	[tilespmem:$0x30F0] =	vst v3  }
0x130: {  	[tilespmem:$0x3100] =	vst v3  }
0x131: {  	[tilespmem:$0x3110] =	vst v3  }
0x132: {  	[tilespmem:$0x3120] =	vst v3  }
0x133: {  	[tilespmem:$0x3130] =	vst v3  }
0x134: {  	[tilespmem:$0x3140] =	vst v3  }
0x135: {  	[tilespmem:$0x3150] =	vst v3  }
0x136: {  	[tilespmem:$0x3160] =	vst v3  }
0x137: {  	[tilespmem:$0x3170] =	vst v3  }
0x138: {  	[tilespmem:$0x3180] =	vst v3  }
0x139: {  	[tilespmem:$0x3190] =	vst v3  }
0x13a: {  	[tilespmem:$0x31A0] =	vst v3  }
0x13b: {  	[tilespmem:$0x31B0] =	vst v3  }
0x13c: {  	[tilespmem:$0x31C0] =	vst v3  }
0x13d: {  	[tilespmem:$0x31D0] =	vst v3  }
0x13e: {  	[tilespmem:$0x31E0] =	vst v3  }
0x13f: {  	[tilespmem:$0x31F0] =	vst v3  }
0x140: {  	[tilespmem:$0x3200] =	vst v3  }
0x141: {  	[tilespmem:$0x3210] =	vst v3  }
0x142: {  	[tilespmem:$0x3220] =	vst v3  }
0x143: {  	[tilespmem:$0x3230] =	vst v3  }
0x144: {  	[tilespmem:$0x3240] =	vst v3  }
0x145: {  	[tilespmem:$0x3250] =	vst v3  }
0x146: {  	[tilespmem:$0x3260] =	vst v3  }
0x147: {  	[tilespmem:$0x3270] =	vst v3  }
0x148: {  	[tilespmem:$0x3280] =	vst v3  }
0x149: {  	[tilespmem:$0x3290] =	vst v3  }
0x14a: {  	[tilespmem:$0x32A0] =	vst v3  }
0x14b: {  	[tilespmem:$0x32B0] =	vst v3  }
0x14c: {  	[tilespmem:$0x32C0] =	vst v3  }
0x14d: {  	[tilespmem:$0x32D0] =	vst v3  }
0x14e: {  	[tilespmem:$0x32E0] =	vst v3  }
0x14f: {  	[tilespmem:$0x32F0] =	vst v3  }
0x150: {  	[tilespmem:$0x3300] =	vst v3  }
0x151: {  	[tilespmem:$0x3310] =	vst v3  }
0x152: {  	[tilespmem:$0x3320] =	vst v3  }
0x153: {  	[tilespmem:$0x3330] =	vst v3  }
0x154: {  	[tilespmem:$0x3340] =	vst v3  }
0x155: {  	[tilespmem:$0x3350] =	vst v3  }
0x156: {  	[tilespmem:$0x3360] =	vst v3  }
0x157: {  	[tilespmem:$0x3370] =	vst v3  }
0x158: {  	[tilespmem:$0x3380] =	vst v3  }
0x159: {  	[tilespmem:$0x3390] =	vst v3  }
0x15a: {  	[tilespmem:$0x33A0] =	vst v3  }
0x15b: {  	[tilespmem:$0x33B0] =	vst v3  }
0x15c: {  	[tilespmem:$0x33C0] =	vst v3  }
0x15d: {  	[tilespmem:$0x33D0] =	vst v3  }
0x15e: {  	[tilespmem:$0x33E0] =	vst v3  }
0x15f: {  	[tilespmem:$0x33F0] =	vst v3  }
0x160: {  	[tilespmem:$0x3400] =	vst v3  }
0x161: {  	[tilespmem:$0x3410] =	vst v3  }
0x162: {  	[tilespmem:$0x3420] =	vst v3  }
0x163: {  	[tilespmem:$0x3430] =	vst v3  }
0x164: {  	[tilespmem:$0x3440] =	vst v3  }
0x165: {  	[tilespmem:$0x3450] =	vst v3  }
0x166: {  	[tilespmem:$0x3460] =	vst v3  }
0x167: {  	[tilespmem:$0x3470] =	vst v3  }
0x168: {  	[tilespmem:$0x3480] =	vst v3  }
0x169: {  	[tilespmem:$0x3490] =	vst v3  }
0x16a: {  	[tilespmem:$0x34A0] =	vst v3  }
0x16b: {  	[tilespmem:$0x34B0] =	vst v3  }
0x16c: {  	[tilespmem:$0x34C0] =	vst v3  }
0x16d: {  	[tilespmem:$0x34D0] =	vst v3  }
0x16e: {  	[tilespmem:$0x34E0] =	vst v3  }
0x16f: {  	[tilespmem:$0x34F0] =	vst v3  }
0x170: {  	[tilespmem:$0x3500] =	vst v3  }
0x171: {  	[tilespmem:$0x3510] =	vst v3  }
0x172: {  	[tilespmem:$0x3520] =	vst v3  }
0x173: {  	[tilespmem:$0x3530] =	vst v3  }
0x174: {  	[tilespmem:$0x3540] =	vst v3  }
0x175: {  	[tilespmem:$0x3550] =	vst v3  }
0x176: {  	[tilespmem:$0x3560] =	vst v3  }
0x177: {  	[tilespmem:$0x3570] =	vst v3  }
0x178: {  	[tilespmem:$0x3580] =	vst v3  }
0x179: {  	[tilespmem:$0x3590] =	vst v3  }
0x17a: {  	[tilespmem:$0x35A0] =	vst v3  }
0x17b: {  	[tilespmem:$0x35B0] =	vst v3  }
0x17c: {  	[tilespmem:$0x35C0] =	vst v3  }
0x17d: {  	[tilespmem:$0x35D0] =	vst v3  }
0x17e: {  	[tilespmem:$0x35E0] =	vst v3  }
0x17f: {  	[tilespmem:$0x35F0] =	vst v3  }
0x180: {  	[tilespmem:$0x3600] =	vst v3  }
0x181: {  	[tilespmem:$0x3610] =	vst v3  }
0x182: {  	[tilespmem:$0x3620] =	vst v3  }
0x183: {  	[tilespmem:$0x3630] =	vst v3  }
0x184: {  	[tilespmem:$0x3640] =	vst v3  }
0x185: {  	[tilespmem:$0x3650] =	vst v3  }
0x186: {  	[tilespmem:$0x3660] =	vst v3  }
0x187: {  	[tilespmem:$0x3670] =	vst v3  }
0x188: {  	[tilespmem:$0x3680] =	vst v3  }
0x189: {  	[tilespmem:$0x3690] =	vst v3  }
0x18a: {  	[tilespmem:$0x36A0] =	vst v3  }
0x18b: {  	[tilespmem:$0x36B0] =	vst v3  }
0x18c: {  	[tilespmem:$0x36C0] =	vst v3  }
0x18d: {  	[tilespmem:$0x36D0] =	vst v3  }
0x18e: {  	[tilespmem:$0x36E0] =	vst v3  }
0x18f: {  	[tilespmem:$0x36F0] =	vst v3  }
0x190: {  	[tilespmem:$0x3700] =	vst v3  }
0x191: {  	[tilespmem:$0x3710] =	vst v3  }
0x192: {  	[tilespmem:$0x3720] =	vst v3  }
0x193: {  	[tilespmem:$0x3730] =	vst v3  }
0x194: {  	[tilespmem:$0x3740] =	vst v3  }
0x195: {  	[tilespmem:$0x3750] =	vst v3  }
0x196: {  	[tilespmem:$0x3760] =	vst v3  }
0x197: {  	[tilespmem:$0x3770] =	vst v3  }
0x198: {  	[tilespmem:$0x3780] =	vst v3  }
0x199: {  	[tilespmem:$0x3790] =	vst v3  }
0x19a: {  	[tilespmem:$0x37A0] =	vst v3  }
0x19b: {  	[tilespmem:$0x37B0] =	vst v3  }
0x19c: {  	[tilespmem:$0x37C0] =	vst v3  }
0x19d: {  	[tilespmem:$0x37D0] =	vst v3  }
0x19e: {  	[tilespmem:$0x37E0] =	vst v3  }
0x19f: {  	[tilespmem:$0x37F0] =	vst v3  }
0x1a0: {  	[tilespmem:$0x3800] =	vst v3  }
0x1a1: {  	[tilespmem:$0x3810] =	vst v3  }
0x1a2: {  	[tilespmem:$0x3820] =	vst v3  }
0x1a3: {  	[tilespmem:$0x3830] =	vst v3  }
0x1a4: {  	[tilespmem:$0x3840] =	vst v3  }
0x1a5: {  	[tilespmem:$0x3850] =	vst v3  }
0x1a6: {  	[tilespmem:$0x3860] =	vst v3  }
0x1a7: {  	[tilespmem:$0x3870] =	vst v3  }
0x1a8: {  	[tilespmem:$0x3880] =	vst v3  }
0x1a9: {  	[tilespmem:$0x3890] =	vst v3  }
0x1aa: {  	[tilespmem:$0x38A0] =	vst v3  }
0x1ab: {  	[tilespmem:$0x38B0] =	vst v3  }
0x1ac: {  	[tilespmem:$0x38C0] =	vst v3  }
0x1ad: {  	[tilespmem:$0x38D0] =	vst v3  }
0x1ae: {  	[tilespmem:$0x38E0] =	vst v3  }
0x1af: {  	[tilespmem:$0x38F0] =	vst v3  }
0x1b0: {  	[tilespmem:$0x3900] =	vst v3  }
0x1b1: {  	[tilespmem:$0x3910] =	vst v3  }
0x1b2: {  	[tilespmem:$0x3920] =	vst v3  }
0x1b3: {  	[tilespmem:$0x3930] =	vst v3  }
0x1b4: {  	[tilespmem:$0x3940] =	vst v3  }
0x1b5: {  	[tilespmem:$0x3950] =	vst v3  }
0x1b6: {  	[tilespmem:$0x3960] =	vst v3  }
0x1b7: {  	[tilespmem:$0x3970] =	vst v3  }
0x1b8: {  	[tilespmem:$0x3980] =	vst v3  }
0x1b9: {  	[tilespmem:$0x3990] =	vst v3  }
0x1ba: {  	[tilespmem:$0x39A0] =	vst v3  }
0x1bb: {  	[tilespmem:$0x39B0] =	vst v3  }
0x1bc: {  	[tilespmem:$0x39C0] =	vst v3  }
0x1bd: {  	[tilespmem:$0x39D0] =	vst v3  }
0x1be: {  	[tilespmem:$0x39E0] =	vst v3  }
0x1bf: {  	[tilespmem:$0x39F0] =	vst v3  }
0x1c0: {  	[tilespmem:$0x3A00] =	vst v3  }
0x1c1: {  	[tilespmem:$0x3A10] =	vst v3  }
0x1c2: {  	[tilespmem:$0x3A20] =	vst v3  }
0x1c3: {  	[tilespmem:$0x3A30] =	vst v3  }
0x1c4: {  	[tilespmem:$0x3A40] =	vst v3  }
0x1c5: {  	[tilespmem:$0x3A50] =	vst v3  }
0x1c6: {  	[tilespmem:$0x3A60] =	vst v3  }
0x1c7: {  	[tilespmem:$0x3A70] =	vst v3  }
0x1c8: {  	[tilespmem:$0x3A80] =	vst v3  }
0x1c9: {  	[tilespmem:$0x3A90] =	vst v3  }
0x1ca: {  	[tilespmem:$0x3AA0] =	vst v3  }
0x1cb: {  	[tilespmem:$0x3AB0] =	vst v3  }
0x1cc: {  	[tilespmem:$0x3AC0] =	vst v3  }
0x1cd: {  	[tilespmem:$0x3AD0] =	vst v3  }
0x1ce: {  	[tilespmem:$0x3AE0] =	vst v3  }
0x1cf: {  	[tilespmem:$0x3AF0] =	vst v3  }
0x1d0: {  	[tilespmem:$0x3B00] =	vst v3  }
0x1d1: {  	[tilespmem:$0x3B10] =	vst v3  }
0x1d2: {  	[tilespmem:$0x3B20] =	vst v3  }
0x1d3: {  	[tilespmem:$0x3B30] =	vst v3  }
0x1d4: {  	[tilespmem:$0x3B40] =	vst v3  }
0x1d5: {  	[tilespmem:$0x3B50] =	vst v3  }
0x1d6: {  	[tilespmem:$0x3B60] =	vst v3  }
0x1d7: {  	[tilespmem:$0x3B70] =	vst v3  }
0x1d8: {  	[tilespmem:$0x3B80] =	vst v3  }
0x1d9: {  	[tilespmem:$0x3B90] =	vst v3  }
0x1da: {  	[tilespmem:$0x3BA0] =	vst v3  }
0x1db: {  	[tilespmem:$0x3BB0] =	vst v3  }
0x1dc: {  	[tilespmem:$0x3BC0] =	vst v3  }
0x1dd: {  	[tilespmem:$0x3BD0] =	vst v3  }
0x1de: {  	[tilespmem:$0x3BE0] =	vst v3  }
0x1df: {  	[tilespmem:$0x3BF0] =	vst v3  }
0x1e0: {  	[tilespmem:$0x3C00] =	vst v3  }
0x1e1: {  	[tilespmem:$0x3C10] =	vst v3  }
0x1e2: {  	[tilespmem:$0x3C20] =	vst v3  }
0x1e3: {  	[tilespmem:$0x3C30] =	vst v3  }
0x1e4: {  	[tilespmem:$0x3C40] =	vst v3  }
0x1e5: {  	[tilespmem:$0x3C50] =	vst v3  }
0x1e6: {  	[tilespmem:$0x49A0] =	vst v3  }
0x1e7: {  	[tilespmem:$0x4990] =	vst v3  }
0x1e8: {  	[tilespmem:$0x4980] =	vst v3  }
0x1e9: {  	[tilespmem:$0x4970] =	vst v3  }
0x1ea: {  	[tilespmem:$0x3C60] =	vst v3  }
0x1eb: {  	[tilespmem:$0x3C70] =	vst v3  }
0x1ec: {  	[tilespmem:$0x3C80] =	vst v3  }
0x1ed: {  	[tilespmem:$0x3C90] =	vst v3  }
0x1ee: {  	[tilespmem:$0x3CA0] =	vst v3  }
0x1ef: {  	[tilespmem:$0x3CB0] =	vst v3  }
0x1f0: {  	[tilespmem:$0x3CC0] =	vst v3  }
0x1f1: {  	[tilespmem:$0x3CD0] =	vst v3  }
0x1f2: {  	[tilespmem:$0x3CE0] =	vst v3  }
0x1f3: {  	[tilespmem:$0x3CF0] =	vst v3  }
0x1f4: {  	[tilespmem:$0x3D00] =	vst v3  }
0x1f5: {  	[tilespmem:$0x3D10] =	vst v3  }
0x1f6: {  	[tilespmem:$0x3D20] =	vst v3  }
0x1f7: {  	[tilespmem:$0x3D30] =	vst v3  }
0x1f8: {  	[tilespmem:$0x3D40] =	vst v3  }
0x1f9: {  	[tilespmem:$0x3D50] =	vst v3  }
0x1fa: {  	[tilespmem:$0x3D60] =	vst v3  }
0x1fb: {  	[tilespmem:$0x3D70] =	vst v3  }
0x1fc: {  	[tilespmem:$0x3D80] =	vst v3  }
0x1fd: {  	[tilespmem:$0x3D90] =	vst v3  }
0x1fe: {  	[tilespmem:$0x3DA0] =	vst v3  }
0x1ff: {  	[tilespmem:$0x3DB0] =	vst v3  }
0x200: {  	[tilespmem:$0x3DC0] =	vst v3  }
0x201: {  	[tilespmem:$0x3DD0] =	vst v3  }
0x202: {  	[tilespmem:$0x3DE0] =	vst v3  }
0x203: {  	[tilespmem:$0x3DF0] =	vst v3  }
0x204: {  	[tilespmem:$0x3E00] =	vst v3  }
0x205: {  	[tilespmem:$0x3E10] =	vst v3  }
0x206: {  	[tilespmem:$0x3E20] =	vst v3  }
0x207: {  	[tilespmem:$0x3E30] =	vst v3  }
0x208: {  	[tilespmem:$0x3E40] =	vst v3  }
0x209: {  	[tilespmem:$0x3E50] =	vst v3  }
0x20a: {  	[tilespmem:$0x3E60] =	vst v3  }
0x20b: {  	[tilespmem:$0x3E70] =	vst v3  }
0x20c: {  	[tilespmem:$0x3E80] =	vst v3  }
0x20d: {  	[tilespmem:$0x3E90] =	vst v3  }
0x20e: {  	[tilespmem:$0x3EA0] =	vst v3  }
0x20f: {  	[tilespmem:$0x3EB0] =	vst v3  }
0x210: {  	[tilespmem:$0x3EC0] =	vst v3  }
0x211: {  	[tilespmem:$0x3ED0] =	vst v3  }
0x212: {  	[tilespmem:$0x3EE0] =	vst v3  }
0x213: {  	[tilespmem:$0x3EF0] =	vst v3  }
0x214: {  	[tilespmem:$0x3F00] =	vst v3  }
0x215: {  	[tilespmem:$0x3F10] =	vst v3  }
0x216: {  	[tilespmem:$0x3F20] =	vst v3  }
0x217: {  	[tilespmem:$0x3F30] =	vst v3  }
0x218: {  	[tilespmem:$0x3F40] =	vst v3  }
0x219: {  	[tilespmem:$0x3F50] =	vst v3  }
0x21a: {  	[tilespmem:$0x3F60] =	vst v3  }
0x21b: {  	[tilespmem:$0x3F70] =	vst v3  }
0x21c: {  	[tilespmem:$0x3F80] =	vst v3  }
0x21d: {  	[tilespmem:$0x3F90] =	vst v3  }
0x21e: {  	[tilespmem:$0x3FA0] =	vst v3  }
0x21f: {  	[tilespmem:$0x3FB0] =	vst v3  }
0x220: {  	[tilespmem:$0x3FC0] =	vst v3  }
0x221: {  	[tilespmem:$0x3FD0] =	vst v3  }
0x222: {  	[tilespmem:$0x3FE0] =	vst v3  }
0x223: {  	[tilespmem:$0x3FF0] =	vst v3  }
0x224: {  	[tilespmem:$0x4000] =	vst v3  }
0x225: {  	[tilespmem:$0x4010] =	vst v3  }
0x226: {  	[tilespmem:$0x4020] =	vst v3  }
0x227: {  	[tilespmem:$0x4030] =	vst v3  }
0x228: {  	[tilespmem:$0x4040] =	vst v3  }
0x229: {  	[tilespmem:$0x4050] =	vst v3  }
0x22a: {  	[tilespmem:$0x4060] =	vst v3  }
0x22b: {  	[tilespmem:$0x4070] =	vst v3  }
0x22c: {  	[tilespmem:$0x4080] =	vst v3  }
0x22d: {  	[tilespmem:$0x4090] =	vst v3  }
0x22e: {  	[tilespmem:$0x40A0] =	vst v3  }
0x22f: {  	[tilespmem:$0x40B0] =	vst v3  }
0x230: {  	[tilespmem:$0x40C0] =	vst v3  }
0x231: {  	[tilespmem:$0x40D0] =	vst v3  }
0x232: {  	[tilespmem:$0x40E0] =	vst v3  }
0x233: {  	[tilespmem:$0x40F0] =	vst v3  }
0x234: {  	[tilespmem:$0x4100] =	vst v3  }
0x235: {  	[tilespmem:$0x4110] =	vst v3  }
0x236: {  	[tilespmem:$0x4120] =	vst v3  }
0x237: {  	[tilespmem:$0x4130] =	vst v3  }
0x238: {  	[tilespmem:$0x4140] =	vst v3  }
0x239: {  	[tilespmem:$0x4150] =	vst v3  }
0x23a: {  	[tilespmem:$0x4160] =	vst v3  }
0x23b: {  	[tilespmem:$0x4170] =	vst v3  }
0x23c: {  	[tilespmem:$0x4180] =	vst v3  }
0x23d: {  	[tilespmem:$0x4190] =	vst v3  }
0x23e: {  	[tilespmem:$0x41A0] =	vst v3  }
0x23f: {  	[tilespmem:$0x41B0] =	vst v3  }
0x240: {  	[tilespmem:$0x41C0] =	vst v3  }
0x241: {  	[tilespmem:$0x41D0] =	vst v3  }
0x242: {  	[tilespmem:$0x41E0] =	vst v3  }
0x243: {  	[tilespmem:$0x41F0] =	vst v3  }
0x244: {  	[tilespmem:$0x4200] =	vst v3  }
0x245: {  	[tilespmem:$0x4210] =	vst v3  }
0x246: {  	[tilespmem:$0x4220] =	vst v3  }
0x247: {  	[tilespmem:$0x4230] =	vst v3  }
0x248: {  	[tilespmem:$0x4240] =	vst v3  }
0x249: {  	[tilespmem:$0x4250] =	vst v3  }
0x24a: {  	[tilespmem:$0x4260] =	vst v3  }
0x24b: {  	[tilespmem:$0x4270] =	vst v3  }
0x24c: {  	[tilespmem:$0x4280] =	vst v3  }
0x24d: {  	[tilespmem:$0x4290] =	vst v3  }
0x24e: {  	[tilespmem:$0x42A0] =	vst v3  }
0x24f: {  	[tilespmem:$0x42B0] =	vst v3  }
0x250: {  	[tilespmem:$0x42C0] =	vst v3  }
0x251: {  	[tilespmem:$0x42D0] =	vst v3  }
0x252: {  	[tilespmem:$0x42E0] =	vst v3  }
0x253: {  	[tilespmem:$0x42F0] =	vst v3  }
0x254: {  	[tilespmem:$0x4300] =	vst v3  }
0x255: {  	[tilespmem:$0x4310] =	vst v3  }
0x256: {  	[tilespmem:$0x4320] =	vst v3  }
0x257: {  	[tilespmem:$0x4330] =	vst v3  }
0x258: {  	[tilespmem:$0x4340] =	vst v3  }
0x259: {  	[tilespmem:$0x4350] =	vst v3  }
0x25a: {  	[tilespmem:$0x4360] =	vst v3  }
0x25b: {  	[tilespmem:$0x4370] =	vst v3  }
0x25c: {  	[tilespmem:$0x4380] =	vst v3  }
0x25d: {  	[tilespmem:$0x4390] =	vst v3  }
0x25e: {  	[tilespmem:$0x43A0] =	vst v3  }
0x25f: {  	[tilespmem:$0x43B0] =	vst v3  }
0x260: {  	[tilespmem:$0x43C0] =	vst v3  }
0x261: {  	[tilespmem:$0x43D0] =	vst v3  }
0x262: {  	[tilespmem:$0x43E0] =	vst v3  }
0x263: {  	[tilespmem:$0x43F0] =	vst v3  }
0x264: {  	[tilespmem:$0x4400] =	vst v3  }
0x265: {  	[tilespmem:$0x4410] =	vst v3  }
0x266: {  	[tilespmem:$0x4420] =	vst v3  }
0x267: {  	[tilespmem:$0x4430] =	vst v3  }
0x268: {  	[tilespmem:$0x4440] =	vst v3  }
0x269: {  	[tilespmem:$0x4450] =	vst v3  }
0x26a: {  	[tilespmem:$0x4460] =	vst v3  }
0x26b: {  	[tilespmem:$0x4470] =	vst v3  }
0x26c: {  	[tilespmem:$0x4480] =	vst v3  }
0x26d: {  	[tilespmem:$0x4490] =	vst v3  }
0x26e: {  	[tilespmem:$0x44A0] =	vst v3  }
0x26f: {  	[tilespmem:$0x44B0] =	vst v3  }
0x270: {  	[tilespmem:$0x44C0] =	vst v3  }
0x271: {  	[tilespmem:$0x44D0] =	vst v3  }
0x272: {  	[tilespmem:$0x44E0] =	vst v3  }
0x273: {  	[tilespmem:$0x44F0] =	vst v3  }
0x274: {  	[tilespmem:$0x4500] =	vst v3  }
0x275: {  	[tilespmem:$0x4510] =	vst v3  }
0x276: {  	[tilespmem:$0x4520] =	vst v3  }
0x277: {  	[tilespmem:$0x4530] =	vst v3  }
0x278: {  	[tilespmem:$0x4540] =	vst v3  }
0x279: {  	[tilespmem:$0x4550] =	vst v3  }
0x27a: {  	[tilespmem:$0x4560] =	vst v3  }
0x27b: {  	[tilespmem:$0x4570] =	vst v3  }
0x27c: {  	[tilespmem:$0x4580] =	vst v3  }
0x27d: {  	[tilespmem:$0x4590] =	vst v3  }
0x27e: {  	[tilespmem:$0x45A0] =	vst v3  }
0x27f: {  	[tilespmem:$0x45B0] =	vst v3  }
0x280: {  	[tilespmem:$0x45C0] =	vst v3  }
0x281: {  	[tilespmem:$0x45D0] =	vst v3  }
0x282: {  	[tilespmem:$0x45E0] =	vst v3  }
0x283: {  	[tilespmem:$0x45F0] =	vst v3  }
0x284: {  	[tilespmem:$0x4600] =	vst v3  }
0x285: {  	[tilespmem:$0x4610] =	vst v3  }
0x286: {  	[tilespmem:$0x4620] =	vst v3  }
0x287: {  	[tilespmem:$0x4630] =	vst v3  }
0x288: {  	[tilespmem:$0x4640] =	vst v3  }
0x289: {  	[tilespmem:$0x4650] =	vst v3  }
0x28a: {  	[tilespmem:$0x4660] =	vst v3  }
0x28b: {  	[tilespmem:$0x4670] =	vst v3  }
0x28c: {  	[tilespmem:$0x4680] =	vst v3  }
0x28d: {  	[tilespmem:$0x4690] =	vst v3  }
0x28e: {  	[tilespmem:$0x46A0] =	vst v3  }
0x28f: {  	[tilespmem:$0x46B0] =	vst v3  }
0x290: {  	[tilespmem:$0x46C0] =	vst v3  }
0x291: {  	[tilespmem:$0x46D0] =	vst v3  }
0x292: {  	[tilespmem:$0x46E0] =	vst v3  }
0x293: {  	[tilespmem:$0x46F0] =	vst v3  }
0x294: {  	[tilespmem:$0x4700] =	vst v3  }
0x295: {  	[tilespmem:$0x4710] =	vst v3  }
0x296: {  	[tilespmem:$0x4720] =	vst v3  }
0x297: {  	[tilespmem:$0x4730] =	vst v3  }
0x298: {  	[tilespmem:$0x4740] =	vst v3  }
0x299: {  	[tilespmem:$0x4750] =	vst v3  }
0x29a: {  	[tilespmem:$0x4760] =	vst v3  }
0x29b: {  	[tilespmem:$0x4770] =	vst v3  }
0x29c: {  	[tilespmem:$0x4780] =	vst v3  }
0x29d: {  	[tilespmem:$0x4790] =	vst v3  }
0x29e: {  	[tilespmem:$0x47A0] =	vst v3  }
0x29f: {  	[tilespmem:$0x47B0] =	vst v3  }
0x2a0: {  	[tilespmem:$0x47C0] =	vst v3  }
0x2a1: {  	[tilespmem:$0x47D0] =	vst v3  }
0x2a2: {  	[tilespmem:$0x47E0] =	vst v3  }
0x2a3: {  	[tilespmem:$0x47F0] =	vst v3  }
0x2a4: {  	[tilespmem:$0x4800] =	vst v3  }
0x2a5: {  	[tilespmem:$0x4810] =	vst v3  }
0x2a6: {  	[tilespmem:$0x4820] =	vst v3  }
0x2a7: {  	[tilespmem:$0x4830] =	vst v3  }
0x2a8: {  	[tilespmem:$0x4840] =	vst v3  }
0x2a9: {  	[tilespmem:$0x4850] =	vst v3  }
0x2aa: {  	[tilespmem:$0x4860] =	vst v3  }
0x2ab: {  	[tilespmem:$0x4870] =	vst v3  }
0x2ac: {  	[tilespmem:$0x4880] =	vst v3  }
0x2ad: {  	[tilespmem:$0x4890] =	vst v3  }
0x2ae: {  	[tilespmem:$0x48A0] =	vst v3  }
0x2af: {  	[tilespmem:$0x48B0] =	vst v3  }
0x2b0: {  	[tilespmem:$0x48C0] =	vst v3  }
0x2b1: {  	[tilespmem:$0x48D0] =	vst v3  }
0x2b2: {  	[tilespmem:$0x48E0] =	vst v3  }
0x2b3: {  	[tilespmem:$0x48F0] =	vst v3  }
0x2b4: {  	[tilespmem:$0x4900] =	vst v3  }
0x2b5: {  	[tilespmem:$0x4910] =	vst v3  }
0x2b6: {  	[tilespmem:$0x4920] =	vst v3  }
0x2b7: {  	[tilespmem:$0x4930] =	vst v3  }
0x2b8: {  	[tilespmem:$0x4940] =	vst v3  }
0x2b9: {  	[tilespmem:$0x4950] =	vst v3  }
0x2ba: {  	[tilespmem:$0x4960] =	vst v3  }
0x2bb: {  	[tilespmem:$0x49B0] =	vst v3  }
0x2bc: {  	[spmem:s5] =	stream.linear.scatter [tilespmem:s21], [sflag:$0x5], $0x21C0, $0x38;
	[tilespmem:$0x19C00] =	vst v63  }
0x2bd: {  	_ =	swait.ge [sflag:s22], $0x21C0  }
0x2be: {  	[sflag:s22] =	ssyncset.done $0x0  }
0x2bf: {  	[sflag:s22] =	ssyncadd.s32 $0xFFFFDE40  }
0x2c0: {  	[spmem:s20] =	stream.linear.scatter [tilespmem:s21], [sflag:$0x5], $0x21C0, $0x38;
	[tilespmem:$0x19C00] =	vst v63  }
0x2c1: {  	_ =	swait.ge [sflag:s22], $0x21C0  }
0x2c2: {  	[sflag:s22] =	ssyncset.done $0x0  }
0x2c3: {  	[sflag:s22] =	ssyncadd.s32 $0xFFFFDE40  }
0x2c4: {  	[spmem:s10] =	stream.linear.scatter [tilespmem:s21], [sflag:$0x5], $0x21C0, $0x38;
	[tilespmem:$0x19C00] =	vst v63  }
0x2c5: {  	_ =	swait.ge [sflag:s22], $0x21C0  }
0x2c6: {  	[sflag:s22] =	ssyncset.done $0x0  }
0x2c7: {  	s0 =	rddreg [dreg:$0x4];
	[sflag:s22] =	ssyncadd.s32 $0xFFFFDE40  }
0x2c8: {  	[spmem:s0] =	stream.linear.scatter [tilespmem:s21], [sflag:$0x5], $0x21C0, $0x38;
	[tilespmem:$0x19C00] =	vst v63  }
0x2c9: {  	_ =	swait.ge [sflag:s22], $0x21C0  }
0x2ca: {  	[sflag:s22] =	ssyncset.done $0x0  }
0x2cb: {  	s17 =	rddreg [dreg:$0x5];
	[sflag:s22] =	ssyncadd.s32 $0xFFFFDE40  }
0x2cc: {  	[spmem:s17] =	stream.linear.scatter [tilespmem:s21], [sflag:$0x5], $0x21C0, $0x38;
	[tilespmem:$0x19C00] =	vst v63  }
0x2cd: {  	_ =	swait.ge [sflag:s22], $0x21C0  }
0x2ce: {  	[sflag:s22] =	ssyncset.done $0x0  }
0x2cf: {  	s18 =	rddreg [dreg:$0x6];
	[sflag:s22] =	ssyncadd.s32 $0xFFFFDE40  }
0x2d0: {  	[spmem:s18] =	stream.linear.scatter [tilespmem:s21], [sflag:$0x5], $0x21C0, $0x38;
	[tilespmem:$0x19C00] =	vst v63  }
0x2d1: {  	_ =	swait.ge [sflag:s22], $0x21C0  }
0x2d2: {  	[sflag:s22] =	ssyncset.done $0x0  }
0x2d3: {  	s19 =	rddreg [dreg:$0x7];
	[sflag:s22] =	ssyncadd.s32 $0xFFFFDE40  }
0x2d4: {  	[spmem:s19] =	stream.linear.scatter [tilespmem:s21], [sflag:$0x5], $0x21C0, $0x38;
	[tilespmem:$0x19C00] =	vst v63  }
0x2d5: {  	_ =	swait.ge [sflag:s22], $0x21C0  }
0x2d6: {  	[sflag:s22] =	ssyncset.done $0x0  }
0x2d7: {  	[sflag:s22] =	ssyncadd.s32 $0xFFFFDE40  }
0x2d8: {  	[spmem:s12] =	stream.linear.scatter [tilespmem:s21], [sflag:$0x5], $0x21C0, $0x38;
	[tilespmem:$0x19C00] =	vst v63  }
0x2d9: {  	_ =	swait.ge [sflag:s22], $0x21C0  }
0x2da: {  	[sflag:s22] =	ssyncset.done $0x0  }
0x2db: {  	[sflag:s22] =	ssyncadd.s32 $0xFFFFDE40  }
0x2dc: {  	[spmem:s13] =	stream.linear.scatter [tilespmem:s21], [sflag:$0x5], $0x21C0, $0x38;
	[tilespmem:$0x19C00] =	vst v63  }
0x2dd: {  	_ =	swait.ge [sflag:s22], $0x21C0  }
0x2de: {  	[sflag:s22] =	ssyncset.done $0x0  }
0x2df: {  	[sflag:s22] =	ssyncadd.s32 $0xFFFFDE40  }
0x2e0: {  	[spmem:s14] =	stream.linear.scatter [tilespmem:s21], [sflag:$0x5], $0x21C0, $0x38;
	[tilespmem:$0x19C00] =	vst v63  }
0x2e1: {  	_ =	swait.ge [sflag:s22], $0x21C0  }
0x2e2: {  	[sflag:s22] =	ssyncset.done $0x0  }
0x2e3: {  	s6 =	simm.s32 $0x0;
	s0 =	simm.s32 $0x1000;
	[sflag:s22] =	ssyncadd.s32 $0xFFFFDE40  }
.LBB2_2:
0x2e4: {  	p1 =	sne.s32 s6, $0x7F0  }
.Ltmp2:
0x2e5: {  	_ = 	snop;
	(pc) =	sbr.rel @p1 .LBB2_2-.Ltmp2, $3  }
0x2e6: {  	_ =	sdelay $0x1  }
0x2e7: {  	v5 =	vor.u32 s6, v4  }
0x2e8: {  	s6 =	sadd.s32 $0x10, s6;
	[tilespmem:s0+$0x0] =	vst v5;
	s0 =	sadd.s32 $0x10, s0  }
0x2e9: {  	s6 =	simm.s32 $0x0  }
0x2ea: {  	s0 =	simm.s32 $0x1800;
	v5 =	vor.u32 s6, v4  }
0x2eb: {  	s6 =	simm.s32 $0x10;
	[tilespmem:s0+$0x0] =	vst v5  }
.LBB2_4:
0x2ec: {  	p1 =	sne.s32 s6, $0x7F0  }
.Ltmp3:
0x2ed: {  	_ = 	snop;
	(pc) =	sbr.rel @p1 .LBB2_4-.Ltmp3, $3  }
0x2ee: {  	_ =	sdelay $0x1  }
0x2ef: {  	v5 =	vor.u32 s6, v4;
	s6 =	sadd.s32 $0x10, s6;
	s0 =	sadd.s32 $0x10, s0  }
0x2f0: {  	[tilespmem:s0+$0x0] =	vst v5  }
0x2f1: {  	[bflag:$0x0] =	sbarrier.arrive $0xFFFF  }
0x2f2: {  	[spmem:s2] =	stream.indirect.scatter [tilespmem:s25], [sflag:$0x3], $0x1, s24, s23, $0xb8;
	[tilespmem:$0x19C00] =	vst v63  }
0x2f3: {  	_ = 	snop  }
0x2f4: {  	[spmem:s2] =	stream.indirect.scatter [tilespmem:s25], [sflag:$0x4], $0x1, s26, s23, $0xb8;
	[tilespmem:$0x19C00] =	vst v63  }
0x2f5: {  	s0 =	simm.s32 $0x0;
	s17 =	simm.s32 $0x0  }
0x2f6: {  	[tilespmem:s0], [sflag:$0x1] =	stream.linear.gather [hbm4b:s15+s0], $0x800, $0x38;
	[tilespmem:$0x19C00] =	vst v63  }
.LBB2_6:
0x2f7: {  	s18 =	sshll.u32 s17, $0x5  }
0x2f8: {  	s6 =	sor.u32 s3, s18  }
0x2f9: {  	s6 =	sshll.u32 s6, $0x8  }
0x2fa: {  	s6 =	sadd.s32 s6, s1  }
0x2fb: {  	s6 =	sadd.s32 $0x1000, s6  }
0x2fc: {  	[tilespmem:s23], [sflag:$0x2] =	stream.linear.gather [hbm4b:s6+s0], $0x800, $0x38;
	[tilespmem:$0x19C00] =	vst v63  }
0x2fd: {  	_ =	swait.ge [sflag:s28], $0x800  }
0x2fe: {  	[sflag:s28] =	ssyncset.done $0x0  }
0x2ff: {  	[sflag:s28] =	ssyncadd.s32 $0xFFFFF800  }
0x300: {  	_ =	swait.ge [sflag:s29], $0x800  }
0x301: {  	[sflag:s29] =	ssyncset.done $0x0  }
0x302: {  	[sflag:s29] =	ssyncadd.s32 $0xFFFFF800  }
0x303: {  	v5 =	vld [tilespmem:s0+$0x0];
	_ =	sdelay $0x4  }
0x304: {  	v5 =	vsub.s32 v5, v0  }
0x305: {  	v6 =	vor.u32 s0, v4;
	vm0 =	vlt.u32 v5, $0x151800  }
0x306: {  	s19 =	simm.s32 $0x1000;
	v5 =	vsel vm0, v5, v6  }
0x307: {  	s6 =	simm.s32 $0x10;
	[tilespmem:s19+$0x0] =	vst v5  }
0x308: {  	s7 =	simm.s32 $0x20;
	s8 =	simm.s32 $0x10;
	v5 =	vld [tilespmem:s6+$0x0]  }
.LBB2_7:
0x309: {  	p1 =	sne.s32 s7, $0x7F0;
	_ =	sdelay $0x3  }
.Ltmp4:
0x30a: {  	v5 =	vsub.s32 v5, v0;
	(pc) =	sbr.rel @p1 .LBB2_7-.Ltmp4, $4  }
0x30b: {  	v6 =	vor.u32 s6, v4;
	s6 =	smov.u32 s7;
	vm0 =	vlt.u32 v5, $0x151800  }
0x30c: {  	s19 =	sadd.s32 $0x10, s19;
	v5 =	vsel vm0, v5, v6  }
0x30d: {  	s8 =	sadd.s32 $0x10, s8;
	[tilespmem:s19+$0x0] =	vst v5  }
0x30e: {  	s7 =	sadd.s32 $0x10, s7;
	v5 =	vld [tilespmem:s8+$0x0]  }
0x30f: {  	_ =	sdelay $0x3  }
0x310: {  	v5 =	vsub.s32 v5, v0  }
0x311: {  	v6 =	vor.u32 s6, v4;
	vm0 =	vlt.u32 v5, $0x151800  }
0x312: {  	s11 =	sadd.s32 $0x10, s19;
	s7 =	sadd.s32 s16, s18;
	v5 =	vsel vm0, v5, v6  }
0x313: {  	s19 =	simm.s32 $0x800;
	s7 =	sshll.u32 s7, $0x8;
	[tilespmem:s11+$0x0] =	vst v5  }
0x314: {  	[spmem:s2] =	stream.indirect.scatter [tilespmem:s25], [sflag:$0x3], $0x1, s24, s19, $0xb8;
	[tilespmem:$0x19C00] =	vst v63  }
0x315: {  	s8 =	simm.s32 $0x0;
	s7 =	sadd.s32 s1, s7  }
0x316: {  	[tilespmem:s8], [sflag:$0x1] =	stream.linear.gather [hbm4b:s7+s8], $0x800, $0x38;
	[tilespmem:$0x19C00] =	vst v63  }
0x317: {  	_ =	swait.ge [sflag:s30], $0x800  }
0x318: {  	[sflag:s30] =	ssyncset.done $0x0  }
0x319: {  	[sflag:s30] =	ssyncadd.s32 $0xFFFFF800  }
0x31a: {  	_ =	swait.ge [sflag:s31], $0x800  }
0x31b: {  	[sflag:s31] =	ssyncset.done $0x0  }
0x31c: {  	[sflag:s31] =	ssyncadd.s32 $0xFFFFF800  }
0x31d: {  	v5 =	vld [tilespmem:s19+$0x0];
	_ =	sdelay $0x4  }
0x31e: {  	v5 =	vsub.s32 v5, v0  }
0x31f: {  	v6 =	vor.u32 s8, v4;
	vm15 =	vlt.u32 v5, $0x151800  }
0x320: {  	s18 =	simm.s32 $0x1800;
	v5 =	vsel vm15, v5, v6  }
0x321: {  	s7 =	simm.s32 $0x810;
	[tilespmem:s18+$0x0] =	vst v5  }
0x322: {  	s6 =	simm.s32 $0x10;
	s8 =	simm.s32 $0x20;
	v5 =	vld [tilespmem:s7+$0x0]  }
.LBB2_9:
0x323: {  	p1 =	sne.s32 s8, $0x7F0;
	_ =	sdelay $0x3  }
.Ltmp5:
0x324: {  	v5 =	vsub.s32 v5, v0;
	(pc) =	sbr.rel @p1 .LBB2_9-.Ltmp5, $4  }
0x325: {  	v6 =	vor.u32 s6, v4;
	s6 =	smov.u32 s8;
	vm0 =	vlt.u32 v5, $0x151800  }
0x326: {  	s18 =	sadd.s32 $0x10, s18;
	v5 =	vsel vm0, v5, v6  }
0x327: {  	s7 =	sadd.s32 $0x10, s7;
	[tilespmem:s18+$0x0] =	vst v5  }
0x328: {  	s8 =	sadd.s32 $0x10, s8;
	v5 =	vld [tilespmem:s7+$0x0]  }
0x329: {  	_ =	sdelay $0x1  }
0x32a: {  	s17 =	sadd.s32 $0x1, s17  }
0x32b: {  	p1 =	sne.s32 s17, $0x1E  }
.Ltmp6:
0x32c: {  	v5 =	vsub.s32 v5, v0;
	(pc) =	sbr.rel @p1 .LBB2_6-.Ltmp6, $4  }
0x32d: {  	v6 =	vor.u32 s6, v4;
	vm0 =	vlt.u32 v5, $0x151800  }
0x32e: {  	s19 =	sadd.s32 $0x10, s18;
	v5 =	vsel vm0, v5, v6  }
0x32f: {  	[tilespmem:s19+$0x0] =	vst v5  }
0x330: {  	[spmem:s2] =	stream.indirect.scatter [tilespmem:s25], [sflag:$0x4], $0x1, s26, s23, $0xb8;
	[tilespmem:$0x19C00] =	vst v63  }
0x331: {  	_ =	swait.ge [sflag:s28], $0x800  }
0x332: {  	[sflag:s28] =	ssyncset.done $0x0  }
0x333: {  	[sflag:s28] =	ssyncadd.s32 $0xFFFFF800  }
0x334: {  	_ =	swait.ge [sflag:s29], $0x800  }
0x335: {  	[sflag:s29] =	ssyncset.done $0x0  }
0x336: {  	s0 =	simm.s32 $0x0;
	[sflag:s29] =	ssyncadd.s32 $0xFFFFF800  }
0x337: {  	v5 =	vld [tilespmem:s0+$0x0];
	_ =	sdelay $0x4  }
0x338: {  	v5 =	vsub.s32 v5, v0  }
0x339: {  	v6 =	vor.u32 s0, v4;
	vm0 =	vlt.u32 v5, $0x151800  }
0x33a: {  	s0 =	simm.s32 $0x1000;
	v5 =	vsel vm0, v5, v6  }
0x33b: {  	s6 =	simm.s32 $0x10;
	[tilespmem:s0+$0x0] =	vst v5  }
0x33c: {  	s7 =	simm.s32 $0x20;
	s8 =	simm.s32 $0x10;
	v5 =	vld [tilespmem:s6+$0x0]  }
.LBB2_12:
0x33d: {  	p1 =	sne.s32 s7, $0x7F0;
	_ =	sdelay $0x3  }
.Ltmp7:
0x33e: {  	v5 =	vsub.s32 v5, v0;
	(pc) =	sbr.rel @p1 .LBB2_12-.Ltmp7, $4  }
0x33f: {  	v6 =	vor.u32 s6, v4;
	s6 =	smov.u32 s7;
	vm0 =	vlt.u32 v5, $0x151800  }
0x340: {  	s0 =	sadd.s32 $0x10, s0;
	v5 =	vsel vm0, v5, v6  }
0x341: {  	s8 =	sadd.s32 $0x10, s8;
	[tilespmem:s0+$0x0] =	vst v5  }
0x342: {  	s7 =	sadd.s32 $0x10, s7;
	v5 =	vld [tilespmem:s8+$0x0]  }
0x343: {  	_ =	sdelay $0x3  }
0x344: {  	v5 =	vsub.s32 v5, v0  }
0x345: {  	v6 =	vor.u32 s6, v4;
	vm0 =	vlt.u32 v5, $0x151800  }
0x346: {  	s0 =	sadd.s32 $0x10, s0;
	v5 =	vsel vm0, v5, v6  }
0x347: {  	[tilespmem:s0+$0x0] =	vst v5  }
0x348: {  	[spmem:s2] =	stream.indirect.scatter [tilespmem:s25], [sflag:$0x3], $0x1, s24, s23, $0xb8;
	[tilespmem:$0x19C00] =	vst v63  }
0x349: {  	_ =	swait.ge [sflag:s29], $0x800  }
.Ltmp8:
0x34a: {  	[sflag:s29] =	ssyncset.done $0x0;
	(pc) =	sbr.rel @p0 .LBB2_17-.Ltmp8, $4  }
0x34b: {  	[sflag:s29] =	ssyncadd.s32 $0xFFFFF800  }
0x34c: {  	_ =	swait.ge [sflag:s31], $0x800  }
0x34d: {  	[sflag:s31] =	ssyncset.done $0x0  }
0x34e: {  	[sflag:s31] =	ssyncadd.s32 $0xFFFFF800  }
0x34f: {  	s0 =	simm.s32 $0x0;
	s6 =	simm.s32 $0x800;
	s7 =	rddreg [dreg:$0x8]  }
0x350: {  	[tilespmem:s6], [sflag:$0x5] =	stream.linear.gather [hbm4b:s7+s0], $0x480, $0x38;
	[tilespmem:$0x19C00] =	vst v63  }
0x351: {  	_ =	swait.ge [sflag:s22], $0x480  }
0x352: {  	[sflag:s22] =	ssyncset.done $0x0  }
0x353: {  	[sflag:s22] =	ssyncadd.s32 $0xFFFFFB80  }
0x354: {  	v5 =	vld [tilespmem:s6+$0x0];
	_ =	sdelay $0x4  }
0x355: {  	v5 =	vsub.s32 v5, v0  }
0x356: {  	v6 =	vor.u32 s0, v4;
	vm0 =	vlt.u32 v5, $0x151800  }
0x357: {  	s0 =	simm.s32 $0x1800;
	v5 =	vsel vm0, v5, v6  }
0x358: {  	s7 =	simm.s32 $0x810;
	[tilespmem:s0+$0x0] =	vst v5  }
0x359: {  	s8 =	simm.s32 $0x20;
	s6 =	simm.s32 $0x10;
	v5 =	vld [tilespmem:s7+$0x0]  }
.LBB2_15:
0x35a: {  	p1 =	sne.s32 s8, $0x470;
	_ =	sdelay $0x3  }
.Ltmp9:
0x35b: {  	v5 =	vsub.s32 v5, v0;
	(pc) =	sbr.rel @p1 .LBB2_15-.Ltmp9, $4  }
0x35c: {  	v6 =	vor.u32 s6, v4;
	s6 =	smov.u32 s8;
	vm0 =	vlt.u32 v5, $0x151800  }
0x35d: {  	s0 =	sadd.s32 $0x10, s0;
	v5 =	vsel vm0, v5, v6  }
0x35e: {  	s7 =	sadd.s32 $0x10, s7;
	[tilespmem:s0+$0x0] =	vst v5  }
0x35f: {  	s8 =	sadd.s32 $0x10, s8;
	v5 =	vld [tilespmem:s7+$0x0]  }
0x360: {  	_ =	sdelay $0x3  }
0x361: {  	v5 =	vsub.s32 v5, v0  }
0x362: {  	v6 =	vor.u32 s6, v4;
	vm0 =	vlt.u32 v5, $0x151800  }
0x363: {  	s0 =	sadd.s32 $0x10, s0;
	v5 =	vsel vm0, v5, v6  }
0x364: {  	[tilespmem:s0+$0x0] =	vst v5  }
0x365: {  	[spmem:s2] =	stream.indirect.scatter [tilespmem:s25], [sflag:$0x5], $0x1, s26, s23, $0xb8;
	[tilespmem:$0x19C00] =	vst v63  }
0x366: {  	_ =	swait.ge [sflag:s22], $0x800  }
0x367: {  	[sflag:s22] =	ssyncset.done $0x0  }
0x368: {  	[sflag:s22] =	ssyncadd.s32 $0xFFFFF800  }
.LBB2_17:
0x369: {  	s0 =	sshll.u32 s3, $0x6;
	[bflag:$0x0] =	sbarrier.arrive $0xFFFF  }
0x36a: {  	s17 =	sshrl.u32 s5, $0x3;
	s0 =	sor.u32 $0x1C05, s0;
	s6 =	rddreg [dreg:$0x9]  }
0x36b: {  	[hbm:s6], [sflag:s0] =	dma.local [spmem:s17], $0x2A30  }
0x36c: {  	_ =	swait.ge [sflag:s22], $0x2A30  }
0x36d: {  	[sflag:s22] =	ssyncset.done $0x0  }
0x36e: {  	[sflag:s22] =	ssyncadd.s32 $0xFFFFD5D0  }
0x36f: {  	[spmem:s5] =	stream.linear.scatter [tilespmem:s21], [sflag:$0x5], $0x21C0, $0x38;
	[tilespmem:$0x19C00] =	vst v63  }
0x370: {  	_ =	swait.ge [sflag:s22], $0x21C0  }
0x371: {  	[sflag:s22] =	ssyncset.done $0x0  }
0x372: {  	[sflag:s22] =	ssyncadd.s32 $0xFFFFDE40  }
0x373: {  	[spmem:s20] =	stream.linear.scatter [tilespmem:s21], [sflag:$0x5], $0x21C0, $0x38;
	[tilespmem:$0x19C00] =	vst v63  }
0x374: {  	_ =	swait.ge [sflag:s22], $0x21C0  }
0x375: {  	[sflag:s22] =	ssyncset.done $0x0  }
0x376: {  	[sflag:s22] =	ssyncadd.s32 $0xFFFFDE40  }
0x377: {  	[spmem:s10] =	stream.linear.scatter [tilespmem:s21], [sflag:$0x5], $0x21C0, $0x38;
	[tilespmem:$0x19C00] =	vst v63  }
0x378: {  	_ =	swait.ge [sflag:s22], $0x21C0  }
0x379: {  	[sflag:s22] =	ssyncset.done $0x0  }
0x37a: {  	s9 =	rddreg [dreg:$0x4];
	[sflag:s22] =	ssyncadd.s32 $0xFFFFDE40  }
0x37b: {  	[spmem:s9] =	stream.linear.scatter [tilespmem:s21], [sflag:$0x5], $0x21C0, $0x38;
	[tilespmem:$0x19C00] =	vst v63  }
0x37c: {  	_ =	swait.ge [sflag:s22], $0x21C0  }
0x37d: {  	[sflag:s22] =	ssyncset.done $0x0  }
0x37e: {  	s11 =	smov.u32 s10;
	s10 =	rddreg [dreg:$0x5];
	[sflag:s22] =	ssyncadd.s32 $0xFFFFDE40  }
0x37f: {  	[spmem:s10] =	stream.linear.scatter [tilespmem:s21], [sflag:$0x5], $0x21C0, $0x38;
	[tilespmem:$0x19C00] =	vst v63  }
0x380: {  	_ =	swait.ge [sflag:s22], $0x21C0  }
0x381: {  	[sflag:s22] =	ssyncset.done $0x0  }
0x382: {  	s18 =	rddreg [dreg:$0x6];
	[sflag:s22] =	ssyncadd.s32 $0xFFFFDE40  }
0x383: {  	[spmem:s18] =	stream.linear.scatter [tilespmem:s21], [sflag:$0x5], $0x21C0, $0x38;
	[tilespmem:$0x19C00] =	vst v63  }
0x384: {  	_ =	swait.ge [sflag:s22], $0x21C0  }
0x385: {  	[sflag:s22] =	ssyncset.done $0x0  }
0x386: {  	s19 =	rddreg [dreg:$0x7];
	[sflag:s22] =	ssyncadd.s32 $0xFFFFDE40  }
0x387: {  	[spmem:s19] =	stream.linear.scatter [tilespmem:s21], [sflag:$0x5], $0x21C0, $0x38;
	[tilespmem:$0x19C00] =	vst v63  }
0x388: {  	_ =	swait.ge [sflag:s22], $0x21C0  }
0x389: {  	[sflag:s22] =	ssyncset.done $0x0  }
0x38a: {  	[sflag:s22] =	ssyncadd.s32 $0xFFFFDE40  }
0x38b: {  	[spmem:s12] =	stream.linear.scatter [tilespmem:s21], [sflag:$0x5], $0x21C0, $0x38;
	[tilespmem:$0x19C00] =	vst v63  }
0x38c: {  	_ =	swait.ge [sflag:s22], $0x21C0  }
0x38d: {  	[sflag:s22] =	ssyncset.done $0x0  }
0x38e: {  	[sflag:s22] =	ssyncadd.s32 $0xFFFFDE40  }
0x38f: {  	[spmem:s13] =	stream.linear.scatter [tilespmem:s21], [sflag:$0x5], $0x21C0, $0x38;
	[tilespmem:$0x19C00] =	vst v63  }
0x390: {  	_ =	swait.ge [sflag:s22], $0x21C0  }
0x391: {  	[sflag:s22] =	ssyncset.done $0x0  }
0x392: {  	[sflag:s22] =	ssyncadd.s32 $0xFFFFDE40  }
0x393: {  	[spmem:s14] =	stream.linear.scatter [tilespmem:s21], [sflag:$0x5], $0x21C0, $0x38;
	[tilespmem:$0x19C00] =	vst v63  }
0x394: {  	_ =	swait.ge [sflag:s22], $0x21C0  }
0x395: {  	s7 =	simm.s32 $0x0;
	[sflag:s22] =	ssyncset.done $0x0  }
0x396: {  	s8 =	simm.s32 $0x0;
	s6 =	simm.s32 $0x1000;
	[sflag:s22] =	ssyncadd.s32 $0xFFFFDE40  }
.LBB2_18:
0x397: {  	p1 =	sne.s32 s8, $0x7F0  }
.Ltmp10:
0x398: {  	_ = 	snop;
	(pc) =	sbr.rel @p1 .LBB2_18-.Ltmp10, $3  }
0x399: {  	_ =	sdelay $0x1  }
0x39a: {  	v5 =	vor.u32 s8, v4  }
0x39b: {  	s8 =	sadd.s32 $0x10, s8;
	[tilespmem:s6+$0x0] =	vst v5;
	s6 =	sadd.s32 $0x10, s6  }
0x39c: {  	s6 =	simm.s32 $0x1800;
	v5 =	vor.u32 s7, v4  }
0x39d: {  	s10 =	smov.u32 s20;
	s7 =	simm.s32 $0x10;
	[tilespmem:s6+$0x0] =	vst v5  }
.LBB2_20:
0x39e: {  	p1 =	sne.s32 s7, $0x7F0  }
.Ltmp11:
0x39f: {  	_ = 	snop;
	(pc) =	sbr.rel @p1 .LBB2_20-.Ltmp11, $3  }
0x3a0: {  	_ =	sdelay $0x1  }
0x3a1: {  	v5 =	vor.u32 s7, v4;
	s7 =	sadd.s32 $0x10, s7;
	s6 =	sadd.s32 $0x10, s6  }
0x3a2: {  	[tilespmem:s6+$0x0] =	vst v5  }
0x3a3: {  	[bflag:$0x0] =	sbarrier.arrive $0xFFFF  }
0x3a4: {  	[spmem:s2] =	stream.indirect.scatter [tilespmem:s25], [sflag:$0x3], $0x1, s24, s23, $0xb8;
	[tilespmem:$0x19C00] =	vst v63  }
0x3a5: {  	_ = 	snop  }
0x3a6: {  	[spmem:s2] =	stream.indirect.scatter [tilespmem:s25], [sflag:$0x4], $0x1, s26, s23, $0xb8;
	[tilespmem:$0x19C00] =	vst v63  }
0x3a7: {  	s18 =	simm.s32 $0x0;
	s19 =	simm.s32 $0x0  }
0x3a8: {  	[tilespmem:s18], [sflag:$0x1] =	stream.linear.gather [hbm4b:s15+s18], $0x800, $0x38;
	[tilespmem:$0x19C00] =	vst v63  }
.LBB2_22:
0x3a9: {  	s20 =	sshll.u32 s19, $0x5  }
0x3aa: {  	s6 =	sor.u32 s3, s20  }
0x3ab: {  	s6 =	sshll.u32 s6, $0x8  }
0x3ac: {  	s6 =	sadd.s32 s6, s1  }
0x3ad: {  	s6 =	sadd.s32 $0x1000, s6  }
0x3ae: {  	[tilespmem:s23], [sflag:$0x2] =	stream.linear.gather [hbm4b:s6+s18], $0x800, $0x38;
	[tilespmem:$0x19C00] =	vst v63  }
0x3af: {  	_ =	swait.ge [sflag:s28], $0x800  }
0x3b0: {  	[sflag:s28] =	ssyncset.done $0x0  }
0x3b1: {  	[sflag:s28] =	ssyncadd.s32 $0xFFFFF800  }
0x3b2: {  	_ =	swait.ge [sflag:s29], $0x800  }
0x3b3: {  	[sflag:s29] =	ssyncset.done $0x0  }
0x3b4: {  	[sflag:s29] =	ssyncadd.s32 $0xFFFFF800  }
0x3b5: {  	v5 =	vld [tilespmem:s18+$0x0];
	_ =	sdelay $0x4  }
0x3b6: {  	v5 =	vsub.s32 v5, v1  }
0x3b7: {  	v6 =	vor.u32 s18, v4;
	vm0 =	vlt.u32 v5, $0x151800  }
0x3b8: {  	s6 =	simm.s32 $0x1000;
	v5 =	vsel vm0, v5, v6  }
0x3b9: {  	s7 =	simm.s32 $0x10;
	[tilespmem:s6+$0x0] =	vst v5  }
0x3ba: {  	s8 =	simm.s32 $0x20;
	s9 =	simm.s32 $0x10;
	v5 =	vld [tilespmem:s7+$0x0]  }
.LBB2_23:
0x3bb: {  	p1 =	sne.s32 s8, $0x7F0;
	_ =	sdelay $0x3  }
.Ltmp12:
0x3bc: {  	v5 =	vsub.s32 v5, v1;
	(pc) =	sbr.rel @p1 .LBB2_23-.Ltmp12, $4  }
0x3bd: {  	v6 =	vor.u32 s7, v4;
	s7 =	smov.u32 s8;
	vm0 =	vlt.u32 v5, $0x151800  }
0x3be: {  	s6 =	sadd.s32 $0x10, s6;
	v5 =	vsel vm0, v5, v6  }
0x3bf: {  	s9 =	sadd.s32 $0x10, s9;
	[tilespmem:s6+$0x0] =	vst v5  }
0x3c0: {  	s8 =	sadd.s32 $0x10, s8;
	v5 =	vld [tilespmem:s9+$0x0]  }
0x3c1: {  	_ =	sdelay $0x3  }
0x3c2: {  	v5 =	vsub.s32 v5, v1  }
0x3c3: {  	v6 =	vor.u32 s7, v4;
	vm0 =	vlt.u32 v5, $0x151800  }
0x3c4: {  	s6 =	sadd.s32 $0x10, s6;
	s20 =	sadd.s32 s16, s20;
	v5 =	vsel vm0, v5, v6  }
0x3c5: {  	s9 =	simm.s32 $0x800;
	s7 =	sshll.u32 s20, $0x8;
	[tilespmem:s6+$0x0] =	vst v5  }
0x3c6: {  	[spmem:s2] =	stream.indirect.scatter [tilespmem:s25], [sflag:$0x3], $0x1, s24, s9, $0xb8;
	[tilespmem:$0x19C00] =	vst v63  }
0x3c7: {  	s8 =	simm.s32 $0x0;
	s7 =	sadd.s32 s1, s7  }
0x3c8: {  	[tilespmem:s8], [sflag:$0x1] =	stream.linear.gather [hbm4b:s7+s8], $0x800, $0x38;
	[tilespmem:$0x19C00] =	vst v63  }
0x3c9: {  	_ =	swait.ge [sflag:s30], $0x800  }
0x3ca: {  	[sflag:s30] =	ssyncset.done $0x0  }
0x3cb: {  	[sflag:s30] =	ssyncadd.s32 $0xFFFFF800  }
0x3cc: {  	_ =	swait.ge [sflag:s31], $0x800  }
0x3cd: {  	[sflag:s31] =	ssyncset.done $0x0  }
0x3ce: {  	[sflag:s31] =	ssyncadd.s32 $0xFFFFF800  }
0x3cf: {  	v5 =	vld [tilespmem:s9+$0x0];
	_ =	sdelay $0x4  }
0x3d0: {  	v5 =	vsub.s32 v5, v1  }
0x3d1: {  	v6 =	vor.u32 s8, v4;
	vm15 =	vlt.u32 v5, $0x151800  }
0x3d2: {  	s6 =	simm.s32 $0x1800;
	v5 =	vsel vm15, v5, v6  }
0x3d3: {  	s20 =	simm.s32 $0x810;
	[tilespmem:s6+$0x0] =	vst v5  }
0x3d4: {  	s7 =	simm.s32 $0x10;
	s8 =	simm.s32 $0x20;
	v5 =	vld [tilespmem:s20+$0x0]  }
.LBB2_25:
0x3d5: {  	p1 =	sne.s32 s8, $0x7F0;
	_ =	sdelay $0x3  }
.Ltmp13:
0x3d6: {  	v5 =	vsub.s32 v5, v1;
	(pc) =	sbr.rel @p1 .LBB2_25-.Ltmp13, $4  }
0x3d7: {  	v6 =	vor.u32 s7, v4;
	s7 =	smov.u32 s8;
	vm0 =	vlt.u32 v5, $0x151800  }
0x3d8: {  	s6 =	sadd.s32 $0x10, s6;
	v5 =	vsel vm0, v5, v6  }
0x3d9: {  	s20 =	sadd.s32 $0x10, s20;
	[tilespmem:s6+$0x0] =	vst v5  }
0x3da: {  	s8 =	sadd.s32 $0x10, s8;
	v5 =	vld [tilespmem:s20+$0x0]  }
0x3db: {  	_ =	sdelay $0x1  }
0x3dc: {  	s19 =	sadd.s32 $0x1, s19  }
0x3dd: {  	p1 =	sne.s32 s19, $0x1E  }
.Ltmp14:
0x3de: {  	v5 =	vsub.s32 v5, v1;
	(pc) =	sbr.rel @p1 .LBB2_22-.Ltmp14, $4  }
0x3df: {  	v6 =	vor.u32 s7, v4;
	vm0 =	vlt.u32 v5, $0x151800  }
0x3e0: {  	s6 =	sadd.s32 $0x10, s6;
	v5 =	vsel vm0, v5, v6  }
0x3e1: {  	[tilespmem:s6+$0x0] =	vst v5  }
0x3e2: {  	[spmem:s2] =	stream.indirect.scatter [tilespmem:s25], [sflag:$0x4], $0x1, s26, s23, $0xb8;
	[tilespmem:$0x19C00] =	vst v63  }
0x3e3: {  	_ =	swait.ge [sflag:s28], $0x800  }
0x3e4: {  	[sflag:s28] =	ssyncset.done $0x0  }
0x3e5: {  	[sflag:s28] =	ssyncadd.s32 $0xFFFFF800  }
0x3e6: {  	_ =	swait.ge [sflag:s29], $0x800  }
0x3e7: {  	[sflag:s29] =	ssyncset.done $0x0  }
0x3e8: {  	s6 =	simm.s32 $0x0;
	[sflag:s29] =	ssyncadd.s32 $0xFFFFF800  }
0x3e9: {  	v5 =	vld [tilespmem:s6+$0x0];
	_ =	sdelay $0x4  }
0x3ea: {  	v5 =	vsub.s32 v5, v1  }
0x3eb: {  	v6 =	vor.u32 s6, v4;
	vm0 =	vlt.u32 v5, $0x151800  }
0x3ec: {  	s6 =	simm.s32 $0x1000;
	v5 =	vsel vm0, v5, v6  }
0x3ed: {  	s7 =	simm.s32 $0x10;
	[tilespmem:s6+$0x0] =	vst v5  }
0x3ee: {  	s8 =	simm.s32 $0x20;
	s9 =	simm.s32 $0x10;
	v5 =	vld [tilespmem:s7+$0x0]  }
.LBB2_28:
0x3ef: {  	p1 =	sne.s32 s8, $0x7F0;
	_ =	sdelay $0x3  }
.Ltmp15:
0x3f0: {  	v5 =	vsub.s32 v5, v1;
	(pc) =	sbr.rel @p1 .LBB2_28-.Ltmp15, $4  }
0x3f1: {  	v6 =	vor.u32 s7, v4;
	s7 =	smov.u32 s8;
	vm0 =	vlt.u32 v5, $0x151800  }
0x3f2: {  	s6 =	sadd.s32 $0x10, s6;
	v5 =	vsel vm0, v5, v6  }
0x3f3: {  	s9 =	sadd.s32 $0x10, s9;
	[tilespmem:s6+$0x0] =	vst v5  }
0x3f4: {  	s8 =	sadd.s32 $0x10, s8;
	v5 =	vld [tilespmem:s9+$0x0]  }
0x3f5: {  	_ =	sdelay $0x3  }
0x3f6: {  	v5 =	vsub.s32 v5, v1  }
0x3f7: {  	v6 =	vor.u32 s7, v4;
	vm0 =	vlt.u32 v5, $0x151800  }
0x3f8: {  	s6 =	sadd.s32 $0x10, s6;
	v5 =	vsel vm0, v5, v6  }
0x3f9: {  	[tilespmem:s6+$0x0] =	vst v5  }
0x3fa: {  	[spmem:s2] =	stream.indirect.scatter [tilespmem:s25], [sflag:$0x3], $0x1, s24, s23, $0xb8;
	[tilespmem:$0x19C00] =	vst v63  }
0x3fb: {  	_ =	swait.ge [sflag:s29], $0x800  }
.Ltmp16:
0x3fc: {  	[sflag:s29] =	ssyncset.done $0x0;
	(pc) =	sbr.rel @p0 .LBB2_33-.Ltmp16, $4  }
0x3fd: {  	[sflag:s29] =	ssyncadd.s32 $0xFFFFF800  }
0x3fe: {  	_ =	swait.ge [sflag:s31], $0x800  }
0x3ff: {  	[sflag:s31] =	ssyncset.done $0x0  }
0x400: {  	s20 =	smov.u32 s10;
	s10 =	smov.u32 s11;
	[sflag:s31] =	ssyncadd.s32 $0xFFFFF800  }
0x401: {  	s6 =	simm.s32 $0x0;
	s7 =	simm.s32 $0x800;
	s8 =	rddreg [dreg:$0x8]  }
0x402: {  	[tilespmem:s7], [sflag:$0x5] =	stream.linear.gather [hbm4b:s8+s6], $0x480, $0x38;
	[tilespmem:$0x19C00] =	vst v63  }
0x403: {  	_ =	swait.ge [sflag:s22], $0x480  }
0x404: {  	[sflag:s22] =	ssyncset.done $0x0  }
0x405: {  	[sflag:s22] =	ssyncadd.s32 $0xFFFFFB80  }
0x406: {  	v5 =	vld [tilespmem:s7+$0x0];
	_ =	sdelay $0x4  }
0x407: {  	v5 =	vsub.s32 v5, v1  }
0x408: {  	v6 =	vor.u32 s6, v4;
	vm0 =	vlt.u32 v5, $0x151800  }
0x409: {  	s6 =	simm.s32 $0x1800;
	v5 =	vsel vm0, v5, v6  }
0x40a: {  	s18 =	simm.s32 $0x810;
	[tilespmem:s6+$0x0] =	vst v5  }
0x40b: {  	s8 =	simm.s32 $0x20;
	s7 =	simm.s32 $0x10;
	v5 =	vld [tilespmem:s18+$0x0]  }
.LBB2_31:
0x40c: {  	p1 =	sne.s32 s8, $0x470;
	_ =	sdelay $0x3  }
.Ltmp17:
0x40d: {  	v5 =	vsub.s32 v5, v1;
	(pc) =	sbr.rel @p1 .LBB2_31-.Ltmp17, $4  }
0x40e: {  	v6 =	vor.u32 s7, v4;
	s7 =	smov.u32 s8;
	vm0 =	vlt.u32 v5, $0x151800  }
0x40f: {  	s6 =	sadd.s32 $0x10, s6;
	v5 =	vsel vm0, v5, v6  }
0x410: {  	s18 =	sadd.s32 $0x10, s18;
	[tilespmem:s6+$0x0] =	vst v5  }
0x411: {  	s8 =	sadd.s32 $0x10, s8;
	v5 =	vld [tilespmem:s18+$0x0]  }
0x412: {  	_ =	sdelay $0x3  }
0x413: {  	v5 =	vsub.s32 v5, v1  }
0x414: {  	v6 =	vor.u32 s7, v4;
	vm0 =	vlt.u32 v5, $0x151800  }
0x415: {  	s6 =	sadd.s32 $0x10, s6;
	v5 =	vsel vm0, v5, v6  }
.Ltmp18:
0x416: {  	[tilespmem:s6+$0x0] =	vst v5;
	(pc) =	sbr.rel .LBB2_33-.Ltmp18, $4  }
0x417: {  	[spmem:s2] =	stream.indirect.scatter [tilespmem:s25], [sflag:$0x5], $0x1, s26, s23, $0xb8;
	[tilespmem:$0x19C00] =	vst v63  }
0x418: {  	_ =	swait.ge [sflag:s22], $0x800  }
0x419: {  	[sflag:s22] =	ssyncset.done $0x0  }
0x41a: {  	[sflag:s22] =	ssyncadd.s32 $0xFFFFF800  }
.LBB2_34:
0x41b: {  	_ =	sfence.sel $0x180000  }
0x41c: {  	[bflag:$0x0] =	sbarrier.arrive $0xFFFF  }
0x41d: {  	_ =	strace $0x90000047  }
0x41e: {  	[bflag:$0x2] =	sbarrier.arrive $0xFFFF  }
0x41f: {  	s0 =	rddreg [dreg:$0x3]  }
0x420: {  	s0 =	sadd.s32 @!p0 $0x100000, s0  }
0x421: {  	[sflag:s0] =	ssyncadd.tile.s32 @!p0 $0x1;
	_ =	shalt  }
.Lfunc_end2:
_tile_overlayer_lowered:
.L_overlay_start_2:
0x422: {  	(tag) =	ssettag $0x2  }
0x423: {  	s0 =	rddreg [dreg:$0x0];
	s2 =	stileid.u32  }
0x424: {  	s1 =	rddreg [dreg:$0x1];
	p0 =	sne.s32 s2, $0x0  }
0x425: {  	s3 =	rddreg [dreg:$0x2];
	[bflag:$0x3] =	sbarrier.arrive $0xFFFF;
	s2 =	simm.s32 @!p0 $0x1C05  }
0x426: {  	[timem:s3], [sflag:s2] =	dma.local @!p0 [hbm:s0], s1  }
0x427: {  	s0 =	simm.s32 @!p0 $0x5  }
0x428: {  	_ =	swait.ge @!p0 [sflag:s0], s1  }
0x429: {  	s1 =	ssub.s32 @!p0 $0x0, s1;
	[sflag:s0] =	ssyncset.done @!p0 $0x0  }
0x42a: {  	[sflag:s0] =	ssyncadd.s32 @!p0 s1  }
0x42b: {  	[bflag:$0x3] =	sbarrier.arrive $0xFFFF  }
0x42c: {  	_ =	shalt  }

</sc_bundles>
